<compile_context>
chip_gen: v7x
topology: tpu7x:2x2x1
jax: 0.10.2.dev20260603
libtpu: 0.0.44.dev20260713+nightly
codegen_flags: <defaults>
</compile_context>

<pallas_src>
import functools

import jax
import jax.numpy as jnp
from jax import lax
from jax.experimental import pallas as pl
from jax.experimental.pallas import tpu as pltpu
from jax.experimental.pallas import tpu_sc as plsc

N = 200000
NS = 131072
ROWS = 1568
VALID_ROWS = 1563
NT = 12500
FX = 1000.0
FY = 1000.0
WIDTH = 1600.0
HEIGHT = 1200.0
NEAR = 0.1
FAR = 100.0
SEED = 42

NWORK = 32
QPW = NS // NWORK
CH = 2048
NGRP = CH // 16
NK = CH // 128



def _k1_body(ct_ref, w_ref, m_ref, out_ref):
    xb = ct_ref[0, :].astype(jnp.bfloat16).astype(jnp.float32)
    yb = ct_ref[1, :].astype(jnp.bfloat16).astype(jnp.float32)
    zb = ct_ref[2, :].astype(jnp.bfloat16).astype(jnp.float32)

    def row(j):
        return ((xb * m_ref[j, 0] + yb * m_ref[j, 1]) + zb * m_ref[j, 2]) + m_ref[j, 3]

    x = row(0)
    y = row(1)
    z = row(2)
    zc = jnp.maximum(z, 1e-6)
    u_img = x / zc * FX
    v_img = y / zc * FY
    vis = ((z > NEAR) & (z < FAR)
           & (jnp.abs(u_img) <= WIDTH * 0.5)
           & (jnp.abs(v_img) <= HEIGHT * 0.5))
    out_ref[...] = w_ref[...] * vis.astype(jnp.float32)


def _k2_body(w_ref, out_ref):
    def step(i, acc):
        return acc + w_ref[pl.ds(i * 8, 8), :]

    acc = lax.fori_loop(0, ROWS // 8, step, jnp.zeros((8, 128), jnp.float32))
    acc = acc + pltpu.roll(acc, 4, 0)
    acc = acc + pltpu.roll(acc, 2, 0)
    acc = acc + pltpu.roll(acc, 1, 0)
    out_ref[0] = jnp.sum(acc[0, :]) + 1e-12


def _k3_body(wt_ref, tot_ref, s1_ref):
    t = tot_ref[0]
    acc = wt_ref[0:1, :] / t
    s1_ref[0:1, :] = acc
    for c in range(1, 128):
        acc = acc + wt_ref[c:c + 1, :] / t
        s1_ref[c:c + 1, :] = acc


def _k5_body(s1_ref, off_ref, w_ref, tot_ref, cdf_ref, p_ref):
    p_ref[...] = w_ref[...] / tot_ref[0]
    cdf_ref[...] = s1_ref[...] + off_ref[...]



def _sc_body(table_h, rows_h, u_h, packed_h, nxh, nyh, nzh, isz_h,
             px_h, py_h, pz_h, pr_h,
             tab_v, u_v, rc_v, fine_v, idx_v, rows_v,
             nx_v, ny_v, nz_v, px_v, py_v, pz_v, pr_v, isz_v, sem):
    wid = lax.axis_index("s") * 2 + lax.axis_index("c")
    pltpu.sync_copy(table_h, tab_v)
    pltpu.sync_copy(isz_h, isz_v)
    iota16 = lax.iota(jnp.int32, 16)

    def half_body(h, carry):
        base = wid * QPW + h * CH
        pltpu.sync_copy(u_h.at[pl.ds(base, CH)], u_v)
        pltpu.sync_copy(nxh.at[pl.ds(base, CH)], nx_v)
        pltpu.sync_copy(nyh.at[pl.ds(base, CH)], ny_v)
        pltpu.sync_copy(nzh.at[pl.ds(base, CH)], nz_v)

        @plsc.parallel_loop(0, NGRP, unroll=8)
        def coarse(g):
            u16 = u_v[pl.ds(g * 16, 16)]
            pos = jnp.zeros((16,), jnp.int32)
            for stp in (8192, 4096, 2048, 1024, 512, 256, 128,
                        64, 32, 16, 8, 4, 2, 1):
                cand = pos + stp
                inb = cand <= NT
                gidx = jnp.minimum(cand, NT) - 1
                tv = plsc.load_gather(tab_v, [gidx])
                pos = jnp.where(inb & (tv < u16), cand, pos)
            rcl = jnp.minimum(pos, NT - 1)
            rc_v[g // 8, pl.ds((g % 8) * 16, 16)] = rcl

        cps = [pltpu.async_copy(rows_h.at[rc_v.at[k]],
                                fine_v.at[pl.ds(k * 128, 128), :], sem)
               for k in range(NK)]
        for c in cps:
            c.wait()

        @plsc.parallel_loop(0, NGRP, unroll=8)
        def fine(g):
            u16 = u_v[pl.ds(g * 16, 16)]
            r16 = rc_v[g // 8, pl.ds((g % 8) * 16, 16)]
            qidx = g * 16 + iota16
            pos = jnp.zeros((16,), jnp.int32)
            for stp in (16, 8, 4, 2, 1):
                cand = pos + stp
                inb = cand <= 16
                gidx = jnp.minimum(cand, 16) - 1
                tv = plsc.load_gather(fine_v, [qidx, gidx])
                pos = jnp.where(inb & (tv < u16), cand, pos)
            idx16 = jnp.minimum(r16 * 16 + pos, N - 1)
            idx_v[g // 8, pl.ds((g % 8) * 16, 16)] = idx16

        cps = [pltpu.async_copy(packed_h.at[idx_v.at[k]],
                                rows_v.at[pl.ds(k * 128, 128), :], sem)
               for k in range(NK)]
        for c in cps:
            c.wait()

        @plsc.parallel_loop(0, NGRP, unroll=8)
        def combine(g):
            q0 = g * 16
            qidx = q0 + iota16
            zero = jnp.zeros((16,), jnp.int32)
            cx = plsc.load_gather(rows_v, [qidx, zero])
            cy = plsc.load_gather(rows_v, [qidx, zero + 1])
            cz = plsc.load_gather(rows_v, [qidx, zero + 2])
            pp = plsc.load_gather(rows_v, [qidx, zero + 3])
            sz = plsc.load_gather(rows_v, [qidx, zero + 4])
            size = sz * isz_v[...]
            px_v[pl.ds(q0, 16)] = cx + nx_v[pl.ds(q0, 16)] * size
            py_v[pl.ds(q0, 16)] = cy + ny_v[pl.ds(q0, 16)] * size
            pz_v[pl.ds(q0, 16)] = cz + nz_v[pl.ds(q0, 16)] * size
            pr_v[pl.ds(q0, 16)] = pp

        pltpu.sync_copy(px_v, px_h.at[pl.ds(base, CH)])
        pltpu.sync_copy(py_v, py_h.at[pl.ds(base, CH)])
        pltpu.sync_copy(pz_v, pz_h.at[pl.ds(base, CH)])
        pltpu.sync_copy(pr_v, pr_h.at[pl.ds(base, CH)])
        return carry

    lax.fori_loop(0, QPW // CH, half_body, 0)


def _make_sc_kernel():
    mesh = plsc.VectorSubcoreMesh(core_axis_name="c", subcore_axis_name="s")
    out1 = jax.ShapeDtypeStruct((NS,), jnp.float32)
    return pl.kernel(
        _sc_body,
        mesh=mesh,
        compiler_params=pltpu.CompilerParams(needs_layout_passes=False, use_tc_tiling_on_sc=False),
        out_type=[out1, out1, out1, out1],
        scratch_types=[
            pltpu.VMEM((NT,), jnp.float32),
            pltpu.VMEM((CH,), jnp.float32),
            pltpu.VMEM((NK, 128), jnp.int32),
            pltpu.VMEM((CH, 16), jnp.float32),
            pltpu.VMEM((NK, 128), jnp.int32),
            pltpu.VMEM((CH, 16), jnp.float32),
            pltpu.VMEM((CH,), jnp.float32),
            pltpu.VMEM((CH,), jnp.float32),
            pltpu.VMEM((CH,), jnp.float32),
            pltpu.VMEM((CH,), jnp.float32),
            pltpu.VMEM((CH,), jnp.float32),
            pltpu.VMEM((CH,), jnp.float32),
            pltpu.VMEM((CH,), jnp.float32),
            pltpu.VMEM((16,), jnp.float32),
            pltpu.SemaphoreType.DMA,
        ],
    )



def kernel(centers, levels, weights, w2c, n_samples, initial_size):
    ct = centers.T
    mb = w2c.astype(jnp.bfloat16).astype(jnp.float32)
    w_eff = pl.pallas_call(
        _k1_body,
        out_shape=jax.ShapeDtypeStruct((N,), jnp.float32),
        in_specs=[pl.BlockSpec((3, N), lambda: (0, 0)),
                  pl.BlockSpec((N,), lambda: (0,)),
                  pl.BlockSpec(memory_space=pltpu.SMEM)],
        out_specs=pl.BlockSpec((N,), lambda: (0,)),
    )(ct, weights, mb)

    wp = jnp.pad(w_eff, (0, ROWS * 128 - N)).reshape(ROWS, 128)
    total = pl.pallas_call(
        _k2_body,
        out_shape=jax.ShapeDtypeStruct((1,), jnp.float32),
        in_specs=[pl.BlockSpec((ROWS, 128), lambda: (0, 0))],
        out_specs=pl.BlockSpec(memory_space=pltpu.SMEM),
    )(wp)

    wt = wp.T
    s1t = pl.pallas_call(
        _k3_body,
        out_shape=jax.ShapeDtypeStruct((128, ROWS), jnp.float32),
        in_specs=[pl.BlockSpec((128, ROWS), lambda: (0, 0)),
                  pl.BlockSpec((1,), lambda: (0,))],
        out_specs=pl.BlockSpec((128, ROWS), lambda: (0, 0)),
    )(wt, total)

    tot1 = s1t[127, :VALID_ROWS]
    lvl2 = jnp.cumsum(tot1)
    off1 = jnp.pad(jnp.concatenate([jnp.zeros((1,), jnp.float32), lvl2[:-1]]),
                   (0, ROWS - VALID_ROWS)).reshape(1, ROWS)

    cdft, probs = pl.pallas_call(
        _k5_body,
        out_shape=[jax.ShapeDtypeStruct((128, ROWS), jnp.float32),
                   jax.ShapeDtypeStruct((N,), jnp.float32)],
        in_specs=[pl.BlockSpec((128, ROWS), lambda: (0, 0)),
                  pl.BlockSpec((1, ROWS), lambda: (0, 0)),
                  pl.BlockSpec((N,), lambda: (0,)),
                  pl.BlockSpec((1,), lambda: (0,))],
        out_specs=[pl.BlockSpec((128, ROWS), lambda: (0, 0)),
                   pl.BlockSpec((N,), lambda: (0,))],
    )(s1t, off1, w_eff, total)

    cdf = cdft.T.reshape(-1)[:N]
    table = cdf[15::16]
    cdf_rows = cdf.reshape(NT, 16)
    sz_bits = lax.bitcast_convert_type((jnp.int32(127) - levels) << 23,
                                       jnp.float32)
    packed = jnp.concatenate(
        [centers, probs[:, None], sz_bits[:, None],
         jnp.zeros((N, 11), jnp.float32)], axis=1)

    key = jax.random.key(SEED)
    ku, kn = jax.random.split(key)
    u = jax.random.uniform(ku, (NS,), dtype=jnp.float32)
    noise = jax.random.normal(kn, (NS, 3), dtype=jnp.float32)
    isz = jnp.broadcast_to(initial_size, (16,))

    px, py, pz, pr = _make_sc_kernel()(
        table, cdf_rows, u, packed,
        noise[:, 0], noise[:, 1], noise[:, 2], isz)
    return jnp.stack([px, py, pz, pr], axis=1)

# --- scband reference (transcript-rebuilt; emitter-appended) ---
"""Pipeline reference for scband-probability-field-sampler-84439057039542 (READ-ONLY COPY).

The authoritative reference and input builder live on the scoring server;
editing this copy changes nothing except your own understanding.
"""

import jax, jax.numpy as jnp
import numpy as np

SEED = 42
WIDTH = 1600.0
HEIGHT = 1200.0
FX = 1000.0
FY = 1000.0
CX = 0.0
CY = 0.0
NEAR = 0.1
FAR = 100.0


def setup_inputs(seed: int = 0) -> dict:
    key = jax.random.key(seed)
    k1, k2, k3 = jax.random.split(key, 3)
    N = 200000
    centers = jax.random.normal(k1, (N, 3), dtype=jnp.float32)
    levels = jax.random.randint(k2, (N,), 0, 13, dtype=jnp.int32)
    weights = jax.random.uniform(k3, (N,), dtype=jnp.float32)
    # w2c: identity rotation, camera pushed back so most centers are in front (z ~ +5)
    w2c = jnp.eye(4, dtype=jnp.float32).at[2, 3].set(5.0)
    initial_size = jnp.ones((1,), dtype=jnp.float32)
    return {
        "centers": centers,
        "levels": levels,
        "weights": weights,
        "w2c": w2c,
        "n_samples": 131072,
        "initial_size": initial_size,
    }


def reference(centers, levels, weights, w2c, n_samples, initial_size):
    N = centers.shape[0]
    n_samples_static = 131072
    # 1. transform centers to camera space
    ones = jnp.ones((N, 1), dtype=centers.dtype)
    homog = jnp.concatenate([centers, ones], axis=1)  # [N,4]
    p_cam = homog @ w2c.T  # [N,4]
    x, y, z = p_cam[:, 0], p_cam[:, 1], p_cam[:, 2]
    # 2. frustum visibility (perspective projection, identity distortion)
    zc = jnp.maximum(z, 1e-6)
    u_img = x / zc * FX + CX
    v_img = y / zc * FY + CY
    vis = (
        (z > NEAR)
        & (z < FAR)
        & (jnp.abs(u_img) <= WIDTH * 0.5)
        & (jnp.abs(v_img) <= HEIGHT * 0.5)
    )
    # 3. probability field over visible primitives
    w_eff = weights * vis.astype(weights.dtype)
    total = jnp.sum(w_eff) + 1e-12
    probs = w_eff / total
    cdf = jnp.cumsum(probs)
    # 4. inverse-CDF categorical sampling of primitive indices
    key = jax.random.key(SEED)
    ku, kn = jax.random.split(key)
    u = jax.random.uniform(ku, (n_samples_static,), dtype=jnp.float32)
    u = u + (n_samples - n_samples_static) * jnp.float32(0.0)
    idx = jnp.clip(jnp.searchsorted(cdf, u), 0, N - 1)
    # 5. gather selected primitives and jitter by level-dependent scale
    sel_centers = jnp.take(centers, idx, axis=0)
    sel_levels = jnp.take(levels, idx, axis=0)
    sel_prob = jnp.take(probs, idx, axis=0)
    size = initial_size[0] * jnp.power(0.5, sel_levels.astype(jnp.float32))
    noise = jax.random.normal(kn, (n_samples_static, 3), dtype=jnp.float32)
    pos = sel_centers + noise * size[:, None]
    # return xyz + importance weight per sample
    return jnp.concatenate([pos, sel_prob[:, None]], axis=1)

if __name__ == "__main__":
    import jax
    _d = setup_inputs()
    print(jax.jit(kernel)(*tuple(_d.values())))

</pallas_src>

<mosaic_0001>
#map = affine_map<(d0, d1) -> (0)>
#map1 = affine_map<(d0, d1) -> (0, 0)>
module attributes {stable_mosaic.version = 14 : i64} {
  func.func @_sc_body(%arg0: i32, %arg1: i32, %arg2: memref<12500xf32, #tpu.memory_space<hbm>>, %arg3: memref<12500x16xf32, #tpu.memory_space<hbm>>, %arg4: memref<131072xf32, #tpu.memory_space<hbm>>, %arg5: memref<200000x16xf32, #tpu.memory_space<hbm>>, %arg6: memref<131072xf32, #tpu.memory_space<hbm>>, %arg7: memref<131072xf32, #tpu.memory_space<hbm>>, %arg8: memref<131072xf32, #tpu.memory_space<hbm>>, %arg9: memref<16xf32, #tpu.memory_space<hbm>>, %arg10: memref<131072xf32, #tpu.memory_space<hbm>>, %arg11: memref<131072xf32, #tpu.memory_space<hbm>>, %arg12: memref<131072xf32, #tpu.memory_space<hbm>>, %arg13: memref<131072xf32, #tpu.memory_space<hbm>>, %arg14: memref<12500xf32, #tpu.memory_space<vmem>>, %arg15: memref<2048xf32, #tpu.memory_space<vmem>>, %arg16: memref<16x128xi32, #tpu.memory_space<vmem>>, %arg17: memref<2048x16xf32, #tpu.memory_space<vmem>>, %arg18: memref<16x128xi32, #tpu.memory_space<vmem>>, %arg19: memref<2048x16xf32, #tpu.memory_space<vmem>>, %arg20: memref<2048xf32, #tpu.memory_space<vmem>>, %arg21: memref<2048xf32, #tpu.memory_space<vmem>>, %arg22: memref<2048xf32, #tpu.memory_space<vmem>>, %arg23: memref<2048xf32, #tpu.memory_space<vmem>>, %arg24: memref<2048xf32, #tpu.memory_space<vmem>>, %arg25: memref<2048xf32, #tpu.memory_space<vmem>>, %arg26: memref<2048xf32, #tpu.memory_space<vmem>>, %arg27: memref<16xf32, #tpu.memory_space<vmem>>, %arg28: memref<!tpu.dma_semaphore, #tpu.memory_space<semaphore_mem>>) attributes {dimension_semantics = [#tpu.dimension_semantics<core_parallel>, #tpu.dimension_semantics<subcore_parallel>], iteration_bounds = array<i64: 2, 16>, scalar_prefetch = 0 : i64, scratch_operands = 15 : i64, tpu.core_type = #tpu.core_type<sc_vector_subcore>, window_params = [{transform_indices = #map}, {transform_indices = #map1}, {transform_indices = #map}, {transform_indices = #map1}, {transform_indices = #map}, {transform_indices = #map}, {transform_indices = #map}, {transform_indices = #map}, {transform_indices = #map}, {transform_indices = #map}, {transform_indices = #map}, {transform_indices = #map}]} {
    %mul3A = arith.constant 2 : i32
    %mul3A_0 = arith.muli %arg1, %mul3A : i32
    %add3A = arith.addi %mul3A_0, %arg0 : i32
    "tpu.region"() ({
      %run_scoped3A = tpu.sem_alloc : memref<!tpu.dma_semaphore, #tpu.memory_space<semaphore_mem>>
      tpu.enqueue_dma source(%arg2 : memref<12500xf32, #tpu.memory_space<hbm>>) target(%arg14 : memref<12500xf32, #tpu.memory_space<vmem>>) target_semaphore(%run_scoped3A : memref<!tpu.dma_semaphore, #tpu.memory_space<semaphore_mem>>)
      tpu.wait_dma2 semaphore(%run_scoped3A : memref<!tpu.dma_semaphore, #tpu.memory_space<semaphore_mem>>) src(%arg2 : memref<12500xf32, #tpu.memory_space<hbm>>) dst(%arg14 : memref<12500xf32, #tpu.memory_space<vmem>>)
      tpu.yield
    }) : () -> ()
    "tpu.region"() ({
      %run_scoped3A = tpu.sem_alloc : memref<!tpu.dma_semaphore, #tpu.memory_space<semaphore_mem>>
      tpu.enqueue_dma source(%arg9 : memref<16xf32, #tpu.memory_space<hbm>>) target(%arg27 : memref<16xf32, #tpu.memory_space<vmem>>) target_semaphore(%run_scoped3A : memref<!tpu.dma_semaphore, #tpu.memory_space<semaphore_mem>>)
      tpu.wait_dma2 semaphore(%run_scoped3A : memref<!tpu.dma_semaphore, #tpu.memory_space<semaphore_mem>>) src(%arg9 : memref<16xf32, #tpu.memory_space<hbm>>) dst(%arg27 : memref<16xf32, #tpu.memory_space<vmem>>)
      tpu.yield
    }) : () -> ()
    %iota3A = tpu.iota {dimensions = array<i32: 0>} : vector<16xi32>
    %scan3A = arith.constant 0 : i32
    %scan3A_1 = arith.constant 0 : i32
    %scan3A_2 = arith.constant 2 : i32
    %scan3A_3 = arith.addi %scan3A_1, %scan3A_2 : i32
    %scan3A_4 = arith.constant 1 : i32
    scf.for %scan3A_6 = %scan3A_1 to %scan3A_3 step %scan3A_4  : i32 {
      %mul3A_7 = arith.constant 4096 : i32
      %mul3A_8 = arith.muli %add3A, %mul3A_7 : i32
      %mul3A_9 = arith.constant 2048 : i32
      %mul3A_10 = arith.muli %scan3A_6, %mul3A_9 : i32
      %add3A_11 = arith.addi %mul3A_8, %mul3A_10 : i32
      "tpu.region"() ({
        %run_scoped3A = tpu.sem_alloc : memref<!tpu.dma_semaphore, #tpu.memory_space<semaphore_mem>>
        %dma_start3A_658 = tpu.memref_slice %arg4[%add3A_11] : memref<131072xf32, #tpu.memory_space<hbm>> -> memref<2048xf32, #tpu.memory_space<hbm>>
        %dma_start3A_659 = tpu.memref_slice %arg4[%add3A_11] : memref<131072xf32, #tpu.memory_space<hbm>> -> memref<2048xf32, #tpu.memory_space<hbm>>
        tpu.enqueue_dma source(%dma_start3A_659 : memref<2048xf32, #tpu.memory_space<hbm>>) target(%arg15 : memref<2048xf32, #tpu.memory_space<vmem>>) target_semaphore(%run_scoped3A : memref<!tpu.dma_semaphore, #tpu.memory_space<semaphore_mem>>)
        %dma_wait3A_660 = tpu.memref_slice %arg4[%add3A_11] : memref<131072xf32, #tpu.memory_space<hbm>> -> memref<2048xf32, #tpu.memory_space<hbm>>
        %dma_wait3A_661 = tpu.memref_slice %arg4[%add3A_11] : memref<131072xf32, #tpu.memory_space<hbm>> -> memref<2048xf32, #tpu.memory_space<hbm>>
        tpu.wait_dma2 semaphore(%run_scoped3A : memref<!tpu.dma_semaphore, #tpu.memory_space<semaphore_mem>>) src(%dma_wait3A_661 : memref<2048xf32, #tpu.memory_space<hbm>>) dst(%arg15 : memref<2048xf32, #tpu.memory_space<vmem>>)
        tpu.yield
      }) : () -> ()
      "tpu.region"() ({
        %run_scoped3A = tpu.sem_alloc : memref<!tpu.dma_semaphore, #tpu.memory_space<semaphore_mem>>
        %dma_start3A_658 = tpu.memref_slice %arg6[%add3A_11] : memref<131072xf32, #tpu.memory_space<hbm>> -> memref<2048xf32, #tpu.memory_space<hbm>>
        %dma_start3A_659 = tpu.memref_slice %arg6[%add3A_11] : memref<131072xf32, #tpu.memory_space<hbm>> -> memref<2048xf32, #tpu.memory_space<hbm>>
        tpu.enqueue_dma source(%dma_start3A_659 : memref<2048xf32, #tpu.memory_space<hbm>>) target(%arg20 : memref<2048xf32, #tpu.memory_space<vmem>>) target_semaphore(%run_scoped3A : memref<!tpu.dma_semaphore, #tpu.memory_space<semaphore_mem>>)
        %dma_wait3A_660 = tpu.memref_slice %arg6[%add3A_11] : memref<131072xf32, #tpu.memory_space<hbm>> -> memref<2048xf32, #tpu.memory_space<hbm>>
        %dma_wait3A_661 = tpu.memref_slice %arg6[%add3A_11] : memref<131072xf32, #tpu.memory_space<hbm>> -> memref<2048xf32, #tpu.memory_space<hbm>>
        tpu.wait_dma2 semaphore(%run_scoped3A : memref<!tpu.dma_semaphore, #tpu.memory_space<semaphore_mem>>) src(%dma_wait3A_661 : memref<2048xf32, #tpu.memory_space<hbm>>) dst(%arg20 : memref<2048xf32, #tpu.memory_space<vmem>>)
        tpu.yield
      }) : () -> ()
      "tpu.region"() ({
        %run_scoped3A = tpu.sem_alloc : memref<!tpu.dma_semaphore, #tpu.memory_space<semaphore_mem>>
        %dma_start3A_658 = tpu.memref_slice %arg7[%add3A_11] : memref<131072xf32, #tpu.memory_space<hbm>> -> memref<2048xf32, #tpu.memory_space<hbm>>
        %dma_start3A_659 = tpu.memref_slice %arg7[%add3A_11] : memref<131072xf32, #tpu.memory_space<hbm>> -> memref<2048xf32, #tpu.memory_space<hbm>>
        tpu.enqueue_dma source(%dma_start3A_659 : memref<2048xf32, #tpu.memory_space<hbm>>) target(%arg21 : memref<2048xf32, #tpu.memory_space<vmem>>) target_semaphore(%run_scoped3A : memref<!tpu.dma_semaphore, #tpu.memory_space<semaphore_mem>>)
        %dma_wait3A_660 = tpu.memref_slice %arg7[%add3A_11] : memref<131072xf32, #tpu.memory_space<hbm>> -> memref<2048xf32, #tpu.memory_space<hbm>>
        %dma_wait3A_661 = tpu.memref_slice %arg7[%add3A_11] : memref<131072xf32, #tpu.memory_space<hbm>> -> memref<2048xf32, #tpu.memory_space<hbm>>
        tpu.wait_dma2 semaphore(%run_scoped3A : memref<!tpu.dma_semaphore, #tpu.memory_space<semaphore_mem>>) src(%dma_wait3A_661 : memref<2048xf32, #tpu.memory_space<hbm>>) dst(%arg21 : memref<2048xf32, #tpu.memory_space<vmem>>)
        tpu.yield
      }) : () -> ()
      "tpu.region"() ({
        %run_scoped3A = tpu.sem_alloc : memref<!tpu.dma_semaphore, #tpu.memory_space<semaphore_mem>>
        %dma_start3A_658 = tpu.memref_slice %arg8[%add3A_11] : memref<131072xf32, #tpu.memory_space<hbm>> -> memref<2048xf32, #tpu.memory_space<hbm>>
        %dma_start3A_659 = tpu.memref_slice %arg8[%add3A_11] : memref<131072xf32, #tpu.memory_space<hbm>> -> memref<2048xf32, #tpu.memory_space<hbm>>
        tpu.enqueue_dma source(%dma_start3A_659 : memref<2048xf32, #tpu.memory_space<hbm>>) target(%arg22 : memref<2048xf32, #tpu.memory_space<vmem>>) target_semaphore(%run_scoped3A : memref<!tpu.dma_semaphore, #tpu.memory_space<semaphore_mem>>)
        %dma_wait3A_660 = tpu.memref_slice %arg8[%add3A_11] : memref<131072xf32, #tpu.memory_space<hbm>> -> memref<2048xf32, #tpu.memory_space<hbm>>
        %dma_wait3A_661 = tpu.memref_slice %arg8[%add3A_11] : memref<131072xf32, #tpu.memory_space<hbm>> -> memref<2048xf32, #tpu.memory_space<hbm>>
        tpu.wait_dma2 semaphore(%run_scoped3A : memref<!tpu.dma_semaphore, #tpu.memory_space<semaphore_mem>>) src(%dma_wait3A_661 : memref<2048xf32, #tpu.memory_space<hbm>>) dst(%arg22 : memref<2048xf32, #tpu.memory_space<vmem>>)
        tpu.yield
      }) : () -> ()
      %parallel_loop3A = arith.constant 0 : i32
      %parallel_loop3A_12 = arith.constant 128 : i32
      %parallel_loop3A_13 = arith.constant 1 : i32
      scf.for %parallel_loop3A_658 = %parallel_loop3A to %parallel_loop3A_12 step %parallel_loop3A_13  : i32 {
        %parallel_loop3A_659 = arith.constant 16 : i32
        %parallel_loop3A_660 = arith.muli %parallel_loop3A_658, %parallel_loop3A_659 : i32
        %parallel_loop3A_661 = arith.index_cast %parallel_loop3A_660 : i32 to index
        %parallel_loop3A_662 = tpu.vector_load %arg15[%parallel_loop3A_661] {strides = array<i32>} : memref<2048xf32, #tpu.memory_space<vmem>>, vector<16xf32>,
        %parallel_loop3A_663 = arith.constant 0 : i32
        %parallel_loop3A_664 = vector.broadcast %parallel_loop3A_663 : i32 to vector<16xi32>
        %parallel_loop3A_665 = arith.constant 8192 : i32
        %parallel_loop3A_666 = vector.broadcast %parallel_loop3A_665 : i32 to vector<16xi32>
        %parallel_loop3A_667 = arith.addi %parallel_loop3A_664, %parallel_loop3A_666 : vector<16xi32>
        %parallel_loop3A_668 = arith.constant 12500 : i32
        %parallel_loop3A_669 = vector.broadcast %parallel_loop3A_668 : i32 to vector<16xi32>
        %parallel_loop3A_670 = arith.cmpi sle, %parallel_loop3A_667, %parallel_loop3A_669 : vector<16xi32>
        %parallel_loop3A_671 = arith.constant 12500 : i32
        %parallel_loop3A_672 = vector.broadcast %parallel_loop3A_671 : i32 to vector<16xi32>
        %parallel_loop3A_673 = arith.minsi %parallel_loop3A_667, %parallel_loop3A_672 : vector<16xi32>
        %parallel_loop3A_674 = arith.constant 1 : i32
        %parallel_loop3A_675 = vector.broadcast %parallel_loop3A_674 : i32 to vector<16xi32>
        %parallel_loop3A_676 = arith.subi %parallel_loop3A_673, %parallel_loop3A_675 : vector<16xi32>
        %parallel_loop3A_677 = tpu.vector_load_idx %arg14[%parallel_loop3A_676] : memref<12500xf32, #tpu.memory_space<vmem>>[vector<16xi32>], vector<16xf32>,
        %parallel_loop3A_678 = arith.cmpf olt, %parallel_loop3A_677, %parallel_loop3A_662 : vector<16xf32>
        %parallel_loop3A_679 = arith.andi %parallel_loop3A_670, %parallel_loop3A_678 : vector<16xi1>
        %parallel_loop3A_680 = arith.select %parallel_loop3A_679, %parallel_loop3A_667, %parallel_loop3A_664 : vector<16xi1>, vector<16xi32>
        %parallel_loop3A_681 = arith.constant 4096 : i32
        %parallel_loop3A_682 = vector.broadcast %parallel_loop3A_681 : i32 to vector<16xi32>
        %parallel_loop3A_683 = arith.addi %parallel_loop3A_680, %parallel_loop3A_682 : vector<16xi32>
        %parallel_loop3A_684 = arith.constant 12500 : i32
        %parallel_loop3A_685 = vector.broadcast %parallel_loop3A_684 : i32 to vector<16xi32>
        %parallel_loop3A_686 = arith.cmpi sle, %parallel_loop3A_683, %parallel_loop3A_685 : vector<16xi32>
        %parallel_loop3A_687 = arith.constant 12500 : i32
        %parallel_loop3A_688 = vector.broadcast %parallel_loop3A_687 : i32 to vector<16xi32>
        %parallel_loop3A_689 = arith.minsi %parallel_loop3A_683, %parallel_loop3A_688 : vector<16xi32>
        %parallel_loop3A_690 = arith.constant 1 : i32
        %parallel_loop3A_691 = vector.broadcast %parallel_loop3A_690 : i32 to vector<16xi32>
        %parallel_loop3A_692 = arith.subi %parallel_loop3A_689, %parallel_loop3A_691 : vector<16xi32>
        %parallel_loop3A_693 = tpu.vector_load_idx %arg14[%parallel_loop3A_692] : memref<12500xf32, #tpu.memory_space<vmem>>[vector<16xi32>], vector<16xf32>,
        %parallel_loop3A_694 = arith.cmpf olt, %parallel_loop3A_693, %parallel_loop3A_662 : vector<16xf32>
        %parallel_loop3A_695 = arith.andi %parallel_loop3A_686, %parallel_loop3A_694 : vector<16xi1>
        %parallel_loop3A_696 = arith.select %parallel_loop3A_695, %parallel_loop3A_683, %parallel_loop3A_680 : vector<16xi1>, vector<16xi32>
        %parallel_loop3A_697 = arith.constant 2048 : i32
        %parallel_loop3A_698 = vector.broadcast %parallel_loop3A_697 : i32 to vector<16xi32>
        %parallel_loop3A_699 = arith.addi %parallel_loop3A_696, %parallel_loop3A_698 : vector<16xi32>
        %parallel_loop3A_700 = arith.constant 12500 : i32
        %parallel_loop3A_701 = vector.broadcast %parallel_loop3A_700 : i32 to vector<16xi32>
        %parallel_loop3A_702 = arith.cmpi sle, %parallel_loop3A_699, %parallel_loop3A_701 : vector<16xi32>
        %parallel_loop3A_703 = arith.constant 12500 : i32
        %parallel_loop3A_704 = vector.broadcast %parallel_loop3A_703 : i32 to vector<16xi32>
        %parallel_loop3A_705 = arith.minsi %parallel_loop3A_699, %parallel_loop3A_704 : vector<16xi32>
        %parallel_loop3A_706 = arith.constant 1 : i32
        %parallel_loop3A_707 = vector.broadcast %parallel_loop3A_706 : i32 to vector<16xi32>
        %parallel_loop3A_708 = arith.subi %parallel_loop3A_705, %parallel_loop3A_707 : vector<16xi32>
        %parallel_loop3A_709 = tpu.vector_load_idx %arg14[%parallel_loop3A_708] : memref<12500xf32, #tpu.memory_space<vmem>>[vector<16xi32>], vector<16xf32>,
        %parallel_loop3A_710 = arith.cmpf olt, %parallel_loop3A_709, %parallel_loop3A_662 : vector<16xf32>
        %parallel_loop3A_711 = arith.andi %parallel_loop3A_702, %parallel_loop3A_710 : vector<16xi1>
        %parallel_loop3A_712 = arith.select %parallel_loop3A_711, %parallel_loop3A_699, %parallel_loop3A_696 : vector<16xi1>, vector<16xi32>
        %parallel_loop3A_713 = arith.constant 1024 : i32
        %parallel_loop3A_714 = vector.broadcast %parallel_loop3A_713 : i32 to vector<16xi32>
        %parallel_loop3A_715 = arith.addi %parallel_loop3A_712, %parallel_loop3A_714 : vector<16xi32>
        %parallel_loop3A_716 = arith.constant 12500 : i32
        %parallel_loop3A_717 = vector.broadcast %parallel_loop3A_716 : i32 to vector<16xi32>
        %parallel_loop3A_718 = arith.cmpi sle, %parallel_loop3A_715, %parallel_loop3A_717 : vector<16xi32>
        %parallel_loop3A_719 = arith.constant 12500 : i32
        %parallel_loop3A_720 = vector.broadcast %parallel_loop3A_719 : i32 to vector<16xi32>
        %parallel_loop3A_721 = arith.minsi %parallel_loop3A_715, %parallel_loop3A_720 : vector<16xi32>
        %parallel_loop3A_722 = arith.constant 1 : i32
        %parallel_loop3A_723 = vector.broadcast %parallel_loop3A_722 : i32 to vector<16xi32>
        %parallel_loop3A_724 = arith.subi %parallel_loop3A_721, %parallel_loop3A_723 : vector<16xi32>
        %parallel_loop3A_725 = tpu.vector_load_idx %arg14[%parallel_loop3A_724] : memref<12500xf32, #tpu.memory_space<vmem>>[vector<16xi32>], vector<16xf32>,
        %parallel_loop3A_726 = arith.cmpf olt, %parallel_loop3A_725, %parallel_loop3A_662 : vector<16xf32>
        %parallel_loop3A_727 = arith.andi %parallel_loop3A_718, %parallel_loop3A_726 : vector<16xi1>
        %parallel_loop3A_728 = arith.select %parallel_loop3A_727, %parallel_loop3A_715, %parallel_loop3A_712 : vector<16xi1>, vector<16xi32>
        %parallel_loop3A_729 = arith.constant 512 : i32
        %parallel_loop3A_730 = vector.broadcast %parallel_loop3A_729 : i32 to vector<16xi32>
        %parallel_loop3A_731 = arith.addi %parallel_loop3A_728, %parallel_loop3A_730 : vector<16xi32>
        %parallel_loop3A_732 = arith.constant 12500 : i32
        %parallel_loop3A_733 = vector.broadcast %parallel_loop3A_732 : i32 to vector<16xi32>
        %parallel_loop3A_734 = arith.cmpi sle, %parallel_loop3A_731, %parallel_loop3A_733 : vector<16xi32>
        %parallel_loop3A_735 = arith.constant 12500 : i32
        %parallel_loop3A_736 = vector.broadcast %parallel_loop3A_735 : i32 to vector<16xi32>
        %parallel_loop3A_737 = arith.minsi %parallel_loop3A_731, %parallel_loop3A_736 : vector<16xi32>
        %parallel_loop3A_738 = arith.constant 1 : i32
        %parallel_loop3A_739 = vector.broadcast %parallel_loop3A_738 : i32 to vector<16xi32>
        %parallel_loop3A_740 = arith.subi %parallel_loop3A_737, %parallel_loop3A_739 : vector<16xi32>
        %parallel_loop3A_741 = tpu.vector_load_idx %arg14[%parallel_loop3A_740] : memref<12500xf32, #tpu.memory_space<vmem>>[vector<16xi32>], vector<16xf32>,
        %parallel_loop3A_742 = arith.cmpf olt, %parallel_loop3A_741, %parallel_loop3A_662 : vector<16xf32>
        %parallel_loop3A_743 = arith.andi %parallel_loop3A_734, %parallel_loop3A_742 : vector<16xi1>
        %parallel_loop3A_744 = arith.select %parallel_loop3A_743, %parallel_loop3A_731, %parallel_loop3A_728 : vector<16xi1>, vector<16xi32>
        %parallel_loop3A_745 = arith.constant 256 : i32
        %parallel_loop3A_746 = vector.broadcast %parallel_loop3A_745 : i32 to vector<16xi32>
        %parallel_loop3A_747 = arith.addi %parallel_loop3A_744, %parallel_loop3A_746 : vector<16xi32>
        %parallel_loop3A_748 = arith.constant 12500 : i32
        %parallel_loop3A_749 = vector.broadcast %parallel_loop3A_748 : i32 to vector<16xi32>
        %parallel_loop3A_750 = arith.cmpi sle, %parallel_loop3A_747, %parallel_loop3A_749 : vector<16xi32>
        %parallel_loop3A_751 = arith.constant 12500 : i32
        %parallel_loop3A_752 = vector.broadcast %parallel_loop3A_751 : i32 to vector<16xi32>
        %parallel_loop3A_753 = arith.minsi %parallel_loop3A_747, %parallel_loop3A_752 : vector<16xi32>
        %parallel_loop3A_754 = arith.constant 1 : i32
        %parallel_loop3A_755 = vector.broadcast %parallel_loop3A_754 : i32 to vector<16xi32>
        %parallel_loop3A_756 = arith.subi %parallel_loop3A_753, %parallel_loop3A_755 : vector<16xi32>
        %parallel_loop3A_757 = tpu.vector_load_idx %arg14[%parallel_loop3A_756] : memref<12500xf32, #tpu.memory_space<vmem>>[vector<16xi32>], vector<16xf32>,
        %parallel_loop3A_758 = arith.cmpf olt, %parallel_loop3A_757, %parallel_loop3A_662 : vector<16xf32>
        %parallel_loop3A_759 = arith.andi %parallel_loop3A_750, %parallel_loop3A_758 : vector<16xi1>
        %parallel_loop3A_760 = arith.select %parallel_loop3A_759, %parallel_loop3A_747, %parallel_loop3A_744 : vector<16xi1>, vector<16xi32>
        %parallel_loop3A_761 = arith.constant 128 : i32
        %parallel_loop3A_762 = vector.broadcast %parallel_loop3A_761 : i32 to vector<16xi32>
        %parallel_loop3A_763 = arith.addi %parallel_loop3A_760, %parallel_loop3A_762 : vector<16xi32>
        %parallel_loop3A_764 = arith.constant 12500 : i32
        %parallel_loop3A_765 = vector.broadcast %parallel_loop3A_764 : i32 to vector<16xi32>
        %parallel_loop3A_766 = arith.cmpi sle, %parallel_loop3A_763, %parallel_loop3A_765 : vector<16xi32>
        %parallel_loop3A_767 = arith.constant 12500 : i32
        %parallel_loop3A_768 = vector.broadcast %parallel_loop3A_767 : i32 to vector<16xi32>
        %parallel_loop3A_769 = arith.minsi %parallel_loop3A_763, %parallel_loop3A_768 : vector<16xi32>
        %parallel_loop3A_770 = arith.constant 1 : i32
        %parallel_loop3A_771 = vector.broadcast %parallel_loop3A_770 : i32 to vector<16xi32>
        %parallel_loop3A_772 = arith.subi %parallel_loop3A_769, %parallel_loop3A_771 : vector<16xi32>
        %parallel_loop3A_773 = tpu.vector_load_idx %arg14[%parallel_loop3A_772] : memref<12500xf32, #tpu.memory_space<vmem>>[vector<16xi32>], vector<16xf32>,
        %parallel_loop3A_774 = arith.cmpf olt, %parallel_loop3A_773, %parallel_loop3A_662 : vector<16xf32>
        %parallel_loop3A_775 = arith.andi %parallel_loop3A_766, %parallel_loop3A_774 : vector<16xi1>
        %parallel_loop3A_776 = arith.select %parallel_loop3A_775, %parallel_loop3A_763, %parallel_loop3A_760 : vector<16xi1>, vector<16xi32>
        %parallel_loop3A_777 = arith.constant 64 : i32
        %parallel_loop3A_778 = vector.broadcast %parallel_loop3A_777 : i32 to vector<16xi32>
        %parallel_loop3A_779 = arith.addi %parallel_loop3A_776, %parallel_loop3A_778 : vector<16xi32>
        %parallel_loop3A_780 = arith.constant 12500 : i32
        %parallel_loop3A_781 = vector.broadcast %parallel_loop3A_780 : i32 to vector<16xi32>
        %parallel_loop3A_782 = arith.cmpi sle, %parallel_loop3A_779, %parallel_loop3A_781 : vector<16xi32>
        %parallel_loop3A_783 = arith.constant 12500 : i32
        %parallel_loop3A_784 = vector.broadcast %parallel_loop3A_783 : i32 to vector<16xi32>
        %parallel_loop3A_785 = arith.minsi %parallel_loop3A_779, %parallel_loop3A_784 : vector<16xi32>
        %parallel_loop3A_786 = arith.constant 1 : i32
        %parallel_loop3A_787 = vector.broadcast %parallel_loop3A_786 : i32 to vector<16xi32>
        %parallel_loop3A_788 = arith.subi %parallel_loop3A_785, %parallel_loop3A_787 : vector<16xi32>
        %parallel_loop3A_789 = tpu.vector_load_idx %arg14[%parallel_loop3A_788] : memref<12500xf32, #tpu.memory_space<vmem>>[vector<16xi32>], vector<16xf32>,
        %parallel_loop3A_790 = arith.cmpf olt, %parallel_loop3A_789, %parallel_loop3A_662 : vector<16xf32>
        %parallel_loop3A_791 = arith.andi %parallel_loop3A_782, %parallel_loop3A_790 : vector<16xi1>
        %parallel_loop3A_792 = arith.select %parallel_loop3A_791, %parallel_loop3A_779, %parallel_loop3A_776 : vector<16xi1>, vector<16xi32>
        %parallel_loop3A_793 = arith.constant 32 : i32
        %parallel_loop3A_794 = vector.broadcast %parallel_loop3A_793 : i32 to vector<16xi32>
        %parallel_loop3A_795 = arith.addi %parallel_loop3A_792, %parallel_loop3A_794 : vector<16xi32>
        %parallel_loop3A_796 = arith.constant 12500 : i32
        %parallel_loop3A_797 = vector.broadcast %parallel_loop3A_796 : i32 to vector<16xi32>
        %parallel_loop3A_798 = arith.cmpi sle, %parallel_loop3A_795, %parallel_loop3A_797 : vector<16xi32>
        %parallel_loop3A_799 = arith.constant 12500 : i32
        %parallel_loop3A_800 = vector.broadcast %parallel_loop3A_799 : i32 to vector<16xi32>
        %parallel_loop3A_801 = arith.minsi %parallel_loop3A_795, %parallel_loop3A_800 : vector<16xi32>
        %parallel_loop3A_802 = arith.constant 1 : i32
        %parallel_loop3A_803 = vector.broadcast %parallel_loop3A_802 : i32 to vector<16xi32>
        %parallel_loop3A_804 = arith.subi %parallel_loop3A_801, %parallel_loop3A_803 : vector<16xi32>
        %parallel_loop3A_805 = tpu.vector_load_idx %arg14[%parallel_loop3A_804] : memref<12500xf32, #tpu.memory_space<vmem>>[vector<16xi32>], vector<16xf32>,
        %parallel_loop3A_806 = arith.cmpf olt, %parallel_loop3A_805, %parallel_loop3A_662 : vector<16xf32>
        %parallel_loop3A_807 = arith.andi %parallel_loop3A_798, %parallel_loop3A_806 : vector<16xi1>
        %parallel_loop3A_808 = arith.select %parallel_loop3A_807, %parallel_loop3A_795, %parallel_loop3A_792 : vector<16xi1>, vector<16xi32>
        %parallel_loop3A_809 = arith.constant 16 : i32
        %parallel_loop3A_810 = vector.broadcast %parallel_loop3A_809 : i32 to vector<16xi32>
        %parallel_loop3A_811 = arith.addi %parallel_loop3A_808, %parallel_loop3A_810 : vector<16xi32>
        %parallel_loop3A_812 = arith.constant 12500 : i32
        %parallel_loop3A_813 = vector.broadcast %parallel_loop3A_812 : i32 to vector<16xi32>
        %parallel_loop3A_814 = arith.cmpi sle, %parallel_loop3A_811, %parallel_loop3A_813 : vector<16xi32>
        %parallel_loop3A_815 = arith.constant 12500 : i32
        %parallel_loop3A_816 = vector.broadcast %parallel_loop3A_815 : i32 to vector<16xi32>
        %parallel_loop3A_817 = arith.minsi %parallel_loop3A_811, %parallel_loop3A_816 : vector<16xi32>
        %parallel_loop3A_818 = arith.constant 1 : i32
        %parallel_loop3A_819 = vector.broadcast %parallel_loop3A_818 : i32 to vector<16xi32>
        %parallel_loop3A_820 = arith.subi %parallel_loop3A_817, %parallel_loop3A_819 : vector<16xi32>
        %parallel_loop3A_821 = tpu.vector_load_idx %arg14[%parallel_loop3A_820] : memref<12500xf32, #tpu.memory_space<vmem>>[vector<16xi32>], vector<16xf32>,
        %parallel_loop3A_822 = arith.cmpf olt, %parallel_loop3A_821, %parallel_loop3A_662 : vector<16xf32>
        %parallel_loop3A_823 = arith.andi %parallel_loop3A_814, %parallel_loop3A_822 : vector<16xi1>
        %parallel_loop3A_824 = arith.select %parallel_loop3A_823, %parallel_loop3A_811, %parallel_loop3A_808 : vector<16xi1>, vector<16xi32>
        %parallel_loop3A_825 = arith.constant 8 : i32
        %parallel_loop3A_826 = vector.broadcast %parallel_loop3A_825 : i32 to vector<16xi32>
        %parallel_loop3A_827 = arith.addi %parallel_loop3A_824, %parallel_loop3A_826 : vector<16xi32>
        %parallel_loop3A_828 = arith.constant 12500 : i32
        %parallel_loop3A_829 = vector.broadcast %parallel_loop3A_828 : i32 to vector<16xi32>
        %parallel_loop3A_830 = arith.cmpi sle, %parallel_loop3A_827, %parallel_loop3A_829 : vector<16xi32>
        %parallel_loop3A_831 = arith.constant 12500 : i32
        %parallel_loop3A_832 = vector.broadcast %parallel_loop3A_831 : i32 to vector<16xi32>
        %parallel_loop3A_833 = arith.minsi %parallel_loop3A_827, %parallel_loop3A_832 : vector<16xi32>
        %parallel_loop3A_834 = arith.constant 1 : i32
        %parallel_loop3A_835 = vector.broadcast %parallel_loop3A_834 : i32 to vector<16xi32>
        %parallel_loop3A_836 = arith.subi %parallel_loop3A_833, %parallel_loop3A_835 : vector<16xi32>
        %parallel_loop3A_837 = tpu.vector_load_idx %arg14[%parallel_loop3A_836] : memref<12500xf32, #tpu.memory_space<vmem>>[vector<16xi32>], vector<16xf32>,
        %parallel_loop3A_838 = arith.cmpf olt, %parallel_loop3A_837, %parallel_loop3A_662 : vector<16xf32>
        %parallel_loop3A_839 = arith.andi %parallel_loop3A_830, %parallel_loop3A_838 : vector<16xi1>
        %parallel_loop3A_840 = arith.select %parallel_loop3A_839, %parallel_loop3A_827, %parallel_loop3A_824 : vector<16xi1>, vector<16xi32>
        %parallel_loop3A_841 = arith.constant 4 : i32
        %parallel_loop3A_842 = vector.broadcast %parallel_loop3A_841 : i32 to vector<16xi32>
        %parallel_loop3A_843 = arith.addi %parallel_loop3A_840, %parallel_loop3A_842 : vector<16xi32>
        %parallel_loop3A_844 = arith.constant 12500 : i32
        %parallel_loop3A_845 = vector.broadcast %parallel_loop3A_844 : i32 to vector<16xi32>
        %parallel_loop3A_846 = arith.cmpi sle, %parallel_loop3A_843, %parallel_loop3A_845 : vector<16xi32>
        %parallel_loop3A_847 = arith.constant 12500 : i32
        %parallel_loop3A_848 = vector.broadcast %parallel_loop3A_847 : i32 to vector<16xi32>
        %parallel_loop3A_849 = arith.minsi %parallel_loop3A_843, %parallel_loop3A_848 : vector<16xi32>
        %parallel_loop3A_850 = arith.constant 1 : i32
        %parallel_loop3A_851 = vector.broadcast %parallel_loop3A_850 : i32 to vector<16xi32>
        %parallel_loop3A_852 = arith.subi %parallel_loop3A_849, %parallel_loop3A_851 : vector<16xi32>
        %parallel_loop3A_853 = tpu.vector_load_idx %arg14[%parallel_loop3A_852] : memref<12500xf32, #tpu.memory_space<vmem>>[vector<16xi32>], vector<16xf32>,
        %parallel_loop3A_854 = arith.cmpf olt, %parallel_loop3A_853, %parallel_loop3A_662 : vector<16xf32>
        %parallel_loop3A_855 = arith.andi %parallel_loop3A_846, %parallel_loop3A_854 : vector<16xi1>
        %parallel_loop3A_856 = arith.select %parallel_loop3A_855, %parallel_loop3A_843, %parallel_loop3A_840 : vector<16xi1>, vector<16xi32>
        %parallel_loop3A_857 = arith.constant 2 : i32
        %parallel_loop3A_858 = vector.broadcast %parallel_loop3A_857 : i32 to vector<16xi32>
        %parallel_loop3A_859 = arith.addi %parallel_loop3A_856, %parallel_loop3A_858 : vector<16xi32>
        %parallel_loop3A_860 = arith.constant 12500 : i32
        %parallel_loop3A_861 = vector.broadcast %parallel_loop3A_860 : i32 to vector<16xi32>
        %parallel_loop3A_862 = arith.cmpi sle, %parallel_loop3A_859, %parallel_loop3A_861 : vector<16xi32>
        %parallel_loop3A_863 = arith.constant 12500 : i32
        %parallel_loop3A_864 = vector.broadcast %parallel_loop3A_863 : i32 to vector<16xi32>
        %parallel_loop3A_865 = arith.minsi %parallel_loop3A_859, %parallel_loop3A_864 : vector<16xi32>
        %parallel_loop3A_866 = arith.constant 1 : i32
        %parallel_loop3A_867 = vector.broadcast %parallel_loop3A_866 : i32 to vector<16xi32>
        %parallel_loop3A_868 = arith.subi %parallel_loop3A_865, %parallel_loop3A_867 : vector<16xi32>
        %parallel_loop3A_869 = tpu.vector_load_idx %arg14[%parallel_loop3A_868] : memref<12500xf32, #tpu.memory_space<vmem>>[vector<16xi32>], vector<16xf32>,
        %parallel_loop3A_870 = arith.cmpf olt, %parallel_loop3A_869, %parallel_loop3A_662 : vector<16xf32>
        %parallel_loop3A_871 = arith.andi %parallel_loop3A_862, %parallel_loop3A_870 : vector<16xi1>
        %parallel_loop3A_872 = arith.select %parallel_loop3A_871, %parallel_loop3A_859, %parallel_loop3A_856 : vector<16xi1>, vector<16xi32>
        %parallel_loop3A_873 = arith.constant 1 : i32
        %parallel_loop3A_874 = vector.broadcast %parallel_loop3A_873 : i32 to vector<16xi32>
        %parallel_loop3A_875 = arith.addi %parallel_loop3A_872, %parallel_loop3A_874 : vector<16xi32>
        %parallel_loop3A_876 = arith.constant 12500 : i32
        %parallel_loop3A_877 = vector.broadcast %parallel_loop3A_876 : i32 to vector<16xi32>
        %parallel_loop3A_878 = arith.cmpi sle, %parallel_loop3A_875, %parallel_loop3A_877 : vector<16xi32>
        %parallel_loop3A_879 = arith.constant 12500 : i32
        %parallel_loop3A_880 = vector.broadcast %parallel_loop3A_879 : i32 to vector<16xi32>
        %parallel_loop3A_881 = arith.minsi %parallel_loop3A_875, %parallel_loop3A_880 : vector<16xi32>
        %parallel_loop3A_882 = arith.constant 1 : i32
        %parallel_loop3A_883 = vector.broadcast %parallel_loop3A_882 : i32 to vector<16xi32>
        %parallel_loop3A_884 = arith.subi %parallel_loop3A_881, %parallel_loop3A_883 : vector<16xi32>
        %parallel_loop3A_885 = tpu.vector_load_idx %arg14[%parallel_loop3A_884] : memref<12500xf32, #tpu.memory_space<vmem>>[vector<16xi32>], vector<16xf32>,
        %parallel_loop3A_886 = arith.cmpf olt, %parallel_loop3A_885, %parallel_loop3A_662 : vector<16xf32>
        %parallel_loop3A_887 = arith.andi %parallel_loop3A_878, %parallel_loop3A_886 : vector<16xi1>
        %parallel_loop3A_888 = arith.select %parallel_loop3A_887, %parallel_loop3A_875, %parallel_loop3A_872 : vector<16xi1>, vector<16xi32>
        %parallel_loop3A_889 = arith.constant 12499 : i32
        %parallel_loop3A_890 = vector.broadcast %parallel_loop3A_889 : i32 to vector<16xi32>
        %parallel_loop3A_891 = arith.minsi %parallel_loop3A_888, %parallel_loop3A_890 : vector<16xi32>
        %parallel_loop3A_892 = arith.constant 8 : i32
        %parallel_loop3A_893 = arith.divsi %parallel_loop3A_658, %parallel_loop3A_892 : i32
        %parallel_loop3A_894 = arith.constant 0 : i32
        %parallel_loop3A_895 = arith.cmpi sgt, %parallel_loop3A_658, %parallel_loop3A_894 : i32
        %parallel_loop3A_896 = arith.extui %parallel_loop3A_895 : i1 to i32
        %parallel_loop3A_897 = arith.constant 0 : i32
        %parallel_loop3A_898 = arith.cmpi slt, %parallel_loop3A_658, %parallel_loop3A_897 : i32
        %parallel_loop3A_899 = arith.extui %parallel_loop3A_898 : i1 to i32
        %parallel_loop3A_900 = arith.subi %parallel_loop3A_896, %parallel_loop3A_899 : i32
        %parallel_loop3A_901 = arith.constant 0 : i32
        %parallel_loop3A_902 = arith.cmpi sgt, %parallel_loop3A_892, %parallel_loop3A_901 : i32
        %parallel_loop3A_903 = arith.extui %parallel_loop3A_902 : i1 to i32
        %parallel_loop3A_904 = arith.constant 0 : i32
        %parallel_loop3A_905 = arith.cmpi slt, %parallel_loop3A_892, %parallel_loop3A_904 : i32
        %parallel_loop3A_906 = arith.extui %parallel_loop3A_905 : i1 to i32
        %parallel_loop3A_907 = arith.subi %parallel_loop3A_903, %parallel_loop3A_906 : i32
        %parallel_loop3A_908 = arith.cmpi ne, %parallel_loop3A_900, %parallel_loop3A_907 : i32
        %parallel_loop3A_909 = arith.remsi %parallel_loop3A_658, %parallel_loop3A_892 : i32
        %parallel_loop3A_910 = arith.constant 0 : i32
        %parallel_loop3A_911 = arith.cmpi ne, %parallel_loop3A_909, %parallel_loop3A_910 : i32
        %parallel_loop3A_912 = arith.andi %parallel_loop3A_908, %parallel_loop3A_911 : i1
        %parallel_loop3A_913 = arith.constant 1 : i32
        %parallel_loop3A_914 = arith.subi %parallel_loop3A_893, %parallel_loop3A_913 : i32
        %parallel_loop3A_915 = arith.select %parallel_loop3A_912, %parallel_loop3A_914, %parallel_loop3A_893 : i32
        %parallel_loop3A_916 = arith.constant 8 : i32
        %parallel_loop3A_917 = arith.constant 0 : i32
        %parallel_loop3A_918 = arith.cmpi eq, %parallel_loop3A_916, %parallel_loop3A_917 : i32
        %parallel_loop3A_919 = arith.constant 1 : i32
        %parallel_loop3A_920 = arith.select %parallel_loop3A_918, %parallel_loop3A_919, %parallel_loop3A_916 : i32
        %parallel_loop3A_921 = arith.remsi %parallel_loop3A_658, %parallel_loop3A_920 : i32
        %parallel_loop3A_922 = arith.constant 0 : i32
        %parallel_loop3A_923 = arith.cmpi ne, %parallel_loop3A_921, %parallel_loop3A_922 : i32
        %parallel_loop3A_924 = arith.constant 0 : i32
        %parallel_loop3A_925 = arith.cmpi slt, %parallel_loop3A_921, %parallel_loop3A_924 : i32
        %parallel_loop3A_926 = arith.constant 0 : i32
        %parallel_loop3A_927 = arith.cmpi slt, %parallel_loop3A_920, %parallel_loop3A_926 : i32
        %parallel_loop3A_928 = arith.xori %parallel_loop3A_925, %parallel_loop3A_927 : i1
        %parallel_loop3A_929 = arith.andi %parallel_loop3A_928, %parallel_loop3A_923 : i1
        %parallel_loop3A_930 = arith.addi %parallel_loop3A_921, %parallel_loop3A_920 : i32
        %parallel_loop3A_931 = arith.select %parallel_loop3A_929, %parallel_loop3A_930, %parallel_loop3A_921 : i32
        %parallel_loop3A_932 = arith.constant 16 : i32
        %parallel_loop3A_933 = arith.muli %parallel_loop3A_931, %parallel_loop3A_932 : i32
        %parallel_loop3A_934 = arith.index_cast %parallel_loop3A_915 : i32 to index
        %parallel_loop3A_935 = arith.index_cast %parallel_loop3A_933 : i32 to index
        %parallel_loop3A_936 = tpu.vector_load %arg16[%parallel_loop3A_934, %parallel_loop3A_935] {strides = array<i32>} : memref<16x128xi32, #tpu.memory_space<vmem>>, vector<16xi32>,
        tpu.vector_store %arg16[%parallel_loop3A_934, %parallel_loop3A_935], %parallel_loop3A_891 {strides = array<i32>} : memref<16x128xi32, #tpu.memory_space<vmem>>, vector<16xi32>,
      } {sc.loop_unroll_factor = 8 : i64, sc.parallel_access}
      %dma_start3A = arith.constant 0 : i32
      %dma_start3A_14 = arith.constant 0 : i32
      %dma_start3A_15 = arith.constant 0 : i32
      %dma_start3A_16 = tpu.memref_slice %arg17[%dma_start3A_14, %dma_start3A_15] : memref<2048x16xf32, #tpu.memory_space<vmem>> -> memref<128x16xf32, #tpu.memory_space<vmem>>
      %dma_start3A_17 = arith.constant 0 : i32
      %dma_start3A_18 = tpu.memref_slice %arg16[%dma_start3A, %dma_start3A_17] : memref<16x128xi32, #tpu.memory_space<vmem>> -> memref<1x128xi32, #tpu.memory_space<vmem>>
      %dma_start3A_19 = tpu.memref_squeeze %dma_start3A_18 : memref<1x128xi32, #tpu.memory_space<vmem>> -> memref<128xi32, #tpu.memory_space<vmem>>
      %dma_start3A_20 = arith.constant 0 : i32
      %dma_start3A_21 = arith.constant 0 : i32
      %dma_start3A_22 = tpu.memref_slice %arg3[%dma_start3A_20, %dma_start3A_21] : memref<12500x16xf32, #tpu.memory_space<hbm>> -> memref<12500x16xf32, #tpu.memory_space<hbm>>
      tpu.enqueue_indirect_dma source(%dma_start3A_22 : memref<12500x16xf32, #tpu.memory_space<hbm>>) target(%dma_start3A_16 : memref<128x16xf32, #tpu.memory_space<vmem>>) offsets(%dma_start3A_19 : memref<128xi32, #tpu.memory_space<vmem>>) semaphore(%arg28 : memref<!tpu.dma_semaphore, #tpu.memory_space<semaphore_mem>>)
      %dma_start3A_23 = arith.constant 1 : i32
      %dma_start3A_24 = arith.constant 128 : i32
      %dma_start3A_25 = arith.constant 0 : i32
      %dma_start3A_26 = tpu.memref_slice %arg17[%dma_start3A_24, %dma_start3A_25] : memref<2048x16xf32, #tpu.memory_space<vmem>> -> memref<128x16xf32, #tpu.memory_space<vmem>>
      %dma_start3A_27 = arith.constant 0 : i32
      %dma_start3A_28 = tpu.memref_slice %arg16[%dma_start3A_23, %dma_start3A_27] : memref<16x128xi32, #tpu.memory_space<vmem>> -> memref<1x128xi32, #tpu.memory_space<vmem>>
      %dma_start3A_29 = tpu.memref_squeeze %dma_start3A_28 : memref<1x128xi32, #tpu.memory_space<vmem>> -> memref<128xi32, #tpu.memory_space<vmem>>
      %dma_start3A_30 = arith.constant 0 : i32
      %dma_start3A_31 = arith.constant 0 : i32
      %dma_start3A_32 = tpu.memref_slice %arg3[%dma_start3A_30, %dma_start3A_31] : memref<12500x16xf32, #tpu.memory_space<hbm>> -> memref<12500x16xf32, #tpu.memory_space<hbm>>
      tpu.enqueue_indirect_dma source(%dma_start3A_32 : memref<12500x16xf32, #tpu.memory_space<hbm>>) target(%dma_start3A_26 : memref<128x16xf32, #tpu.memory_space<vmem>>) offsets(%dma_start3A_29 : memref<128xi32, #tpu.memory_space<vmem>>) semaphore(%arg28 : memref<!tpu.dma_semaphore, #tpu.memory_space<semaphore_mem>>)
      %dma_start3A_33 = arith.constant 2 : i32
      %dma_start3A_34 = arith.constant 256 : i32
      %dma_start3A_35 = arith.constant 0 : i32
      %dma_start3A_36 = tpu.memref_slice %arg17[%dma_start3A_34, %dma_start3A_35] : memref<2048x16xf32, #tpu.memory_space<vmem>> -> memref<128x16xf32, #tpu.memory_space<vmem>>
      %dma_start3A_37 = arith.constant 0 : i32
      %dma_start3A_38 = tpu.memref_slice %arg16[%dma_start3A_33, %dma_start3A_37] : memref<16x128xi32, #tpu.memory_space<vmem>> -> memref<1x128xi32, #tpu.memory_space<vmem>>
      %dma_start3A_39 = tpu.memref_squeeze %dma_start3A_38 : memref<1x128xi32, #tpu.memory_space<vmem>> -> memref<128xi32, #tpu.memory_space<vmem>>
      %dma_start3A_40 = arith.constant 0 : i32
      %dma_start3A_41 = arith.constant 0 : i32
      %dma_start3A_42 = tpu.memref_slice %arg3[%dma_start3A_40, %dma_start3A_41] : memref<12500x16xf32, #tpu.memory_space<hbm>> -> memref<12500x16xf32, #tpu.memory_space<hbm>>
      tpu.enqueue_indirect_dma source(%dma_start3A_42 : memref<12500x16xf32, #tpu.memory_space<hbm>>) target(%dma_start3A_36 : memref<128x16xf32, #tpu.memory_space<vmem>>) offsets(%dma_start3A_39 : memref<128xi32, #tpu.memory_space<vmem>>) semaphore(%arg28 : memref<!tpu.dma_semaphore, #tpu.memory_space<semaphore_mem>>)
      %dma_start3A_43 = arith.constant 3 : i32
      %dma_start3A_44 = arith.constant 384 : i32
      %dma_start3A_45 = arith.constant 0 : i32
      %dma_start3A_46 = tpu.memref_slice %arg17[%dma_start3A_44, %dma_start3A_45] : memref<2048x16xf32, #tpu.memory_space<vmem>> -> memref<128x16xf32, #tpu.memory_space<vmem>>
      %dma_start3A_47 = arith.constant 0 : i32
      %dma_start3A_48 = tpu.memref_slice %arg16[%dma_start3A_43, %dma_start3A_47] : memref<16x128xi32, #tpu.memory_space<vmem>> -> memref<1x128xi32, #tpu.memory_space<vmem>>
      %dma_start3A_49 = tpu.memref_squeeze %dma_start3A_48 : memref<1x128xi32, #tpu.memory_space<vmem>> -> memref<128xi32, #tpu.memory_space<vmem>>
      %dma_start3A_50 = arith.constant 0 : i32
      %dma_start3A_51 = arith.constant 0 : i32
      %dma_start3A_52 = tpu.memref_slice %arg3[%dma_start3A_50, %dma_start3A_51] : memref<12500x16xf32, #tpu.memory_space<hbm>> -> memref<12500x16xf32, #tpu.memory_space<hbm>>
      tpu.enqueue_indirect_dma source(%dma_start3A_52 : memref<12500x16xf32, #tpu.memory_space<hbm>>) target(%dma_start3A_46 : memref<128x16xf32, #tpu.memory_space<vmem>>) offsets(%dma_start3A_49 : memref<128xi32, #tpu.memory_space<vmem>>) semaphore(%arg28 : memref<!tpu.dma_semaphore, #tpu.memory_space<semaphore_mem>>)
      %dma_start3A_53 = arith.constant 4 : i32
      %dma_start3A_54 = arith.constant 512 : i32
      %dma_start3A_55 = arith.constant 0 : i32
      %dma_start3A_56 = tpu.memref_slice %arg17[%dma_start3A_54, %dma_start3A_55] : memref<2048x16xf32, #tpu.memory_space<vmem>> -> memref<128x16xf32, #tpu.memory_space<vmem>>
      %dma_start3A_57 = arith.constant 0 : i32
      %dma_start3A_58 = tpu.memref_slice %arg16[%dma_start3A_53, %dma_start3A_57] : memref<16x128xi32, #tpu.memory_space<vmem>> -> memref<1x128xi32, #tpu.memory_space<vmem>>
      %dma_start3A_59 = tpu.memref_squeeze %dma_start3A_58 : memref<1x128xi32, #tpu.memory_space<vmem>> -> memref<128xi32, #tpu.memory_space<vmem>>
      %dma_start3A_60 = arith.constant 0 : i32
      %dma_start3A_61 = arith.constant 0 : i32
      %dma_start3A_62 = tpu.memref_slice %arg3[%dma_start3A_60, %dma_start3A_61] : memref<12500x16xf32, #tpu.memory_space<hbm>> -> memref<12500x16xf32, #tpu.memory_space<hbm>>
      tpu.enqueue_indirect_dma source(%dma_start3A_62 : memref<12500x16xf32, #tpu.memory_space<hbm>>) target(%dma_start3A_56 : memref<128x16xf32, #tpu.memory_space<vmem>>) offsets(%dma_start3A_59 : memref<128xi32, #tpu.memory_space<vmem>>) semaphore(%arg28 : memref<!tpu.dma_semaphore, #tpu.memory_space<semaphore_mem>>)
      %dma_start3A_63 = arith.constant 5 : i32
      %dma_start3A_64 = arith.constant 640 : i32
      %dma_start3A_65 = arith.constant 0 : i32
      %dma_start3A_66 = tpu.memref_slice %arg17[%dma_start3A_64, %dma_start3A_65] : memref<2048x16xf32, #tpu.memory_space<vmem>> -> memref<128x16xf32, #tpu.memory_space<vmem>>
      %dma_start3A_67 = arith.constant 0 : i32
      %dma_start3A_68 = tpu.memref_slice %arg16[%dma_start3A_63, %dma_start3A_67] : memref<16x128xi32, #tpu.memory_space<vmem>> -> memref<1x128xi32, #tpu.memory_space<vmem>>
      %dma_start3A_69 = tpu.memref_squeeze %dma_start3A_68 : memref<1x128xi32, #tpu.memory_space<vmem>> -> memref<128xi32, #tpu.memory_space<vmem>>
      %dma_start3A_70 = arith.constant 0 : i32
      %dma_start3A_71 = arith.constant 0 : i32
      %dma_start3A_72 = tpu.memref_slice %arg3[%dma_start3A_70, %dma_start3A_71] : memref<12500x16xf32, #tpu.memory_space<hbm>> -> memref<12500x16xf32, #tpu.memory_space<hbm>>
      tpu.enqueue_indirect_dma source(%dma_start3A_72 : memref<12500x16xf32, #tpu.memory_space<hbm>>) target(%dma_start3A_66 : memref<128x16xf32, #tpu.memory_space<vmem>>) offsets(%dma_start3A_69 : memref<128xi32, #tpu.memory_space<vmem>>) semaphore(%arg28 : memref<!tpu.dma_semaphore, #tpu.memory_space<semaphore_mem>>)
      %dma_start3A_73 = arith.constant 6 : i32
      %dma_start3A_74 = arith.constant 768 : i32
      %dma_start3A_75 = arith.constant 0 : i32
      %dma_start3A_76 = tpu.memref_slice %arg17[%dma_start3A_74, %dma_start3A_75] : memref<2048x16xf32, #tpu.memory_space<vmem>> -> memref<128x16xf32, #tpu.memory_space<vmem>>
      %dma_start3A_77 = arith.constant 0 : i32
      %dma_start3A_78 = tpu.memref_slice %arg16[%dma_start3A_73, %dma_start3A_77] : memref<16x128xi32, #tpu.memory_space<vmem>> -> memref<1x128xi32, #tpu.memory_space<vmem>>
      %dma_start3A_79 = tpu.memref_squeeze %dma_start3A_78 : memref<1x128xi32, #tpu.memory_space<vmem>> -> memref<128xi32, #tpu.memory_space<vmem>>
      %dma_start3A_80 = arith.constant 0 : i32
      %dma_start3A_81 = arith.constant 0 : i32
      %dma_start3A_82 = tpu.memref_slice %arg3[%dma_start3A_80, %dma_start3A_81] : memref<12500x16xf32, #tpu.memory_space<hbm>> -> memref<12500x16xf32, #tpu.memory_space<hbm>>
      tpu.enqueue_indirect_dma source(%dma_start3A_82 : memref<12500x16xf32, #tpu.memory_space<hbm>>) target(%dma_start3A_76 : memref<128x16xf32, #tpu.memory_space<vmem>>) offsets(%dma_start3A_79 : memref<128xi32, #tpu.memory_space<vmem>>) semaphore(%arg28 : memref<!tpu.dma_semaphore, #tpu.memory_space<semaphore_mem>>)
      %dma_start3A_83 = arith.constant 7 : i32
      %dma_start3A_84 = arith.constant 896 : i32
      %dma_start3A_85 = arith.constant 0 : i32
      %dma_start3A_86 = tpu.memref_slice %arg17[%dma_start3A_84, %dma_start3A_85] : memref<2048x16xf32, #tpu.memory_space<vmem>> -> memref<128x16xf32, #tpu.memory_space<vmem>>
      %dma_start3A_87 = arith.constant 0 : i32
      %dma_start3A_88 = tpu.memref_slice %arg16[%dma_start3A_83, %dma_start3A_87] : memref<16x128xi32, #tpu.memory_space<vmem>> -> memref<1x128xi32, #tpu.memory_space<vmem>>
      %dma_start3A_89 = tpu.memref_squeeze %dma_start3A_88 : memref<1x128xi32, #tpu.memory_space<vmem>> -> memref<128xi32, #tpu.memory_space<vmem>>
      %dma_start3A_90 = arith.constant 0 : i32
      %dma_start3A_91 = arith.constant 0 : i32
      %dma_start3A_92 = tpu.memref_slice %arg3[%dma_start3A_90, %dma_start3A_91] : memref<12500x16xf32, #tpu.memory_space<hbm>> -> memref<12500x16xf32, #tpu.memory_space<hbm>>
      tpu.enqueue_indirect_dma source(%dma_start3A_92 : memref<12500x16xf32, #tpu.memory_space<hbm>>) target(%dma_start3A_86 : memref<128x16xf32, #tpu.memory_space<vmem>>) offsets(%dma_start3A_89 : memref<128xi32, #tpu.memory_space<vmem>>) semaphore(%arg28 : memref<!tpu.dma_semaphore, #tpu.memory_space<semaphore_mem>>)
      %dma_start3A_93 = arith.constant 8 : i32
      %dma_start3A_94 = arith.constant 1024 : i32
      %dma_start3A_95 = arith.constant 0 : i32
      %dma_start3A_96 = tpu.memref_slice %arg17[%dma_start3A_94, %dma_start3A_95] : memref<2048x16xf32, #tpu.memory_space<vmem>> -> memref<128x16xf32, #tpu.memory_space<vmem>>
      %dma_start3A_97 = arith.constant 0 : i32
      %dma_start3A_98 = tpu.memref_slice %arg16[%dma_start3A_93, %dma_start3A_97] : memref<16x128xi32, #tpu.memory_space<vmem>> -> memref<1x128xi32, #tpu.memory_space<vmem>>
      %dma_start3A_99 = tpu.memref_squeeze %dma_start3A_98 : memref<1x128xi32, #tpu.memory_space<vmem>> -> memref<128xi32, #tpu.memory_space<vmem>>
      %dma_start3A_100 = arith.constant 0 : i32
      %dma_start3A_101 = arith.constant 0 : i32
      %dma_start3A_102 = tpu.memref_slice %arg3[%dma_start3A_100, %dma_start3A_101] : memref<12500x16xf32, #tpu.memory_space<hbm>> -> memref<12500x16xf32, #tpu.memory_space<hbm>>
      tpu.enqueue_indirect_dma source(%dma_start3A_102 : memref<12500x16xf32, #tpu.memory_space<hbm>>) target(%dma_start3A_96 : memref<128x16xf32, #tpu.memory_space<vmem>>) offsets(%dma_start3A_99 : memref<128xi32, #tpu.memory_space<vmem>>) semaphore(%arg28 : memref<!tpu.dma_semaphore, #tpu.memory_space<semaphore_mem>>)
      %dma_start3A_103 = arith.constant 9 : i32
      %dma_start3A_104 = arith.constant 1152 : i32
      %dma_start3A_105 = arith.constant 0 : i32
      %dma_start3A_106 = tpu.memref_slice %arg17[%dma_start3A_104, %dma_start3A_105] : memref<2048x16xf32, #tpu.memory_space<vmem>> -> memref<128x16xf32, #tpu.memory_space<vmem>>
      %dma_start3A_107 = arith.constant 0 : i32
      %dma_start3A_108 = tpu.memref_slice %arg16[%dma_start3A_103, %dma_start3A_107] : memref<16x128xi32, #tpu.memory_space<vmem>> -> memref<1x128xi32, #tpu.memory_space<vmem>>
      %dma_start3A_109 = tpu.memref_squeeze %dma_start3A_108 : memref<1x128xi32, #tpu.memory_space<vmem>> -> memref<128xi32, #tpu.memory_space<vmem>>
      %dma_start3A_110 = arith.constant 0 : i32
      %dma_start3A_111 = arith.constant 0 : i32
      %dma_start3A_112 = tpu.memref_slice %arg3[%dma_start3A_110, %dma_start3A_111] : memref<12500x16xf32, #tpu.memory_space<hbm>> -> memref<12500x16xf32, #tpu.memory_space<hbm>>
      tpu.enqueue_indirect_dma source(%dma_start3A_112 : memref<12500x16xf32, #tpu.memory_space<hbm>>) target(%dma_start3A_106 : memref<128x16xf32, #tpu.memory_space<vmem>>) offsets(%dma_start3A_109 : memref<128xi32, #tpu.memory_space<vmem>>) semaphore(%arg28 : memref<!tpu.dma_semaphore, #tpu.memory_space<semaphore_mem>>)
      %dma_start3A_113 = arith.constant 10 : i32
      %dma_start3A_114 = arith.constant 1280 : i32
      %dma_start3A_115 = arith.constant 0 : i32
      %dma_start3A_116 = tpu.memref_slice %arg17[%dma_start3A_114, %dma_start3A_115] : memref<2048x16xf32, #tpu.memory_space<vmem>> -> memref<128x16xf32, #tpu.memory_space<vmem>>
      %dma_start3A_117 = arith.constant 0 : i32
      %dma_start3A_118 = tpu.memref_slice %arg16[%dma_start3A_113, %dma_start3A_117] : memref<16x128xi32, #tpu.memory_space<vmem>> -> memref<1x128xi32, #tpu.memory_space<vmem>>
      %dma_start3A_119 = tpu.memref_squeeze %dma_start3A_118 : memref<1x128xi32, #tpu.memory_space<vmem>> -> memref<128xi32, #tpu.memory_space<vmem>>
      %dma_start3A_120 = arith.constant 0 : i32
      %dma_start3A_121 = arith.constant 0 : i32
      %dma_start3A_122 = tpu.memref_slice %arg3[%dma_start3A_120, %dma_start3A_121] : memref<12500x16xf32, #tpu.memory_space<hbm>> -> memref<12500x16xf32, #tpu.memory_space<hbm>>
      tpu.enqueue_indirect_dma source(%dma_start3A_122 : memref<12500x16xf32, #tpu.memory_space<hbm>>) target(%dma_start3A_116 : memref<128x16xf32, #tpu.memory_space<vmem>>) offsets(%dma_start3A_119 : memref<128xi32, #tpu.memory_space<vmem>>) semaphore(%arg28 : memref<!tpu.dma_semaphore, #tpu.memory_space<semaphore_mem>>)
      %dma_start3A_123 = arith.constant 11 : i32
      %dma_start3A_124 = arith.constant 1408 : i32
      %dma_start3A_125 = arith.constant 0 : i32
      %dma_start3A_126 = tpu.memref_slice %arg17[%dma_start3A_124, %dma_start3A_125] : memref<2048x16xf32, #tpu.memory_space<vmem>> -> memref<128x16xf32, #tpu.memory_space<vmem>>
      %dma_start3A_127 = arith.constant 0 : i32
      %dma_start3A_128 = tpu.memref_slice %arg16[%dma_start3A_123, %dma_start3A_127] : memref<16x128xi32, #tpu.memory_space<vmem>> -> memref<1x128xi32, #tpu.memory_space<vmem>>
      %dma_start3A_129 = tpu.memref_squeeze %dma_start3A_128 : memref<1x128xi32, #tpu.memory_space<vmem>> -> memref<128xi32, #tpu.memory_space<vmem>>
      %dma_start3A_130 = arith.constant 0 : i32
      %dma_start3A_131 = arith.constant 0 : i32
      %dma_start3A_132 = tpu.memref_slice %arg3[%dma_start3A_130, %dma_start3A_131] : memref<12500x16xf32, #tpu.memory_space<hbm>> -> memref<12500x16xf32, #tpu.memory_space<hbm>>
      tpu.enqueue_indirect_dma source(%dma_start3A_132 : memref<12500x16xf32, #tpu.memory_space<hbm>>) target(%dma_start3A_126 : memref<128x16xf32, #tpu.memory_space<vmem>>) offsets(%dma_start3A_129 : memref<128xi32, #tpu.memory_space<vmem>>) semaphore(%arg28 : memref<!tpu.dma_semaphore, #tpu.memory_space<semaphore_mem>>)
      %dma_start3A_133 = arith.constant 12 : i32
      %dma_start3A_134 = arith.constant 1536 : i32
      %dma_start3A_135 = arith.constant 0 : i32
      %dma_start3A_136 = tpu.memref_slice %arg17[%dma_start3A_134, %dma_start3A_135] : memref<2048x16xf32, #tpu.memory_space<vmem>> -> memref<128x16xf32, #tpu.memory_space<vmem>>
      %dma_start3A_137 = arith.constant 0 : i32
      %dma_start3A_138 = tpu.memref_slice %arg16[%dma_start3A_133, %dma_start3A_137] : memref<16x128xi32, #tpu.memory_space<vmem>> -> memref<1x128xi32, #tpu.memory_space<vmem>>
      %dma_start3A_139 = tpu.memref_squeeze %dma_start3A_138 : memref<1x128xi32, #tpu.memory_space<vmem>> -> memref<128xi32, #tpu.memory_space<vmem>>
      %dma_start3A_140 = arith.constant 0 : i32
      %dma_start3A_141 = arith.constant 0 : i32
      %dma_start3A_142 = tpu.memref_slice %arg3[%dma_start3A_140, %dma_start3A_141] : memref<12500x16xf32, #tpu.memory_space<hbm>> -> memref<12500x16xf32, #tpu.memory_space<hbm>>
      tpu.enqueue_indirect_dma source(%dma_start3A_142 : memref<12500x16xf32, #tpu.memory_space<hbm>>) target(%dma_start3A_136 : memref<128x16xf32, #tpu.memory_space<vmem>>) offsets(%dma_start3A_139 : memref<128xi32, #tpu.memory_space<vmem>>) semaphore(%arg28 : memref<!tpu.dma_semaphore, #tpu.memory_space<semaphore_mem>>)
      %dma_start3A_143 = arith.constant 13 : i32
      %dma_start3A_144 = arith.constant 1664 : i32
      %dma_start3A_145 = arith.constant 0 : i32
      %dma_start3A_146 = tpu.memref_slice %arg17[%dma_start3A_144, %dma_start3A_145] : memref<2048x16xf32, #tpu.memory_space<vmem>> -> memref<128x16xf32, #tpu.memory_space<vmem>>
      %dma_start3A_147 = arith.constant 0 : i32
      %dma_start3A_148 = tpu.memref_slice %arg16[%dma_start3A_143, %dma_start3A_147] : memref<16x128xi32, #tpu.memory_space<vmem>> -> memref<1x128xi32, #tpu.memory_space<vmem>>
      %dma_start3A_149 = tpu.memref_squeeze %dma_start3A_148 : memref<1x128xi32, #tpu.memory_space<vmem>> -> memref<128xi32, #tpu.memory_space<vmem>>
      %dma_start3A_150 = arith.constant 0 : i32
      %dma_start3A_151 = arith.constant 0 : i32
      %dma_start3A_152 = tpu.memref_slice %arg3[%dma_start3A_150, %dma_start3A_151] : memref<12500x16xf32, #tpu.memory_space<hbm>> -> memref<12500x16xf32, #tpu.memory_space<hbm>>
      tpu.enqueue_indirect_dma source(%dma_start3A_152 : memref<12500x16xf32, #tpu.memory_space<hbm>>) target(%dma_start3A_146 : memref<128x16xf32, #tpu.memory_space<vmem>>) offsets(%dma_start3A_149 : memref<128xi32, #tpu.memory_space<vmem>>) semaphore(%arg28 : memref<!tpu.dma_semaphore, #tpu.memory_space<semaphore_mem>>)
      %dma_start3A_153 = arith.constant 14 : i32
      %dma_start3A_154 = arith.constant 1792 : i32
      %dma_start3A_155 = arith.constant 0 : i32
      %dma_start3A_156 = tpu.memref_slice %arg17[%dma_start3A_154, %dma_start3A_155] : memref<2048x16xf32, #tpu.memory_space<vmem>> -> memref<128x16xf32, #tpu.memory_space<vmem>>
      %dma_start3A_157 = arith.constant 0 : i32
      %dma_start3A_158 = tpu.memref_slice %arg16[%dma_start3A_153, %dma_start3A_157] : memref<16x128xi32, #tpu.memory_space<vmem>> -> memref<1x128xi32, #tpu.memory_space<vmem>>
      %dma_start3A_159 = tpu.memref_squeeze %dma_start3A_158 : memref<1x128xi32, #tpu.memory_space<vmem>> -> memref<128xi32, #tpu.memory_space<vmem>>
      %dma_start3A_160 = arith.constant 0 : i32
      %dma_start3A_161 = arith.constant 0 : i32
      %dma_start3A_162 = tpu.memref_slice %arg3[%dma_start3A_160, %dma_start3A_161] : memref<12500x16xf32, #tpu.memory_space<hbm>> -> memref<12500x16xf32, #tpu.memory_space<hbm>>
      tpu.enqueue_indirect_dma source(%dma_start3A_162 : memref<12500x16xf32, #tpu.memory_space<hbm>>) target(%dma_start3A_156 : memref<128x16xf32, #tpu.memory_space<vmem>>) offsets(%dma_start3A_159 : memref<128xi32, #tpu.memory_space<vmem>>) semaphore(%arg28 : memref<!tpu.dma_semaphore, #tpu.memory_space<semaphore_mem>>)
      %dma_start3A_163 = arith.constant 15 : i32
      %dma_start3A_164 = arith.constant 1920 : i32
      %dma_start3A_165 = arith.constant 0 : i32
      %dma_start3A_166 = tpu.memref_slice %arg17[%dma_start3A_164, %dma_start3A_165] : memref<2048x16xf32, #tpu.memory_space<vmem>> -> memref<128x16xf32, #tpu.memory_space<vmem>>
      %dma_start3A_167 = arith.constant 0 : i32
      %dma_start3A_168 = tpu.memref_slice %arg16[%dma_start3A_163, %dma_start3A_167] : memref<16x128xi32, #tpu.memory_space<vmem>> -> memref<1x128xi32, #tpu.memory_space<vmem>>
      %dma_start3A_169 = tpu.memref_squeeze %dma_start3A_168 : memref<1x128xi32, #tpu.memory_space<vmem>> -> memref<128xi32, #tpu.memory_space<vmem>>
      %dma_start3A_170 = arith.constant 0 : i32
      %dma_start3A_171 = arith.constant 0 : i32
      %dma_start3A_172 = tpu.memref_slice %arg3[%dma_start3A_170, %dma_start3A_171] : memref<12500x16xf32, #tpu.memory_space<hbm>> -> memref<12500x16xf32, #tpu.memory_space<hbm>>
      tpu.enqueue_indirect_dma source(%dma_start3A_172 : memref<12500x16xf32, #tpu.memory_space<hbm>>) target(%dma_start3A_166 : memref<128x16xf32, #tpu.memory_space<vmem>>) offsets(%dma_start3A_169 : memref<128xi32, #tpu.memory_space<vmem>>) semaphore(%arg28 : memref<!tpu.dma_semaphore, #tpu.memory_space<semaphore_mem>>)
      %dma_wait3A = arith.constant 0 : i32
      %dma_wait3A_173 = arith.constant 0 : i32
      %dma_wait3A_174 = arith.constant 0 : i32
      %dma_wait3A_175 = tpu.memref_slice %arg17[%dma_wait3A_173, %dma_wait3A_174] : memref<2048x16xf32, #tpu.memory_space<vmem>> -> memref<128x16xf32, #tpu.memory_space<vmem>>
      %dma_wait3A_176 = arith.constant 0 : i32
      %dma_wait3A_177 = tpu.memref_slice %arg16[%dma_wait3A, %dma_wait3A_176] : memref<16x128xi32, #tpu.memory_space<vmem>> -> memref<1x128xi32, #tpu.memory_space<vmem>>
      %dma_wait3A_178 = tpu.memref_squeeze %dma_wait3A_177 : memref<1x128xi32, #tpu.memory_space<vmem>> -> memref<128xi32, #tpu.memory_space<vmem>>
      %dma_wait3A_179 = arith.constant 0 : i32
      %dma_wait3A_180 = arith.constant 0 : i32
      %dma_wait3A_181 = tpu.memref_slice %arg3[%dma_wait3A_179, %dma_wait3A_180] : memref<12500x16xf32, #tpu.memory_space<hbm>> -> memref<12500x16xf32, #tpu.memory_space<hbm>>
      tpu.wait_indirect_dma semaphore(%arg28 : memref<!tpu.dma_semaphore, #tpu.memory_space<semaphore_mem>>) src(%dma_wait3A_181 : memref<12500x16xf32, #tpu.memory_space<hbm>>) dst(%dma_wait3A_175 : memref<128x16xf32, #tpu.memory_space<vmem>>)
      %dma_wait3A_182 = arith.constant 1 : i32
      %dma_wait3A_183 = arith.constant 128 : i32
      %dma_wait3A_184 = arith.constant 0 : i32
      %dma_wait3A_185 = tpu.memref_slice %arg17[%dma_wait3A_183, %dma_wait3A_184] : memref<2048x16xf32, #tpu.memory_space<vmem>> -> memref<128x16xf32, #tpu.memory_space<vmem>>
      %dma_wait3A_186 = arith.constant 0 : i32
      %dma_wait3A_187 = tpu.memref_slice %arg16[%dma_wait3A_182, %dma_wait3A_186] : memref<16x128xi32, #tpu.memory_space<vmem>> -> memref<1x128xi32, #tpu.memory_space<vmem>>
      %dma_wait3A_188 = tpu.memref_squeeze %dma_wait3A_187 : memref<1x128xi32, #tpu.memory_space<vmem>> -> memref<128xi32, #tpu.memory_space<vmem>>
      %dma_wait3A_189 = arith.constant 0 : i32
      %dma_wait3A_190 = arith.constant 0 : i32
      %dma_wait3A_191 = tpu.memref_slice %arg3[%dma_wait3A_189, %dma_wait3A_190] : memref<12500x16xf32, #tpu.memory_space<hbm>> -> memref<12500x16xf32, #tpu.memory_space<hbm>>
      tpu.wait_indirect_dma semaphore(%arg28 : memref<!tpu.dma_semaphore, #tpu.memory_space<semaphore_mem>>) src(%dma_wait3A_191 : memref<12500x16xf32, #tpu.memory_space<hbm>>) dst(%dma_wait3A_185 : memref<128x16xf32, #tpu.memory_space<vmem>>)
      %dma_wait3A_192 = arith.constant 2 : i32
      %dma_wait3A_193 = arith.constant 256 : i32
      %dma_wait3A_194 = arith.constant 0 : i32
      %dma_wait3A_195 = tpu.memref_slice %arg17[%dma_wait3A_193, %dma_wait3A_194] : memref<2048x16xf32, #tpu.memory_space<vmem>> -> memref<128x16xf32, #tpu.memory_space<vmem>>
      %dma_wait3A_196 = arith.constant 0 : i32
      %dma_wait3A_197 = tpu.memref_slice %arg16[%dma_wait3A_192, %dma_wait3A_196] : memref<16x128xi32, #tpu.memory_space<vmem>> -> memref<1x128xi32, #tpu.memory_space<vmem>>
      %dma_wait3A_198 = tpu.memref_squeeze %dma_wait3A_197 : memref<1x128xi32, #tpu.memory_space<vmem>> -> memref<128xi32, #tpu.memory_space<vmem>>
      %dma_wait3A_199 = arith.constant 0 : i32
      %dma_wait3A_200 = arith.constant 0 : i32
      %dma_wait3A_201 = tpu.memref_slice %arg3[%dma_wait3A_199, %dma_wait3A_200] : memref<12500x16xf32, #tpu.memory_space<hbm>> -> memref<12500x16xf32, #tpu.memory_space<hbm>>
      tpu.wait_indirect_dma semaphore(%arg28 : memref<!tpu.dma_semaphore, #tpu.memory_space<semaphore_mem>>) src(%dma_wait3A_201 : memref<12500x16xf32, #tpu.memory_space<hbm>>) dst(%dma_wait3A_195 : memref<128x16xf32, #tpu.memory_space<vmem>>)
      %dma_wait3A_202 = arith.constant 3 : i32
      %dma_wait3A_203 = arith.constant 384 : i32
      %dma_wait3A_204 = arith.constant 0 : i32
      %dma_wait3A_205 = tpu.memref_slice %arg17[%dma_wait3A_203, %dma_wait3A_204] : memref<2048x16xf32, #tpu.memory_space<vmem>> -> memref<128x16xf32, #tpu.memory_space<vmem>>
      %dma_wait3A_206 = arith.constant 0 : i32
      %dma_wait3A_207 = tpu.memref_slice %arg16[%dma_wait3A_202, %dma_wait3A_206] : memref<16x128xi32, #tpu.memory_space<vmem>> -> memref<1x128xi32, #tpu.memory_space<vmem>>
      %dma_wait3A_208 = tpu.memref_squeeze %dma_wait3A_207 : memref<1x128xi32, #tpu.memory_space<vmem>> -> memref<128xi32, #tpu.memory_space<vmem>>
      %dma_wait3A_209 = arith.constant 0 : i32
      %dma_wait3A_210 = arith.constant 0 : i32
      %dma_wait3A_211 = tpu.memref_slice %arg3[%dma_wait3A_209, %dma_wait3A_210] : memref<12500x16xf32, #tpu.memory_space<hbm>> -> memref<12500x16xf32, #tpu.memory_space<hbm>>
      tpu.wait_indirect_dma semaphore(%arg28 : memref<!tpu.dma_semaphore, #tpu.memory_space<semaphore_mem>>) src(%dma_wait3A_211 : memref<12500x16xf32, #tpu.memory_space<hbm>>) dst(%dma_wait3A_205 : memref<128x16xf32, #tpu.memory_space<vmem>>)
      %dma_wait3A_212 = arith.constant 4 : i32
      %dma_wait3A_213 = arith.constant 512 : i32
      %dma_wait3A_214 = arith.constant 0 : i32
      %dma_wait3A_215 = tpu.memref_slice %arg17[%dma_wait3A_213, %dma_wait3A_214] : memref<2048x16xf32, #tpu.memory_space<vmem>> -> memref<128x16xf32, #tpu.memory_space<vmem>>
      %dma_wait3A_216 = arith.constant 0 : i32
      %dma_wait3A_217 = tpu.memref_slice %arg16[%dma_wait3A_212, %dma_wait3A_216] : memref<16x128xi32, #tpu.memory_space<vmem>> -> memref<1x128xi32, #tpu.memory_space<vmem>>
      %dma_wait3A_218 = tpu.memref_squeeze %dma_wait3A_217 : memref<1x128xi32, #tpu.memory_space<vmem>> -> memref<128xi32, #tpu.memory_space<vmem>>
      %dma_wait3A_219 = arith.constant 0 : i32
      %dma_wait3A_220 = arith.constant 0 : i32
      %dma_wait3A_221 = tpu.memref_slice %arg3[%dma_wait3A_219, %dma_wait3A_220] : memref<12500x16xf32, #tpu.memory_space<hbm>> -> memref<12500x16xf32, #tpu.memory_space<hbm>>
      tpu.wait_indirect_dma semaphore(%arg28 : memref<!tpu.dma_semaphore, #tpu.memory_space<semaphore_mem>>) src(%dma_wait3A_221 : memref<12500x16xf32, #tpu.memory_space<hbm>>) dst(%dma_wait3A_215 : memref<128x16xf32, #tpu.memory_space<vmem>>)
      %dma_wait3A_222 = arith.constant 5 : i32
      %dma_wait3A_223 = arith.constant 640 : i32
      %dma_wait3A_224 = arith.constant 0 : i32
      %dma_wait3A_225 = tpu.memref_slice %arg17[%dma_wait3A_223, %dma_wait3A_224] : memref<2048x16xf32, #tpu.memory_space<vmem>> -> memref<128x16xf32, #tpu.memory_space<vmem>>
      %dma_wait3A_226 = arith.constant 0 : i32
      %dma_wait3A_227 = tpu.memref_slice %arg16[%dma_wait3A_222, %dma_wait3A_226] : memref<16x128xi32, #tpu.memory_space<vmem>> -> memref<1x128xi32, #tpu.memory_space<vmem>>
      %dma_wait3A_228 = tpu.memref_squeeze %dma_wait3A_227 : memref<1x128xi32, #tpu.memory_space<vmem>> -> memref<128xi32, #tpu.memory_space<vmem>>
      %dma_wait3A_229 = arith.constant 0 : i32
      %dma_wait3A_230 = arith.constant 0 : i32
      %dma_wait3A_231 = tpu.memref_slice %arg3[%dma_wait3A_229, %dma_wait3A_230] : memref<12500x16xf32, #tpu.memory_space<hbm>> -> memref<12500x16xf32, #tpu.memory_space<hbm>>
      tpu.wait_indirect_dma semaphore(%arg28 : memref<!tpu.dma_semaphore, #tpu.memory_space<semaphore_mem>>) src(%dma_wait3A_231 : memref<12500x16xf32, #tpu.memory_space<hbm>>) dst(%dma_wait3A_225 : memref<128x16xf32, #tpu.memory_space<vmem>>)
      %dma_wait3A_232 = arith.constant 6 : i32
      %dma_wait3A_233 = arith.constant 768 : i32
      %dma_wait3A_234 = arith.constant 0 : i32
      %dma_wait3A_235 = tpu.memref_slice %arg17[%dma_wait3A_233, %dma_wait3A_234] : memref<2048x16xf32, #tpu.memory_space<vmem>> -> memref<128x16xf32, #tpu.memory_space<vmem>>
      %dma_wait3A_236 = arith.constant 0 : i32
      %dma_wait3A_237 = tpu.memref_slice %arg16[%dma_wait3A_232, %dma_wait3A_236] : memref<16x128xi32, #tpu.memory_space<vmem>> -> memref<1x128xi32, #tpu.memory_space<vmem>>
      %dma_wait3A_238 = tpu.memref_squeeze %dma_wait3A_237 : memref<1x128xi32, #tpu.memory_space<vmem>> -> memref<128xi32, #tpu.memory_space<vmem>>
      %dma_wait3A_239 = arith.constant 0 : i32
      %dma_wait3A_240 = arith.constant 0 : i32
      %dma_wait3A_241 = tpu.memref_slice %arg3[%dma_wait3A_239, %dma_wait3A_240] : memref<12500x16xf32, #tpu.memory_space<hbm>> -> memref<12500x16xf32, #tpu.memory_space<hbm>>
      tpu.wait_indirect_dma semaphore(%arg28 : memref<!tpu.dma_semaphore, #tpu.memory_space<semaphore_mem>>) src(%dma_wait3A_241 : memref<12500x16xf32, #tpu.memory_space<hbm>>) dst(%dma_wait3A_235 : memref<128x16xf32, #tpu.memory_space<vmem>>)
      %dma_wait3A_242 = arith.constant 7 : i32
      %dma_wait3A_243 = arith.constant 896 : i32
      %dma_wait3A_244 = arith.constant 0 : i32
      %dma_wait3A_245 = tpu.memref_slice %arg17[%dma_wait3A_243, %dma_wait3A_244] : memref<2048x16xf32, #tpu.memory_space<vmem>> -> memref<128x16xf32, #tpu.memory_space<vmem>>
      %dma_wait3A_246 = arith.constant 0 : i32
      %dma_wait3A_247 = tpu.memref_slice %arg16[%dma_wait3A_242, %dma_wait3A_246] : memref<16x128xi32, #tpu.memory_space<vmem>> -> memref<1x128xi32, #tpu.memory_space<vmem>>
      %dma_wait3A_248 = tpu.memref_squeeze %dma_wait3A_247 : memref<1x128xi32, #tpu.memory_space<vmem>> -> memref<128xi32, #tpu.memory_space<vmem>>
      %dma_wait3A_249 = arith.constant 0 : i32
      %dma_wait3A_250 = arith.constant 0 : i32
      %dma_wait3A_251 = tpu.memref_slice %arg3[%dma_wait3A_249, %dma_wait3A_250] : memref<12500x16xf32, #tpu.memory_space<hbm>> -> memref<12500x16xf32, #tpu.memory_space<hbm>>
      tpu.wait_indirect_dma semaphore(%arg28 : memref<!tpu.dma_semaphore, #tpu.memory_space<semaphore_mem>>) src(%dma_wait3A_251 : memref<12500x16xf32, #tpu.memory_space<hbm>>) dst(%dma_wait3A_245 : memref<128x16xf32, #tpu.memory_space<vmem>>)
      %dma_wait3A_252 = arith.constant 8 : i32
      %dma_wait3A_253 = arith.constant 1024 : i32
      %dma_wait3A_254 = arith.constant 0 : i32
      %dma_wait3A_255 = tpu.memref_slice %arg17[%dma_wait3A_253, %dma_wait3A_254] : memref<2048x16xf32, #tpu.memory_space<vmem>> -> memref<128x16xf32, #tpu.memory_space<vmem>>
      %dma_wait3A_256 = arith.constant 0 : i32
      %dma_wait3A_257 = tpu.memref_slice %arg16[%dma_wait3A_252, %dma_wait3A_256] : memref<16x128xi32, #tpu.memory_space<vmem>> -> memref<1x128xi32, #tpu.memory_space<vmem>>
      %dma_wait3A_258 = tpu.memref_squeeze %dma_wait3A_257 : memref<1x128xi32, #tpu.memory_space<vmem>> -> memref<128xi32, #tpu.memory_space<vmem>>
      %dma_wait3A_259 = arith.constant 0 : i32
      %dma_wait3A_260 = arith.constant 0 : i32
      %dma_wait3A_261 = tpu.memref_slice %arg3[%dma_wait3A_259, %dma_wait3A_260] : memref<12500x16xf32, #tpu.memory_space<hbm>> -> memref<12500x16xf32, #tpu.memory_space<hbm>>
      tpu.wait_indirect_dma semaphore(%arg28 : memref<!tpu.dma_semaphore, #tpu.memory_space<semaphore_mem>>) src(%dma_wait3A_261 : memref<12500x16xf32, #tpu.memory_space<hbm>>) dst(%dma_wait3A_255 : memref<128x16xf32, #tpu.memory_space<vmem>>)
      %dma_wait3A_262 = arith.constant 9 : i32
      %dma_wait3A_263 = arith.constant 1152 : i32
      %dma_wait3A_264 = arith.constant 0 : i32
      %dma_wait3A_265 = tpu.memref_slice %arg17[%dma_wait3A_263, %dma_wait3A_264] : memref<2048x16xf32, #tpu.memory_space<vmem>> -> memref<128x16xf32, #tpu.memory_space<vmem>>
      %dma_wait3A_266 = arith.constant 0 : i32
      %dma_wait3A_267 = tpu.memref_slice %arg16[%dma_wait3A_262, %dma_wait3A_266] : memref<16x128xi32, #tpu.memory_space<vmem>> -> memref<1x128xi32, #tpu.memory_space<vmem>>
      %dma_wait3A_268 = tpu.memref_squeeze %dma_wait3A_267 : memref<1x128xi32, #tpu.memory_space<vmem>> -> memref<128xi32, #tpu.memory_space<vmem>>
      %dma_wait3A_269 = arith.constant 0 : i32
      %dma_wait3A_270 = arith.constant 0 : i32
      %dma_wait3A_271 = tpu.memref_slice %arg3[%dma_wait3A_269, %dma_wait3A_270] : memref<12500x16xf32, #tpu.memory_space<hbm>> -> memref<12500x16xf32, #tpu.memory_space<hbm>>
      tpu.wait_indirect_dma semaphore(%arg28 : memref<!tpu.dma_semaphore, #tpu.memory_space<semaphore_mem>>) src(%dma_wait3A_271 : memref<12500x16xf32, #tpu.memory_space<hbm>>) dst(%dma_wait3A_265 : memref<128x16xf32, #tpu.memory_space<vmem>>)
      %dma_wait3A_272 = arith.constant 10 : i32
      %dma_wait3A_273 = arith.constant 1280 : i32
      %dma_wait3A_274 = arith.constant 0 : i32
      %dma_wait3A_275 = tpu.memref_slice %arg17[%dma_wait3A_273, %dma_wait3A_274] : memref<2048x16xf32, #tpu.memory_space<vmem>> -> memref<128x16xf32, #tpu.memory_space<vmem>>
      %dma_wait3A_276 = arith.constant 0 : i32
      %dma_wait3A_277 = tpu.memref_slice %arg16[%dma_wait3A_272, %dma_wait3A_276] : memref<16x128xi32, #tpu.memory_space<vmem>> -> memref<1x128xi32, #tpu.memory_space<vmem>>
      %dma_wait3A_278 = tpu.memref_squeeze %dma_wait3A_277 : memref<1x128xi32, #tpu.memory_space<vmem>> -> memref<128xi32, #tpu.memory_space<vmem>>
      %dma_wait3A_279 = arith.constant 0 : i32
      %dma_wait3A_280 = arith.constant 0 : i32
      %dma_wait3A_281 = tpu.memref_slice %arg3[%dma_wait3A_279, %dma_wait3A_280] : memref<12500x16xf32, #tpu.memory_space<hbm>> -> memref<12500x16xf32, #tpu.memory_space<hbm>>
      tpu.wait_indirect_dma semaphore(%arg28 : memref<!tpu.dma_semaphore, #tpu.memory_space<semaphore_mem>>) src(%dma_wait3A_281 : memref<12500x16xf32, #tpu.memory_space<hbm>>) dst(%dma_wait3A_275 : memref<128x16xf32, #tpu.memory_space<vmem>>)
      %dma_wait3A_282 = arith.constant 11 : i32
      %dma_wait3A_283 = arith.constant 1408 : i32
      %dma_wait3A_284 = arith.constant 0 : i32
      %dma_wait3A_285 = tpu.memref_slice %arg17[%dma_wait3A_283, %dma_wait3A_284] : memref<2048x16xf32, #tpu.memory_space<vmem>> -> memref<128x16xf32, #tpu.memory_space<vmem>>
      %dma_wait3A_286 = arith.constant 0 : i32
      %dma_wait3A_287 = tpu.memref_slice %arg16[%dma_wait3A_282, %dma_wait3A_286] : memref<16x128xi32, #tpu.memory_space<vmem>> -> memref<1x128xi32, #tpu.memory_space<vmem>>
      %dma_wait3A_288 = tpu.memref_squeeze %dma_wait3A_287 : memref<1x128xi32, #tpu.memory_space<vmem>> -> memref<128xi32, #tpu.memory_space<vmem>>
      %dma_wait3A_289 = arith.constant 0 : i32
      %dma_wait3A_290 = arith.constant 0 : i32
      %dma_wait3A_291 = tpu.memref_slice %arg3[%dma_wait3A_289, %dma_wait3A_290] : memref<12500x16xf32, #tpu.memory_space<hbm>> -> memref<12500x16xf32, #tpu.memory_space<hbm>>
      tpu.wait_indirect_dma semaphore(%arg28 : memref<!tpu.dma_semaphore, #tpu.memory_space<semaphore_mem>>) src(%dma_wait3A_291 : memref<12500x16xf32, #tpu.memory_space<hbm>>) dst(%dma_wait3A_285 : memref<128x16xf32, #tpu.memory_space<vmem>>)
      %dma_wait3A_292 = arith.constant 12 : i32
      %dma_wait3A_293 = arith.constant 1536 : i32
      %dma_wait3A_294 = arith.constant 0 : i32
      %dma_wait3A_295 = tpu.memref_slice %arg17[%dma_wait3A_293, %dma_wait3A_294] : memref<2048x16xf32, #tpu.memory_space<vmem>> -> memref<128x16xf32, #tpu.memory_space<vmem>>
      %dma_wait3A_296 = arith.constant 0 : i32
      %dma_wait3A_297 = tpu.memref_slice %arg16[%dma_wait3A_292, %dma_wait3A_296] : memref<16x128xi32, #tpu.memory_space<vmem>> -> memref<1x128xi32, #tpu.memory_space<vmem>>
      %dma_wait3A_298 = tpu.memref_squeeze %dma_wait3A_297 : memref<1x128xi32, #tpu.memory_space<vmem>> -> memref<128xi32, #tpu.memory_space<vmem>>
      %dma_wait3A_299 = arith.constant 0 : i32
      %dma_wait3A_300 = arith.constant 0 : i32
      %dma_wait3A_301 = tpu.memref_slice %arg3[%dma_wait3A_299, %dma_wait3A_300] : memref<12500x16xf32, #tpu.memory_space<hbm>> -> memref<12500x16xf32, #tpu.memory_space<hbm>>
      tpu.wait_indirect_dma semaphore(%arg28 : memref<!tpu.dma_semaphore, #tpu.memory_space<semaphore_mem>>) src(%dma_wait3A_301 : memref<12500x16xf32, #tpu.memory_space<hbm>>) dst(%dma_wait3A_295 : memref<128x16xf32, #tpu.memory_space<vmem>>)
      %dma_wait3A_302 = arith.constant 13 : i32
      %dma_wait3A_303 = arith.constant 1664 : i32
      %dma_wait3A_304 = arith.constant 0 : i32
      %dma_wait3A_305 = tpu.memref_slice %arg17[%dma_wait3A_303, %dma_wait3A_304] : memref<2048x16xf32, #tpu.memory_space<vmem>> -> memref<128x16xf32, #tpu.memory_space<vmem>>
      %dma_wait3A_306 = arith.constant 0 : i32
      %dma_wait3A_307 = tpu.memref_slice %arg16[%dma_wait3A_302, %dma_wait3A_306] : memref<16x128xi32, #tpu.memory_space<vmem>> -> memref<1x128xi32, #tpu.memory_space<vmem>>
      %dma_wait3A_308 = tpu.memref_squeeze %dma_wait3A_307 : memref<1x128xi32, #tpu.memory_space<vmem>> -> memref<128xi32, #tpu.memory_space<vmem>>
      %dma_wait3A_309 = arith.constant 0 : i32
      %dma_wait3A_310 = arith.constant 0 : i32
      %dma_wait3A_311 = tpu.memref_slice %arg3[%dma_wait3A_309, %dma_wait3A_310] : memref<12500x16xf32, #tpu.memory_space<hbm>> -> memref<12500x16xf32, #tpu.memory_space<hbm>>
      tpu.wait_indirect_dma semaphore(%arg28 : memref<!tpu.dma_semaphore, #tpu.memory_space<semaphore_mem>>) src(%dma_wait3A_311 : memref<12500x16xf32, #tpu.memory_space<hbm>>) dst(%dma_wait3A_305 : memref<128x16xf32, #tpu.memory_space<vmem>>)
      %dma_wait3A_312 = arith.constant 14 : i32
      %dma_wait3A_313 = arith.constant 1792 : i32
      %dma_wait3A_314 = arith.constant 0 : i32
      %dma_wait3A_315 = tpu.memref_slice %arg17[%dma_wait3A_313, %dma_wait3A_314] : memref<2048x16xf32, #tpu.memory_space<vmem>> -> memref<128x16xf32, #tpu.memory_space<vmem>>
      %dma_wait3A_316 = arith.constant 0 : i32
      %dma_wait3A_317 = tpu.memref_slice %arg16[%dma_wait3A_312, %dma_wait3A_316] : memref<16x128xi32, #tpu.memory_space<vmem>> -> memref<1x128xi32, #tpu.memory_space<vmem>>
      %dma_wait3A_318 = tpu.memref_squeeze %dma_wait3A_317 : memref<1x128xi32, #tpu.memory_space<vmem>> -> memref<128xi32, #tpu.memory_space<vmem>>
      %dma_wait3A_319 = arith.constant 0 : i32
      %dma_wait3A_320 = arith.constant 0 : i32
      %dma_wait3A_321 = tpu.memref_slice %arg3[%dma_wait3A_319, %dma_wait3A_320] : memref<12500x16xf32, #tpu.memory_space<hbm>> -> memref<12500x16xf32, #tpu.memory_space<hbm>>
      tpu.wait_indirect_dma semaphore(%arg28 : memref<!tpu.dma_semaphore, #tpu.memory_space<semaphore_mem>>) src(%dma_wait3A_321 : memref<12500x16xf32, #tpu.memory_space<hbm>>) dst(%dma_wait3A_315 : memref<128x16xf32, #tpu.memory_space<vmem>>)
      %dma_wait3A_322 = arith.constant 15 : i32
      %dma_wait3A_323 = arith.constant 1920 : i32
      %dma_wait3A_324 = arith.constant 0 : i32
      %dma_wait3A_325 = tpu.memref_slice %arg17[%dma_wait3A_323, %dma_wait3A_324] : memref<2048x16xf32, #tpu.memory_space<vmem>> -> memref<128x16xf32, #tpu.memory_space<vmem>>
      %dma_wait3A_326 = arith.constant 0 : i32
      %dma_wait3A_327 = tpu.memref_slice %arg16[%dma_wait3A_322, %dma_wait3A_326] : memref<16x128xi32, #tpu.memory_space<vmem>> -> memref<1x128xi32, #tpu.memory_space<vmem>>
      %dma_wait3A_328 = tpu.memref_squeeze %dma_wait3A_327 : memref<1x128xi32, #tpu.memory_space<vmem>> -> memref<128xi32, #tpu.memory_space<vmem>>
      %dma_wait3A_329 = arith.constant 0 : i32
      %dma_wait3A_330 = arith.constant 0 : i32
      %dma_wait3A_331 = tpu.memref_slice %arg3[%dma_wait3A_329, %dma_wait3A_330] : memref<12500x16xf32, #tpu.memory_space<hbm>> -> memref<12500x16xf32, #tpu.memory_space<hbm>>
      tpu.wait_indirect_dma semaphore(%arg28 : memref<!tpu.dma_semaphore, #tpu.memory_space<semaphore_mem>>) src(%dma_wait3A_331 : memref<12500x16xf32, #tpu.memory_space<hbm>>) dst(%dma_wait3A_325 : memref<128x16xf32, #tpu.memory_space<vmem>>)
      %parallel_loop3A_332 = arith.constant 0 : i32
      %parallel_loop3A_333 = arith.constant 128 : i32
      %parallel_loop3A_334 = arith.constant 1 : i32
      scf.for %parallel_loop3A_658 = %parallel_loop3A_332 to %parallel_loop3A_333 step %parallel_loop3A_334  : i32 {
        %parallel_loop3A_659 = arith.constant 16 : i32
        %parallel_loop3A_660 = arith.muli %parallel_loop3A_658, %parallel_loop3A_659 : i32
        %parallel_loop3A_661 = arith.index_cast %parallel_loop3A_660 : i32 to index
        %parallel_loop3A_662 = tpu.vector_load %arg15[%parallel_loop3A_661] {strides = array<i32>} : memref<2048xf32, #tpu.memory_space<vmem>>, vector<16xf32>,
        %parallel_loop3A_663 = arith.constant 8 : i32
        %parallel_loop3A_664 = arith.divsi %parallel_loop3A_658, %parallel_loop3A_663 : i32
        %parallel_loop3A_665 = arith.constant 0 : i32
        %parallel_loop3A_666 = arith.cmpi sgt, %parallel_loop3A_658, %parallel_loop3A_665 : i32
        %parallel_loop3A_667 = arith.extui %parallel_loop3A_666 : i1 to i32
        %parallel_loop3A_668 = arith.constant 0 : i32
        %parallel_loop3A_669 = arith.cmpi slt, %parallel_loop3A_658, %parallel_loop3A_668 : i32
        %parallel_loop3A_670 = arith.extui %parallel_loop3A_669 : i1 to i32
        %parallel_loop3A_671 = arith.subi %parallel_loop3A_667, %parallel_loop3A_670 : i32
        %parallel_loop3A_672 = arith.constant 0 : i32
        %parallel_loop3A_673 = arith.cmpi sgt, %parallel_loop3A_663, %parallel_loop3A_672 : i32
        %parallel_loop3A_674 = arith.extui %parallel_loop3A_673 : i1 to i32
        %parallel_loop3A_675 = arith.constant 0 : i32
        %parallel_loop3A_676 = arith.cmpi slt, %parallel_loop3A_663, %parallel_loop3A_675 : i32
        %parallel_loop3A_677 = arith.extui %parallel_loop3A_676 : i1 to i32
        %parallel_loop3A_678 = arith.subi %parallel_loop3A_674, %parallel_loop3A_677 : i32
        %parallel_loop3A_679 = arith.cmpi ne, %parallel_loop3A_671, %parallel_loop3A_678 : i32
        %parallel_loop3A_680 = arith.remsi %parallel_loop3A_658, %parallel_loop3A_663 : i32
        %parallel_loop3A_681 = arith.constant 0 : i32
        %parallel_loop3A_682 = arith.cmpi ne, %parallel_loop3A_680, %parallel_loop3A_681 : i32
        %parallel_loop3A_683 = arith.andi %parallel_loop3A_679, %parallel_loop3A_682 : i1
        %parallel_loop3A_684 = arith.constant 1 : i32
        %parallel_loop3A_685 = arith.subi %parallel_loop3A_664, %parallel_loop3A_684 : i32
        %parallel_loop3A_686 = arith.select %parallel_loop3A_683, %parallel_loop3A_685, %parallel_loop3A_664 : i32
        %parallel_loop3A_687 = arith.constant 8 : i32
        %parallel_loop3A_688 = arith.constant 0 : i32
        %parallel_loop3A_689 = arith.cmpi eq, %parallel_loop3A_687, %parallel_loop3A_688 : i32
        %parallel_loop3A_690 = arith.constant 1 : i32
        %parallel_loop3A_691 = arith.select %parallel_loop3A_689, %parallel_loop3A_690, %parallel_loop3A_687 : i32
        %parallel_loop3A_692 = arith.remsi %parallel_loop3A_658, %parallel_loop3A_691 : i32
        %parallel_loop3A_693 = arith.constant 0 : i32
        %parallel_loop3A_694 = arith.cmpi ne, %parallel_loop3A_692, %parallel_loop3A_693 : i32
        %parallel_loop3A_695 = arith.constant 0 : i32
        %parallel_loop3A_696 = arith.cmpi slt, %parallel_loop3A_692, %parallel_loop3A_695 : i32
        %parallel_loop3A_697 = arith.constant 0 : i32
        %parallel_loop3A_698 = arith.cmpi slt, %parallel_loop3A_691, %parallel_loop3A_697 : i32
        %parallel_loop3A_699 = arith.xori %parallel_loop3A_696, %parallel_loop3A_698 : i1
        %parallel_loop3A_700 = arith.andi %parallel_loop3A_699, %parallel_loop3A_694 : i1
        %parallel_loop3A_701 = arith.addi %parallel_loop3A_692, %parallel_loop3A_691 : i32
        %parallel_loop3A_702 = arith.select %parallel_loop3A_700, %parallel_loop3A_701, %parallel_loop3A_692 : i32
        %parallel_loop3A_703 = arith.constant 16 : i32
        %parallel_loop3A_704 = arith.muli %parallel_loop3A_702, %parallel_loop3A_703 : i32
        %parallel_loop3A_705 = arith.index_cast %parallel_loop3A_686 : i32 to index
        %parallel_loop3A_706 = arith.index_cast %parallel_loop3A_704 : i32 to index
        %parallel_loop3A_707 = tpu.vector_load %arg16[%parallel_loop3A_705, %parallel_loop3A_706] {strides = array<i32>} : memref<16x128xi32, #tpu.memory_space<vmem>>, vector<16xi32>,
        %parallel_loop3A_708 = arith.constant 16 : i32
        %parallel_loop3A_709 = arith.muli %parallel_loop3A_658, %parallel_loop3A_708 : i32
        %parallel_loop3A_710 = vector.broadcast %parallel_loop3A_709 : i32 to vector<16xi32>
        %parallel_loop3A_711 = arith.addi %parallel_loop3A_710, %iota3A : vector<16xi32>
        %parallel_loop3A_712 = arith.constant 0 : i32
        %parallel_loop3A_713 = vector.broadcast %parallel_loop3A_712 : i32 to vector<16xi32>
        %parallel_loop3A_714 = arith.constant 16 : i32
        %parallel_loop3A_715 = vector.broadcast %parallel_loop3A_714 : i32 to vector<16xi32>
        %parallel_loop3A_716 = arith.addi %parallel_loop3A_713, %parallel_loop3A_715 : vector<16xi32>
        %parallel_loop3A_717 = arith.constant 16 : i32
        %parallel_loop3A_718 = vector.broadcast %parallel_loop3A_717 : i32 to vector<16xi32>
        %parallel_loop3A_719 = arith.cmpi sle, %parallel_loop3A_716, %parallel_loop3A_718 : vector<16xi32>
        %parallel_loop3A_720 = arith.constant 16 : i32
        %parallel_loop3A_721 = vector.broadcast %parallel_loop3A_720 : i32 to vector<16xi32>
        %parallel_loop3A_722 = arith.minsi %parallel_loop3A_716, %parallel_loop3A_721 : vector<16xi32>
        %parallel_loop3A_723 = arith.constant 1 : i32
        %parallel_loop3A_724 = vector.broadcast %parallel_loop3A_723 : i32 to vector<16xi32>
        %parallel_loop3A_725 = arith.subi %parallel_loop3A_722, %parallel_loop3A_724 : vector<16xi32>
        %parallel_loop3A_726 = tpu.vector_load_idx %arg17[%parallel_loop3A_711, %parallel_loop3A_725] : memref<2048x16xf32, #tpu.memory_space<vmem>>[vector<16xi32>, vector<16xi32>], vector<16xf32>,
        %parallel_loop3A_727 = arith.cmpf olt, %parallel_loop3A_726, %parallel_loop3A_662 : vector<16xf32>
        %parallel_loop3A_728 = arith.andi %parallel_loop3A_719, %parallel_loop3A_727 : vector<16xi1>
        %parallel_loop3A_729 = arith.select %parallel_loop3A_728, %parallel_loop3A_716, %parallel_loop3A_713 : vector<16xi1>, vector<16xi32>
        %parallel_loop3A_730 = arith.constant 8 : i32
        %parallel_loop3A_731 = vector.broadcast %parallel_loop3A_730 : i32 to vector<16xi32>
        %parallel_loop3A_732 = arith.addi %parallel_loop3A_729, %parallel_loop3A_731 : vector<16xi32>
        %parallel_loop3A_733 = arith.constant 16 : i32
        %parallel_loop3A_734 = vector.broadcast %parallel_loop3A_733 : i32 to vector<16xi32>
        %parallel_loop3A_735 = arith.cmpi sle, %parallel_loop3A_732, %parallel_loop3A_734 : vector<16xi32>
        %parallel_loop3A_736 = arith.constant 16 : i32
        %parallel_loop3A_737 = vector.broadcast %parallel_loop3A_736 : i32 to vector<16xi32>
        %parallel_loop3A_738 = arith.minsi %parallel_loop3A_732, %parallel_loop3A_737 : vector<16xi32>
        %parallel_loop3A_739 = arith.constant 1 : i32
        %parallel_loop3A_740 = vector.broadcast %parallel_loop3A_739 : i32 to vector<16xi32>
        %parallel_loop3A_741 = arith.subi %parallel_loop3A_738, %parallel_loop3A_740 : vector<16xi32>
        %parallel_loop3A_742 = tpu.vector_load_idx %arg17[%parallel_loop3A_711, %parallel_loop3A_741] : memref<2048x16xf32, #tpu.memory_space<vmem>>[vector<16xi32>, vector<16xi32>], vector<16xf32>,
        %parallel_loop3A_743 = arith.cmpf olt, %parallel_loop3A_742, %parallel_loop3A_662 : vector<16xf32>
        %parallel_loop3A_744 = arith.andi %parallel_loop3A_735, %parallel_loop3A_743 : vector<16xi1>
        %parallel_loop3A_745 = arith.select %parallel_loop3A_744, %parallel_loop3A_732, %parallel_loop3A_729 : vector<16xi1>, vector<16xi32>
        %parallel_loop3A_746 = arith.constant 4 : i32
        %parallel_loop3A_747 = vector.broadcast %parallel_loop3A_746 : i32 to vector<16xi32>
        %parallel_loop3A_748 = arith.addi %parallel_loop3A_745, %parallel_loop3A_747 : vector<16xi32>
        %parallel_loop3A_749 = arith.constant 16 : i32
        %parallel_loop3A_750 = vector.broadcast %parallel_loop3A_749 : i32 to vector<16xi32>
        %parallel_loop3A_751 = arith.cmpi sle, %parallel_loop3A_748, %parallel_loop3A_750 : vector<16xi32>
        %parallel_loop3A_752 = arith.constant 16 : i32
        %parallel_loop3A_753 = vector.broadcast %parallel_loop3A_752 : i32 to vector<16xi32>
        %parallel_loop3A_754 = arith.minsi %parallel_loop3A_748, %parallel_loop3A_753 : vector<16xi32>
        %parallel_loop3A_755 = arith.constant 1 : i32
        %parallel_loop3A_756 = vector.broadcast %parallel_loop3A_755 : i32 to vector<16xi32>
        %parallel_loop3A_757 = arith.subi %parallel_loop3A_754, %parallel_loop3A_756 : vector<16xi32>
        %parallel_loop3A_758 = tpu.vector_load_idx %arg17[%parallel_loop3A_711, %parallel_loop3A_757] : memref<2048x16xf32, #tpu.memory_space<vmem>>[vector<16xi32>, vector<16xi32>], vector<16xf32>,
        %parallel_loop3A_759 = arith.cmpf olt, %parallel_loop3A_758, %parallel_loop3A_662 : vector<16xf32>
        %parallel_loop3A_760 = arith.andi %parallel_loop3A_751, %parallel_loop3A_759 : vector<16xi1>
        %parallel_loop3A_761 = arith.select %parallel_loop3A_760, %parallel_loop3A_748, %parallel_loop3A_745 : vector<16xi1>, vector<16xi32>
        %parallel_loop3A_762 = arith.constant 2 : i32
        %parallel_loop3A_763 = vector.broadcast %parallel_loop3A_762 : i32 to vector<16xi32>
        %parallel_loop3A_764 = arith.addi %parallel_loop3A_761, %parallel_loop3A_763 : vector<16xi32>
        %parallel_loop3A_765 = arith.constant 16 : i32
        %parallel_loop3A_766 = vector.broadcast %parallel_loop3A_765 : i32 to vector<16xi32>
        %parallel_loop3A_767 = arith.cmpi sle, %parallel_loop3A_764, %parallel_loop3A_766 : vector<16xi32>
        %parallel_loop3A_768 = arith.constant 16 : i32
        %parallel_loop3A_769 = vector.broadcast %parallel_loop3A_768 : i32 to vector<16xi32>
        %parallel_loop3A_770 = arith.minsi %parallel_loop3A_764, %parallel_loop3A_769 : vector<16xi32>
        %parallel_loop3A_771 = arith.constant 1 : i32
        %parallel_loop3A_772 = vector.broadcast %parallel_loop3A_771 : i32 to vector<16xi32>
        %parallel_loop3A_773 = arith.subi %parallel_loop3A_770, %parallel_loop3A_772 : vector<16xi32>
        %parallel_loop3A_774 = tpu.vector_load_idx %arg17[%parallel_loop3A_711, %parallel_loop3A_773] : memref<2048x16xf32, #tpu.memory_space<vmem>>[vector<16xi32>, vector<16xi32>], vector<16xf32>,
        %parallel_loop3A_775 = arith.cmpf olt, %parallel_loop3A_774, %parallel_loop3A_662 : vector<16xf32>
        %parallel_loop3A_776 = arith.andi %parallel_loop3A_767, %parallel_loop3A_775 : vector<16xi1>
        %parallel_loop3A_777 = arith.select %parallel_loop3A_776, %parallel_loop3A_764, %parallel_loop3A_761 : vector<16xi1>, vector<16xi32>
        %parallel_loop3A_778 = arith.constant 1 : i32
        %parallel_loop3A_779 = vector.broadcast %parallel_loop3A_778 : i32 to vector<16xi32>
        %parallel_loop3A_780 = arith.addi %parallel_loop3A_777, %parallel_loop3A_779 : vector<16xi32>
        %parallel_loop3A_781 = arith.constant 16 : i32
        %parallel_loop3A_782 = vector.broadcast %parallel_loop3A_781 : i32 to vector<16xi32>
        %parallel_loop3A_783 = arith.cmpi sle, %parallel_loop3A_780, %parallel_loop3A_782 : vector<16xi32>
        %parallel_loop3A_784 = arith.constant 16 : i32
        %parallel_loop3A_785 = vector.broadcast %parallel_loop3A_784 : i32 to vector<16xi32>
        %parallel_loop3A_786 = arith.minsi %parallel_loop3A_780, %parallel_loop3A_785 : vector<16xi32>
        %parallel_loop3A_787 = arith.constant 1 : i32
        %parallel_loop3A_788 = vector.broadcast %parallel_loop3A_787 : i32 to vector<16xi32>
        %parallel_loop3A_789 = arith.subi %parallel_loop3A_786, %parallel_loop3A_788 : vector<16xi32>
        %parallel_loop3A_790 = tpu.vector_load_idx %arg17[%parallel_loop3A_711, %parallel_loop3A_789] : memref<2048x16xf32, #tpu.memory_space<vmem>>[vector<16xi32>, vector<16xi32>], vector<16xf32>,
        %parallel_loop3A_791 = arith.cmpf olt, %parallel_loop3A_790, %parallel_loop3A_662 : vector<16xf32>
        %parallel_loop3A_792 = arith.andi %parallel_loop3A_783, %parallel_loop3A_791 : vector<16xi1>
        %parallel_loop3A_793 = arith.select %parallel_loop3A_792, %parallel_loop3A_780, %parallel_loop3A_777 : vector<16xi1>, vector<16xi32>
        %parallel_loop3A_794 = arith.constant 16 : i32
        %parallel_loop3A_795 = vector.broadcast %parallel_loop3A_794 : i32 to vector<16xi32>
        %parallel_loop3A_796 = arith.muli %parallel_loop3A_707, %parallel_loop3A_795 : vector<16xi32>
        %parallel_loop3A_797 = arith.addi %parallel_loop3A_796, %parallel_loop3A_793 : vector<16xi32>
        %parallel_loop3A_798 = arith.constant 199999 : i32
        %parallel_loop3A_799 = vector.broadcast %parallel_loop3A_798 : i32 to vector<16xi32>
        %parallel_loop3A_800 = arith.minsi %parallel_loop3A_797, %parallel_loop3A_799 : vector<16xi32>
        %parallel_loop3A_801 = arith.constant 8 : i32
        %parallel_loop3A_802 = arith.divsi %parallel_loop3A_658, %parallel_loop3A_801 : i32
        %parallel_loop3A_803 = arith.constant 0 : i32
        %parallel_loop3A_804 = arith.cmpi sgt, %parallel_loop3A_658, %parallel_loop3A_803 : i32
        %parallel_loop3A_805 = arith.extui %parallel_loop3A_804 : i1 to i32
        %parallel_loop3A_806 = arith.constant 0 : i32
        %parallel_loop3A_807 = arith.cmpi slt, %parallel_loop3A_658, %parallel_loop3A_806 : i32
        %parallel_loop3A_808 = arith.extui %parallel_loop3A_807 : i1 to i32
        %parallel_loop3A_809 = arith.subi %parallel_loop3A_805, %parallel_loop3A_808 : i32
        %parallel_loop3A_810 = arith.constant 0 : i32
        %parallel_loop3A_811 = arith.cmpi sgt, %parallel_loop3A_801, %parallel_loop3A_810 : i32
        %parallel_loop3A_812 = arith.extui %parallel_loop3A_811 : i1 to i32
        %parallel_loop3A_813 = arith.constant 0 : i32
        %parallel_loop3A_814 = arith.cmpi slt, %parallel_loop3A_801, %parallel_loop3A_813 : i32
        %parallel_loop3A_815 = arith.extui %parallel_loop3A_814 : i1 to i32
        %parallel_loop3A_816 = arith.subi %parallel_loop3A_812, %parallel_loop3A_815 : i32
        %parallel_loop3A_817 = arith.cmpi ne, %parallel_loop3A_809, %parallel_loop3A_816 : i32
        %parallel_loop3A_818 = arith.remsi %parallel_loop3A_658, %parallel_loop3A_801 : i32
        %parallel_loop3A_819 = arith.constant 0 : i32
        %parallel_loop3A_820 = arith.cmpi ne, %parallel_loop3A_818, %parallel_loop3A_819 : i32
        %parallel_loop3A_821 = arith.andi %parallel_loop3A_817, %parallel_loop3A_820 : i1
        %parallel_loop3A_822 = arith.constant 1 : i32
        %parallel_loop3A_823 = arith.subi %parallel_loop3A_802, %parallel_loop3A_822 : i32
        %parallel_loop3A_824 = arith.select %parallel_loop3A_821, %parallel_loop3A_823, %parallel_loop3A_802 : i32
        %parallel_loop3A_825 = arith.constant 8 : i32
        %parallel_loop3A_826 = arith.constant 0 : i32
        %parallel_loop3A_827 = arith.cmpi eq, %parallel_loop3A_825, %parallel_loop3A_826 : i32
        %parallel_loop3A_828 = arith.constant 1 : i32
        %parallel_loop3A_829 = arith.select %parallel_loop3A_827, %parallel_loop3A_828, %parallel_loop3A_825 : i32
        %parallel_loop3A_830 = arith.remsi %parallel_loop3A_658, %parallel_loop3A_829 : i32
        %parallel_loop3A_831 = arith.constant 0 : i32
        %parallel_loop3A_832 = arith.cmpi ne, %parallel_loop3A_830, %parallel_loop3A_831 : i32
        %parallel_loop3A_833 = arith.constant 0 : i32
        %parallel_loop3A_834 = arith.cmpi slt, %parallel_loop3A_830, %parallel_loop3A_833 : i32
        %parallel_loop3A_835 = arith.constant 0 : i32
        %parallel_loop3A_836 = arith.cmpi slt, %parallel_loop3A_829, %parallel_loop3A_835 : i32
        %parallel_loop3A_837 = arith.xori %parallel_loop3A_834, %parallel_loop3A_836 : i1
        %parallel_loop3A_838 = arith.andi %parallel_loop3A_837, %parallel_loop3A_832 : i1
        %parallel_loop3A_839 = arith.addi %parallel_loop3A_830, %parallel_loop3A_829 : i32
        %parallel_loop3A_840 = arith.select %parallel_loop3A_838, %parallel_loop3A_839, %parallel_loop3A_830 : i32
        %parallel_loop3A_841 = arith.constant 16 : i32
        %parallel_loop3A_842 = arith.muli %parallel_loop3A_840, %parallel_loop3A_841 : i32
        %parallel_loop3A_843 = arith.index_cast %parallel_loop3A_824 : i32 to index
        %parallel_loop3A_844 = arith.index_cast %parallel_loop3A_842 : i32 to index
        %parallel_loop3A_845 = tpu.vector_load %arg18[%parallel_loop3A_843, %parallel_loop3A_844] {strides = array<i32>} : memref<16x128xi32, #tpu.memory_space<vmem>>, vector<16xi32>,
        tpu.vector_store %arg18[%parallel_loop3A_843, %parallel_loop3A_844], %parallel_loop3A_800 {strides = array<i32>} : memref<16x128xi32, #tpu.memory_space<vmem>>, vector<16xi32>,
      } {sc.loop_unroll_factor = 8 : i64, sc.parallel_access}
      %dma_start3A_335 = arith.constant 0 : i32
      %dma_start3A_336 = arith.constant 0 : i32
      %dma_start3A_337 = arith.constant 0 : i32
      %dma_start3A_338 = tpu.memref_slice %arg19[%dma_start3A_336, %dma_start3A_337] : memref<2048x16xf32, #tpu.memory_space<vmem>> -> memref<128x16xf32, #tpu.memory_space<vmem>>
      %dma_start3A_339 = arith.constant 0 : i32
      %dma_start3A_340 = tpu.memref_slice %arg18[%dma_start3A_335, %dma_start3A_339] : memref<16x128xi32, #tpu.memory_space<vmem>> -> memref<1x128xi32, #tpu.memory_space<vmem>>
      %dma_start3A_341 = tpu.memref_squeeze %dma_start3A_340 : memref<1x128xi32, #tpu.memory_space<vmem>> -> memref<128xi32, #tpu.memory_space<vmem>>
      %dma_start3A_342 = arith.constant 0 : i32
      %dma_start3A_343 = arith.constant 0 : i32
      %dma_start3A_344 = tpu.memref_slice %arg5[%dma_start3A_342, %dma_start3A_343] : memref<200000x16xf32, #tpu.memory_space<hbm>> -> memref<200000x16xf32, #tpu.memory_space<hbm>>
      tpu.enqueue_indirect_dma source(%dma_start3A_344 : memref<200000x16xf32, #tpu.memory_space<hbm>>) target(%dma_start3A_338 : memref<128x16xf32, #tpu.memory_space<vmem>>) offsets(%dma_start3A_341 : memref<128xi32, #tpu.memory_space<vmem>>) semaphore(%arg28 : memref<!tpu.dma_semaphore, #tpu.memory_space<semaphore_mem>>)
      %dma_start3A_345 = arith.constant 1 : i32
      %dma_start3A_346 = arith.constant 128 : i32
      %dma_start3A_347 = arith.constant 0 : i32
      %dma_start3A_348 = tpu.memref_slice %arg19[%dma_start3A_346, %dma_start3A_347] : memref<2048x16xf32, #tpu.memory_space<vmem>> -> memref<128x16xf32, #tpu.memory_space<vmem>>
      %dma_start3A_349 = arith.constant 0 : i32
      %dma_start3A_350 = tpu.memref_slice %arg18[%dma_start3A_345, %dma_start3A_349] : memref<16x128xi32, #tpu.memory_space<vmem>> -> memref<1x128xi32, #tpu.memory_space<vmem>>
      %dma_start3A_351 = tpu.memref_squeeze %dma_start3A_350 : memref<1x128xi32, #tpu.memory_space<vmem>> -> memref<128xi32, #tpu.memory_space<vmem>>
      %dma_start3A_352 = arith.constant 0 : i32
      %dma_start3A_353 = arith.constant 0 : i32
      %dma_start3A_354 = tpu.memref_slice %arg5[%dma_start3A_352, %dma_start3A_353] : memref<200000x16xf32, #tpu.memory_space<hbm>> -> memref<200000x16xf32, #tpu.memory_space<hbm>>
      tpu.enqueue_indirect_dma source(%dma_start3A_354 : memref<200000x16xf32, #tpu.memory_space<hbm>>) target(%dma_start3A_348 : memref<128x16xf32, #tpu.memory_space<vmem>>) offsets(%dma_start3A_351 : memref<128xi32, #tpu.memory_space<vmem>>) semaphore(%arg28 : memref<!tpu.dma_semaphore, #tpu.memory_space<semaphore_mem>>)
      %dma_start3A_355 = arith.constant 2 : i32
      %dma_start3A_356 = arith.constant 256 : i32
      %dma_start3A_357 = arith.constant 0 : i32
      %dma_start3A_358 = tpu.memref_slice %arg19[%dma_start3A_356, %dma_start3A_357] : memref<2048x16xf32, #tpu.memory_space<vmem>> -> memref<128x16xf32, #tpu.memory_space<vmem>>
      %dma_start3A_359 = arith.constant 0 : i32
      %dma_start3A_360 = tpu.memref_slice %arg18[%dma_start3A_355, %dma_start3A_359] : memref<16x128xi32, #tpu.memory_space<vmem>> -> memref<1x128xi32, #tpu.memory_space<vmem>>
      %dma_start3A_361 = tpu.memref_squeeze %dma_start3A_360 : memref<1x128xi32, #tpu.memory_space<vmem>> -> memref<128xi32, #tpu.memory_space<vmem>>
      %dma_start3A_362 = arith.constant 0 : i32
      %dma_start3A_363 = arith.constant 0 : i32
      %dma_start3A_364 = tpu.memref_slice %arg5[%dma_start3A_362, %dma_start3A_363] : memref<200000x16xf32, #tpu.memory_space<hbm>> -> memref<200000x16xf32, #tpu.memory_space<hbm>>
      tpu.enqueue_indirect_dma source(%dma_start3A_364 : memref<200000x16xf32, #tpu.memory_space<hbm>>) target(%dma_start3A_358 : memref<128x16xf32, #tpu.memory_space<vmem>>) offsets(%dma_start3A_361 : memref<128xi32, #tpu.memory_space<vmem>>) semaphore(%arg28 : memref<!tpu.dma_semaphore, #tpu.memory_space<semaphore_mem>>)
      %dma_start3A_365 = arith.constant 3 : i32
      %dma_start3A_366 = arith.constant 384 : i32
      %dma_start3A_367 = arith.constant 0 : i32
      %dma_start3A_368 = tpu.memref_slice %arg19[%dma_start3A_366, %dma_start3A_367] : memref<2048x16xf32, #tpu.memory_space<vmem>> -> memref<128x16xf32, #tpu.memory_space<vmem>>
      %dma_start3A_369 = arith.constant 0 : i32
      %dma_start3A_370 = tpu.memref_slice %arg18[%dma_start3A_365, %dma_start3A_369] : memref<16x128xi32, #tpu.memory_space<vmem>> -> memref<1x128xi32, #tpu.memory_space<vmem>>
      %dma_start3A_371 = tpu.memref_squeeze %dma_start3A_370 : memref<1x128xi32, #tpu.memory_space<vmem>> -> memref<128xi32, #tpu.memory_space<vmem>>
      %dma_start3A_372 = arith.constant 0 : i32
      %dma_start3A_373 = arith.constant 0 : i32
      %dma_start3A_374 = tpu.memref_slice %arg5[%dma_start3A_372, %dma_start3A_373] : memref<200000x16xf32, #tpu.memory_space<hbm>> -> memref<200000x16xf32, #tpu.memory_space<hbm>>
      tpu.enqueue_indirect_dma source(%dma_start3A_374 : memref<200000x16xf32, #tpu.memory_space<hbm>>) target(%dma_start3A_368 : memref<128x16xf32, #tpu.memory_space<vmem>>) offsets(%dma_start3A_371 : memref<128xi32, #tpu.memory_space<vmem>>) semaphore(%arg28 : memref<!tpu.dma_semaphore, #tpu.memory_space<semaphore_mem>>)
      %dma_start3A_375 = arith.constant 4 : i32
      %dma_start3A_376 = arith.constant 512 : i32
      %dma_start3A_377 = arith.constant 0 : i32
      %dma_start3A_378 = tpu.memref_slice %arg19[%dma_start3A_376, %dma_start3A_377] : memref<2048x16xf32, #tpu.memory_space<vmem>> -> memref<128x16xf32, #tpu.memory_space<vmem>>
      %dma_start3A_379 = arith.constant 0 : i32
      %dma_start3A_380 = tpu.memref_slice %arg18[%dma_start3A_375, %dma_start3A_379] : memref<16x128xi32, #tpu.memory_space<vmem>> -> memref<1x128xi32, #tpu.memory_space<vmem>>
      %dma_start3A_381 = tpu.memref_squeeze %dma_start3A_380 : memref<1x128xi32, #tpu.memory_space<vmem>> -> memref<128xi32, #tpu.memory_space<vmem>>
      %dma_start3A_382 = arith.constant 0 : i32
      %dma_start3A_383 = arith.constant 0 : i32
      %dma_start3A_384 = tpu.memref_slice %arg5[%dma_start3A_382, %dma_start3A_383] : memref<200000x16xf32, #tpu.memory_space<hbm>> -> memref<200000x16xf32, #tpu.memory_space<hbm>>
      tpu.enqueue_indirect_dma source(%dma_start3A_384 : memref<200000x16xf32, #tpu.memory_space<hbm>>) target(%dma_start3A_378 : memref<128x16xf32, #tpu.memory_space<vmem>>) offsets(%dma_start3A_381 : memref<128xi32, #tpu.memory_space<vmem>>) semaphore(%arg28 : memref<!tpu.dma_semaphore, #tpu.memory_space<semaphore_mem>>)
      %dma_start3A_385 = arith.constant 5 : i32
      %dma_start3A_386 = arith.constant 640 : i32
      %dma_start3A_387 = arith.constant 0 : i32
      %dma_start3A_388 = tpu.memref_slice %arg19[%dma_start3A_386, %dma_start3A_387] : memref<2048x16xf32, #tpu.memory_space<vmem>> -> memref<128x16xf32, #tpu.memory_space<vmem>>
      %dma_start3A_389 = arith.constant 0 : i32
      %dma_start3A_390 = tpu.memref_slice %arg18[%dma_start3A_385, %dma_start3A_389] : memref<16x128xi32, #tpu.memory_space<vmem>> -> memref<1x128xi32, #tpu.memory_space<vmem>>
      %dma_start3A_391 = tpu.memref_squeeze %dma_start3A_390 : memref<1x128xi32, #tpu.memory_space<vmem>> -> memref<128xi32, #tpu.memory_space<vmem>>
      %dma_start3A_392 = arith.constant 0 : i32
      %dma_start3A_393 = arith.constant 0 : i32
      %dma_start3A_394 = tpu.memref_slice %arg5[%dma_start3A_392, %dma_start3A_393] : memref<200000x16xf32, #tpu.memory_space<hbm>> -> memref<200000x16xf32, #tpu.memory_space<hbm>>
      tpu.enqueue_indirect_dma source(%dma_start3A_394 : memref<200000x16xf32, #tpu.memory_space<hbm>>) target(%dma_start3A_388 : memref<128x16xf32, #tpu.memory_space<vmem>>) offsets(%dma_start3A_391 : memref<128xi32, #tpu.memory_space<vmem>>) semaphore(%arg28 : memref<!tpu.dma_semaphore, #tpu.memory_space<semaphore_mem>>)
      %dma_start3A_395 = arith.constant 6 : i32
      %dma_start3A_396 = arith.constant 768 : i32
      %dma_start3A_397 = arith.constant 0 : i32
      %dma_start3A_398 = tpu.memref_slice %arg19[%dma_start3A_396, %dma_start3A_397] : memref<2048x16xf32, #tpu.memory_space<vmem>> -> memref<128x16xf32, #tpu.memory_space<vmem>>
      %dma_start3A_399 = arith.constant 0 : i32
      %dma_start3A_400 = tpu.memref_slice %arg18[%dma_start3A_395, %dma_start3A_399] : memref<16x128xi32, #tpu.memory_space<vmem>> -> memref<1x128xi32, #tpu.memory_space<vmem>>
      %dma_start3A_401 = tpu.memref_squeeze %dma_start3A_400 : memref<1x128xi32, #tpu.memory_space<vmem>> -> memref<128xi32, #tpu.memory_space<vmem>>
      %dma_start3A_402 = arith.constant 0 : i32
      %dma_start3A_403 = arith.constant 0 : i32
      %dma_start3A_404 = tpu.memref_slice %arg5[%dma_start3A_402, %dma_start3A_403] : memref<200000x16xf32, #tpu.memory_space<hbm>> -> memref<200000x16xf32, #tpu.memory_space<hbm>>
      tpu.enqueue_indirect_dma source(%dma_start3A_404 : memref<200000x16xf32, #tpu.memory_space<hbm>>) target(%dma_start3A_398 : memref<128x16xf32, #tpu.memory_space<vmem>>) offsets(%dma_start3A_401 : memref<128xi32, #tpu.memory_space<vmem>>) semaphore(%arg28 : memref<!tpu.dma_semaphore, #tpu.memory_space<semaphore_mem>>)
      %dma_start3A_405 = arith.constant 7 : i32
      %dma_start3A_406 = arith.constant 896 : i32
      %dma_start3A_407 = arith.constant 0 : i32
      %dma_start3A_408 = tpu.memref_slice %arg19[%dma_start3A_406, %dma_start3A_407] : memref<2048x16xf32, #tpu.memory_space<vmem>> -> memref<128x16xf32, #tpu.memory_space<vmem>>
      %dma_start3A_409 = arith.constant 0 : i32
      %dma_start3A_410 = tpu.memref_slice %arg18[%dma_start3A_405, %dma_start3A_409] : memref<16x128xi32, #tpu.memory_space<vmem>> -> memref<1x128xi32, #tpu.memory_space<vmem>>
      %dma_start3A_411 = tpu.memref_squeeze %dma_start3A_410 : memref<1x128xi32, #tpu.memory_space<vmem>> -> memref<128xi32, #tpu.memory_space<vmem>>
      %dma_start3A_412 = arith.constant 0 : i32
      %dma_start3A_413 = arith.constant 0 : i32
      %dma_start3A_414 = tpu.memref_slice %arg5[%dma_start3A_412, %dma_start3A_413] : memref<200000x16xf32, #tpu.memory_space<hbm>> -> memref<200000x16xf32, #tpu.memory_space<hbm>>
      tpu.enqueue_indirect_dma source(%dma_start3A_414 : memref<200000x16xf32, #tpu.memory_space<hbm>>) target(%dma_start3A_408 : memref<128x16xf32, #tpu.memory_space<vmem>>) offsets(%dma_start3A_411 : memref<128xi32, #tpu.memory_space<vmem>>) semaphore(%arg28 : memref<!tpu.dma_semaphore, #tpu.memory_space<semaphore_mem>>)
      %dma_start3A_415 = arith.constant 8 : i32
      %dma_start3A_416 = arith.constant 1024 : i32
      %dma_start3A_417 = arith.constant 0 : i32
      %dma_start3A_418 = tpu.memref_slice %arg19[%dma_start3A_416, %dma_start3A_417] : memref<2048x16xf32, #tpu.memory_space<vmem>> -> memref<128x16xf32, #tpu.memory_space<vmem>>
      %dma_start3A_419 = arith.constant 0 : i32
      %dma_start3A_420 = tpu.memref_slice %arg18[%dma_start3A_415, %dma_start3A_419] : memref<16x128xi32, #tpu.memory_space<vmem>> -> memref<1x128xi32, #tpu.memory_space<vmem>>
      %dma_start3A_421 = tpu.memref_squeeze %dma_start3A_420 : memref<1x128xi32, #tpu.memory_space<vmem>> -> memref<128xi32, #tpu.memory_space<vmem>>
      %dma_start3A_422 = arith.constant 0 : i32
      %dma_start3A_423 = arith.constant 0 : i32
      %dma_start3A_424 = tpu.memref_slice %arg5[%dma_start3A_422, %dma_start3A_423] : memref<200000x16xf32, #tpu.memory_space<hbm>> -> memref<200000x16xf32, #tpu.memory_space<hbm>>
      tpu.enqueue_indirect_dma source(%dma_start3A_424 : memref<200000x16xf32, #tpu.memory_space<hbm>>) target(%dma_start3A_418 : memref<128x16xf32, #tpu.memory_space<vmem>>) offsets(%dma_start3A_421 : memref<128xi32, #tpu.memory_space<vmem>>) semaphore(%arg28 : memref<!tpu.dma_semaphore, #tpu.memory_space<semaphore_mem>>)
      %dma_start3A_425 = arith.constant 9 : i32
      %dma_start3A_426 = arith.constant 1152 : i32
      %dma_start3A_427 = arith.constant 0 : i32
      %dma_start3A_428 = tpu.memref_slice %arg19[%dma_start3A_426, %dma_start3A_427] : memref<2048x16xf32, #tpu.memory_space<vmem>> -> memref<128x16xf32, #tpu.memory_space<vmem>>
      %dma_start3A_429 = arith.constant 0 : i32
      %dma_start3A_430 = tpu.memref_slice %arg18[%dma_start3A_425, %dma_start3A_429] : memref<16x128xi32, #tpu.memory_space<vmem>> -> memref<1x128xi32, #tpu.memory_space<vmem>>
      %dma_start3A_431 = tpu.memref_squeeze %dma_start3A_430 : memref<1x128xi32, #tpu.memory_space<vmem>> -> memref<128xi32, #tpu.memory_space<vmem>>
      %dma_start3A_432 = arith.constant 0 : i32
      %dma_start3A_433 = arith.constant 0 : i32
      %dma_start3A_434 = tpu.memref_slice %arg5[%dma_start3A_432, %dma_start3A_433] : memref<200000x16xf32, #tpu.memory_space<hbm>> -> memref<200000x16xf32, #tpu.memory_space<hbm>>
      tpu.enqueue_indirect_dma source(%dma_start3A_434 : memref<200000x16xf32, #tpu.memory_space<hbm>>) target(%dma_start3A_428 : memref<128x16xf32, #tpu.memory_space<vmem>>) offsets(%dma_start3A_431 : memref<128xi32, #tpu.memory_space<vmem>>) semaphore(%arg28 : memref<!tpu.dma_semaphore, #tpu.memory_space<semaphore_mem>>)
      %dma_start3A_435 = arith.constant 10 : i32
      %dma_start3A_436 = arith.constant 1280 : i32
      %dma_start3A_437 = arith.constant 0 : i32
      %dma_start3A_438 = tpu.memref_slice %arg19[%dma_start3A_436, %dma_start3A_437] : memref<2048x16xf32, #tpu.memory_space<vmem>> -> memref<128x16xf32, #tpu.memory_space<vmem>>
      %dma_start3A_439 = arith.constant 0 : i32
      %dma_start3A_440 = tpu.memref_slice %arg18[%dma_start3A_435, %dma_start3A_439] : memref<16x128xi32, #tpu.memory_space<vmem>> -> memref<1x128xi32, #tpu.memory_space<vmem>>
      %dma_start3A_441 = tpu.memref_squeeze %dma_start3A_440 : memref<1x128xi32, #tpu.memory_space<vmem>> -> memref<128xi32, #tpu.memory_space<vmem>>
      %dma_start3A_442 = arith.constant 0 : i32
      %dma_start3A_443 = arith.constant 0 : i32
      %dma_start3A_444 = tpu.memref_slice %arg5[%dma_start3A_442, %dma_start3A_443] : memref<200000x16xf32, #tpu.memory_space<hbm>> -> memref<200000x16xf32, #tpu.memory_space<hbm>>
      tpu.enqueue_indirect_dma source(%dma_start3A_444 : memref<200000x16xf32, #tpu.memory_space<hbm>>) target(%dma_start3A_438 : memref<128x16xf32, #tpu.memory_space<vmem>>) offsets(%dma_start3A_441 : memref<128xi32, #tpu.memory_space<vmem>>) semaphore(%arg28 : memref<!tpu.dma_semaphore, #tpu.memory_space<semaphore_mem>>)
      %dma_start3A_445 = arith.constant 11 : i32
      %dma_start3A_446 = arith.constant 1408 : i32
      %dma_start3A_447 = arith.constant 0 : i32
      %dma_start3A_448 = tpu.memref_slice %arg19[%dma_start3A_446, %dma_start3A_447] : memref<2048x16xf32, #tpu.memory_space<vmem>> -> memref<128x16xf32, #tpu.memory_space<vmem>>
      %dma_start3A_449 = arith.constant 0 : i32
      %dma_start3A_450 = tpu.memref_slice %arg18[%dma_start3A_445, %dma_start3A_449] : memref<16x128xi32, #tpu.memory_space<vmem>> -> memref<1x128xi32, #tpu.memory_space<vmem>>
      %dma_start3A_451 = tpu.memref_squeeze %dma_start3A_450 : memref<1x128xi32, #tpu.memory_space<vmem>> -> memref<128xi32, #tpu.memory_space<vmem>>
      %dma_start3A_452 = arith.constant 0 : i32
      %dma_start3A_453 = arith.constant 0 : i32
      %dma_start3A_454 = tpu.memref_slice %arg5[%dma_start3A_452, %dma_start3A_453] : memref<200000x16xf32, #tpu.memory_space<hbm>> -> memref<200000x16xf32, #tpu.memory_space<hbm>>
      tpu.enqueue_indirect_dma source(%dma_start3A_454 : memref<200000x16xf32, #tpu.memory_space<hbm>>) target(%dma_start3A_448 : memref<128x16xf32, #tpu.memory_space<vmem>>) offsets(%dma_start3A_451 : memref<128xi32, #tpu.memory_space<vmem>>) semaphore(%arg28 : memref<!tpu.dma_semaphore, #tpu.memory_space<semaphore_mem>>)
      %dma_start3A_455 = arith.constant 12 : i32
      %dma_start3A_456 = arith.constant 1536 : i32
      %dma_start3A_457 = arith.constant 0 : i32
      %dma_start3A_458 = tpu.memref_slice %arg19[%dma_start3A_456, %dma_start3A_457] : memref<2048x16xf32, #tpu.memory_space<vmem>> -> memref<128x16xf32, #tpu.memory_space<vmem>>
      %dma_start3A_459 = arith.constant 0 : i32
      %dma_start3A_460 = tpu.memref_slice %arg18[%dma_start3A_455, %dma_start3A_459] : memref<16x128xi32, #tpu.memory_space<vmem>> -> memref<1x128xi32, #tpu.memory_space<vmem>>
      %dma_start3A_461 = tpu.memref_squeeze %dma_start3A_460 : memref<1x128xi32, #tpu.memory_space<vmem>> -> memref<128xi32, #tpu.memory_space<vmem>>
      %dma_start3A_462 = arith.constant 0 : i32
      %dma_start3A_463 = arith.constant 0 : i32
      %dma_start3A_464 = tpu.memref_slice %arg5[%dma_start3A_462, %dma_start3A_463] : memref<200000x16xf32, #tpu.memory_space<hbm>> -> memref<200000x16xf32, #tpu.memory_space<hbm>>
      tpu.enqueue_indirect_dma source(%dma_start3A_464 : memref<200000x16xf32, #tpu.memory_space<hbm>>) target(%dma_start3A_458 : memref<128x16xf32, #tpu.memory_space<vmem>>) offsets(%dma_start3A_461 : memref<128xi32, #tpu.memory_space<vmem>>) semaphore(%arg28 : memref<!tpu.dma_semaphore, #tpu.memory_space<semaphore_mem>>)
      %dma_start3A_465 = arith.constant 13 : i32
      %dma_start3A_466 = arith.constant 1664 : i32
      %dma_start3A_467 = arith.constant 0 : i32
      %dma_start3A_468 = tpu.memref_slice %arg19[%dma_start3A_466, %dma_start3A_467] : memref<2048x16xf32, #tpu.memory_space<vmem>> -> memref<128x16xf32, #tpu.memory_space<vmem>>
      %dma_start3A_469 = arith.constant 0 : i32
      %dma_start3A_470 = tpu.memref_slice %arg18[%dma_start3A_465, %dma_start3A_469] : memref<16x128xi32, #tpu.memory_space<vmem>> -> memref<1x128xi32, #tpu.memory_space<vmem>>
      %dma_start3A_471 = tpu.memref_squeeze %dma_start3A_470 : memref<1x128xi32, #tpu.memory_space<vmem>> -> memref<128xi32, #tpu.memory_space<vmem>>
      %dma_start3A_472 = arith.constant 0 : i32
      %dma_start3A_473 = arith.constant 0 : i32
      %dma_start3A_474 = tpu.memref_slice %arg5[%dma_start3A_472, %dma_start3A_473] : memref<200000x16xf32, #tpu.memory_space<hbm>> -> memref<200000x16xf32, #tpu.memory_space<hbm>>
      tpu.enqueue_indirect_dma source(%dma_start3A_474 : memref<200000x16xf32, #tpu.memory_space<hbm>>) target(%dma_start3A_468 : memref<128x16xf32, #tpu.memory_space<vmem>>) offsets(%dma_start3A_471 : memref<128xi32, #tpu.memory_space<vmem>>) semaphore(%arg28 : memref<!tpu.dma_semaphore, #tpu.memory_space<semaphore_mem>>)
      %dma_start3A_475 = arith.constant 14 : i32
      %dma_start3A_476 = arith.constant 1792 : i32
      %dma_start3A_477 = arith.constant 0 : i32
      %dma_start3A_478 = tpu.memref_slice %arg19[%dma_start3A_476, %dma_start3A_477] : memref<2048x16xf32, #tpu.memory_space<vmem>> -> memref<128x16xf32, #tpu.memory_space<vmem>>
      %dma_start3A_479 = arith.constant 0 : i32
      %dma_start3A_480 = tpu.memref_slice %arg18[%dma_start3A_475, %dma_start3A_479] : memref<16x128xi32, #tpu.memory_space<vmem>> -> memref<1x128xi32, #tpu.memory_space<vmem>>
      %dma_start3A_481 = tpu.memref_squeeze %dma_start3A_480 : memref<1x128xi32, #tpu.memory_space<vmem>> -> memref<128xi32, #tpu.memory_space<vmem>>
      %dma_start3A_482 = arith.constant 0 : i32
      %dma_start3A_483 = arith.constant 0 : i32
      %dma_start3A_484 = tpu.memref_slice %arg5[%dma_start3A_482, %dma_start3A_483] : memref<200000x16xf32, #tpu.memory_space<hbm>> -> memref<200000x16xf32, #tpu.memory_space<hbm>>
      tpu.enqueue_indirect_dma source(%dma_start3A_484 : memref<200000x16xf32, #tpu.memory_space<hbm>>) target(%dma_start3A_478 : memref<128x16xf32, #tpu.memory_space<vmem>>) offsets(%dma_start3A_481 : memref<128xi32, #tpu.memory_space<vmem>>) semaphore(%arg28 : memref<!tpu.dma_semaphore, #tpu.memory_space<semaphore_mem>>)
      %dma_start3A_485 = arith.constant 15 : i32
      %dma_start3A_486 = arith.constant 1920 : i32
      %dma_start3A_487 = arith.constant 0 : i32
      %dma_start3A_488 = tpu.memref_slice %arg19[%dma_start3A_486, %dma_start3A_487] : memref<2048x16xf32, #tpu.memory_space<vmem>> -> memref<128x16xf32, #tpu.memory_space<vmem>>
      %dma_start3A_489 = arith.constant 0 : i32
      %dma_start3A_490 = tpu.memref_slice %arg18[%dma_start3A_485, %dma_start3A_489] : memref<16x128xi32, #tpu.memory_space<vmem>> -> memref<1x128xi32, #tpu.memory_space<vmem>>
      %dma_start3A_491 = tpu.memref_squeeze %dma_start3A_490 : memref<1x128xi32, #tpu.memory_space<vmem>> -> memref<128xi32, #tpu.memory_space<vmem>>
      %dma_start3A_492 = arith.constant 0 : i32
      %dma_start3A_493 = arith.constant 0 : i32
      %dma_start3A_494 = tpu.memref_slice %arg5[%dma_start3A_492, %dma_start3A_493] : memref<200000x16xf32, #tpu.memory_space<hbm>> -> memref<200000x16xf32, #tpu.memory_space<hbm>>
      tpu.enqueue_indirect_dma source(%dma_start3A_494 : memref<200000x16xf32, #tpu.memory_space<hbm>>) target(%dma_start3A_488 : memref<128x16xf32, #tpu.memory_space<vmem>>) offsets(%dma_start3A_491 : memref<128xi32, #tpu.memory_space<vmem>>) semaphore(%arg28 : memref<!tpu.dma_semaphore, #tpu.memory_space<semaphore_mem>>)
      %dma_wait3A_495 = arith.constant 0 : i32
      %dma_wait3A_496 = arith.constant 0 : i32
      %dma_wait3A_497 = arith.constant 0 : i32
      %dma_wait3A_498 = tpu.memref_slice %arg19[%dma_wait3A_496, %dma_wait3A_497] : memref<2048x16xf32, #tpu.memory_space<vmem>> -> memref<128x16xf32, #tpu.memory_space<vmem>>
      %dma_wait3A_499 = arith.constant 0 : i32
      %dma_wait3A_500 = tpu.memref_slice %arg18[%dma_wait3A_495, %dma_wait3A_499] : memref<16x128xi32, #tpu.memory_space<vmem>> -> memref<1x128xi32, #tpu.memory_space<vmem>>
      %dma_wait3A_501 = tpu.memref_squeeze %dma_wait3A_500 : memref<1x128xi32, #tpu.memory_space<vmem>> -> memref<128xi32, #tpu.memory_space<vmem>>
      %dma_wait3A_502 = arith.constant 0 : i32
      %dma_wait3A_503 = arith.constant 0 : i32
      %dma_wait3A_504 = tpu.memref_slice %arg5[%dma_wait3A_502, %dma_wait3A_503] : memref<200000x16xf32, #tpu.memory_space<hbm>> -> memref<200000x16xf32, #tpu.memory_space<hbm>>
      tpu.wait_indirect_dma semaphore(%arg28 : memref<!tpu.dma_semaphore, #tpu.memory_space<semaphore_mem>>) src(%dma_wait3A_504 : memref<200000x16xf32, #tpu.memory_space<hbm>>) dst(%dma_wait3A_498 : memref<128x16xf32, #tpu.memory_space<vmem>>)
      %dma_wait3A_505 = arith.constant 1 : i32
      %dma_wait3A_506 = arith.constant 128 : i32
      %dma_wait3A_507 = arith.constant 0 : i32
      %dma_wait3A_508 = tpu.memref_slice %arg19[%dma_wait3A_506, %dma_wait3A_507] : memref<2048x16xf32, #tpu.memory_space<vmem>> -> memref<128x16xf32, #tpu.memory_space<vmem>>
      %dma_wait3A_509 = arith.constant 0 : i32
      %dma_wait3A_510 = tpu.memref_slice %arg18[%dma_wait3A_505, %dma_wait3A_509] : memref<16x128xi32, #tpu.memory_space<vmem>> -> memref<1x128xi32, #tpu.memory_space<vmem>>
      %dma_wait3A_511 = tpu.memref_squeeze %dma_wait3A_510 : memref<1x128xi32, #tpu.memory_space<vmem>> -> memref<128xi32, #tpu.memory_space<vmem>>
      %dma_wait3A_512 = arith.constant 0 : i32
      %dma_wait3A_513 = arith.constant 0 : i32
      %dma_wait3A_514 = tpu.memref_slice %arg5[%dma_wait3A_512, %dma_wait3A_513] : memref<200000x16xf32, #tpu.memory_space<hbm>> -> memref<200000x16xf32, #tpu.memory_space<hbm>>
      tpu.wait_indirect_dma semaphore(%arg28 : memref<!tpu.dma_semaphore, #tpu.memory_space<semaphore_mem>>) src(%dma_wait3A_514 : memref<200000x16xf32, #tpu.memory_space<hbm>>) dst(%dma_wait3A_508 : memref<128x16xf32, #tpu.memory_space<vmem>>)
      %dma_wait3A_515 = arith.constant 2 : i32
      %dma_wait3A_516 = arith.constant 256 : i32
      %dma_wait3A_517 = arith.constant 0 : i32
      %dma_wait3A_518 = tpu.memref_slice %arg19[%dma_wait3A_516, %dma_wait3A_517] : memref<2048x16xf32, #tpu.memory_space<vmem>> -> memref<128x16xf32, #tpu.memory_space<vmem>>
      %dma_wait3A_519 = arith.constant 0 : i32
      %dma_wait3A_520 = tpu.memref_slice %arg18[%dma_wait3A_515, %dma_wait3A_519] : memref<16x128xi32, #tpu.memory_space<vmem>> -> memref<1x128xi32, #tpu.memory_space<vmem>>
      %dma_wait3A_521 = tpu.memref_squeeze %dma_wait3A_520 : memref<1x128xi32, #tpu.memory_space<vmem>> -> memref<128xi32, #tpu.memory_space<vmem>>
      %dma_wait3A_522 = arith.constant 0 : i32
      %dma_wait3A_523 = arith.constant 0 : i32
      %dma_wait3A_524 = tpu.memref_slice %arg5[%dma_wait3A_522, %dma_wait3A_523] : memref<200000x16xf32, #tpu.memory_space<hbm>> -> memref<200000x16xf32, #tpu.memory_space<hbm>>
      tpu.wait_indirect_dma semaphore(%arg28 : memref<!tpu.dma_semaphore, #tpu.memory_space<semaphore_mem>>) src(%dma_wait3A_524 : memref<200000x16xf32, #tpu.memory_space<hbm>>) dst(%dma_wait3A_518 : memref<128x16xf32, #tpu.memory_space<vmem>>)
      %dma_wait3A_525 = arith.constant 3 : i32
      %dma_wait3A_526 = arith.constant 384 : i32
      %dma_wait3A_527 = arith.constant 0 : i32
      %dma_wait3A_528 = tpu.memref_slice %arg19[%dma_wait3A_526, %dma_wait3A_527] : memref<2048x16xf32, #tpu.memory_space<vmem>> -> memref<128x16xf32, #tpu.memory_space<vmem>>
      %dma_wait3A_529 = arith.constant 0 : i32
      %dma_wait3A_530 = tpu.memref_slice %arg18[%dma_wait3A_525, %dma_wait3A_529] : memref<16x128xi32, #tpu.memory_space<vmem>> -> memref<1x128xi32, #tpu.memory_space<vmem>>
      %dma_wait3A_531 = tpu.memref_squeeze %dma_wait3A_530 : memref<1x128xi32, #tpu.memory_space<vmem>> -> memref<128xi32, #tpu.memory_space<vmem>>
      %dma_wait3A_532 = arith.constant 0 : i32
      %dma_wait3A_533 = arith.constant 0 : i32
      %dma_wait3A_534 = tpu.memref_slice %arg5[%dma_wait3A_532, %dma_wait3A_533] : memref<200000x16xf32, #tpu.memory_space<hbm>> -> memref<200000x16xf32, #tpu.memory_space<hbm>>
      tpu.wait_indirect_dma semaphore(%arg28 : memref<!tpu.dma_semaphore, #tpu.memory_space<semaphore_mem>>) src(%dma_wait3A_534 : memref<200000x16xf32, #tpu.memory_space<hbm>>) dst(%dma_wait3A_528 : memref<128x16xf32, #tpu.memory_space<vmem>>)
      %dma_wait3A_535 = arith.constant 4 : i32
      %dma_wait3A_536 = arith.constant 512 : i32
      %dma_wait3A_537 = arith.constant 0 : i32
      %dma_wait3A_538 = tpu.memref_slice %arg19[%dma_wait3A_536, %dma_wait3A_537] : memref<2048x16xf32, #tpu.memory_space<vmem>> -> memref<128x16xf32, #tpu.memory_space<vmem>>
      %dma_wait3A_539 = arith.constant 0 : i32
      %dma_wait3A_540 = tpu.memref_slice %arg18[%dma_wait3A_535, %dma_wait3A_539] : memref<16x128xi32, #tpu.memory_space<vmem>> -> memref<1x128xi32, #tpu.memory_space<vmem>>
      %dma_wait3A_541 = tpu.memref_squeeze %dma_wait3A_540 : memref<1x128xi32, #tpu.memory_space<vmem>> -> memref<128xi32, #tpu.memory_space<vmem>>
      %dma_wait3A_542 = arith.constant 0 : i32
      %dma_wait3A_543 = arith.constant 0 : i32
      %dma_wait3A_544 = tpu.memref_slice %arg5[%dma_wait3A_542, %dma_wait3A_543] : memref<200000x16xf32, #tpu.memory_space<hbm>> -> memref<200000x16xf32, #tpu.memory_space<hbm>>
      tpu.wait_indirect_dma semaphore(%arg28 : memref<!tpu.dma_semaphore, #tpu.memory_space<semaphore_mem>>) src(%dma_wait3A_544 : memref<200000x16xf32, #tpu.memory_space<hbm>>) dst(%dma_wait3A_538 : memref<128x16xf32, #tpu.memory_space<vmem>>)
      %dma_wait3A_545 = arith.constant 5 : i32
      %dma_wait3A_546 = arith.constant 640 : i32
      %dma_wait3A_547 = arith.constant 0 : i32
      %dma_wait3A_548 = tpu.memref_slice %arg19[%dma_wait3A_546, %dma_wait3A_547] : memref<2048x16xf32, #tpu.memory_space<vmem>> -> memref<128x16xf32, #tpu.memory_space<vmem>>
      %dma_wait3A_549 = arith.constant 0 : i32
      %dma_wait3A_550 = tpu.memref_slice %arg18[%dma_wait3A_545, %dma_wait3A_549] : memref<16x128xi32, #tpu.memory_space<vmem>> -> memref<1x128xi32, #tpu.memory_space<vmem>>
      %dma_wait3A_551 = tpu.memref_squeeze %dma_wait3A_550 : memref<1x128xi32, #tpu.memory_space<vmem>> -> memref<128xi32, #tpu.memory_space<vmem>>
      %dma_wait3A_552 = arith.constant 0 : i32
      %dma_wait3A_553 = arith.constant 0 : i32
      %dma_wait3A_554 = tpu.memref_slice %arg5[%dma_wait3A_552, %dma_wait3A_553] : memref<200000x16xf32, #tpu.memory_space<hbm>> -> memref<200000x16xf32, #tpu.memory_space<hbm>>
      tpu.wait_indirect_dma semaphore(%arg28 : memref<!tpu.dma_semaphore, #tpu.memory_space<semaphore_mem>>) src(%dma_wait3A_554 : memref<200000x16xf32, #tpu.memory_space<hbm>>) dst(%dma_wait3A_548 : memref<128x16xf32, #tpu.memory_space<vmem>>)
      %dma_wait3A_555 = arith.constant 6 : i32
      %dma_wait3A_556 = arith.constant 768 : i32
      %dma_wait3A_557 = arith.constant 0 : i32
      %dma_wait3A_558 = tpu.memref_slice %arg19[%dma_wait3A_556, %dma_wait3A_557] : memref<2048x16xf32, #tpu.memory_space<vmem>> -> memref<128x16xf32, #tpu.memory_space<vmem>>
      %dma_wait3A_559 = arith.constant 0 : i32
      %dma_wait3A_560 = tpu.memref_slice %arg18[%dma_wait3A_555, %dma_wait3A_559] : memref<16x128xi32, #tpu.memory_space<vmem>> -> memref<1x128xi32, #tpu.memory_space<vmem>>
      %dma_wait3A_561 = tpu.memref_squeeze %dma_wait3A_560 : memref<1x128xi32, #tpu.memory_space<vmem>> -> memref<128xi32, #tpu.memory_space<vmem>>
      %dma_wait3A_562 = arith.constant 0 : i32
      %dma_wait3A_563 = arith.constant 0 : i32
      %dma_wait3A_564 = tpu.memref_slice %arg5[%dma_wait3A_562, %dma_wait3A_563] : memref<200000x16xf32, #tpu.memory_space<hbm>> -> memref<200000x16xf32, #tpu.memory_space<hbm>>
      tpu.wait_indirect_dma semaphore(%arg28 : memref<!tpu.dma_semaphore, #tpu.memory_space<semaphore_mem>>) src(%dma_wait3A_564 : memref<200000x16xf32, #tpu.memory_space<hbm>>) dst(%dma_wait3A_558 : memref<128x16xf32, #tpu.memory_space<vmem>>)
      %dma_wait3A_565 = arith.constant 7 : i32
      %dma_wait3A_566 = arith.constant 896 : i32
      %dma_wait3A_567 = arith.constant 0 : i32
      %dma_wait3A_568 = tpu.memref_slice %arg19[%dma_wait3A_566, %dma_wait3A_567] : memref<2048x16xf32, #tpu.memory_space<vmem>> -> memref<128x16xf32, #tpu.memory_space<vmem>>
      %dma_wait3A_569 = arith.constant 0 : i32
      %dma_wait3A_570 = tpu.memref_slice %arg18[%dma_wait3A_565, %dma_wait3A_569] : memref<16x128xi32, #tpu.memory_space<vmem>> -> memref<1x128xi32, #tpu.memory_space<vmem>>
      %dma_wait3A_571 = tpu.memref_squeeze %dma_wait3A_570 : memref<1x128xi32, #tpu.memory_space<vmem>> -> memref<128xi32, #tpu.memory_space<vmem>>
      %dma_wait3A_572 = arith.constant 0 : i32
      %dma_wait3A_573 = arith.constant 0 : i32
      %dma_wait3A_574 = tpu.memref_slice %arg5[%dma_wait3A_572, %dma_wait3A_573] : memref<200000x16xf32, #tpu.memory_space<hbm>> -> memref<200000x16xf32, #tpu.memory_space<hbm>>
      tpu.wait_indirect_dma semaphore(%arg28 : memref<!tpu.dma_semaphore, #tpu.memory_space<semaphore_mem>>) src(%dma_wait3A_574 : memref<200000x16xf32, #tpu.memory_space<hbm>>) dst(%dma_wait3A_568 : memref<128x16xf32, #tpu.memory_space<vmem>>)
      %dma_wait3A_575 = arith.constant 8 : i32
      %dma_wait3A_576 = arith.constant 1024 : i32
      %dma_wait3A_577 = arith.constant 0 : i32
      %dma_wait3A_578 = tpu.memref_slice %arg19[%dma_wait3A_576, %dma_wait3A_577] : memref<2048x16xf32, #tpu.memory_space<vmem>> -> memref<128x16xf32, #tpu.memory_space<vmem>>
      %dma_wait3A_579 = arith.constant 0 : i32
      %dma_wait3A_580 = tpu.memref_slice %arg18[%dma_wait3A_575, %dma_wait3A_579] : memref<16x128xi32, #tpu.memory_space<vmem>> -> memref<1x128xi32, #tpu.memory_space<vmem>>
      %dma_wait3A_581 = tpu.memref_squeeze %dma_wait3A_580 : memref<1x128xi32, #tpu.memory_space<vmem>> -> memref<128xi32, #tpu.memory_space<vmem>>
      %dma_wait3A_582 = arith.constant 0 : i32
      %dma_wait3A_583 = arith.constant 0 : i32
      %dma_wait3A_584 = tpu.memref_slice %arg5[%dma_wait3A_582, %dma_wait3A_583] : memref<200000x16xf32, #tpu.memory_space<hbm>> -> memref<200000x16xf32, #tpu.memory_space<hbm>>
      tpu.wait_indirect_dma semaphore(%arg28 : memref<!tpu.dma_semaphore, #tpu.memory_space<semaphore_mem>>) src(%dma_wait3A_584 : memref<200000x16xf32, #tpu.memory_space<hbm>>) dst(%dma_wait3A_578 : memref<128x16xf32, #tpu.memory_space<vmem>>)
      %dma_wait3A_585 = arith.constant 9 : i32
      %dma_wait3A_586 = arith.constant 1152 : i32
      %dma_wait3A_587 = arith.constant 0 : i32
      %dma_wait3A_588 = tpu.memref_slice %arg19[%dma_wait3A_586, %dma_wait3A_587] : memref<2048x16xf32, #tpu.memory_space<vmem>> -> memref<128x16xf32, #tpu.memory_space<vmem>>
      %dma_wait3A_589 = arith.constant 0 : i32
      %dma_wait3A_590 = tpu.memref_slice %arg18[%dma_wait3A_585, %dma_wait3A_589] : memref<16x128xi32, #tpu.memory_space<vmem>> -> memref<1x128xi32, #tpu.memory_space<vmem>>
      %dma_wait3A_591 = tpu.memref_squeeze %dma_wait3A_590 : memref<1x128xi32, #tpu.memory_space<vmem>> -> memref<128xi32, #tpu.memory_space<vmem>>
      %dma_wait3A_592 = arith.constant 0 : i32
      %dma_wait3A_593 = arith.constant 0 : i32
      %dma_wait3A_594 = tpu.memref_slice %arg5[%dma_wait3A_592, %dma_wait3A_593] : memref<200000x16xf32, #tpu.memory_space<hbm>> -> memref<200000x16xf32, #tpu.memory_space<hbm>>
      tpu.wait_indirect_dma semaphore(%arg28 : memref<!tpu.dma_semaphore, #tpu.memory_space<semaphore_mem>>) src(%dma_wait3A_594 : memref<200000x16xf32, #tpu.memory_space<hbm>>) dst(%dma_wait3A_588 : memref<128x16xf32, #tpu.memory_space<vmem>>)
      %dma_wait3A_595 = arith.constant 10 : i32
      %dma_wait3A_596 = arith.constant 1280 : i32
      %dma_wait3A_597 = arith.constant 0 : i32
      %dma_wait3A_598 = tpu.memref_slice %arg19[%dma_wait3A_596, %dma_wait3A_597] : memref<2048x16xf32, #tpu.memory_space<vmem>> -> memref<128x16xf32, #tpu.memory_space<vmem>>
      %dma_wait3A_599 = arith.constant 0 : i32
      %dma_wait3A_600 = tpu.memref_slice %arg18[%dma_wait3A_595, %dma_wait3A_599] : memref<16x128xi32, #tpu.memory_space<vmem>> -> memref<1x128xi32, #tpu.memory_space<vmem>>
      %dma_wait3A_601 = tpu.memref_squeeze %dma_wait3A_600 : memref<1x128xi32, #tpu.memory_space<vmem>> -> memref<128xi32, #tpu.memory_space<vmem>>
      %dma_wait3A_602 = arith.constant 0 : i32
      %dma_wait3A_603 = arith.constant 0 : i32
      %dma_wait3A_604 = tpu.memref_slice %arg5[%dma_wait3A_602, %dma_wait3A_603] : memref<200000x16xf32, #tpu.memory_space<hbm>> -> memref<200000x16xf32, #tpu.memory_space<hbm>>
      tpu.wait_indirect_dma semaphore(%arg28 : memref<!tpu.dma_semaphore, #tpu.memory_space<semaphore_mem>>) src(%dma_wait3A_604 : memref<200000x16xf32, #tpu.memory_space<hbm>>) dst(%dma_wait3A_598 : memref<128x16xf32, #tpu.memory_space<vmem>>)
      %dma_wait3A_605 = arith.constant 11 : i32
      %dma_wait3A_606 = arith.constant 1408 : i32
      %dma_wait3A_607 = arith.constant 0 : i32
      %dma_wait3A_608 = tpu.memref_slice %arg19[%dma_wait3A_606, %dma_wait3A_607] : memref<2048x16xf32, #tpu.memory_space<vmem>> -> memref<128x16xf32, #tpu.memory_space<vmem>>
      %dma_wait3A_609 = arith.constant 0 : i32
      %dma_wait3A_610 = tpu.memref_slice %arg18[%dma_wait3A_605, %dma_wait3A_609] : memref<16x128xi32, #tpu.memory_space<vmem>> -> memref<1x128xi32, #tpu.memory_space<vmem>>
      %dma_wait3A_611 = tpu.memref_squeeze %dma_wait3A_610 : memref<1x128xi32, #tpu.memory_space<vmem>> -> memref<128xi32, #tpu.memory_space<vmem>>
      %dma_wait3A_612 = arith.constant 0 : i32
      %dma_wait3A_613 = arith.constant 0 : i32
      %dma_wait3A_614 = tpu.memref_slice %arg5[%dma_wait3A_612, %dma_wait3A_613] : memref<200000x16xf32, #tpu.memory_space<hbm>> -> memref<200000x16xf32, #tpu.memory_space<hbm>>
      tpu.wait_indirect_dma semaphore(%arg28 : memref<!tpu.dma_semaphore, #tpu.memory_space<semaphore_mem>>) src(%dma_wait3A_614 : memref<200000x16xf32, #tpu.memory_space<hbm>>) dst(%dma_wait3A_608 : memref<128x16xf32, #tpu.memory_space<vmem>>)
      %dma_wait3A_615 = arith.constant 12 : i32
      %dma_wait3A_616 = arith.constant 1536 : i32
      %dma_wait3A_617 = arith.constant 0 : i32
      %dma_wait3A_618 = tpu.memref_slice %arg19[%dma_wait3A_616, %dma_wait3A_617] : memref<2048x16xf32, #tpu.memory_space<vmem>> -> memref<128x16xf32, #tpu.memory_space<vmem>>
      %dma_wait3A_619 = arith.constant 0 : i32
      %dma_wait3A_620 = tpu.memref_slice %arg18[%dma_wait3A_615, %dma_wait3A_619] : memref<16x128xi32, #tpu.memory_space<vmem>> -> memref<1x128xi32, #tpu.memory_space<vmem>>
      %dma_wait3A_621 = tpu.memref_squeeze %dma_wait3A_620 : memref<1x128xi32, #tpu.memory_space<vmem>> -> memref<128xi32, #tpu.memory_space<vmem>>
      %dma_wait3A_622 = arith.constant 0 : i32
      %dma_wait3A_623 = arith.constant 0 : i32
      %dma_wait3A_624 = tpu.memref_slice %arg5[%dma_wait3A_622, %dma_wait3A_623] : memref<200000x16xf32, #tpu.memory_space<hbm>> -> memref<200000x16xf32, #tpu.memory_space<hbm>>
      tpu.wait_indirect_dma semaphore(%arg28 : memref<!tpu.dma_semaphore, #tpu.memory_space<semaphore_mem>>) src(%dma_wait3A_624 : memref<200000x16xf32, #tpu.memory_space<hbm>>) dst(%dma_wait3A_618 : memref<128x16xf32, #tpu.memory_space<vmem>>)
      %dma_wait3A_625 = arith.constant 13 : i32
      %dma_wait3A_626 = arith.constant 1664 : i32
      %dma_wait3A_627 = arith.constant 0 : i32
      %dma_wait3A_628 = tpu.memref_slice %arg19[%dma_wait3A_626, %dma_wait3A_627] : memref<2048x16xf32, #tpu.memory_space<vmem>> -> memref<128x16xf32, #tpu.memory_space<vmem>>
      %dma_wait3A_629 = arith.constant 0 : i32
      %dma_wait3A_630 = tpu.memref_slice %arg18[%dma_wait3A_625, %dma_wait3A_629] : memref<16x128xi32, #tpu.memory_space<vmem>> -> memref<1x128xi32, #tpu.memory_space<vmem>>
      %dma_wait3A_631 = tpu.memref_squeeze %dma_wait3A_630 : memref<1x128xi32, #tpu.memory_space<vmem>> -> memref<128xi32, #tpu.memory_space<vmem>>
      %dma_wait3A_632 = arith.constant 0 : i32
      %dma_wait3A_633 = arith.constant 0 : i32
      %dma_wait3A_634 = tpu.memref_slice %arg5[%dma_wait3A_632, %dma_wait3A_633] : memref<200000x16xf32, #tpu.memory_space<hbm>> -> memref<200000x16xf32, #tpu.memory_space<hbm>>
      tpu.wait_indirect_dma semaphore(%arg28 : memref<!tpu.dma_semaphore, #tpu.memory_space<semaphore_mem>>) src(%dma_wait3A_634 : memref<200000x16xf32, #tpu.memory_space<hbm>>) dst(%dma_wait3A_628 : memref<128x16xf32, #tpu.memory_space<vmem>>)
      %dma_wait3A_635 = arith.constant 14 : i32
      %dma_wait3A_636 = arith.constant 1792 : i32
      %dma_wait3A_637 = arith.constant 0 : i32
      %dma_wait3A_638 = tpu.memref_slice %arg19[%dma_wait3A_636, %dma_wait3A_637] : memref<2048x16xf32, #tpu.memory_space<vmem>> -> memref<128x16xf32, #tpu.memory_space<vmem>>
      %dma_wait3A_639 = arith.constant 0 : i32
      %dma_wait3A_640 = tpu.memref_slice %arg18[%dma_wait3A_635, %dma_wait3A_639] : memref<16x128xi32, #tpu.memory_space<vmem>> -> memref<1x128xi32, #tpu.memory_space<vmem>>
      %dma_wait3A_641 = tpu.memref_squeeze %dma_wait3A_640 : memref<1x128xi32, #tpu.memory_space<vmem>> -> memref<128xi32, #tpu.memory_space<vmem>>
      %dma_wait3A_642 = arith.constant 0 : i32
      %dma_wait3A_643 = arith.constant 0 : i32
      %dma_wait3A_644 = tpu.memref_slice %arg5[%dma_wait3A_642, %dma_wait3A_643] : memref<200000x16xf32, #tpu.memory_space<hbm>> -> memref<200000x16xf32, #tpu.memory_space<hbm>>
      tpu.wait_indirect_dma semaphore(%arg28 : memref<!tpu.dma_semaphore, #tpu.memory_space<semaphore_mem>>) src(%dma_wait3A_644 : memref<200000x16xf32, #tpu.memory_space<hbm>>) dst(%dma_wait3A_638 : memref<128x16xf32, #tpu.memory_space<vmem>>)
      %dma_wait3A_645 = arith.constant 15 : i32
      %dma_wait3A_646 = arith.constant 1920 : i32
      %dma_wait3A_647 = arith.constant 0 : i32
      %dma_wait3A_648 = tpu.memref_slice %arg19[%dma_wait3A_646, %dma_wait3A_647] : memref<2048x16xf32, #tpu.memory_space<vmem>> -> memref<128x16xf32, #tpu.memory_space<vmem>>
      %dma_wait3A_649 = arith.constant 0 : i32
      %dma_wait3A_650 = tpu.memref_slice %arg18[%dma_wait3A_645, %dma_wait3A_649] : memref<16x128xi32, #tpu.memory_space<vmem>> -> memref<1x128xi32, #tpu.memory_space<vmem>>
      %dma_wait3A_651 = tpu.memref_squeeze %dma_wait3A_650 : memref<1x128xi32, #tpu.memory_space<vmem>> -> memref<128xi32, #tpu.memory_space<vmem>>
      %dma_wait3A_652 = arith.constant 0 : i32
      %dma_wait3A_653 = arith.constant 0 : i32
      %dma_wait3A_654 = tpu.memref_slice %arg5[%dma_wait3A_652, %dma_wait3A_653] : memref<200000x16xf32, #tpu.memory_space<hbm>> -> memref<200000x16xf32, #tpu.memory_space<hbm>>
      tpu.wait_indirect_dma semaphore(%arg28 : memref<!tpu.dma_semaphore, #tpu.memory_space<semaphore_mem>>) src(%dma_wait3A_654 : memref<200000x16xf32, #tpu.memory_space<hbm>>) dst(%dma_wait3A_648 : memref<128x16xf32, #tpu.memory_space<vmem>>)
      %parallel_loop3A_655 = arith.constant 0 : i32
      %parallel_loop3A_656 = arith.constant 128 : i32
      %parallel_loop3A_657 = arith.constant 1 : i32
      scf.for %parallel_loop3A_658 = %parallel_loop3A_655 to %parallel_loop3A_656 step %parallel_loop3A_657  : i32 {
        %parallel_loop3A_659 = arith.constant 16 : i32
        %parallel_loop3A_660 = arith.muli %parallel_loop3A_658, %parallel_loop3A_659 : i32
        %parallel_loop3A_661 = vector.broadcast %parallel_loop3A_660 : i32 to vector<16xi32>
        %parallel_loop3A_662 = arith.addi %parallel_loop3A_661, %iota3A : vector<16xi32>
        %parallel_loop3A_663 = arith.constant 0 : i32
        %parallel_loop3A_664 = vector.broadcast %parallel_loop3A_663 : i32 to vector<16xi32>
        %parallel_loop3A_665 = tpu.vector_load_idx %arg19[%parallel_loop3A_662, %parallel_loop3A_664] : memref<2048x16xf32, #tpu.memory_space<vmem>>[vector<16xi32>, vector<16xi32>], vector<16xf32>,
        %parallel_loop3A_666 = arith.constant 1 : i32
        %parallel_loop3A_667 = vector.broadcast %parallel_loop3A_666 : i32 to vector<16xi32>
        %parallel_loop3A_668 = arith.addi %parallel_loop3A_664, %parallel_loop3A_667 : vector<16xi32>
        %parallel_loop3A_669 = tpu.vector_load_idx %arg19[%parallel_loop3A_662, %parallel_loop3A_668] : memref<2048x16xf32, #tpu.memory_space<vmem>>[vector<16xi32>, vector<16xi32>], vector<16xf32>,
        %parallel_loop3A_670 = arith.constant 2 : i32
        %parallel_loop3A_671 = vector.broadcast %parallel_loop3A_670 : i32 to vector<16xi32>
        %parallel_loop3A_672 = arith.addi %parallel_loop3A_664, %parallel_loop3A_671 : vector<16xi32>
        %parallel_loop3A_673 = tpu.vector_load_idx %arg19[%parallel_loop3A_662, %parallel_loop3A_672] : memref<2048x16xf32, #tpu.memory_space<vmem>>[vector<16xi32>, vector<16xi32>], vector<16xf32>,
        %parallel_loop3A_674 = arith.constant 3 : i32
        %parallel_loop3A_675 = vector.broadcast %parallel_loop3A_674 : i32 to vector<16xi32>
        %parallel_loop3A_676 = arith.addi %parallel_loop3A_664, %parallel_loop3A_675 : vector<16xi32>
        %parallel_loop3A_677 = tpu.vector_load_idx %arg19[%parallel_loop3A_662, %parallel_loop3A_676] : memref<2048x16xf32, #tpu.memory_space<vmem>>[vector<16xi32>, vector<16xi32>], vector<16xf32>,
        %parallel_loop3A_678 = arith.constant 4 : i32
        %parallel_loop3A_679 = vector.broadcast %parallel_loop3A_678 : i32 to vector<16xi32>
        %parallel_loop3A_680 = arith.addi %parallel_loop3A_664, %parallel_loop3A_679 : vector<16xi32>
        %parallel_loop3A_681 = tpu.vector_load_idx %arg19[%parallel_loop3A_662, %parallel_loop3A_680] : memref<2048x16xf32, #tpu.memory_space<vmem>>[vector<16xi32>, vector<16xi32>], vector<16xf32>,
        %parallel_loop3A_682 = arith.constant 0 : index
        %parallel_loop3A_683 = tpu.vector_load %arg27[%parallel_loop3A_682] {strides = array<i32>} : memref<16xf32, #tpu.memory_space<vmem>>, vector<16xf32>,
        %parallel_loop3A_684 = arith.mulf %parallel_loop3A_681, %parallel_loop3A_683 : vector<16xf32>
        %parallel_loop3A_685 = arith.index_cast %parallel_loop3A_660 : i32 to index
        %parallel_loop3A_686 = tpu.vector_load %arg20[%parallel_loop3A_685] {strides = array<i32>} : memref<2048xf32, #tpu.memory_space<vmem>>, vector<16xf32>,
        %parallel_loop3A_687 = arith.mulf %parallel_loop3A_686, %parallel_loop3A_684 : vector<16xf32>
        %parallel_loop3A_688 = arith.addf %parallel_loop3A_665, %parallel_loop3A_687 : vector<16xf32>
        %parallel_loop3A_689 = arith.index_cast %parallel_loop3A_660 : i32 to index
        %parallel_loop3A_690 = tpu.vector_load %arg23[%parallel_loop3A_689] {strides = array<i32>} : memref<2048xf32, #tpu.memory_space<vmem>>, vector<16xf32>,
        tpu.vector_store %arg23[%parallel_loop3A_689], %parallel_loop3A_688 {strides = array<i32>} : memref<2048xf32, #tpu.memory_space<vmem>>, vector<16xf32>,
        %parallel_loop3A_691 = arith.index_cast %parallel_loop3A_660 : i32 to index
        %parallel_loop3A_692 = tpu.vector_load %arg21[%parallel_loop3A_691] {strides = array<i32>} : memref<2048xf32, #tpu.memory_space<vmem>>, vector<16xf32>,
        %parallel_loop3A_693 = arith.mulf %parallel_loop3A_692, %parallel_loop3A_684 : vector<16xf32>
        %parallel_loop3A_694 = arith.addf %parallel_loop3A_669, %parallel_loop3A_693 : vector<16xf32>
        %parallel_loop3A_695 = arith.index_cast %parallel_loop3A_660 : i32 to index
        %parallel_loop3A_696 = tpu.vector_load %arg24[%parallel_loop3A_695] {strides = array<i32>} : memref<2048xf32, #tpu.memory_space<vmem>>, vector<16xf32>,
        tpu.vector_store %arg24[%parallel_loop3A_695], %parallel_loop3A_694 {strides = array<i32>} : memref<2048xf32, #tpu.memory_space<vmem>>, vector<16xf32>,
        %parallel_loop3A_697 = arith.index_cast %parallel_loop3A_660 : i32 to index
        %parallel_loop3A_698 = tpu.vector_load %arg22[%parallel_loop3A_697] {strides = array<i32>} : memref<2048xf32, #tpu.memory_space<vmem>>, vector<16xf32>,
        %parallel_loop3A_699 = arith.mulf %parallel_loop3A_698, %parallel_loop3A_684 : vector<16xf32>
        %parallel_loop3A_700 = arith.addf %parallel_loop3A_673, %parallel_loop3A_699 : vector<16xf32>
        %parallel_loop3A_701 = arith.index_cast %parallel_loop3A_660 : i32 to index
        %parallel_loop3A_702 = tpu.vector_load %arg25[%parallel_loop3A_701] {strides = array<i32>} : memref<2048xf32, #tpu.memory_space<vmem>>, vector<16xf32>,
        tpu.vector_store %arg25[%parallel_loop3A_701], %parallel_loop3A_700 {strides = array<i32>} : memref<2048xf32, #tpu.memory_space<vmem>>, vector<16xf32>,
        %parallel_loop3A_703 = arith.index_cast %parallel_loop3A_660 : i32 to index
        %parallel_loop3A_704 = tpu.vector_load %arg26[%parallel_loop3A_703] {strides = array<i32>} : memref<2048xf32, #tpu.memory_space<vmem>>, vector<16xf32>,
        tpu.vector_store %arg26[%parallel_loop3A_703], %parallel_loop3A_677 {strides = array<i32>} : memref<2048xf32, #tpu.memory_space<vmem>>, vector<16xf32>,
      } {sc.loop_unroll_factor = 8 : i64, sc.parallel_access}
      "tpu.region"() ({
        %run_scoped3A = tpu.sem_alloc : memref<!tpu.dma_semaphore, #tpu.memory_space<semaphore_mem>>
        %dma_start3A_658 = tpu.memref_slice %arg10[%add3A_11] : memref<131072xf32, #tpu.memory_space<hbm>> -> memref<2048xf32, #tpu.memory_space<hbm>>
        %dma_start3A_659 = tpu.memref_slice %arg10[%add3A_11] : memref<131072xf32, #tpu.memory_space<hbm>> -> memref<2048xf32, #tpu.memory_space<hbm>>
        tpu.enqueue_dma source(%arg23 : memref<2048xf32, #tpu.memory_space<vmem>>) target(%dma_start3A_659 : memref<2048xf32, #tpu.memory_space<hbm>>) target_semaphore(%run_scoped3A : memref<!tpu.dma_semaphore, #tpu.memory_space<semaphore_mem>>)
        %dma_wait3A_660 = tpu.memref_slice %arg10[%add3A_11] : memref<131072xf32, #tpu.memory_space<hbm>> -> memref<2048xf32, #tpu.memory_space<hbm>>
        %dma_wait3A_661 = tpu.memref_slice %arg10[%add3A_11] : memref<131072xf32, #tpu.memory_space<hbm>> -> memref<2048xf32, #tpu.memory_space<hbm>>
        tpu.wait_dma2 semaphore(%run_scoped3A : memref<!tpu.dma_semaphore, #tpu.memory_space<semaphore_mem>>) src(%arg23 : memref<2048xf32, #tpu.memory_space<vmem>>) dst(%dma_wait3A_661 : memref<2048xf32, #tpu.memory_space<hbm>>)
        tpu.yield
      }) : () -> ()
      "tpu.region"() ({
        %run_scoped3A = tpu.sem_alloc : memref<!tpu.dma_semaphore, #tpu.memory_space<semaphore_mem>>
        %dma_start3A_658 = tpu.memref_slice %arg11[%add3A_11] : memref<131072xf32, #tpu.memory_space<hbm>> -> memref<2048xf32, #tpu.memory_space<hbm>>
        %dma_start3A_659 = tpu.memref_slice %arg11[%add3A_11] : memref<131072xf32, #tpu.memory_space<hbm>> -> memref<2048xf32, #tpu.memory_space<hbm>>
        tpu.enqueue_dma source(%arg24 : memref<2048xf32, #tpu.memory_space<vmem>>) target(%dma_start3A_659 : memref<2048xf32, #tpu.memory_space<hbm>>) target_semaphore(%run_scoped3A : memref<!tpu.dma_semaphore, #tpu.memory_space<semaphore_mem>>)
        %dma_wait3A_660 = tpu.memref_slice %arg11[%add3A_11] : memref<131072xf32, #tpu.memory_space<hbm>> -> memref<2048xf32, #tpu.memory_space<hbm>>
        %dma_wait3A_661 = tpu.memref_slice %arg11[%add3A_11] : memref<131072xf32, #tpu.memory_space<hbm>> -> memref<2048xf32, #tpu.memory_space<hbm>>
        tpu.wait_dma2 semaphore(%run_scoped3A : memref<!tpu.dma_semaphore, #tpu.memory_space<semaphore_mem>>) src(%arg24 : memref<2048xf32, #tpu.memory_space<vmem>>) dst(%dma_wait3A_661 : memref<2048xf32, #tpu.memory_space<hbm>>)
        tpu.yield
      }) : () -> ()
      "tpu.region"() ({
        %run_scoped3A = tpu.sem_alloc : memref<!tpu.dma_semaphore, #tpu.memory_space<semaphore_mem>>
        %dma_start3A_658 = tpu.memref_slice %arg12[%add3A_11] : memref<131072xf32, #tpu.memory_space<hbm>> -> memref<2048xf32, #tpu.memory_space<hbm>>
        %dma_start3A_659 = tpu.memref_slice %arg12[%add3A_11] : memref<131072xf32, #tpu.memory_space<hbm>> -> memref<2048xf32, #tpu.memory_space<hbm>>
        tpu.enqueue_dma source(%arg25 : memref<2048xf32, #tpu.memory_space<vmem>>) target(%dma_start3A_659 : memref<2048xf32, #tpu.memory_space<hbm>>) target_semaphore(%run_scoped3A : memref<!tpu.dma_semaphore, #tpu.memory_space<semaphore_mem>>)
        %dma_wait3A_660 = tpu.memref_slice %arg12[%add3A_11] : memref<131072xf32, #tpu.memory_space<hbm>> -> memref<2048xf32, #tpu.memory_space<hbm>>
        %dma_wait3A_661 = tpu.memref_slice %arg12[%add3A_11] : memref<131072xf32, #tpu.memory_space<hbm>> -> memref<2048xf32, #tpu.memory_space<hbm>>
        tpu.wait_dma2 semaphore(%run_scoped3A : memref<!tpu.dma_semaphore, #tpu.memory_space<semaphore_mem>>) src(%arg25 : memref<2048xf32, #tpu.memory_space<vmem>>) dst(%dma_wait3A_661 : memref<2048xf32, #tpu.memory_space<hbm>>)
        tpu.yield
      }) : () -> ()
      "tpu.region"() ({
        %run_scoped3A = tpu.sem_alloc : memref<!tpu.dma_semaphore, #tpu.memory_space<semaphore_mem>>
        %dma_start3A_658 = tpu.memref_slice %arg13[%add3A_11] : memref<131072xf32, #tpu.memory_space<hbm>> -> memref<2048xf32, #tpu.memory_space<hbm>>
        %dma_start3A_659 = tpu.memref_slice %arg13[%add3A_11] : memref<131072xf32, #tpu.memory_space<hbm>> -> memref<2048xf32, #tpu.memory_space<hbm>>
        tpu.enqueue_dma source(%arg26 : memref<2048xf32, #tpu.memory_space<vmem>>) target(%dma_start3A_659 : memref<2048xf32, #tpu.memory_space<hbm>>) target_semaphore(%run_scoped3A : memref<!tpu.dma_semaphore, #tpu.memory_space<semaphore_mem>>)
        %dma_wait3A_660 = tpu.memref_slice %arg13[%add3A_11] : memref<131072xf32, #tpu.memory_space<hbm>> -> memref<2048xf32, #tpu.memory_space<hbm>>
        %dma_wait3A_661 = tpu.memref_slice %arg13[%add3A_11] : memref<131072xf32, #tpu.memory_space<hbm>> -> memref<2048xf32, #tpu.memory_space<hbm>>
        tpu.wait_dma2 semaphore(%run_scoped3A : memref<!tpu.dma_semaphore, #tpu.memory_space<semaphore_mem>>) src(%arg26 : memref<2048xf32, #tpu.memory_space<vmem>>) dst(%dma_wait3A_661 : memref<2048xf32, #tpu.memory_space<hbm>>)
        tpu.yield
      }) : () -> ()
    }
    %scan3A_5 = arith.constant 2 : i32
    return
  }
}

module attributes {stable_mosaic.version = 14 : i64} {
  func.func @_k1_body(%arg0: memref<3x200000xf32, #tpu.memory_space<vmem>>, %arg1: memref<200000xf32, #tpu.memory_space<vmem>>, %arg2: memref<4x4xf32, #tpu.memory_space<smem>>, %arg3: memref<200000xf32, #tpu.memory_space<vmem>>) attributes {dimension_semantics = [], scalar_prefetch = 0 : i64, scratch_operands = 0 : i64, tpu.core_type = #tpu.core_type<tc>} {
    %get3A = arith.constant 0 : index
    %get3A_0 = arith.constant 0 : index
    %get3A_1 = vector.load %arg0[%get3A, %get3A_0] : memref<3x200000xf32, #tpu.memory_space<vmem>>, vector<1x200000xf32>
    %get3A_2 = vector.shape_cast %get3A_1 : vector<1x200000xf32> to vector<200000xf32>
    %convert_element_type3A = arith.truncf %get3A_2 : vector<200000xf32> to vector<200000xbf16>
    %convert_element_type3A_3 = arith.extf %convert_element_type3A : vector<200000xbf16> to vector<200000xf32>
    %get3A_4 = arith.constant 1 : index
    %get3A_5 = arith.constant 0 : index
    %get3A_6 = vector.load %arg0[%get3A_4, %get3A_5] : memref<3x200000xf32, #tpu.memory_space<vmem>>, vector<1x200000xf32>
    %get3A_7 = vector.shape_cast %get3A_6 : vector<1x200000xf32> to vector<200000xf32>
    %convert_element_type3A_8 = arith.truncf %get3A_7 : vector<200000xf32> to vector<200000xbf16>
    %convert_element_type3A_9 = arith.extf %convert_element_type3A_8 : vector<200000xbf16> to vector<200000xf32>
    %get3A_10 = arith.constant 2 : index
    %get3A_11 = arith.constant 0 : index
    %get3A_12 = vector.load %arg0[%get3A_10, %get3A_11] : memref<3x200000xf32, #tpu.memory_space<vmem>>, vector<1x200000xf32>
    %get3A_13 = vector.shape_cast %get3A_12 : vector<1x200000xf32> to vector<200000xf32>
    %convert_element_type3A_14 = arith.truncf %get3A_13 : vector<200000xf32> to vector<200000xbf16>
    %convert_element_type3A_15 = arith.extf %convert_element_type3A_14 : vector<200000xbf16> to vector<200000xf32>
    %get3A_16 = arith.constant 0 : index
    %get3A_17 = arith.constant 0 : index
    %get3A_18 = memref.load %arg2[%get3A_16, %get3A_17] : memref<4x4xf32, #tpu.memory_space<smem>>
    %mul3A = vector.broadcast %get3A_18 : f32 to vector<200000xf32>
    %mul3A_19 = arith.mulf %convert_element_type3A_3, %mul3A : vector<200000xf32>
    %get3A_20 = arith.constant 0 : index
    %get3A_21 = arith.constant 1 : index
    %get3A_22 = memref.load %arg2[%get3A_20, %get3A_21] : memref<4x4xf32, #tpu.memory_space<smem>>
    %mul3A_23 = vector.broadcast %get3A_22 : f32 to vector<200000xf32>
    %mul3A_24 = arith.mulf %convert_element_type3A_9, %mul3A_23 : vector<200000xf32>
    %add3A = arith.addf %mul3A_19, %mul3A_24 : vector<200000xf32>
    %get3A_25 = arith.constant 0 : index
    %get3A_26 = arith.constant 2 : index
    %get3A_27 = memref.load %arg2[%get3A_25, %get3A_26] : memref<4x4xf32, #tpu.memory_space<smem>>
    %mul3A_28 = vector.broadcast %get3A_27 : f32 to vector<200000xf32>
    %mul3A_29 = arith.mulf %convert_element_type3A_15, %mul3A_28 : vector<200000xf32>
    %add3A_30 = arith.addf %add3A, %mul3A_29 : vector<200000xf32>
    %get3A_31 = arith.constant 0 : index
    %get3A_32 = arith.constant 3 : index
    %get3A_33 = memref.load %arg2[%get3A_31, %get3A_32] : memref<4x4xf32, #tpu.memory_space<smem>>
    %add3A_34 = vector.broadcast %get3A_33 : f32 to vector<200000xf32>
    %add3A_35 = arith.addf %add3A_30, %add3A_34 : vector<200000xf32>
    %get3A_36 = arith.constant 1 : index
    %get3A_37 = arith.constant 0 : index
    %get3A_38 = memref.load %arg2[%get3A_36, %get3A_37] : memref<4x4xf32, #tpu.memory_space<smem>>
    %mul3A_39 = vector.broadcast %get3A_38 : f32 to vector<200000xf32>
    %mul3A_40 = arith.mulf %convert_element_type3A_3, %mul3A_39 : vector<200000xf32>
    %get3A_41 = arith.constant 1 : index
    %get3A_42 = arith.constant 1 : index
    %get3A_43 = memref.load %arg2[%get3A_41, %get3A_42] : memref<4x4xf32, #tpu.memory_space<smem>>
    %mul3A_44 = vector.broadcast %get3A_43 : f32 to vector<200000xf32>
    %mul3A_45 = arith.mulf %convert_element_type3A_9, %mul3A_44 : vector<200000xf32>
    %add3A_46 = arith.addf %mul3A_40, %mul3A_45 : vector<200000xf32>
    %get3A_47 = arith.constant 1 : index
    %get3A_48 = arith.constant 2 : index
    %get3A_49 = memref.load %arg2[%get3A_47, %get3A_48] : memref<4x4xf32, #tpu.memory_space<smem>>
    %mul3A_50 = vector.broadcast %get3A_49 : f32 to vector<200000xf32>
    %mul3A_51 = arith.mulf %convert_element_type3A_15, %mul3A_50 : vector<200000xf32>
    %add3A_52 = arith.addf %add3A_46, %mul3A_51 : vector<200000xf32>
    %get3A_53 = arith.constant 1 : index
    %get3A_54 = arith.constant 3 : index
    %get3A_55 = memref.load %arg2[%get3A_53, %get3A_54] : memref<4x4xf32, #tpu.memory_space<smem>>
    %add3A_56 = vector.broadcast %get3A_55 : f32 to vector<200000xf32>
    %add3A_57 = arith.addf %add3A_52, %add3A_56 : vector<200000xf32>
    %get3A_58 = arith.constant 2 : index
    %get3A_59 = arith.constant 0 : index
    %get3A_60 = memref.load %arg2[%get3A_58, %get3A_59] : memref<4x4xf32, #tpu.memory_space<smem>>
    %mul3A_61 = vector.broadcast %get3A_60 : f32 to vector<200000xf32>
    %mul3A_62 = arith.mulf %convert_element_type3A_3, %mul3A_61 : vector<200000xf32>
    %get3A_63 = arith.constant 2 : index
    %get3A_64 = arith.constant 1 : index
    %get3A_65 = memref.load %arg2[%get3A_63, %get3A_64] : memref<4x4xf32, #tpu.memory_space<smem>>
    %mul3A_66 = vector.broadcast %get3A_65 : f32 to vector<200000xf32>
    %mul3A_67 = arith.mulf %convert_element_type3A_9, %mul3A_66 : vector<200000xf32>
    %add3A_68 = arith.addf %mul3A_62, %mul3A_67 : vector<200000xf32>
    %get3A_69 = arith.constant 2 : index
    %get3A_70 = arith.constant 2 : index
    %get3A_71 = memref.load %arg2[%get3A_69, %get3A_70] : memref<4x4xf32, #tpu.memory_space<smem>>
    %mul3A_72 = vector.broadcast %get3A_71 : f32 to vector<200000xf32>
    %mul3A_73 = arith.mulf %convert_element_type3A_15, %mul3A_72 : vector<200000xf32>
    %add3A_74 = arith.addf %add3A_68, %mul3A_73 : vector<200000xf32>
    %get3A_75 = arith.constant 2 : index
    %get3A_76 = arith.constant 3 : index
    %get3A_77 = memref.load %arg2[%get3A_75, %get3A_76] : memref<4x4xf32, #tpu.memory_space<smem>>
    %add3A_78 = vector.broadcast %get3A_77 : f32 to vector<200000xf32>
    %add3A_79 = arith.addf %add3A_74, %add3A_78 : vector<200000xf32>
    %max3A = arith.constant 9.99999997E-7 : f32
    %max3A_80 = vector.broadcast %max3A : f32 to vector<200000xf32>
    %max3A_81 = arith.maximumf %add3A_79, %max3A_80 : vector<200000xf32>
    %div3A = arith.divf %add3A_35, %max3A_81 : vector<200000xf32>
    %mul3A_82 = arith.constant 1.000000e+03 : f32
    %mul3A_83 = vector.broadcast %mul3A_82 : f32 to vector<200000xf32>
    %mul3A_84 = arith.mulf %div3A, %mul3A_83 : vector<200000xf32>
    %div3A_85 = arith.divf %add3A_57, %max3A_81 : vector<200000xf32>
    %mul3A_86 = arith.constant 1.000000e+03 : f32
    %mul3A_87 = vector.broadcast %mul3A_86 : f32 to vector<200000xf32>
    %mul3A_88 = arith.mulf %div3A_85, %mul3A_87 : vector<200000xf32>
    %gt3A = arith.constant 1.000000e-01 : f32
    %gt3A_89 = vector.broadcast %gt3A : f32 to vector<200000xf32>
    %gt3A_90 = arith.cmpf ogt, %add3A_79, %gt3A_89 : vector<200000xf32>
    %lt3A = arith.constant 1.000000e+02 : f32
    %lt3A_91 = vector.broadcast %lt3A : f32 to vector<200000xf32>
    %lt3A_92 = arith.cmpf olt, %add3A_79, %lt3A_91 : vector<200000xf32>
    %and3A = arith.andi %gt3A_90, %lt3A_92 : vector<200000xi1>
    %abs3A = math.absf %mul3A_84 : vector<200000xf32>
    %le3A = arith.constant 8.000000e+02 : f32
    %le3A_93 = vector.broadcast %le3A : f32 to vector<200000xf32>
    %le3A_94 = arith.cmpf ole, %abs3A, %le3A_93 : vector<200000xf32>
    %and3A_95 = arith.andi %and3A, %le3A_94 : vector<200000xi1>
    %abs3A_96 = math.absf %mul3A_88 : vector<200000xf32>
    %le3A_97 = arith.constant 6.000000e+02 : f32
    %le3A_98 = vector.broadcast %le3A_97 : f32 to vector<200000xf32>
    %le3A_99 = arith.cmpf ole, %abs3A_96, %le3A_98 : vector<200000xf32>
    %and3A_100 = arith.andi %and3A_95, %le3A_99 : vector<200000xi1>
    %get3A_101 = arith.constant 0 : index
    %get3A_102 = vector.load %arg1[%get3A_101] : memref<200000xf32, #tpu.memory_space<vmem>>, vector<200000xf32>
    %convert_element_type3A_103 = arith.extui %and3A_100 : vector<200000xi1> to vector<200000xi32>
    %convert_element_type3A_104 = arith.sitofp %convert_element_type3A_103 : vector<200000xi32> to vector<200000xf32>
    %mul3A_105 = arith.mulf %get3A_102, %convert_element_type3A_104 : vector<200000xf32>
    %swap3A = arith.constant 0 : index
    %swap3A_106 = vector.load %arg3[%swap3A] : memref<200000xf32, #tpu.memory_space<vmem>>, vector<200000xf32>
    tpu.vector_store %arg3[%swap3A], %mul3A_105 {strides = array<i32>} : memref<200000xf32, #tpu.memory_space<vmem>>, vector<200000xf32>,
    return
  }
}

module attributes {stable_mosaic.version = 14 : i64} {
  func.func @_k2_body(%arg0: memref<1568x128xf32, #tpu.memory_space<vmem>>, %arg1: memref<1xf32, #tpu.memory_space<smem>>) attributes {dimension_semantics = [], scalar_prefetch = 0 : i64, scratch_operands = 0 : i64, tpu.core_type = #tpu.core_type<tc>} {
    %broadcast_in_dim3A = arith.constant 0.000000e+00 : f32
    %broadcast_in_dim3A_0 = vector.broadcast %broadcast_in_dim3A : f32 to vector<8x128xf32>
    %scan3A = arith.constant 0 : i32
    %scan3A_1 = arith.constant 196 : i32
    %scan3A_2 = arith.addi %scan3A, %scan3A_1 : i32
    %scan3A_3 = arith.constant 1 : i32
    %scan3A_4 = scf.for %scan3A_20 = %scan3A to %scan3A_2 step %scan3A_3 iter_args(%scan3A_21 = %broadcast_in_dim3A_0) -> (vector<8x128xf32>)  : i32 {
      %mul3A = arith.constant 8 : i32
      %mul3A_22 = arith.muli %scan3A_20, %mul3A : i32
      %get3A = arith.index_cast %mul3A_22 : i32 to index
      %get3A_23 = arith.constant 0 : index
      %get3A_24 = vector.load %arg0[%get3A, %get3A_23] : memref<1568x128xf32, #tpu.memory_space<vmem>>, vector<8x128xf32>
      %add3A_25 = arith.addf %scan3A_21, %get3A_24 : vector<8x128xf32>
      scf.yield %add3A_25 : vector<8x128xf32>
    }
    %scan3A_5 = arith.constant 196 : i32
    %roll3A = arith.constant 4 : i32
    %roll3A_6 = tpu.dynamic_rotate %scan3A_4 by %roll3A dim 0 : vector<8x128xf32>, i32 -> vector<8x128xf32>
    %add3A = arith.addf %scan3A_4, %roll3A_6 : vector<8x128xf32>
    %roll3A_7 = arith.constant 2 : i32
    %roll3A_8 = tpu.dynamic_rotate %add3A by %roll3A_7 dim 0 : vector<8x128xf32>, i32 -> vector<8x128xf32>
    %add3A_9 = arith.addf %add3A, %roll3A_8 : vector<8x128xf32>
    %roll3A_10 = arith.constant 1 : i32
    %roll3A_11 = tpu.dynamic_rotate %add3A_9 by %roll3A_10 dim 0 : vector<8x128xf32>, i32 -> vector<8x128xf32>
    %add3A_12 = arith.addf %add3A_9, %roll3A_11 : vector<8x128xf32>
    %slice3A = vector.extract_strided_slice %add3A_12 {offsets = [0, 0], sizes = [1, 128], strides = [1, 1]} : vector<8x128xf32> to vector<1x128xf32>
    %squeeze3A = vector.shape_cast %slice3A : vector<1x128xf32> to vector<128xf32>
    %reduce_sum3A = vector.shape_cast %squeeze3A : vector<128xf32> to vector<1x128xf32>
    %reduce_sum3A_13 = arith.constant dense<0.000000e+00> : vector<1xf32>
    %reduce_sum3A_14 = vector.multi_reduction <add>, %reduce_sum3A, %reduce_sum3A_13 [1] : vector<1x128xf32> to vector<1xf32>
    %reduce_sum3A_15 = vector.shape_cast %reduce_sum3A_14 : vector<1xf32> to vector<1x1xf32>
    %reduce_sum3A_16 = vector.extract %reduce_sum3A_15[0, 0] : f32 from vector<1x1xf32>
    %add3A_17 = arith.constant 9.99999996E-13 : f32
    %add3A_18 = arith.addf %reduce_sum3A_16, %add3A_17 : f32
    %swap3A = arith.constant 0 : index
    %swap3A_19 = memref.load %arg1[%swap3A] : memref<1xf32, #tpu.memory_space<smem>>
    memref.store %add3A_18, %arg1[%swap3A] : memref<1xf32, #tpu.memory_space<smem>>
    return
  }
}

module attributes {stable_mosaic.version = 14 : i64} {
  func.func @_k3_body(%arg0: memref<128x1568xf32, #tpu.memory_space<vmem>>, %arg1: memref<1xf32, #tpu.memory_space<vmem>>, %arg2: memref<128x1568xf32, #tpu.memory_space<vmem>>) attributes {dimension_semantics = [], scalar_prefetch = 0 : i64, scratch_operands = 0 : i64, tpu.core_type = #tpu.core_type<tc>} {
    %get3A = arith.constant 0 : index
    %get3A_0 = vector.load %arg1[%get3A] : memref<1xf32, #tpu.memory_space<vmem>>, vector<1xf32>
    %get3A_1 = vector.extract %get3A_0[0] : f32 from vector<1xf32>
    %get3A_2 = arith.constant 0 : index
    %get3A_3 = arith.constant 0 : index
    %get3A_4 = vector.load %arg0[%get3A_2, %get3A_3] : memref<128x1568xf32, #tpu.memory_space<vmem>>, vector<1x1568xf32>
    %div3A = vector.broadcast %get3A_1 : f32 to vector<1x1568xf32>
    %div3A_5 = arith.divf %get3A_4, %div3A : vector<1x1568xf32>
    %swap3A = arith.constant 0 : index
    %swap3A_6 = arith.constant 0 : index
    %swap3A_7 = vector.load %arg2[%swap3A, %swap3A_6] : memref<128x1568xf32, #tpu.memory_space<vmem>>, vector<1x1568xf32>
    tpu.vector_store %arg2[%swap3A, %swap3A_6], %div3A_5 {strides = array<i32>} : memref<128x1568xf32, #tpu.memory_space<vmem>>, vector<1x1568xf32>,
    %get3A_8 = arith.constant 1 : index
    %get3A_9 = arith.constant 0 : index
    %get3A_10 = vector.load %arg0[%get3A_8, %get3A_9] : memref<128x1568xf32, #tpu.memory_space<vmem>>, vector<1x1568xf32>
    %div3A_11 = vector.broadcast %get3A_1 : f32 to vector<1x1568xf32>
    %div3A_12 = arith.divf %get3A_10, %div3A_11 : vector<1x1568xf32>
    %add3A = arith.addf %div3A_5, %div3A_12 : vector<1x1568xf32>
    %swap3A_13 = arith.constant 1 : index
    %swap3A_14 = arith.constant 0 : index
    %swap3A_15 = vector.load %arg2[%swap3A_13, %swap3A_14] : memref<128x1568xf32, #tpu.memory_space<vmem>>, vector<1x1568xf32>
    tpu.vector_store %arg2[%swap3A_13, %swap3A_14], %add3A {strides = array<i32>} : memref<128x1568xf32, #tpu.memory_space<vmem>>, vector<1x1568xf32>,
    %get3A_16 = arith.constant 2 : index
    %get3A_17 = arith.constant 0 : index
    %get3A_18 = vector.load %arg0[%get3A_16, %get3A_17] : memref<128x1568xf32, #tpu.memory_space<vmem>>, vector<1x1568xf32>
    %div3A_19 = vector.broadcast %get3A_1 : f32 to vector<1x1568xf32>
    %div3A_20 = arith.divf %get3A_18, %div3A_19 : vector<1x1568xf32>
    %add3A_21 = arith.addf %add3A, %div3A_20 : vector<1x1568xf32>
    %swap3A_22 = arith.constant 2 : index
    %swap3A_23 = arith.constant 0 : index
    %swap3A_24 = vector.load %arg2[%swap3A_22, %swap3A_23] : memref<128x1568xf32, #tpu.memory_space<vmem>>, vector<1x1568xf32>
    tpu.vector_store %arg2[%swap3A_22, %swap3A_23], %add3A_21 {strides = array<i32>} : memref<128x1568xf32, #tpu.memory_space<vmem>>, vector<1x1568xf32>,
    %get3A_25 = arith.constant 3 : index
    %get3A_26 = arith.constant 0 : index
    %get3A_27 = vector.load %arg0[%get3A_25, %get3A_26] : memref<128x1568xf32, #tpu.memory_space<vmem>>, vector<1x1568xf32>
    %div3A_28 = vector.broadcast %get3A_1 : f32 to vector<1x1568xf32>
    %div3A_29 = arith.divf %get3A_27, %div3A_28 : vector<1x1568xf32>
    %add3A_30 = arith.addf %add3A_21, %div3A_29 : vector<1x1568xf32>
    %swap3A_31 = arith.constant 3 : index
    %swap3A_32 = arith.constant 0 : index
    %swap3A_33 = vector.load %arg2[%swap3A_31, %swap3A_32] : memref<128x1568xf32, #tpu.memory_space<vmem>>, vector<1x1568xf32>
    tpu.vector_store %arg2[%swap3A_31, %swap3A_32], %add3A_30 {strides = array<i32>} : memref<128x1568xf32, #tpu.memory_space<vmem>>, vector<1x1568xf32>,
    %get3A_34 = arith.constant 4 : index
    %get3A_35 = arith.constant 0 : index
    %get3A_36 = vector.load %arg0[%get3A_34, %get3A_35] : memref<128x1568xf32, #tpu.memory_space<vmem>>, vector<1x1568xf32>
    %div3A_37 = vector.broadcast %get3A_1 : f32 to vector<1x1568xf32>
    %div3A_38 = arith.divf %get3A_36, %div3A_37 : vector<1x1568xf32>
    %add3A_39 = arith.addf %add3A_30, %div3A_38 : vector<1x1568xf32>
    %swap3A_40 = arith.constant 4 : index
    %swap3A_41 = arith.constant 0 : index
    %swap3A_42 = vector.load %arg2[%swap3A_40, %swap3A_41] : memref<128x1568xf32, #tpu.memory_space<vmem>>, vector<1x1568xf32>
    tpu.vector_store %arg2[%swap3A_40, %swap3A_41], %add3A_39 {strides = array<i32>} : memref<128x1568xf32, #tpu.memory_space<vmem>>, vector<1x1568xf32>,
    %get3A_43 = arith.constant 5 : index
    %get3A_44 = arith.constant 0 : index
    %get3A_45 = vector.load %arg0[%get3A_43, %get3A_44] : memref<128x1568xf32, #tpu.memory_space<vmem>>, vector<1x1568xf32>
    %div3A_46 = vector.broadcast %get3A_1 : f32 to vector<1x1568xf32>
    %div3A_47 = arith.divf %get3A_45, %div3A_46 : vector<1x1568xf32>
    %add3A_48 = arith.addf %add3A_39, %div3A_47 : vector<1x1568xf32>
    %swap3A_49 = arith.constant 5 : index
    %swap3A_50 = arith.constant 0 : index
    %swap3A_51 = vector.load %arg2[%swap3A_49, %swap3A_50] : memref<128x1568xf32, #tpu.memory_space<vmem>>, vector<1x1568xf32>
    tpu.vector_store %arg2[%swap3A_49, %swap3A_50], %add3A_48 {strides = array<i32>} : memref<128x1568xf32, #tpu.memory_space<vmem>>, vector<1x1568xf32>,
    %get3A_52 = arith.constant 6 : index
    %get3A_53 = arith.constant 0 : index
    %get3A_54 = vector.load %arg0[%get3A_52, %get3A_53] : memref<128x1568xf32, #tpu.memory_space<vmem>>, vector<1x1568xf32>
    %div3A_55 = vector.broadcast %get3A_1 : f32 to vector<1x1568xf32>
    %div3A_56 = arith.divf %get3A_54, %div3A_55 : vector<1x1568xf32>
    %add3A_57 = arith.addf %add3A_48, %div3A_56 : vector<1x1568xf32>
    %swap3A_58 = arith.constant 6 : index
    %swap3A_59 = arith.constant 0 : index
    %swap3A_60 = vector.load %arg2[%swap3A_58, %swap3A_59] : memref<128x1568xf32, #tpu.memory_space<vmem>>, vector<1x1568xf32>
    tpu.vector_store %arg2[%swap3A_58, %swap3A_59], %add3A_57 {strides = array<i32>} : memref<128x1568xf32, #tpu.memory_space<vmem>>, vector<1x1568xf32>,
    %get3A_61 = arith.constant 7 : index
    %get3A_62 = arith.constant 0 : index
    %get3A_63 = vector.load %arg0[%get3A_61, %get3A_62] : memref<128x1568xf32, #tpu.memory_space<vmem>>, vector<1x1568xf32>
    %div3A_64 = vector.broadcast %get3A_1 : f32 to vector<1x1568xf32>
    %div3A_65 = arith.divf %get3A_63, %div3A_64 : vector<1x1568xf32>
    %add3A_66 = arith.addf %add3A_57, %div3A_65 : vector<1x1568xf32>
    %swap3A_67 = arith.constant 7 : index
    %swap3A_68 = arith.constant 0 : index
    %swap3A_69 = vector.load %arg2[%swap3A_67, %swap3A_68] : memref<128x1568xf32, #tpu.memory_space<vmem>>, vector<1x1568xf32>
    tpu.vector_store %arg2[%swap3A_67, %swap3A_68], %add3A_66 {strides = array<i32>} : memref<128x1568xf32, #tpu.memory_space<vmem>>, vector<1x1568xf32>,
    %get3A_70 = arith.constant 8 : index
    %get3A_71 = arith.constant 0 : index
    %get3A_72 = vector.load %arg0[%get3A_70, %get3A_71] : memref<128x1568xf32, #tpu.memory_space<vmem>>, vector<1x1568xf32>
    %div3A_73 = vector.broadcast %get3A_1 : f32 to vector<1x1568xf32>
    %div3A_74 = arith.divf %get3A_72, %div3A_73 : vector<1x1568xf32>
    %add3A_75 = arith.addf %add3A_66, %div3A_74 : vector<1x1568xf32>
    %swap3A_76 = arith.constant 8 : index
    %swap3A_77 = arith.constant 0 : index
    %swap3A_78 = vector.load %arg2[%swap3A_76, %swap3A_77] : memref<128x1568xf32, #tpu.memory_space<vmem>>, vector<1x1568xf32>
    tpu.vector_store %arg2[%swap3A_76, %swap3A_77], %add3A_75 {strides = array<i32>} : memref<128x1568xf32, #tpu.memory_space<vmem>>, vector<1x1568xf32>,
    %get3A_79 = arith.constant 9 : index
    %get3A_80 = arith.constant 0 : index
    %get3A_81 = vector.load %arg0[%get3A_79, %get3A_80] : memref<128x1568xf32, #tpu.memory_space<vmem>>, vector<1x1568xf32>
    %div3A_82 = vector.broadcast %get3A_1 : f32 to vector<1x1568xf32>
    %div3A_83 = arith.divf %get3A_81, %div3A_82 : vector<1x1568xf32>
    %add3A_84 = arith.addf %add3A_75, %div3A_83 : vector<1x1568xf32>
    %swap3A_85 = arith.constant 9 : index
    %swap3A_86 = arith.constant 0 : index
    %swap3A_87 = vector.load %arg2[%swap3A_85, %swap3A_86] : memref<128x1568xf32, #tpu.memory_space<vmem>>, vector<1x1568xf32>
    tpu.vector_store %arg2[%swap3A_85, %swap3A_86], %add3A_84 {strides = array<i32>} : memref<128x1568xf32, #tpu.memory_space<vmem>>, vector<1x1568xf32>,
    %get3A_88 = arith.constant 10 : index
    %get3A_89 = arith.constant 0 : index
    %get3A_90 = vector.load %arg0[%get3A_88, %get3A_89] : memref<128x1568xf32, #tpu.memory_space<vmem>>, vector<1x1568xf32>
    %div3A_91 = vector.broadcast %get3A_1 : f32 to vector<1x1568xf32>
    %div3A_92 = arith.divf %get3A_90, %div3A_91 : vector<1x1568xf32>
    %add3A_93 = arith.addf %add3A_84, %div3A_92 : vector<1x1568xf32>
    %swap3A_94 = arith.constant 10 : index
    %swap3A_95 = arith.constant 0 : index
    %swap3A_96 = vector.load %arg2[%swap3A_94, %swap3A_95] : memref<128x1568xf32, #tpu.memory_space<vmem>>, vector<1x1568xf32>
    tpu.vector_store %arg2[%swap3A_94, %swap3A_95], %add3A_93 {strides = array<i32>} : memref<128x1568xf32, #tpu.memory_space<vmem>>, vector<1x1568xf32>,
    %get3A_97 = arith.constant 11 : index
    %get3A_98 = arith.constant 0 : index
    %get3A_99 = vector.load %arg0[%get3A_97, %get3A_98] : memref<128x1568xf32, #tpu.memory_space<vmem>>, vector<1x1568xf32>
    %div3A_100 = vector.broadcast %get3A_1 : f32 to vector<1x1568xf32>
    %div3A_101 = arith.divf %get3A_99, %div3A_100 : vector<1x1568xf32>
    %add3A_102 = arith.addf %add3A_93, %div3A_101 : vector<1x1568xf32>
    %swap3A_103 = arith.constant 11 : index
    %swap3A_104 = arith.constant 0 : index
    %swap3A_105 = vector.load %arg2[%swap3A_103, %swap3A_104] : memref<128x1568xf32, #tpu.memory_space<vmem>>, vector<1x1568xf32>
    tpu.vector_store %arg2[%swap3A_103, %swap3A_104], %add3A_102 {strides = array<i32>} : memref<128x1568xf32, #tpu.memory_space<vmem>>, vector<1x1568xf32>,
    %get3A_106 = arith.constant 12 : index
    %get3A_107 = arith.constant 0 : index
    %get3A_108 = vector.load %arg0[%get3A_106, %get3A_107] : memref<128x1568xf32, #tpu.memory_space<vmem>>, vector<1x1568xf32>
    %div3A_109 = vector.broadcast %get3A_1 : f32 to vector<1x1568xf32>
    %div3A_110 = arith.divf %get3A_108, %div3A_109 : vector<1x1568xf32>
    %add3A_111 = arith.addf %add3A_102, %div3A_110 : vector<1x1568xf32>
    %swap3A_112 = arith.constant 12 : index
    %swap3A_113 = arith.constant 0 : index
    %swap3A_114 = vector.load %arg2[%swap3A_112, %swap3A_113] : memref<128x1568xf32, #tpu.memory_space<vmem>>, vector<1x1568xf32>
    tpu.vector_store %arg2[%swap3A_112, %swap3A_113], %add3A_111 {strides = array<i32>} : memref<128x1568xf32, #tpu.memory_space<vmem>>, vector<1x1568xf32>,
    %get3A_115 = arith.constant 13 : index
    %get3A_116 = arith.constant 0 : index
    %get3A_117 = vector.load %arg0[%get3A_115, %get3A_116] : memref<128x1568xf32, #tpu.memory_space<vmem>>, vector<1x1568xf32>
    %div3A_118 = vector.broadcast %get3A_1 : f32 to vector<1x1568xf32>
    %div3A_119 = arith.divf %get3A_117, %div3A_118 : vector<1x1568xf32>
    %add3A_120 = arith.addf %add3A_111, %div3A_119 : vector<1x1568xf32>
    %swap3A_121 = arith.constant 13 : index
    %swap3A_122 = arith.constant 0 : index
    %swap3A_123 = vector.load %arg2[%swap3A_121, %swap3A_122] : memref<128x1568xf32, #tpu.memory_space<vmem>>, vector<1x1568xf32>
    tpu.vector_store %arg2[%swap3A_121, %swap3A_122], %add3A_120 {strides = array<i32>} : memref<128x1568xf32, #tpu.memory_space<vmem>>, vector<1x1568xf32>,
    %get3A_124 = arith.constant 14 : index
    %get3A_125 = arith.constant 0 : index
    %get3A_126 = vector.load %arg0[%get3A_124, %get3A_125] : memref<128x1568xf32, #tpu.memory_space<vmem>>, vector<1x1568xf32>
    %div3A_127 = vector.broadcast %get3A_1 : f32 to vector<1x1568xf32>
    %div3A_128 = arith.divf %get3A_126, %div3A_127 : vector<1x1568xf32>
    %add3A_129 = arith.addf %add3A_120, %div3A_128 : vector<1x1568xf32>
    %swap3A_130 = arith.constant 14 : index
    %swap3A_131 = arith.constant 0 : index
    %swap3A_132 = vector.load %arg2[%swap3A_130, %swap3A_131] : memref<128x1568xf32, #tpu.memory_space<vmem>>, vector<1x1568xf32>
    tpu.vector_store %arg2[%swap3A_130, %swap3A_131], %add3A_129 {strides = array<i32>} : memref<128x1568xf32, #tpu.memory_space<vmem>>, vector<1x1568xf32>,
    %get3A_133 = arith.constant 15 : index
    %get3A_134 = arith.constant 0 : index
    %get3A_135 = vector.load %arg0[%get3A_133, %get3A_134] : memref<128x1568xf32, #tpu.memory_space<vmem>>, vector<1x1568xf32>
    %div3A_136 = vector.broadcast %get3A_1 : f32 to vector<1x1568xf32>
    %div3A_137 = arith.divf %get3A_135, %div3A_136 : vector<1x1568xf32>
    %add3A_138 = arith.addf %add3A_129, %div3A_137 : vector<1x1568xf32>
    %swap3A_139 = arith.constant 15 : index
    %swap3A_140 = arith.constant 0 : index
    %swap3A_141 = vector.load %arg2[%swap3A_139, %swap3A_140] : memref<128x1568xf32, #tpu.memory_space<vmem>>, vector<1x1568xf32>
    tpu.vector_store %arg2[%swap3A_139, %swap3A_140], %add3A_138 {strides = array<i32>} : memref<128x1568xf32, #tpu.memory_space<vmem>>, vector<1x1568xf32>,
    %get3A_142 = arith.constant 16 : index
    %get3A_143 = arith.constant 0 : index
    %get3A_144 = vector.load %arg0[%get3A_142, %get3A_143] : memref<128x1568xf32, #tpu.memory_space<vmem>>, vector<1x1568xf32>
    %div3A_145 = vector.broadcast %get3A_1 : f32 to vector<1x1568xf32>
    %div3A_146 = arith.divf %get3A_144, %div3A_145 : vector<1x1568xf32>
    %add3A_147 = arith.addf %add3A_138, %div3A_146 : vector<1x1568xf32>
    %swap3A_148 = arith.constant 16 : index
    %swap3A_149 = arith.constant 0 : index
    %swap3A_150 = vector.load %arg2[%swap3A_148, %swap3A_149] : memref<128x1568xf32, #tpu.memory_space<vmem>>, vector<1x1568xf32>
    tpu.vector_store %arg2[%swap3A_148, %swap3A_149], %add3A_147 {strides = array<i32>} : memref<128x1568xf32, #tpu.memory_space<vmem>>, vector<1x1568xf32>,
    %get3A_151 = arith.constant 17 : index
    %get3A_152 = arith.constant 0 : index
    %get3A_153 = vector.load %arg0[%get3A_151, %get3A_152] : memref<128x1568xf32, #tpu.memory_space<vmem>>, vector<1x1568xf32>
    %div3A_154 = vector.broadcast %get3A_1 : f32 to vector<1x1568xf32>
    %div3A_155 = arith.divf %get3A_153, %div3A_154 : vector<1x1568xf32>
    %add3A_156 = arith.addf %add3A_147, %div3A_155 : vector<1x1568xf32>
    %swap3A_157 = arith.constant 17 : index
    %swap3A_158 = arith.constant 0 : index
    %swap3A_159 = vector.load %arg2[%swap3A_157, %swap3A_158] : memref<128x1568xf32, #tpu.memory_space<vmem>>, vector<1x1568xf32>
    tpu.vector_store %arg2[%swap3A_157, %swap3A_158], %add3A_156 {strides = array<i32>} : memref<128x1568xf32, #tpu.memory_space<vmem>>, vector<1x1568xf32>,
    %get3A_160 = arith.constant 18 : index
    %get3A_161 = arith.constant 0 : index
    %get3A_162 = vector.load %arg0[%get3A_160, %get3A_161] : memref<128x1568xf32, #tpu.memory_space<vmem>>, vector<1x1568xf32>
    %div3A_163 = vector.broadcast %get3A_1 : f32 to vector<1x1568xf32>
    %div3A_164 = arith.divf %get3A_162, %div3A_163 : vector<1x1568xf32>
    %add3A_165 = arith.addf %add3A_156, %div3A_164 : vector<1x1568xf32>
    %swap3A_166 = arith.constant 18 : index
    %swap3A_167 = arith.constant 0 : index
    %swap3A_168 = vector.load %arg2[%swap3A_166, %swap3A_167] : memref<128x1568xf32, #tpu.memory_space<vmem>>, vector<1x1568xf32>
    tpu.vector_store %arg2[%swap3A_166, %swap3A_167], %add3A_165 {strides = array<i32>} : memref<128x1568xf32, #tpu.memory_space<vmem>>, vector<1x1568xf32>,
    %get3A_169 = arith.constant 19 : index
    %get3A_170 = arith.constant 0 : index
    %get3A_171 = vector.load %arg0[%get3A_169, %get3A_170] : memref<128x1568xf32, #tpu.memory_space<vmem>>, vector<1x1568xf32>
    %div3A_172 = vector.broadcast %get3A_1 : f32 to vector<1x1568xf32>
    %div3A_173 = arith.divf %get3A_171, %div3A_172 : vector<1x1568xf32>
    %add3A_174 = arith.addf %add3A_165, %div3A_173 : vector<1x1568xf32>
    %swap3A_175 = arith.constant 19 : index
    %swap3A_176 = arith.constant 0 : index
    %swap3A_177 = vector.load %arg2[%swap3A_175, %swap3A_176] : memref<128x1568xf32, #tpu.memory_space<vmem>>, vector<1x1568xf32>
    tpu.vector_store %arg2[%swap3A_175, %swap3A_176], %add3A_174 {strides = array<i32>} : memref<128x1568xf32, #tpu.memory_space<vmem>>, vector<1x1568xf32>,
    %get3A_178 = arith.constant 20 : index
    %get3A_179 = arith.constant 0 : index
    %get3A_180 = vector.load %arg0[%get3A_178, %get3A_179] : memref<128x1568xf32, #tpu.memory_space<vmem>>, vector<1x1568xf32>
    %div3A_181 = vector.broadcast %get3A_1 : f32 to vector<1x1568xf32>
    %div3A_182 = arith.divf %get3A_180, %div3A_181 : vector<1x1568xf32>
    %add3A_183 = arith.addf %add3A_174, %div3A_182 : vector<1x1568xf32>
    %swap3A_184 = arith.constant 20 : index
    %swap3A_185 = arith.constant 0 : index
    %swap3A_186 = vector.load %arg2[%swap3A_184, %swap3A_185] : memref<128x1568xf32, #tpu.memory_space<vmem>>, vector<1x1568xf32>
    tpu.vector_store %arg2[%swap3A_184, %swap3A_185], %add3A_183 {strides = array<i32>} : memref<128x1568xf32, #tpu.memory_space<vmem>>, vector<1x1568xf32>,
    %get3A_187 = arith.constant 21 : index
    %get3A_188 = arith.constant 0 : index
    %get3A_189 = vector.load %arg0[%get3A_187, %get3A_188] : memref<128x1568xf32, #tpu.memory_space<vmem>>, vector<1x1568xf32>
    %div3A_190 = vector.broadcast %get3A_1 : f32 to vector<1x1568xf32>
    %div3A_191 = arith.divf %get3A_189, %div3A_190 : vector<1x1568xf32>
    %add3A_192 = arith.addf %add3A_183, %div3A_191 : vector<1x1568xf32>
    %swap3A_193 = arith.constant 21 : index
    %swap3A_194 = arith.constant 0 : index
    %swap3A_195 = vector.load %arg2[%swap3A_193, %swap3A_194] : memref<128x1568xf32, #tpu.memory_space<vmem>>, vector<1x1568xf32>
    tpu.vector_store %arg2[%swap3A_193, %swap3A_194], %add3A_192 {strides = array<i32>} : memref<128x1568xf32, #tpu.memory_space<vmem>>, vector<1x1568xf32>,
    %get3A_196 = arith.constant 22 : index
    %get3A_197 = arith.constant 0 : index
    %get3A_198 = vector.load %arg0[%get3A_196, %get3A_197] : memref<128x1568xf32, #tpu.memory_space<vmem>>, vector<1x1568xf32>
    %div3A_199 = vector.broadcast %get3A_1 : f32 to vector<1x1568xf32>
    %div3A_200 = arith.divf %get3A_198, %div3A_199 : vector<1x1568xf32>
    %add3A_201 = arith.addf %add3A_192, %div3A_200 : vector<1x1568xf32>
    %swap3A_202 = arith.constant 22 : index
    %swap3A_203 = arith.constant 0 : index
    %swap3A_204 = vector.load %arg2[%swap3A_202, %swap3A_203] : memref<128x1568xf32, #tpu.memory_space<vmem>>, vector<1x1568xf32>
    tpu.vector_store %arg2[%swap3A_202, %swap3A_203], %add3A_201 {strides = array<i32>} : memref<128x1568xf32, #tpu.memory_space<vmem>>, vector<1x1568xf32>,
    %get3A_205 = arith.constant 23 : index
    %get3A_206 = arith.constant 0 : index
    %get3A_207 = vector.load %arg0[%get3A_205, %get3A_206] : memref<128x1568xf32, #tpu.memory_space<vmem>>, vector<1x1568xf32>
    %div3A_208 = vector.broadcast %get3A_1 : f32 to vector<1x1568xf32>
    %div3A_209 = arith.divf %get3A_207, %div3A_208 : vector<1x1568xf32>
    %add3A_210 = arith.addf %add3A_201, %div3A_209 : vector<1x1568xf32>
    %swap3A_211 = arith.constant 23 : index
    %swap3A_212 = arith.constant 0 : index
    %swap3A_213 = vector.load %arg2[%swap3A_211, %swap3A_212] : memref<128x1568xf32, #tpu.memory_space<vmem>>, vector<1x1568xf32>
    tpu.vector_store %arg2[%swap3A_211, %swap3A_212], %add3A_210 {strides = array<i32>} : memref<128x1568xf32, #tpu.memory_space<vmem>>, vector<1x1568xf32>,
    %get3A_214 = arith.constant 24 : index
    %get3A_215 = arith.constant 0 : index
    %get3A_216 = vector.load %arg0[%get3A_214, %get3A_215] : memref<128x1568xf32, #tpu.memory_space<vmem>>, vector<1x1568xf32>
    %div3A_217 = vector.broadcast %get3A_1 : f32 to vector<1x1568xf32>
    %div3A_218 = arith.divf %get3A_216, %div3A_217 : vector<1x1568xf32>
    %add3A_219 = arith.addf %add3A_210, %div3A_218 : vector<1x1568xf32>
    %swap3A_220 = arith.constant 24 : index
    %swap3A_221 = arith.constant 0 : index
    %swap3A_222 = vector.load %arg2[%swap3A_220, %swap3A_221] : memref<128x1568xf32, #tpu.memory_space<vmem>>, vector<1x1568xf32>
    tpu.vector_store %arg2[%swap3A_220, %swap3A_221], %add3A_219 {strides = array<i32>} : memref<128x1568xf32, #tpu.memory_space<vmem>>, vector<1x1568xf32>,
    %get3A_223 = arith.constant 25 : index
    %get3A_224 = arith.constant 0 : index
    %get3A_225 = vector.load %arg0[%get3A_223, %get3A_224] : memref<128x1568xf32, #tpu.memory_space<vmem>>, vector<1x1568xf32>
    %div3A_226 = vector.broadcast %get3A_1 : f32 to vector<1x1568xf32>
    %div3A_227 = arith.divf %get3A_225, %div3A_226 : vector<1x1568xf32>
    %add3A_228 = arith.addf %add3A_219, %div3A_227 : vector<1x1568xf32>
    %swap3A_229 = arith.constant 25 : index
    %swap3A_230 = arith.constant 0 : index
    %swap3A_231 = vector.load %arg2[%swap3A_229, %swap3A_230] : memref<128x1568xf32, #tpu.memory_space<vmem>>, vector<1x1568xf32>
    tpu.vector_store %arg2[%swap3A_229, %swap3A_230], %add3A_228 {strides = array<i32>} : memref<128x1568xf32, #tpu.memory_space<vmem>>, vector<1x1568xf32>,
    %get3A_232 = arith.constant 26 : index
    %get3A_233 = arith.constant 0 : index
    %get3A_234 = vector.load %arg0[%get3A_232, %get3A_233] : memref<128x1568xf32, #tpu.memory_space<vmem>>, vector<1x1568xf32>
    %div3A_235 = vector.broadcast %get3A_1 : f32 to vector<1x1568xf32>
    %div3A_236 = arith.divf %get3A_234, %div3A_235 : vector<1x1568xf32>
    %add3A_237 = arith.addf %add3A_228, %div3A_236 : vector<1x1568xf32>
    %swap3A_238 = arith.constant 26 : index
    %swap3A_239 = arith.constant 0 : index
    %swap3A_240 = vector.load %arg2[%swap3A_238, %swap3A_239] : memref<128x1568xf32, #tpu.memory_space<vmem>>, vector<1x1568xf32>
    tpu.vector_store %arg2[%swap3A_238, %swap3A_239], %add3A_237 {strides = array<i32>} : memref<128x1568xf32, #tpu.memory_space<vmem>>, vector<1x1568xf32>,
    %get3A_241 = arith.constant 27 : index
    %get3A_242 = arith.constant 0 : index
    %get3A_243 = vector.load %arg0[%get3A_241, %get3A_242] : memref<128x1568xf32, #tpu.memory_space<vmem>>, vector<1x1568xf32>
    %div3A_244 = vector.broadcast %get3A_1 : f32 to vector<1x1568xf32>
    %div3A_245 = arith.divf %get3A_243, %div3A_244 : vector<1x1568xf32>
    %add3A_246 = arith.addf %add3A_237, %div3A_245 : vector<1x1568xf32>
    %swap3A_247 = arith.constant 27 : index
    %swap3A_248 = arith.constant 0 : index
    %swap3A_249 = vector.load %arg2[%swap3A_247, %swap3A_248] : memref<128x1568xf32, #tpu.memory_space<vmem>>, vector<1x1568xf32>
    tpu.vector_store %arg2[%swap3A_247, %swap3A_248], %add3A_246 {strides = array<i32>} : memref<128x1568xf32, #tpu.memory_space<vmem>>, vector<1x1568xf32>,
    %get3A_250 = arith.constant 28 : index
    %get3A_251 = arith.constant 0 : index
    %get3A_252 = vector.load %arg0[%get3A_250, %get3A_251] : memref<128x1568xf32, #tpu.memory_space<vmem>>, vector<1x1568xf32>
    %div3A_253 = vector.broadcast %get3A_1 : f32 to vector<1x1568xf32>
    %div3A_254 = arith.divf %get3A_252, %div3A_253 : vector<1x1568xf32>
    %add3A_255 = arith.addf %add3A_246, %div3A_254 : vector<1x1568xf32>
    %swap3A_256 = arith.constant 28 : index
    %swap3A_257 = arith.constant 0 : index
    %swap3A_258 = vector.load %arg2[%swap3A_256, %swap3A_257] : memref<128x1568xf32, #tpu.memory_space<vmem>>, vector<1x1568xf32>
    tpu.vector_store %arg2[%swap3A_256, %swap3A_257], %add3A_255 {strides = array<i32>} : memref<128x1568xf32, #tpu.memory_space<vmem>>, vector<1x1568xf32>,
    %get3A_259 = arith.constant 29 : index
    %get3A_260 = arith.constant 0 : index
    %get3A_261 = vector.load %arg0[%get3A_259, %get3A_260] : memref<128x1568xf32, #tpu.memory_space<vmem>>, vector<1x1568xf32>
    %div3A_262 = vector.broadcast %get3A_1 : f32 to vector<1x1568xf32>
    %div3A_263 = arith.divf %get3A_261, %div3A_262 : vector<1x1568xf32>
    %add3A_264 = arith.addf %add3A_255, %div3A_263 : vector<1x1568xf32>
    %swap3A_265 = arith.constant 29 : index
    %swap3A_266 = arith.constant 0 : index
    %swap3A_267 = vector.load %arg2[%swap3A_265, %swap3A_266] : memref<128x1568xf32, #tpu.memory_space<vmem>>, vector<1x1568xf32>
    tpu.vector_store %arg2[%swap3A_265, %swap3A_266], %add3A_264 {strides = array<i32>} : memref<128x1568xf32, #tpu.memory_space<vmem>>, vector<1x1568xf32>,
    %get3A_268 = arith.constant 30 : index
    %get3A_269 = arith.constant 0 : index
    %get3A_270 = vector.load %arg0[%get3A_268, %get3A_269] : memref<128x1568xf32, #tpu.memory_space<vmem>>, vector<1x1568xf32>
    %div3A_271 = vector.broadcast %get3A_1 : f32 to vector<1x1568xf32>
    %div3A_272 = arith.divf %get3A_270, %div3A_271 : vector<1x1568xf32>
    %add3A_273 = arith.addf %add3A_264, %div3A_272 : vector<1x1568xf32>
    %swap3A_274 = arith.constant 30 : index
    %swap3A_275 = arith.constant 0 : index
    %swap3A_276 = vector.load %arg2[%swap3A_274, %swap3A_275] : memref<128x1568xf32, #tpu.memory_space<vmem>>, vector<1x1568xf32>
    tpu.vector_store %arg2[%swap3A_274, %swap3A_275], %add3A_273 {strides = array<i32>} : memref<128x1568xf32, #tpu.memory_space<vmem>>, vector<1x1568xf32>,
    %get3A_277 = arith.constant 31 : index
    %get3A_278 = arith.constant 0 : index
    %get3A_279 = vector.load %arg0[%get3A_277, %get3A_278] : memref<128x1568xf32, #tpu.memory_space<vmem>>, vector<1x1568xf32>
    %div3A_280 = vector.broadcast %get3A_1 : f32 to vector<1x1568xf32>
    %div3A_281 = arith.divf %get3A_279, %div3A_280 : vector<1x1568xf32>
    %add3A_282 = arith.addf %add3A_273, %div3A_281 : vector<1x1568xf32>
    %swap3A_283 = arith.constant 31 : index
    %swap3A_284 = arith.constant 0 : index
    %swap3A_285 = vector.load %arg2[%swap3A_283, %swap3A_284] : memref<128x1568xf32, #tpu.memory_space<vmem>>, vector<1x1568xf32>
    tpu.vector_store %arg2[%swap3A_283, %swap3A_284], %add3A_282 {strides = array<i32>} : memref<128x1568xf32, #tpu.memory_space<vmem>>, vector<1x1568xf32>,
    %get3A_286 = arith.constant 32 : index
    %get3A_287 = arith.constant 0 : index
    %get3A_288 = vector.load %arg0[%get3A_286, %get3A_287] : memref<128x1568xf32, #tpu.memory_space<vmem>>, vector<1x1568xf32>
    %div3A_289 = vector.broadcast %get3A_1 : f32 to vector<1x1568xf32>
    %div3A_290 = arith.divf %get3A_288, %div3A_289 : vector<1x1568xf32>
    %add3A_291 = arith.addf %add3A_282, %div3A_290 : vector<1x1568xf32>
    %swap3A_292 = arith.constant 32 : index
    %swap3A_293 = arith.constant 0 : index
    %swap3A_294 = vector.load %arg2[%swap3A_292, %swap3A_293] : memref<128x1568xf32, #tpu.memory_space<vmem>>, vector<1x1568xf32>
    tpu.vector_store %arg2[%swap3A_292, %swap3A_293], %add3A_291 {strides = array<i32>} : memref<128x1568xf32, #tpu.memory_space<vmem>>, vector<1x1568xf32>,
    %get3A_295 = arith.constant 33 : index
    %get3A_296 = arith.constant 0 : index
    %get3A_297 = vector.load %arg0[%get3A_295, %get3A_296] : memref<128x1568xf32, #tpu.memory_space<vmem>>, vector<1x1568xf32>
    %div3A_298 = vector.broadcast %get3A_1 : f32 to vector<1x1568xf32>
    %div3A_299 = arith.divf %get3A_297, %div3A_298 : vector<1x1568xf32>
    %add3A_300 = arith.addf %add3A_291, %div3A_299 : vector<1x1568xf32>
    %swap3A_301 = arith.constant 33 : index
    %swap3A_302 = arith.constant 0 : index
    %swap3A_303 = vector.load %arg2[%swap3A_301, %swap3A_302] : memref<128x1568xf32, #tpu.memory_space<vmem>>, vector<1x1568xf32>
    tpu.vector_store %arg2[%swap3A_301, %swap3A_302], %add3A_300 {strides = array<i32>} : memref<128x1568xf32, #tpu.memory_space<vmem>>, vector<1x1568xf32>,
    %get3A_304 = arith.constant 34 : index
    %get3A_305 = arith.constant 0 : index
    %get3A_306 = vector.load %arg0[%get3A_304, %get3A_305] : memref<128x1568xf32, #tpu.memory_space<vmem>>, vector<1x1568xf32>
    %div3A_307 = vector.broadcast %get3A_1 : f32 to vector<1x1568xf32>
    %div3A_308 = arith.divf %get3A_306, %div3A_307 : vector<1x1568xf32>
    %add3A_309 = arith.addf %add3A_300, %div3A_308 : vector<1x1568xf32>
    %swap3A_310 = arith.constant 34 : index
    %swap3A_311 = arith.constant 0 : index
    %swap3A_312 = vector.load %arg2[%swap3A_310, %swap3A_311] : memref<128x1568xf32, #tpu.memory_space<vmem>>, vector<1x1568xf32>
    tpu.vector_store %arg2[%swap3A_310, %swap3A_311], %add3A_309 {strides = array<i32>} : memref<128x1568xf32, #tpu.memory_space<vmem>>, vector<1x1568xf32>,
    %get3A_313 = arith.constant 35 : index
    %get3A_314 = arith.constant 0 : index
    %get3A_315 = vector.load %arg0[%get3A_313, %get3A_314] : memref<128x1568xf32, #tpu.memory_space<vmem>>, vector<1x1568xf32>
    %div3A_316 = vector.broadcast %get3A_1 : f32 to vector<1x1568xf32>
    %div3A_317 = arith.divf %get3A_315, %div3A_316 : vector<1x1568xf32>
    %add3A_318 = arith.addf %add3A_309, %div3A_317 : vector<1x1568xf32>
    %swap3A_319 = arith.constant 35 : index
    %swap3A_320 = arith.constant 0 : index
    %swap3A_321 = vector.load %arg2[%swap3A_319, %swap3A_320] : memref<128x1568xf32, #tpu.memory_space<vmem>>, vector<1x1568xf32>
    tpu.vector_store %arg2[%swap3A_319, %swap3A_320], %add3A_318 {strides = array<i32>} : memref<128x1568xf32, #tpu.memory_space<vmem>>, vector<1x1568xf32>,
    %get3A_322 = arith.constant 36 : index
    %get3A_323 = arith.constant 0 : index
    %get3A_324 = vector.load %arg0[%get3A_322, %get3A_323] : memref<128x1568xf32, #tpu.memory_space<vmem>>, vector<1x1568xf32>
    %div3A_325 = vector.broadcast %get3A_1 : f32 to vector<1x1568xf32>
    %div3A_326 = arith.divf %get3A_324, %div3A_325 : vector<1x1568xf32>
    %add3A_327 = arith.addf %add3A_318, %div3A_326 : vector<1x1568xf32>
    %swap3A_328 = arith.constant 36 : index
    %swap3A_329 = arith.constant 0 : index
    %swap3A_330 = vector.load %arg2[%swap3A_328, %swap3A_329] : memref<128x1568xf32, #tpu.memory_space<vmem>>, vector<1x1568xf32>
    tpu.vector_store %arg2[%swap3A_328, %swap3A_329], %add3A_327 {strides = array<i32>} : memref<128x1568xf32, #tpu.memory_space<vmem>>, vector<1x1568xf32>,
    %get3A_331 = arith.constant 37 : index
    %get3A_332 = arith.constant 0 : index
    %get3A_333 = vector.load %arg0[%get3A_331, %get3A_332] : memref<128x1568xf32, #tpu.memory_space<vmem>>, vector<1x1568xf32>
    %div3A_334 = vector.broadcast %get3A_1 : f32 to vector<1x1568xf32>
    %div3A_335 = arith.divf %get3A_333, %div3A_334 : vector<1x1568xf32>
    %add3A_336 = arith.addf %add3A_327, %div3A_335 : vector<1x1568xf32>
    %swap3A_337 = arith.constant 37 : index
    %swap3A_338 = arith.constant 0 : index
    %swap3A_339 = vector.load %arg2[%swap3A_337, %swap3A_338] : memref<128x1568xf32, #tpu.memory_space<vmem>>, vector<1x1568xf32>
    tpu.vector_store %arg2[%swap3A_337, %swap3A_338], %add3A_336 {strides = array<i32>} : memref<128x1568xf32, #tpu.memory_space<vmem>>, vector<1x1568xf32>,
    %get3A_340 = arith.constant 38 : index
    %get3A_341 = arith.constant 0 : index
    %get3A_342 = vector.load %arg0[%get3A_340, %get3A_341] : memref<128x1568xf32, #tpu.memory_space<vmem>>, vector<1x1568xf32>
    %div3A_343 = vector.broadcast %get3A_1 : f32 to vector<1x1568xf32>
    %div3A_344 = arith.divf %get3A_342, %div3A_343 : vector<1x1568xf32>
    %add3A_345 = arith.addf %add3A_336, %div3A_344 : vector<1x1568xf32>
    %swap3A_346 = arith.constant 38 : index
    %swap3A_347 = arith.constant 0 : index
    %swap3A_348 = vector.load %arg2[%swap3A_346, %swap3A_347] : memref<128x1568xf32, #tpu.memory_space<vmem>>, vector<1x1568xf32>
    tpu.vector_store %arg2[%swap3A_346, %swap3A_347], %add3A_345 {strides = array<i32>} : memref<128x1568xf32, #tpu.memory_space<vmem>>, vector<1x1568xf32>,
    %get3A_349 = arith.constant 39 : index
    %get3A_350 = arith.constant 0 : index
    %get3A_351 = vector.load %arg0[%get3A_349, %get3A_350] : memref<128x1568xf32, #tpu.memory_space<vmem>>, vector<1x1568xf32>
    %div3A_352 = vector.broadcast %get3A_1 : f32 to vector<1x1568xf32>
    %div3A_353 = arith.divf %get3A_351, %div3A_352 : vector<1x1568xf32>
    %add3A_354 = arith.addf %add3A_345, %div3A_353 : vector<1x1568xf32>
    %swap3A_355 = arith.constant 39 : index
    %swap3A_356 = arith.constant 0 : index
    %swap3A_357 = vector.load %arg2[%swap3A_355, %swap3A_356] : memref<128x1568xf32, #tpu.memory_space<vmem>>, vector<1x1568xf32>
    tpu.vector_store %arg2[%swap3A_355, %swap3A_356], %add3A_354 {strides = array<i32>} : memref<128x1568xf32, #tpu.memory_space<vmem>>, vector<1x1568xf32>,
    %get3A_358 = arith.constant 40 : index
    %get3A_359 = arith.constant 0 : index
    %get3A_360 = vector.load %arg0[%get3A_358, %get3A_359] : memref<128x1568xf32, #tpu.memory_space<vmem>>, vector<1x1568xf32>
    %div3A_361 = vector.broadcast %get3A_1 : f32 to vector<1x1568xf32>
    %div3A_362 = arith.divf %get3A_360, %div3A_361 : vector<1x1568xf32>
    %add3A_363 = arith.addf %add3A_354, %div3A_362 : vector<1x1568xf32>
    %swap3A_364 = arith.constant 40 : index
    %swap3A_365 = arith.constant 0 : index
    %swap3A_366 = vector.load %arg2[%swap3A_364, %swap3A_365] : memref<128x1568xf32, #tpu.memory_space<vmem>>, vector<1x1568xf32>
    tpu.vector_store %arg2[%swap3A_364, %swap3A_365], %add3A_363 {strides = array<i32>} : memref<128x1568xf32, #tpu.memory_space<vmem>>, vector<1x1568xf32>,
    %get3A_367 = arith.constant 41 : index
    %get3A_368 = arith.constant 0 : index
    %get3A_369 = vector.load %arg0[%get3A_367, %get3A_368] : memref<128x1568xf32, #tpu.memory_space<vmem>>, vector<1x1568xf32>
    %div3A_370 = vector.broadcast %get3A_1 : f32 to vector<1x1568xf32>
    %div3A_371 = arith.divf %get3A_369, %div3A_370 : vector<1x1568xf32>
    %add3A_372 = arith.addf %add3A_363, %div3A_371 : vector<1x1568xf32>
    %swap3A_373 = arith.constant 41 : index
    %swap3A_374 = arith.constant 0 : index
    %swap3A_375 = vector.load %arg2[%swap3A_373, %swap3A_374] : memref<128x1568xf32, #tpu.memory_space<vmem>>, vector<1x1568xf32>
    tpu.vector_store %arg2[%swap3A_373, %swap3A_374], %add3A_372 {strides = array<i32>} : memref<128x1568xf32, #tpu.memory_space<vmem>>, vector<1x1568xf32>,
    %get3A_376 = arith.constant 42 : index
    %get3A_377 = arith.constant 0 : index
    %get3A_378 = vector.load %arg0[%get3A_376, %get3A_377] : memref<128x1568xf32, #tpu.memory_space<vmem>>, vector<1x1568xf32>
    %div3A_379 = vector.broadcast %get3A_1 : f32 to vector<1x1568xf32>
    %div3A_380 = arith.divf %get3A_378, %div3A_379 : vector<1x1568xf32>
    %add3A_381 = arith.addf %add3A_372, %div3A_380 : vector<1x1568xf32>
    %swap3A_382 = arith.constant 42 : index
    %swap3A_383 = arith.constant 0 : index
    %swap3A_384 = vector.load %arg2[%swap3A_382, %swap3A_383] : memref<128x1568xf32, #tpu.memory_space<vmem>>, vector<1x1568xf32>
    tpu.vector_store %arg2[%swap3A_382, %swap3A_383], %add3A_381 {strides = array<i32>} : memref<128x1568xf32, #tpu.memory_space<vmem>>, vector<1x1568xf32>,
    %get3A_385 = arith.constant 43 : index
    %get3A_386 = arith.constant 0 : index
    %get3A_387 = vector.load %arg0[%get3A_385, %get3A_386] : memref<128x1568xf32, #tpu.memory_space<vmem>>, vector<1x1568xf32>
    %div3A_388 = vector.broadcast %get3A_1 : f32 to vector<1x1568xf32>
    %div3A_389 = arith.divf %get3A_387, %div3A_388 : vector<1x1568xf32>
    %add3A_390 = arith.addf %add3A_381, %div3A_389 : vector<1x1568xf32>
    %swap3A_391 = arith.constant 43 : index
    %swap3A_392 = arith.constant 0 : index
    %swap3A_393 = vector.load %arg2[%swap3A_391, %swap3A_392] : memref<128x1568xf32, #tpu.memory_space<vmem>>, vector<1x1568xf32>
    tpu.vector_store %arg2[%swap3A_391, %swap3A_392], %add3A_390 {strides = array<i32>} : memref<128x1568xf32, #tpu.memory_space<vmem>>, vector<1x1568xf32>,
    %get3A_394 = arith.constant 44 : index
    %get3A_395 = arith.constant 0 : index
    %get3A_396 = vector.load %arg0[%get3A_394, %get3A_395] : memref<128x1568xf32, #tpu.memory_space<vmem>>, vector<1x1568xf32>
    %div3A_397 = vector.broadcast %get3A_1 : f32 to vector<1x1568xf32>
    %div3A_398 = arith.divf %get3A_396, %div3A_397 : vector<1x1568xf32>
    %add3A_399 = arith.addf %add3A_390, %div3A_398 : vector<1x1568xf32>
    %swap3A_400 = arith.constant 44 : index
    %swap3A_401 = arith.constant 0 : index
    %swap3A_402 = vector.load %arg2[%swap3A_400, %swap3A_401] : memref<128x1568xf32, #tpu.memory_space<vmem>>, vector<1x1568xf32>
    tpu.vector_store %arg2[%swap3A_400, %swap3A_401], %add3A_399 {strides = array<i32>} : memref<128x1568xf32, #tpu.memory_space<vmem>>, vector<1x1568xf32>,
    %get3A_403 = arith.constant 45 : index
    %get3A_404 = arith.constant 0 : index
    %get3A_405 = vector.load %arg0[%get3A_403, %get3A_404] : memref<128x1568xf32, #tpu.memory_space<vmem>>, vector<1x1568xf32>
    %div3A_406 = vector.broadcast %get3A_1 : f32 to vector<1x1568xf32>
    %div3A_407 = arith.divf %get3A_405, %div3A_406 : vector<1x1568xf32>
    %add3A_408 = arith.addf %add3A_399, %div3A_407 : vector<1x1568xf32>
    %swap3A_409 = arith.constant 45 : index
    %swap3A_410 = arith.constant 0 : index
    %swap3A_411 = vector.load %arg2[%swap3A_409, %swap3A_410] : memref<128x1568xf32, #tpu.memory_space<vmem>>, vector<1x1568xf32>
    tpu.vector_store %arg2[%swap3A_409, %swap3A_410], %add3A_408 {strides = array<i32>} : memref<128x1568xf32, #tpu.memory_space<vmem>>, vector<1x1568xf32>,
    %get3A_412 = arith.constant 46 : index
    %get3A_413 = arith.constant 0 : index
    %get3A_414 = vector.load %arg0[%get3A_412, %get3A_413] : memref<128x1568xf32, #tpu.memory_space<vmem>>, vector<1x1568xf32>
    %div3A_415 = vector.broadcast %get3A_1 : f32 to vector<1x1568xf32>
    %div3A_416 = arith.divf %get3A_414, %div3A_415 : vector<1x1568xf32>
    %add3A_417 = arith.addf %add3A_408, %div3A_416 : vector<1x1568xf32>
    %swap3A_418 = arith.constant 46 : index
    %swap3A_419 = arith.constant 0 : index
    %swap3A_420 = vector.load %arg2[%swap3A_418, %swap3A_419] : memref<128x1568xf32, #tpu.memory_space<vmem>>, vector<1x1568xf32>
    tpu.vector_store %arg2[%swap3A_418, %swap3A_419], %add3A_417 {strides = array<i32>} : memref<128x1568xf32, #tpu.memory_space<vmem>>, vector<1x1568xf32>,
    %get3A_421 = arith.constant 47 : index
    %get3A_422 = arith.constant 0 : index
    %get3A_423 = vector.load %arg0[%get3A_421, %get3A_422] : memref<128x1568xf32, #tpu.memory_space<vmem>>, vector<1x1568xf32>
    %div3A_424 = vector.broadcast %get3A_1 : f32 to vector<1x1568xf32>
    %div3A_425 = arith.divf %get3A_423, %div3A_424 : vector<1x1568xf32>
    %add3A_426 = arith.addf %add3A_417, %div3A_425 : vector<1x1568xf32>
    %swap3A_427 = arith.constant 47 : index
    %swap3A_428 = arith.constant 0 : index
    %swap3A_429 = vector.load %arg2[%swap3A_427, %swap3A_428] : memref<128x1568xf32, #tpu.memory_space<vmem>>, vector<1x1568xf32>
    tpu.vector_store %arg2[%swap3A_427, %swap3A_428], %add3A_426 {strides = array<i32>} : memref<128x1568xf32, #tpu.memory_space<vmem>>, vector<1x1568xf32>,
    %get3A_430 = arith.constant 48 : index
    %get3A_431 = arith.constant 0 : index
    %get3A_432 = vector.load %arg0[%get3A_430, %get3A_431] : memref<128x1568xf32, #tpu.memory_space<vmem>>, vector<1x1568xf32>
    %div3A_433 = vector.broadcast %get3A_1 : f32 to vector<1x1568xf32>
    %div3A_434 = arith.divf %get3A_432, %div3A_433 : vector<1x1568xf32>
    %add3A_435 = arith.addf %add3A_426, %div3A_434 : vector<1x1568xf32>
    %swap3A_436 = arith.constant 48 : index
    %swap3A_437 = arith.constant 0 : index
    %swap3A_438 = vector.load %arg2[%swap3A_436, %swap3A_437] : memref<128x1568xf32, #tpu.memory_space<vmem>>, vector<1x1568xf32>
    tpu.vector_store %arg2[%swap3A_436, %swap3A_437], %add3A_435 {strides = array<i32>} : memref<128x1568xf32, #tpu.memory_space<vmem>>, vector<1x1568xf32>,
    %get3A_439 = arith.constant 49 : index
    %get3A_440 = arith.constant 0 : index
    %get3A_441 = vector.load %arg0[%get3A_439, %get3A_440] : memref<128x1568xf32, #tpu.memory_space<vmem>>, vector<1x1568xf32>
    %div3A_442 = vector.broadcast %get3A_1 : f32 to vector<1x1568xf32>
    %div3A_443 = arith.divf %get3A_441, %div3A_442 : vector<1x1568xf32>
    %add3A_444 = arith.addf %add3A_435, %div3A_443 : vector<1x1568xf32>
    %swap3A_445 = arith.constant 49 : index
    %swap3A_446 = arith.constant 0 : index
    %swap3A_447 = vector.load %arg2[%swap3A_445, %swap3A_446] : memref<128x1568xf32, #tpu.memory_space<vmem>>, vector<1x1568xf32>
    tpu.vector_store %arg2[%swap3A_445, %swap3A_446], %add3A_444 {strides = array<i32>} : memref<128x1568xf32, #tpu.memory_space<vmem>>, vector<1x1568xf32>,
    %get3A_448 = arith.constant 50 : index
    %get3A_449 = arith.constant 0 : index
    %get3A_450 = vector.load %arg0[%get3A_448, %get3A_449] : memref<128x1568xf32, #tpu.memory_space<vmem>>, vector<1x1568xf32>
    %div3A_451 = vector.broadcast %get3A_1 : f32 to vector<1x1568xf32>
    %div3A_452 = arith.divf %get3A_450, %div3A_451 : vector<1x1568xf32>
    %add3A_453 = arith.addf %add3A_444, %div3A_452 : vector<1x1568xf32>
    %swap3A_454 = arith.constant 50 : index
    %swap3A_455 = arith.constant 0 : index
    %swap3A_456 = vector.load %arg2[%swap3A_454, %swap3A_455] : memref<128x1568xf32, #tpu.memory_space<vmem>>, vector<1x1568xf32>
    tpu.vector_store %arg2[%swap3A_454, %swap3A_455], %add3A_453 {strides = array<i32>} : memref<128x1568xf32, #tpu.memory_space<vmem>>, vector<1x1568xf32>,
    %get3A_457 = arith.constant 51 : index
    %get3A_458 = arith.constant 0 : index
    %get3A_459 = vector.load %arg0[%get3A_457, %get3A_458] : memref<128x1568xf32, #tpu.memory_space<vmem>>, vector<1x1568xf32>
    %div3A_460 = vector.broadcast %get3A_1 : f32 to vector<1x1568xf32>
    %div3A_461 = arith.divf %get3A_459, %div3A_460 : vector<1x1568xf32>
    %add3A_462 = arith.addf %add3A_453, %div3A_461 : vector<1x1568xf32>
    %swap3A_463 = arith.constant 51 : index
    %swap3A_464 = arith.constant 0 : index
    %swap3A_465 = vector.load %arg2[%swap3A_463, %swap3A_464] : memref<128x1568xf32, #tpu.memory_space<vmem>>, vector<1x1568xf32>
    tpu.vector_store %arg2[%swap3A_463, %swap3A_464], %add3A_462 {strides = array<i32>} : memref<128x1568xf32, #tpu.memory_space<vmem>>, vector<1x1568xf32>,
    %get3A_466 = arith.constant 52 : index
    %get3A_467 = arith.constant 0 : index
    %get3A_468 = vector.load %arg0[%get3A_466, %get3A_467] : memref<128x1568xf32, #tpu.memory_space<vmem>>, vector<1x1568xf32>
    %div3A_469 = vector.broadcast %get3A_1 : f32 to vector<1x1568xf32>
    %div3A_470 = arith.divf %get3A_468, %div3A_469 : vector<1x1568xf32>
    %add3A_471 = arith.addf %add3A_462, %div3A_470 : vector<1x1568xf32>
    %swap3A_472 = arith.constant 52 : index
    %swap3A_473 = arith.constant 0 : index
    %swap3A_474 = vector.load %arg2[%swap3A_472, %swap3A_473] : memref<128x1568xf32, #tpu.memory_space<vmem>>, vector<1x1568xf32>
    tpu.vector_store %arg2[%swap3A_472, %swap3A_473], %add3A_471 {strides = array<i32>} : memref<128x1568xf32, #tpu.memory_space<vmem>>, vector<1x1568xf32>,
    %get3A_475 = arith.constant 53 : index
    %get3A_476 = arith.constant 0 : index
    %get3A_477 = vector.load %arg0[%get3A_475, %get3A_476] : memref<128x1568xf32, #tpu.memory_space<vmem>>, vector<1x1568xf32>
    %div3A_478 = vector.broadcast %get3A_1 : f32 to vector<1x1568xf32>
    %div3A_479 = arith.divf %get3A_477, %div3A_478 : vector<1x1568xf32>
    %add3A_480 = arith.addf %add3A_471, %div3A_479 : vector<1x1568xf32>
    %swap3A_481 = arith.constant 53 : index
    %swap3A_482 = arith.constant 0 : index
    %swap3A_483 = vector.load %arg2[%swap3A_481, %swap3A_482] : memref<128x1568xf32, #tpu.memory_space<vmem>>, vector<1x1568xf32>
    tpu.vector_store %arg2[%swap3A_481, %swap3A_482], %add3A_480 {strides = array<i32>} : memref<128x1568xf32, #tpu.memory_space<vmem>>, vector<1x1568xf32>,
    %get3A_484 = arith.constant 54 : index
    %get3A_485 = arith.constant 0 : index
    %get3A_486 = vector.load %arg0[%get3A_484, %get3A_485] : memref<128x1568xf32, #tpu.memory_space<vmem>>, vector<1x1568xf32>
    %div3A_487 = vector.broadcast %get3A_1 : f32 to vector<1x1568xf32>
    %div3A_488 = arith.divf %get3A_486, %div3A_487 : vector<1x1568xf32>
    %add3A_489 = arith.addf %add3A_480, %div3A_488 : vector<1x1568xf32>
    %swap3A_490 = arith.constant 54 : index
    %swap3A_491 = arith.constant 0 : index
    %swap3A_492 = vector.load %arg2[%swap3A_490, %swap3A_491] : memref<128x1568xf32, #tpu.memory_space<vmem>>, vector<1x1568xf32>
    tpu.vector_store %arg2[%swap3A_490, %swap3A_491], %add3A_489 {strides = array<i32>} : memref<128x1568xf32, #tpu.memory_space<vmem>>, vector<1x1568xf32>,
    %get3A_493 = arith.constant 55 : index
    %get3A_494 = arith.constant 0 : index
    %get3A_495 = vector.load %arg0[%get3A_493, %get3A_494] : memref<128x1568xf32, #tpu.memory_space<vmem>>, vector<1x1568xf32>
    %div3A_496 = vector.broadcast %get3A_1 : f32 to vector<1x1568xf32>
    %div3A_497 = arith.divf %get3A_495, %div3A_496 : vector<1x1568xf32>
    %add3A_498 = arith.addf %add3A_489, %div3A_497 : vector<1x1568xf32>
    %swap3A_499 = arith.constant 55 : index
    %swap3A_500 = arith.constant 0 : index
    %swap3A_501 = vector.load %arg2[%swap3A_499, %swap3A_500] : memref<128x1568xf32, #tpu.memory_space<vmem>>, vector<1x1568xf32>
    tpu.vector_store %arg2[%swap3A_499, %swap3A_500], %add3A_498 {strides = array<i32>} : memref<128x1568xf32, #tpu.memory_space<vmem>>, vector<1x1568xf32>,
    %get3A_502 = arith.constant 56 : index
    %get3A_503 = arith.constant 0 : index
    %get3A_504 = vector.load %arg0[%get3A_502, %get3A_503] : memref<128x1568xf32, #tpu.memory_space<vmem>>, vector<1x1568xf32>
    %div3A_505 = vector.broadcast %get3A_1 : f32 to vector<1x1568xf32>
    %div3A_506 = arith.divf %get3A_504, %div3A_505 : vector<1x1568xf32>
    %add3A_507 = arith.addf %add3A_498, %div3A_506 : vector<1x1568xf32>
    %swap3A_508 = arith.constant 56 : index
    %swap3A_509 = arith.constant 0 : index
    %swap3A_510 = vector.load %arg2[%swap3A_508, %swap3A_509] : memref<128x1568xf32, #tpu.memory_space<vmem>>, vector<1x1568xf32>
    tpu.vector_store %arg2[%swap3A_508, %swap3A_509], %add3A_507 {strides = array<i32>} : memref<128x1568xf32, #tpu.memory_space<vmem>>, vector<1x1568xf32>,
    %get3A_511 = arith.constant 57 : index
    %get3A_512 = arith.constant 0 : index
    %get3A_513 = vector.load %arg0[%get3A_511, %get3A_512] : memref<128x1568xf32, #tpu.memory_space<vmem>>, vector<1x1568xf32>
    %div3A_514 = vector.broadcast %get3A_1 : f32 to vector<1x1568xf32>
    %div3A_515 = arith.divf %get3A_513, %div3A_514 : vector<1x1568xf32>
    %add3A_516 = arith.addf %add3A_507, %div3A_515 : vector<1x1568xf32>
    %swap3A_517 = arith.constant 57 : index
    %swap3A_518 = arith.constant 0 : index
    %swap3A_519 = vector.load %arg2[%swap3A_517, %swap3A_518] : memref<128x1568xf32, #tpu.memory_space<vmem>>, vector<1x1568xf32>
    tpu.vector_store %arg2[%swap3A_517, %swap3A_518], %add3A_516 {strides = array<i32>} : memref<128x1568xf32, #tpu.memory_space<vmem>>, vector<1x1568xf32>,
    %get3A_520 = arith.constant 58 : index
    %get3A_521 = arith.constant 0 : index
    %get3A_522 = vector.load %arg0[%get3A_520, %get3A_521] : memref<128x1568xf32, #tpu.memory_space<vmem>>, vector<1x1568xf32>
    %div3A_523 = vector.broadcast %get3A_1 : f32 to vector<1x1568xf32>
    %div3A_524 = arith.divf %get3A_522, %div3A_523 : vector<1x1568xf32>
    %add3A_525 = arith.addf %add3A_516, %div3A_524 : vector<1x1568xf32>
    %swap3A_526 = arith.constant 58 : index
    %swap3A_527 = arith.constant 0 : index
    %swap3A_528 = vector.load %arg2[%swap3A_526, %swap3A_527] : memref<128x1568xf32, #tpu.memory_space<vmem>>, vector<1x1568xf32>
    tpu.vector_store %arg2[%swap3A_526, %swap3A_527], %add3A_525 {strides = array<i32>} : memref<128x1568xf32, #tpu.memory_space<vmem>>, vector<1x1568xf32>,
    %get3A_529 = arith.constant 59 : index
    %get3A_530 = arith.constant 0 : index
    %get3A_531 = vector.load %arg0[%get3A_529, %get3A_530] : memref<128x1568xf32, #tpu.memory_space<vmem>>, vector<1x1568xf32>
    %div3A_532 = vector.broadcast %get3A_1 : f32 to vector<1x1568xf32>
    %div3A_533 = arith.divf %get3A_531, %div3A_532 : vector<1x1568xf32>
    %add3A_534 = arith.addf %add3A_525, %div3A_533 : vector<1x1568xf32>
    %swap3A_535 = arith.constant 59 : index
    %swap3A_536 = arith.constant 0 : index
    %swap3A_537 = vector.load %arg2[%swap3A_535, %swap3A_536] : memref<128x1568xf32, #tpu.memory_space<vmem>>, vector<1x1568xf32>
    tpu.vector_store %arg2[%swap3A_535, %swap3A_536], %add3A_534 {strides = array<i32>} : memref<128x1568xf32, #tpu.memory_space<vmem>>, vector<1x1568xf32>,
    %get3A_538 = arith.constant 60 : index
    %get3A_539 = arith.constant 0 : index
    %get3A_540 = vector.load %arg0[%get3A_538, %get3A_539] : memref<128x1568xf32, #tpu.memory_space<vmem>>, vector<1x1568xf32>
    %div3A_541 = vector.broadcast %get3A_1 : f32 to vector<1x1568xf32>
    %div3A_542 = arith.divf %get3A_540, %div3A_541 : vector<1x1568xf32>
    %add3A_543 = arith.addf %add3A_534, %div3A_542 : vector<1x1568xf32>
    %swap3A_544 = arith.constant 60 : index
    %swap3A_545 = arith.constant 0 : index
    %swap3A_546 = vector.load %arg2[%swap3A_544, %swap3A_545] : memref<128x1568xf32, #tpu.memory_space<vmem>>, vector<1x1568xf32>
    tpu.vector_store %arg2[%swap3A_544, %swap3A_545], %add3A_543 {strides = array<i32>} : memref<128x1568xf32, #tpu.memory_space<vmem>>, vector<1x1568xf32>,
    %get3A_547 = arith.constant 61 : index
    %get3A_548 = arith.constant 0 : index
    %get3A_549 = vector.load %arg0[%get3A_547, %get3A_548] : memref<128x1568xf32, #tpu.memory_space<vmem>>, vector<1x1568xf32>
    %div3A_550 = vector.broadcast %get3A_1 : f32 to vector<1x1568xf32>
    %div3A_551 = arith.divf %get3A_549, %div3A_550 : vector<1x1568xf32>
    %add3A_552 = arith.addf %add3A_543, %div3A_551 : vector<1x1568xf32>
    %swap3A_553 = arith.constant 61 : index
    %swap3A_554 = arith.constant 0 : index
    %swap3A_555 = vector.load %arg2[%swap3A_553, %swap3A_554] : memref<128x1568xf32, #tpu.memory_space<vmem>>, vector<1x1568xf32>
    tpu.vector_store %arg2[%swap3A_553, %swap3A_554], %add3A_552 {strides = array<i32>} : memref<128x1568xf32, #tpu.memory_space<vmem>>, vector<1x1568xf32>,
    %get3A_556 = arith.constant 62 : index
    %get3A_557 = arith.constant 0 : index
    %get3A_558 = vector.load %arg0[%get3A_556, %get3A_557] : memref<128x1568xf32, #tpu.memory_space<vmem>>, vector<1x1568xf32>
    %div3A_559 = vector.broadcast %get3A_1 : f32 to vector<1x1568xf32>
    %div3A_560 = arith.divf %get3A_558, %div3A_559 : vector<1x1568xf32>
    %add3A_561 = arith.addf %add3A_552, %div3A_560 : vector<1x1568xf32>
    %swap3A_562 = arith.constant 62 : index
    %swap3A_563 = arith.constant 0 : index
    %swap3A_564 = vector.load %arg2[%swap3A_562, %swap3A_563] : memref<128x1568xf32, #tpu.memory_space<vmem>>, vector<1x1568xf32>
    tpu.vector_store %arg2[%swap3A_562, %swap3A_563], %add3A_561 {strides = array<i32>} : memref<128x1568xf32, #tpu.memory_space<vmem>>, vector<1x1568xf32>,
    %get3A_565 = arith.constant 63 : index
    %get3A_566 = arith.constant 0 : index
    %get3A_567 = vector.load %arg0[%get3A_565, %get3A_566] : memref<128x1568xf32, #tpu.memory_space<vmem>>, vector<1x1568xf32>
    %div3A_568 = vector.broadcast %get3A_1 : f32 to vector<1x1568xf32>
    %div3A_569 = arith.divf %get3A_567, %div3A_568 : vector<1x1568xf32>
    %add3A_570 = arith.addf %add3A_561, %div3A_569 : vector<1x1568xf32>
    %swap3A_571 = arith.constant 63 : index
    %swap3A_572 = arith.constant 0 : index
    %swap3A_573 = vector.load %arg2[%swap3A_571, %swap3A_572] : memref<128x1568xf32, #tpu.memory_space<vmem>>, vector<1x1568xf32>
    tpu.vector_store %arg2[%swap3A_571, %swap3A_572], %add3A_570 {strides = array<i32>} : memref<128x1568xf32, #tpu.memory_space<vmem>>, vector<1x1568xf32>,
    %get3A_574 = arith.constant 64 : index
    %get3A_575 = arith.constant 0 : index
    %get3A_576 = vector.load %arg0[%get3A_574, %get3A_575] : memref<128x1568xf32, #tpu.memory_space<vmem>>, vector<1x1568xf32>
    %div3A_577 = vector.broadcast %get3A_1 : f32 to vector<1x1568xf32>
    %div3A_578 = arith.divf %get3A_576, %div3A_577 : vector<1x1568xf32>
    %add3A_579 = arith.addf %add3A_570, %div3A_578 : vector<1x1568xf32>
    %swap3A_580 = arith.constant 64 : index
    %swap3A_581 = arith.constant 0 : index
    %swap3A_582 = vector.load %arg2[%swap3A_580, %swap3A_581] : memref<128x1568xf32, #tpu.memory_space<vmem>>, vector<1x1568xf32>
    tpu.vector_store %arg2[%swap3A_580, %swap3A_581], %add3A_579 {strides = array<i32>} : memref<128x1568xf32, #tpu.memory_space<vmem>>, vector<1x1568xf32>,
    %get3A_583 = arith.constant 65 : index
    %get3A_584 = arith.constant 0 : index
    %get3A_585 = vector.load %arg0[%get3A_583, %get3A_584] : memref<128x1568xf32, #tpu.memory_space<vmem>>, vector<1x1568xf32>
    %div3A_586 = vector.broadcast %get3A_1 : f32 to vector<1x1568xf32>
    %div3A_587 = arith.divf %get3A_585, %div3A_586 : vector<1x1568xf32>
    %add3A_588 = arith.addf %add3A_579, %div3A_587 : vector<1x1568xf32>
    %swap3A_589 = arith.constant 65 : index
    %swap3A_590 = arith.constant 0 : index
    %swap3A_591 = vector.load %arg2[%swap3A_589, %swap3A_590] : memref<128x1568xf32, #tpu.memory_space<vmem>>, vector<1x1568xf32>
    tpu.vector_store %arg2[%swap3A_589, %swap3A_590], %add3A_588 {strides = array<i32>} : memref<128x1568xf32, #tpu.memory_space<vmem>>, vector<1x1568xf32>,
    %get3A_592 = arith.constant 66 : index
    %get3A_593 = arith.constant 0 : index
    %get3A_594 = vector.load %arg0[%get3A_592, %get3A_593] : memref<128x1568xf32, #tpu.memory_space<vmem>>, vector<1x1568xf32>
    %div3A_595 = vector.broadcast %get3A_1 : f32 to vector<1x1568xf32>
    %div3A_596 = arith.divf %get3A_594, %div3A_595 : vector<1x1568xf32>
    %add3A_597 = arith.addf %add3A_588, %div3A_596 : vector<1x1568xf32>
    %swap3A_598 = arith.constant 66 : index
    %swap3A_599 = arith.constant 0 : index
    %swap3A_600 = vector.load %arg2[%swap3A_598, %swap3A_599] : memref<128x1568xf32, #tpu.memory_space<vmem>>, vector<1x1568xf32>
    tpu.vector_store %arg2[%swap3A_598, %swap3A_599], %add3A_597 {strides = array<i32>} : memref<128x1568xf32, #tpu.memory_space<vmem>>, vector<1x1568xf32>,
    %get3A_601 = arith.constant 67 : index
    %get3A_602 = arith.constant 0 : index
    %get3A_603 = vector.load %arg0[%get3A_601, %get3A_602] : memref<128x1568xf32, #tpu.memory_space<vmem>>, vector<1x1568xf32>
    %div3A_604 = vector.broadcast %get3A_1 : f32 to vector<1x1568xf32>
    %div3A_605 = arith.divf %get3A_603, %div3A_604 : vector<1x1568xf32>
    %add3A_606 = arith.addf %add3A_597, %div3A_605 : vector<1x1568xf32>
    %swap3A_607 = arith.constant 67 : index
    %swap3A_608 = arith.constant 0 : index
    %swap3A_609 = vector.load %arg2[%swap3A_607, %swap3A_608] : memref<128x1568xf32, #tpu.memory_space<vmem>>, vector<1x1568xf32>
    tpu.vector_store %arg2[%swap3A_607, %swap3A_608], %add3A_606 {strides = array<i32>} : memref<128x1568xf32, #tpu.memory_space<vmem>>, vector<1x1568xf32>,
    %get3A_610 = arith.constant 68 : index
    %get3A_611 = arith.constant 0 : index
    %get3A_612 = vector.load %arg0[%get3A_610, %get3A_611] : memref<128x1568xf32, #tpu.memory_space<vmem>>, vector<1x1568xf32>
    %div3A_613 = vector.broadcast %get3A_1 : f32 to vector<1x1568xf32>
    %div3A_614 = arith.divf %get3A_612, %div3A_613 : vector<1x1568xf32>
    %add3A_615 = arith.addf %add3A_606, %div3A_614 : vector<1x1568xf32>
    %swap3A_616 = arith.constant 68 : index
    %swap3A_617 = arith.constant 0 : index
    %swap3A_618 = vector.load %arg2[%swap3A_616, %swap3A_617] : memref<128x1568xf32, #tpu.memory_space<vmem>>, vector<1x1568xf32>
    tpu.vector_store %arg2[%swap3A_616, %swap3A_617], %add3A_615 {strides = array<i32>} : memref<128x1568xf32, #tpu.memory_space<vmem>>, vector<1x1568xf32>,
    %get3A_619 = arith.constant 69 : index
    %get3A_620 = arith.constant 0 : index
    %get3A_621 = vector.load %arg0[%get3A_619, %get3A_620] : memref<128x1568xf32, #tpu.memory_space<vmem>>, vector<1x1568xf32>
    %div3A_622 = vector.broadcast %get3A_1 : f32 to vector<1x1568xf32>
    %div3A_623 = arith.divf %get3A_621, %div3A_622 : vector<1x1568xf32>
    %add3A_624 = arith.addf %add3A_615, %div3A_623 : vector<1x1568xf32>
    %swap3A_625 = arith.constant 69 : index
    %swap3A_626 = arith.constant 0 : index
    %swap3A_627 = vector.load %arg2[%swap3A_625, %swap3A_626] : memref<128x1568xf32, #tpu.memory_space<vmem>>, vector<1x1568xf32>
    tpu.vector_store %arg2[%swap3A_625, %swap3A_626], %add3A_624 {strides = array<i32>} : memref<128x1568xf32, #tpu.memory_space<vmem>>, vector<1x1568xf32>,
    %get3A_628 = arith.constant 70 : index
    %get3A_629 = arith.constant 0 : index
    %get3A_630 = vector.load %arg0[%get3A_628, %get3A_629] : memref<128x1568xf32, #tpu.memory_space<vmem>>, vector<1x1568xf32>
    %div3A_631 = vector.broadcast %get3A_1 : f32 to vector<1x1568xf32>
    %div3A_632 = arith.divf %get3A_630, %div3A_631 : vector<1x1568xf32>
    %add3A_633 = arith.addf %add3A_624, %div3A_632 : vector<1x1568xf32>
    %swap3A_634 = arith.constant 70 : index
    %swap3A_635 = arith.constant 0 : index
    %swap3A_636 = vector.load %arg2[%swap3A_634, %swap3A_635] : memref<128x1568xf32, #tpu.memory_space<vmem>>, vector<1x1568xf32>
    tpu.vector_store %arg2[%swap3A_634, %swap3A_635], %add3A_633 {strides = array<i32>} : memref<128x1568xf32, #tpu.memory_space<vmem>>, vector<1x1568xf32>,
    %get3A_637 = arith.constant 71 : index
    %get3A_638 = arith.constant 0 : index
    %get3A_639 = vector.load %arg0[%get3A_637, %get3A_638] : memref<128x1568xf32, #tpu.memory_space<vmem>>, vector<1x1568xf32>
    %div3A_640 = vector.broadcast %get3A_1 : f32 to vector<1x1568xf32>
    %div3A_641 = arith.divf %get3A_639, %div3A_640 : vector<1x1568xf32>
    %add3A_642 = arith.addf %add3A_633, %div3A_641 : vector<1x1568xf32>
    %swap3A_643 = arith.constant 71 : index
    %swap3A_644 = arith.constant 0 : index
    %swap3A_645 = vector.load %arg2[%swap3A_643, %swap3A_644] : memref<128x1568xf32, #tpu.memory_space<vmem>>, vector<1x1568xf32>
    tpu.vector_store %arg2[%swap3A_643, %swap3A_644], %add3A_642 {strides = array<i32>} : memref<128x1568xf32, #tpu.memory_space<vmem>>, vector<1x1568xf32>,
    %get3A_646 = arith.constant 72 : index
    %get3A_647 = arith.constant 0 : index
    %get3A_648 = vector.load %arg0[%get3A_646, %get3A_647] : memref<128x1568xf32, #tpu.memory_space<vmem>>, vector<1x1568xf32>
    %div3A_649 = vector.broadcast %get3A_1 : f32 to vector<1x1568xf32>
    %div3A_650 = arith.divf %get3A_648, %div3A_649 : vector<1x1568xf32>
    %add3A_651 = arith.addf %add3A_642, %div3A_650 : vector<1x1568xf32>
    %swap3A_652 = arith.constant 72 : index
    %swap3A_653 = arith.constant 0 : index
    %swap3A_654 = vector.load %arg2[%swap3A_652, %swap3A_653] : memref<128x1568xf32, #tpu.memory_space<vmem>>, vector<1x1568xf32>
    tpu.vector_store %arg2[%swap3A_652, %swap3A_653], %add3A_651 {strides = array<i32>} : memref<128x1568xf32, #tpu.memory_space<vmem>>, vector<1x1568xf32>,
    %get3A_655 = arith.constant 73 : index
    %get3A_656 = arith.constant 0 : index
    %get3A_657 = vector.load %arg0[%get3A_655, %get3A_656] : memref<128x1568xf32, #tpu.memory_space<vmem>>, vector<1x1568xf32>
    %div3A_658 = vector.broadcast %get3A_1 : f32 to vector<1x1568xf32>
    %div3A_659 = arith.divf %get3A_657, %div3A_658 : vector<1x1568xf32>
    %add3A_660 = arith.addf %add3A_651, %div3A_659 : vector<1x1568xf32>
    %swap3A_661 = arith.constant 73 : index
    %swap3A_662 = arith.constant 0 : index
    %swap3A_663 = vector.load %arg2[%swap3A_661, %swap3A_662] : memref<128x1568xf32, #tpu.memory_space<vmem>>, vector<1x1568xf32>
    tpu.vector_store %arg2[%swap3A_661, %swap3A_662], %add3A_660 {strides = array<i32>} : memref<128x1568xf32, #tpu.memory_space<vmem>>, vector<1x1568xf32>,
    %get3A_664 = arith.constant 74 : index
    %get3A_665 = arith.constant 0 : index
    %get3A_666 = vector.load %arg0[%get3A_664, %get3A_665] : memref<128x1568xf32, #tpu.memory_space<vmem>>, vector<1x1568xf32>
    %div3A_667 = vector.broadcast %get3A_1 : f32 to vector<1x1568xf32>
    %div3A_668 = arith.divf %get3A_666, %div3A_667 : vector<1x1568xf32>
    %add3A_669 = arith.addf %add3A_660, %div3A_668 : vector<1x1568xf32>
    %swap3A_670 = arith.constant 74 : index
    %swap3A_671 = arith.constant 0 : index
    %swap3A_672 = vector.load %arg2[%swap3A_670, %swap3A_671] : memref<128x1568xf32, #tpu.memory_space<vmem>>, vector<1x1568xf32>
    tpu.vector_store %arg2[%swap3A_670, %swap3A_671], %add3A_669 {strides = array<i32>} : memref<128x1568xf32, #tpu.memory_space<vmem>>, vector<1x1568xf32>,
    %get3A_673 = arith.constant 75 : index
    %get3A_674 = arith.constant 0 : index
    %get3A_675 = vector.load %arg0[%get3A_673, %get3A_674] : memref<128x1568xf32, #tpu.memory_space<vmem>>, vector<1x1568xf32>
    %div3A_676 = vector.broadcast %get3A_1 : f32 to vector<1x1568xf32>
    %div3A_677 = arith.divf %get3A_675, %div3A_676 : vector<1x1568xf32>
    %add3A_678 = arith.addf %add3A_669, %div3A_677 : vector<1x1568xf32>
    %swap3A_679 = arith.constant 75 : index
    %swap3A_680 = arith.constant 0 : index
    %swap3A_681 = vector.load %arg2[%swap3A_679, %swap3A_680] : memref<128x1568xf32, #tpu.memory_space<vmem>>, vector<1x1568xf32>
    tpu.vector_store %arg2[%swap3A_679, %swap3A_680], %add3A_678 {strides = array<i32>} : memref<128x1568xf32, #tpu.memory_space<vmem>>, vector<1x1568xf32>,
    %get3A_682 = arith.constant 76 : index
    %get3A_683 = arith.constant 0 : index
    %get3A_684 = vector.load %arg0[%get3A_682, %get3A_683] : memref<128x1568xf32, #tpu.memory_space<vmem>>, vector<1x1568xf32>
    %div3A_685 = vector.broadcast %get3A_1 : f32 to vector<1x1568xf32>
    %div3A_686 = arith.divf %get3A_684, %div3A_685 : vector<1x1568xf32>
    %add3A_687 = arith.addf %add3A_678, %div3A_686 : vector<1x1568xf32>
    %swap3A_688 = arith.constant 76 : index
    %swap3A_689 = arith.constant 0 : index
    %swap3A_690 = vector.load %arg2[%swap3A_688, %swap3A_689] : memref<128x1568xf32, #tpu.memory_space<vmem>>, vector<1x1568xf32>
    tpu.vector_store %arg2[%swap3A_688, %swap3A_689], %add3A_687 {strides = array<i32>} : memref<128x1568xf32, #tpu.memory_space<vmem>>, vector<1x1568xf32>,
    %get3A_691 = arith.constant 77 : index
    %get3A_692 = arith.constant 0 : index
    %get3A_693 = vector.load %arg0[%get3A_691, %get3A_692] : memref<128x1568xf32, #tpu.memory_space<vmem>>, vector<1x1568xf32>
    %div3A_694 = vector.broadcast %get3A_1 : f32 to vector<1x1568xf32>
    %div3A_695 = arith.divf %get3A_693, %div3A_694 : vector<1x1568xf32>
    %add3A_696 = arith.addf %add3A_687, %div3A_695 : vector<1x1568xf32>
    %swap3A_697 = arith.constant 77 : index
    %swap3A_698 = arith.constant 0 : index
    %swap3A_699 = vector.load %arg2[%swap3A_697, %swap3A_698] : memref<128x1568xf32, #tpu.memory_space<vmem>>, vector<1x1568xf32>
    tpu.vector_store %arg2[%swap3A_697, %swap3A_698], %add3A_696 {strides = array<i32>} : memref<128x1568xf32, #tpu.memory_space<vmem>>, vector<1x1568xf32>,
    %get3A_700 = arith.constant 78 : index
    %get3A_701 = arith.constant 0 : index
    %get3A_702 = vector.load %arg0[%get3A_700, %get3A_701] : memref<128x1568xf32, #tpu.memory_space<vmem>>, vector<1x1568xf32>
    %div3A_703 = vector.broadcast %get3A_1 : f32 to vector<1x1568xf32>
    %div3A_704 = arith.divf %get3A_702, %div3A_703 : vector<1x1568xf32>
    %add3A_705 = arith.addf %add3A_696, %div3A_704 : vector<1x1568xf32>
    %swap3A_706 = arith.constant 78 : index
    %swap3A_707 = arith.constant 0 : index
    %swap3A_708 = vector.load %arg2[%swap3A_706, %swap3A_707] : memref<128x1568xf32, #tpu.memory_space<vmem>>, vector<1x1568xf32>
    tpu.vector_store %arg2[%swap3A_706, %swap3A_707], %add3A_705 {strides = array<i32>} : memref<128x1568xf32, #tpu.memory_space<vmem>>, vector<1x1568xf32>,
    %get3A_709 = arith.constant 79 : index
    %get3A_710 = arith.constant 0 : index
    %get3A_711 = vector.load %arg0[%get3A_709, %get3A_710] : memref<128x1568xf32, #tpu.memory_space<vmem>>, vector<1x1568xf32>
    %div3A_712 = vector.broadcast %get3A_1 : f32 to vector<1x1568xf32>
    %div3A_713 = arith.divf %get3A_711, %div3A_712 : vector<1x1568xf32>
    %add3A_714 = arith.addf %add3A_705, %div3A_713 : vector<1x1568xf32>
    %swap3A_715 = arith.constant 79 : index
    %swap3A_716 = arith.constant 0 : index
    %swap3A_717 = vector.load %arg2[%swap3A_715, %swap3A_716] : memref<128x1568xf32, #tpu.memory_space<vmem>>, vector<1x1568xf32>
    tpu.vector_store %arg2[%swap3A_715, %swap3A_716], %add3A_714 {strides = array<i32>} : memref<128x1568xf32, #tpu.memory_space<vmem>>, vector<1x1568xf32>,
    %get3A_718 = arith.constant 80 : index
    %get3A_719 = arith.constant 0 : index
    %get3A_720 = vector.load %arg0[%get3A_718, %get3A_719] : memref<128x1568xf32, #tpu.memory_space<vmem>>, vector<1x1568xf32>
    %div3A_721 = vector.broadcast %get3A_1 : f32 to vector<1x1568xf32>
    %div3A_722 = arith.divf %get3A_720, %div3A_721 : vector<1x1568xf32>
    %add3A_723 = arith.addf %add3A_714, %div3A_722 : vector<1x1568xf32>
    %swap3A_724 = arith.constant 80 : index
    %swap3A_725 = arith.constant 0 : index
    %swap3A_726 = vector.load %arg2[%swap3A_724, %swap3A_725] : memref<128x1568xf32, #tpu.memory_space<vmem>>, vector<1x1568xf32>
    tpu.vector_store %arg2[%swap3A_724, %swap3A_725], %add3A_723 {strides = array<i32>} : memref<128x1568xf32, #tpu.memory_space<vmem>>, vector<1x1568xf32>,
    %get3A_727 = arith.constant 81 : index
    %get3A_728 = arith.constant 0 : index
    %get3A_729 = vector.load %arg0[%get3A_727, %get3A_728] : memref<128x1568xf32, #tpu.memory_space<vmem>>, vector<1x1568xf32>
    %div3A_730 = vector.broadcast %get3A_1 : f32 to vector<1x1568xf32>
    %div3A_731 = arith.divf %get3A_729, %div3A_730 : vector<1x1568xf32>
    %add3A_732 = arith.addf %add3A_723, %div3A_731 : vector<1x1568xf32>
    %swap3A_733 = arith.constant 81 : index
    %swap3A_734 = arith.constant 0 : index
    %swap3A_735 = vector.load %arg2[%swap3A_733, %swap3A_734] : memref<128x1568xf32, #tpu.memory_space<vmem>>, vector<1x1568xf32>
    tpu.vector_store %arg2[%swap3A_733, %swap3A_734], %add3A_732 {strides = array<i32>} : memref<128x1568xf32, #tpu.memory_space<vmem>>, vector<1x1568xf32>,
    %get3A_736 = arith.constant 82 : index
    %get3A_737 = arith.constant 0 : index
    %get3A_738 = vector.load %arg0[%get3A_736, %get3A_737] : memref<128x1568xf32, #tpu.memory_space<vmem>>, vector<1x1568xf32>
    %div3A_739 = vector.broadcast %get3A_1 : f32 to vector<1x1568xf32>
    %div3A_740 = arith.divf %get3A_738, %div3A_739 : vector<1x1568xf32>
    %add3A_741 = arith.addf %add3A_732, %div3A_740 : vector<1x1568xf32>
    %swap3A_742 = arith.constant 82 : index
    %swap3A_743 = arith.constant 0 : index
    %swap3A_744 = vector.load %arg2[%swap3A_742, %swap3A_743] : memref<128x1568xf32, #tpu.memory_space<vmem>>, vector<1x1568xf32>
    tpu.vector_store %arg2[%swap3A_742, %swap3A_743], %add3A_741 {strides = array<i32>} : memref<128x1568xf32, #tpu.memory_space<vmem>>, vector<1x1568xf32>,
    %get3A_745 = arith.constant 83 : index
    %get3A_746 = arith.constant 0 : index
    %get3A_747 = vector.load %arg0[%get3A_745, %get3A_746] : memref<128x1568xf32, #tpu.memory_space<vmem>>, vector<1x1568xf32>
    %div3A_748 = vector.broadcast %get3A_1 : f32 to vector<1x1568xf32>
    %div3A_749 = arith.divf %get3A_747, %div3A_748 : vector<1x1568xf32>
    %add3A_750 = arith.addf %add3A_741, %div3A_749 : vector<1x1568xf32>
    %swap3A_751 = arith.constant 83 : index
    %swap3A_752 = arith.constant 0 : index
    %swap3A_753 = vector.load %arg2[%swap3A_751, %swap3A_752] : memref<128x1568xf32, #tpu.memory_space<vmem>>, vector<1x1568xf32>
    tpu.vector_store %arg2[%swap3A_751, %swap3A_752], %add3A_750 {strides = array<i32>} : memref<128x1568xf32, #tpu.memory_space<vmem>>, vector<1x1568xf32>,
    %get3A_754 = arith.constant 84 : index
    %get3A_755 = arith.constant 0 : index
    %get3A_756 = vector.load %arg0[%get3A_754, %get3A_755] : memref<128x1568xf32, #tpu.memory_space<vmem>>, vector<1x1568xf32>
    %div3A_757 = vector.broadcast %get3A_1 : f32 to vector<1x1568xf32>
    %div3A_758 = arith.divf %get3A_756, %div3A_757 : vector<1x1568xf32>
    %add3A_759 = arith.addf %add3A_750, %div3A_758 : vector<1x1568xf32>
    %swap3A_760 = arith.constant 84 : index
    %swap3A_761 = arith.constant 0 : index
    %swap3A_762 = vector.load %arg2[%swap3A_760, %swap3A_761] : memref<128x1568xf32, #tpu.memory_space<vmem>>, vector<1x1568xf32>
    tpu.vector_store %arg2[%swap3A_760, %swap3A_761], %add3A_759 {strides = array<i32>} : memref<128x1568xf32, #tpu.memory_space<vmem>>, vector<1x1568xf32>,
    %get3A_763 = arith.constant 85 : index
    %get3A_764 = arith.constant 0 : index
    %get3A_765 = vector.load %arg0[%get3A_763, %get3A_764] : memref<128x1568xf32, #tpu.memory_space<vmem>>, vector<1x1568xf32>
    %div3A_766 = vector.broadcast %get3A_1 : f32 to vector<1x1568xf32>
    %div3A_767 = arith.divf %get3A_765, %div3A_766 : vector<1x1568xf32>
    %add3A_768 = arith.addf %add3A_759, %div3A_767 : vector<1x1568xf32>
    %swap3A_769 = arith.constant 85 : index
    %swap3A_770 = arith.constant 0 : index
    %swap3A_771 = vector.load %arg2[%swap3A_769, %swap3A_770] : memref<128x1568xf32, #tpu.memory_space<vmem>>, vector<1x1568xf32>
    tpu.vector_store %arg2[%swap3A_769, %swap3A_770], %add3A_768 {strides = array<i32>} : memref<128x1568xf32, #tpu.memory_space<vmem>>, vector<1x1568xf32>,
    %get3A_772 = arith.constant 86 : index
    %get3A_773 = arith.constant 0 : index
    %get3A_774 = vector.load %arg0[%get3A_772, %get3A_773] : memref<128x1568xf32, #tpu.memory_space<vmem>>, vector<1x1568xf32>
    %div3A_775 = vector.broadcast %get3A_1 : f32 to vector<1x1568xf32>
    %div3A_776 = arith.divf %get3A_774, %div3A_775 : vector<1x1568xf32>
    %add3A_777 = arith.addf %add3A_768, %div3A_776 : vector<1x1568xf32>
    %swap3A_778 = arith.constant 86 : index
    %swap3A_779 = arith.constant 0 : index
    %swap3A_780 = vector.load %arg2[%swap3A_778, %swap3A_779] : memref<128x1568xf32, #tpu.memory_space<vmem>>, vector<1x1568xf32>
    tpu.vector_store %arg2[%swap3A_778, %swap3A_779], %add3A_777 {strides = array<i32>} : memref<128x1568xf32, #tpu.memory_space<vmem>>, vector<1x1568xf32>,
    %get3A_781 = arith.constant 87 : index
    %get3A_782 = arith.constant 0 : index
    %get3A_783 = vector.load %arg0[%get3A_781, %get3A_782] : memref<128x1568xf32, #tpu.memory_space<vmem>>, vector<1x1568xf32>
    %div3A_784 = vector.broadcast %get3A_1 : f32 to vector<1x1568xf32>
    %div3A_785 = arith.divf %get3A_783, %div3A_784 : vector<1x1568xf32>
    %add3A_786 = arith.addf %add3A_777, %div3A_785 : vector<1x1568xf32>
    %swap3A_787 = arith.constant 87 : index
    %swap3A_788 = arith.constant 0 : index
    %swap3A_789 = vector.load %arg2[%swap3A_787, %swap3A_788] : memref<128x1568xf32, #tpu.memory_space<vmem>>, vector<1x1568xf32>
    tpu.vector_store %arg2[%swap3A_787, %swap3A_788], %add3A_786 {strides = array<i32>} : memref<128x1568xf32, #tpu.memory_space<vmem>>, vector<1x1568xf32>,
    %get3A_790 = arith.constant 88 : index
    %get3A_791 = arith.constant 0 : index
    %get3A_792 = vector.load %arg0[%get3A_790, %get3A_791] : memref<128x1568xf32, #tpu.memory_space<vmem>>, vector<1x1568xf32>
    %div3A_793 = vector.broadcast %get3A_1 : f32 to vector<1x1568xf32>
    %div3A_794 = arith.divf %get3A_792, %div3A_793 : vector<1x1568xf32>
    %add3A_795 = arith.addf %add3A_786, %div3A_794 : vector<1x1568xf32>
    %swap3A_796 = arith.constant 88 : index
    %swap3A_797 = arith.constant 0 : index
    %swap3A_798 = vector.load %arg2[%swap3A_796, %swap3A_797] : memref<128x1568xf32, #tpu.memory_space<vmem>>, vector<1x1568xf32>
    tpu.vector_store %arg2[%swap3A_796, %swap3A_797], %add3A_795 {strides = array<i32>} : memref<128x1568xf32, #tpu.memory_space<vmem>>, vector<1x1568xf32>,
    %get3A_799 = arith.constant 89 : index
    %get3A_800 = arith.constant 0 : index
    %get3A_801 = vector.load %arg0[%get3A_799, %get3A_800] : memref<128x1568xf32, #tpu.memory_space<vmem>>, vector<1x1568xf32>
    %div3A_802 = vector.broadcast %get3A_1 : f32 to vector<1x1568xf32>
    %div3A_803 = arith.divf %get3A_801, %div3A_802 : vector<1x1568xf32>
    %add3A_804 = arith.addf %add3A_795, %div3A_803 : vector<1x1568xf32>
    %swap3A_805 = arith.constant 89 : index
    %swap3A_806 = arith.constant 0 : index
    %swap3A_807 = vector.load %arg2[%swap3A_805, %swap3A_806] : memref<128x1568xf32, #tpu.memory_space<vmem>>, vector<1x1568xf32>
    tpu.vector_store %arg2[%swap3A_805, %swap3A_806], %add3A_804 {strides = array<i32>} : memref<128x1568xf32, #tpu.memory_space<vmem>>, vector<1x1568xf32>,
    %get3A_808 = arith.constant 90 : index
    %get3A_809 = arith.constant 0 : index
    %get3A_810 = vector.load %arg0[%get3A_808, %get3A_809] : memref<128x1568xf32, #tpu.memory_space<vmem>>, vector<1x1568xf32>
    %div3A_811 = vector.broadcast %get3A_1 : f32 to vector<1x1568xf32>
    %div3A_812 = arith.divf %get3A_810, %div3A_811 : vector<1x1568xf32>
    %add3A_813 = arith.addf %add3A_804, %div3A_812 : vector<1x1568xf32>
    %swap3A_814 = arith.constant 90 : index
    %swap3A_815 = arith.constant 0 : index
    %swap3A_816 = vector.load %arg2[%swap3A_814, %swap3A_815] : memref<128x1568xf32, #tpu.memory_space<vmem>>, vector<1x1568xf32>
    tpu.vector_store %arg2[%swap3A_814, %swap3A_815], %add3A_813 {strides = array<i32>} : memref<128x1568xf32, #tpu.memory_space<vmem>>, vector<1x1568xf32>,
    %get3A_817 = arith.constant 91 : index
    %get3A_818 = arith.constant 0 : index
    %get3A_819 = vector.load %arg0[%get3A_817, %get3A_818] : memref<128x1568xf32, #tpu.memory_space<vmem>>, vector<1x1568xf32>
    %div3A_820 = vector.broadcast %get3A_1 : f32 to vector<1x1568xf32>
    %div3A_821 = arith.divf %get3A_819, %div3A_820 : vector<1x1568xf32>
    %add3A_822 = arith.addf %add3A_813, %div3A_821 : vector<1x1568xf32>
    %swap3A_823 = arith.constant 91 : index
    %swap3A_824 = arith.constant 0 : index
    %swap3A_825 = vector.load %arg2[%swap3A_823, %swap3A_824] : memref<128x1568xf32, #tpu.memory_space<vmem>>, vector<1x1568xf32>
    tpu.vector_store %arg2[%swap3A_823, %swap3A_824], %add3A_822 {strides = array<i32>} : memref<128x1568xf32, #tpu.memory_space<vmem>>, vector<1x1568xf32>,
    %get3A_826 = arith.constant 92 : index
    %get3A_827 = arith.constant 0 : index
    %get3A_828 = vector.load %arg0[%get3A_826, %get3A_827] : memref<128x1568xf32, #tpu.memory_space<vmem>>, vector<1x1568xf32>
    %div3A_829 = vector.broadcast %get3A_1 : f32 to vector<1x1568xf32>
    %div3A_830 = arith.divf %get3A_828, %div3A_829 : vector<1x1568xf32>
    %add3A_831 = arith.addf %add3A_822, %div3A_830 : vector<1x1568xf32>
    %swap3A_832 = arith.constant 92 : index
    %swap3A_833 = arith.constant 0 : index
    %swap3A_834 = vector.load %arg2[%swap3A_832, %swap3A_833] : memref<128x1568xf32, #tpu.memory_space<vmem>>, vector<1x1568xf32>
    tpu.vector_store %arg2[%swap3A_832, %swap3A_833], %add3A_831 {strides = array<i32>} : memref<128x1568xf32, #tpu.memory_space<vmem>>, vector<1x1568xf32>,
    %get3A_835 = arith.constant 93 : index
    %get3A_836 = arith.constant 0 : index
    %get3A_837 = vector.load %arg0[%get3A_835, %get3A_836] : memref<128x1568xf32, #tpu.memory_space<vmem>>, vector<1x1568xf32>
    %div3A_838 = vector.broadcast %get3A_1 : f32 to vector<1x1568xf32>
    %div3A_839 = arith.divf %get3A_837, %div3A_838 : vector<1x1568xf32>
    %add3A_840 = arith.addf %add3A_831, %div3A_839 : vector<1x1568xf32>
    %swap3A_841 = arith.constant 93 : index
    %swap3A_842 = arith.constant 0 : index
    %swap3A_843 = vector.load %arg2[%swap3A_841, %swap3A_842] : memref<128x1568xf32, #tpu.memory_space<vmem>>, vector<1x1568xf32>
    tpu.vector_store %arg2[%swap3A_841, %swap3A_842], %add3A_840 {strides = array<i32>} : memref<128x1568xf32, #tpu.memory_space<vmem>>, vector<1x1568xf32>,
    %get3A_844 = arith.constant 94 : index
    %get3A_845 = arith.constant 0 : index
    %get3A_846 = vector.load %arg0[%get3A_844, %get3A_845] : memref<128x1568xf32, #tpu.memory_space<vmem>>, vector<1x1568xf32>
    %div3A_847 = vector.broadcast %get3A_1 : f32 to vector<1x1568xf32>
    %div3A_848 = arith.divf %get3A_846, %div3A_847 : vector<1x1568xf32>
    %add3A_849 = arith.addf %add3A_840, %div3A_848 : vector<1x1568xf32>
    %swap3A_850 = arith.constant 94 : index
    %swap3A_851 = arith.constant 0 : index
    %swap3A_852 = vector.load %arg2[%swap3A_850, %swap3A_851] : memref<128x1568xf32, #tpu.memory_space<vmem>>, vector<1x1568xf32>
    tpu.vector_store %arg2[%swap3A_850, %swap3A_851], %add3A_849 {strides = array<i32>} : memref<128x1568xf32, #tpu.memory_space<vmem>>, vector<1x1568xf32>,
    %get3A_853 = arith.constant 95 : index
    %get3A_854 = arith.constant 0 : index
    %get3A_855 = vector.load %arg0[%get3A_853, %get3A_854] : memref<128x1568xf32, #tpu.memory_space<vmem>>, vector<1x1568xf32>
    %div3A_856 = vector.broadcast %get3A_1 : f32 to vector<1x1568xf32>
    %div3A_857 = arith.divf %get3A_855, %div3A_856 : vector<1x1568xf32>
    %add3A_858 = arith.addf %add3A_849, %div3A_857 : vector<1x1568xf32>
    %swap3A_859 = arith.constant 95 : index
    %swap3A_860 = arith.constant 0 : index
    %swap3A_861 = vector.load %arg2[%swap3A_859, %swap3A_860] : memref<128x1568xf32, #tpu.memory_space<vmem>>, vector<1x1568xf32>
    tpu.vector_store %arg2[%swap3A_859, %swap3A_860], %add3A_858 {strides = array<i32>} : memref<128x1568xf32, #tpu.memory_space<vmem>>, vector<1x1568xf32>,
    %get3A_862 = arith.constant 96 : index
    %get3A_863 = arith.constant 0 : index
    %get3A_864 = vector.load %arg0[%get3A_862, %get3A_863] : memref<128x1568xf32, #tpu.memory_space<vmem>>, vector<1x1568xf32>
    %div3A_865 = vector.broadcast %get3A_1 : f32 to vector<1x1568xf32>
    %div3A_866 = arith.divf %get3A_864, %div3A_865 : vector<1x1568xf32>
    %add3A_867 = arith.addf %add3A_858, %div3A_866 : vector<1x1568xf32>
    %swap3A_868 = arith.constant 96 : index
    %swap3A_869 = arith.constant 0 : index
    %swap3A_870 = vector.load %arg2[%swap3A_868, %swap3A_869] : memref<128x1568xf32, #tpu.memory_space<vmem>>, vector<1x1568xf32>
    tpu.vector_store %arg2[%swap3A_868, %swap3A_869], %add3A_867 {strides = array<i32>} : memref<128x1568xf32, #tpu.memory_space<vmem>>, vector<1x1568xf32>,
    %get3A_871 = arith.constant 97 : index
    %get3A_872 = arith.constant 0 : index
    %get3A_873 = vector.load %arg0[%get3A_871, %get3A_872] : memref<128x1568xf32, #tpu.memory_space<vmem>>, vector<1x1568xf32>
    %div3A_874 = vector.broadcast %get3A_1 : f32 to vector<1x1568xf32>
    %div3A_875 = arith.divf %get3A_873, %div3A_874 : vector<1x1568xf32>
    %add3A_876 = arith.addf %add3A_867, %div3A_875 : vector<1x1568xf32>
    %swap3A_877 = arith.constant 97 : index
    %swap3A_878 = arith.constant 0 : index
    %swap3A_879 = vector.load %arg2[%swap3A_877, %swap3A_878] : memref<128x1568xf32, #tpu.memory_space<vmem>>, vector<1x1568xf32>
    tpu.vector_store %arg2[%swap3A_877, %swap3A_878], %add3A_876 {strides = array<i32>} : memref<128x1568xf32, #tpu.memory_space<vmem>>, vector<1x1568xf32>,
    %get3A_880 = arith.constant 98 : index
    %get3A_881 = arith.constant 0 : index
    %get3A_882 = vector.load %arg0[%get3A_880, %get3A_881] : memref<128x1568xf32, #tpu.memory_space<vmem>>, vector<1x1568xf32>
    %div3A_883 = vector.broadcast %get3A_1 : f32 to vector<1x1568xf32>
    %div3A_884 = arith.divf %get3A_882, %div3A_883 : vector<1x1568xf32>
    %add3A_885 = arith.addf %add3A_876, %div3A_884 : vector<1x1568xf32>
    %swap3A_886 = arith.constant 98 : index
    %swap3A_887 = arith.constant 0 : index
    %swap3A_888 = vector.load %arg2[%swap3A_886, %swap3A_887] : memref<128x1568xf32, #tpu.memory_space<vmem>>, vector<1x1568xf32>
    tpu.vector_store %arg2[%swap3A_886, %swap3A_887], %add3A_885 {strides = array<i32>} : memref<128x1568xf32, #tpu.memory_space<vmem>>, vector<1x1568xf32>,
    %get3A_889 = arith.constant 99 : index
    %get3A_890 = arith.constant 0 : index
    %get3A_891 = vector.load %arg0[%get3A_889, %get3A_890] : memref<128x1568xf32, #tpu.memory_space<vmem>>, vector<1x1568xf32>
    %div3A_892 = vector.broadcast %get3A_1 : f32 to vector<1x1568xf32>
    %div3A_893 = arith.divf %get3A_891, %div3A_892 : vector<1x1568xf32>
    %add3A_894 = arith.addf %add3A_885, %div3A_893 : vector<1x1568xf32>
    %swap3A_895 = arith.constant 99 : index
    %swap3A_896 = arith.constant 0 : index
    %swap3A_897 = vector.load %arg2[%swap3A_895, %swap3A_896] : memref<128x1568xf32, #tpu.memory_space<vmem>>, vector<1x1568xf32>
    tpu.vector_store %arg2[%swap3A_895, %swap3A_896], %add3A_894 {strides = array<i32>} : memref<128x1568xf32, #tpu.memory_space<vmem>>, vector<1x1568xf32>,
    %get3A_898 = arith.constant 100 : index
    %get3A_899 = arith.constant 0 : index
    %get3A_900 = vector.load %arg0[%get3A_898, %get3A_899] : memref<128x1568xf32, #tpu.memory_space<vmem>>, vector<1x1568xf32>
    %div3A_901 = vector.broadcast %get3A_1 : f32 to vector<1x1568xf32>
    %div3A_902 = arith.divf %get3A_900, %div3A_901 : vector<1x1568xf32>
    %add3A_903 = arith.addf %add3A_894, %div3A_902 : vector<1x1568xf32>
    %swap3A_904 = arith.constant 100 : index
    %swap3A_905 = arith.constant 0 : index
    %swap3A_906 = vector.load %arg2[%swap3A_904, %swap3A_905] : memref<128x1568xf32, #tpu.memory_space<vmem>>, vector<1x1568xf32>
    tpu.vector_store %arg2[%swap3A_904, %swap3A_905], %add3A_903 {strides = array<i32>} : memref<128x1568xf32, #tpu.memory_space<vmem>>, vector<1x1568xf32>,
    %get3A_907 = arith.constant 101 : index
    %get3A_908 = arith.constant 0 : index
    %get3A_909 = vector.load %arg0[%get3A_907, %get3A_908] : memref<128x1568xf32, #tpu.memory_space<vmem>>, vector<1x1568xf32>
    %div3A_910 = vector.broadcast %get3A_1 : f32 to vector<1x1568xf32>
    %div3A_911 = arith.divf %get3A_909, %div3A_910 : vector<1x1568xf32>
    %add3A_912 = arith.addf %add3A_903, %div3A_911 : vector<1x1568xf32>
    %swap3A_913 = arith.constant 101 : index
    %swap3A_914 = arith.constant 0 : index
    %swap3A_915 = vector.load %arg2[%swap3A_913, %swap3A_914] : memref<128x1568xf32, #tpu.memory_space<vmem>>, vector<1x1568xf32>
    tpu.vector_store %arg2[%swap3A_913, %swap3A_914], %add3A_912 {strides = array<i32>} : memref<128x1568xf32, #tpu.memory_space<vmem>>, vector<1x1568xf32>,
    %get3A_916 = arith.constant 102 : index
    %get3A_917 = arith.constant 0 : index
    %get3A_918 = vector.load %arg0[%get3A_916, %get3A_917] : memref<128x1568xf32, #tpu.memory_space<vmem>>, vector<1x1568xf32>
    %div3A_919 = vector.broadcast %get3A_1 : f32 to vector<1x1568xf32>
    %div3A_920 = arith.divf %get3A_918, %div3A_919 : vector<1x1568xf32>
    %add3A_921 = arith.addf %add3A_912, %div3A_920 : vector<1x1568xf32>
    %swap3A_922 = arith.constant 102 : index
    %swap3A_923 = arith.constant 0 : index
    %swap3A_924 = vector.load %arg2[%swap3A_922, %swap3A_923] : memref<128x1568xf32, #tpu.memory_space<vmem>>, vector<1x1568xf32>
    tpu.vector_store %arg2[%swap3A_922, %swap3A_923], %add3A_921 {strides = array<i32>} : memref<128x1568xf32, #tpu.memory_space<vmem>>, vector<1x1568xf32>,
    %get3A_925 = arith.constant 103 : index
    %get3A_926 = arith.constant 0 : index
    %get3A_927 = vector.load %arg0[%get3A_925, %get3A_926] : memref<128x1568xf32, #tpu.memory_space<vmem>>, vector<1x1568xf32>
    %div3A_928 = vector.broadcast %get3A_1 : f32 to vector<1x1568xf32>
    %div3A_929 = arith.divf %get3A_927, %div3A_928 : vector<1x1568xf32>
    %add3A_930 = arith.addf %add3A_921, %div3A_929 : vector<1x1568xf32>
    %swap3A_931 = arith.constant 103 : index
    %swap3A_932 = arith.constant 0 : index
    %swap3A_933 = vector.load %arg2[%swap3A_931, %swap3A_932] : memref<128x1568xf32, #tpu.memory_space<vmem>>, vector<1x1568xf32>
    tpu.vector_store %arg2[%swap3A_931, %swap3A_932], %add3A_930 {strides = array<i32>} : memref<128x1568xf32, #tpu.memory_space<vmem>>, vector<1x1568xf32>,
    %get3A_934 = arith.constant 104 : index
    %get3A_935 = arith.constant 0 : index
    %get3A_936 = vector.load %arg0[%get3A_934, %get3A_935] : memref<128x1568xf32, #tpu.memory_space<vmem>>, vector<1x1568xf32>
    %div3A_937 = vector.broadcast %get3A_1 : f32 to vector<1x1568xf32>
    %div3A_938 = arith.divf %get3A_936, %div3A_937 : vector<1x1568xf32>
    %add3A_939 = arith.addf %add3A_930, %div3A_938 : vector<1x1568xf32>
    %swap3A_940 = arith.constant 104 : index
    %swap3A_941 = arith.constant 0 : index
    %swap3A_942 = vector.load %arg2[%swap3A_940, %swap3A_941] : memref<128x1568xf32, #tpu.memory_space<vmem>>, vector<1x1568xf32>
    tpu.vector_store %arg2[%swap3A_940, %swap3A_941], %add3A_939 {strides = array<i32>} : memref<128x1568xf32, #tpu.memory_space<vmem>>, vector<1x1568xf32>,
    %get3A_943 = arith.constant 105 : index
    %get3A_944 = arith.constant 0 : index
    %get3A_945 = vector.load %arg0[%get3A_943, %get3A_944] : memref<128x1568xf32, #tpu.memory_space<vmem>>, vector<1x1568xf32>
    %div3A_946 = vector.broadcast %get3A_1 : f32 to vector<1x1568xf32>
    %div3A_947 = arith.divf %get3A_945, %div3A_946 : vector<1x1568xf32>
    %add3A_948 = arith.addf %add3A_939, %div3A_947 : vector<1x1568xf32>
    %swap3A_949 = arith.constant 105 : index
    %swap3A_950 = arith.constant 0 : index
    %swap3A_951 = vector.load %arg2[%swap3A_949, %swap3A_950] : memref<128x1568xf32, #tpu.memory_space<vmem>>, vector<1x1568xf32>
    tpu.vector_store %arg2[%swap3A_949, %swap3A_950], %add3A_948 {strides = array<i32>} : memref<128x1568xf32, #tpu.memory_space<vmem>>, vector<1x1568xf32>,
    %get3A_952 = arith.constant 106 : index
    %get3A_953 = arith.constant 0 : index
    %get3A_954 = vector.load %arg0[%get3A_952, %get3A_953] : memref<128x1568xf32, #tpu.memory_space<vmem>>, vector<1x1568xf32>
    %div3A_955 = vector.broadcast %get3A_1 : f32 to vector<1x1568xf32>
    %div3A_956 = arith.divf %get3A_954, %div3A_955 : vector<1x1568xf32>
    %add3A_957 = arith.addf %add3A_948, %div3A_956 : vector<1x1568xf32>
    %swap3A_958 = arith.constant 106 : index
    %swap3A_959 = arith.constant 0 : index
    %swap3A_960 = vector.load %arg2[%swap3A_958, %swap3A_959] : memref<128x1568xf32, #tpu.memory_space<vmem>>, vector<1x1568xf32>
    tpu.vector_store %arg2[%swap3A_958, %swap3A_959], %add3A_957 {strides = array<i32>} : memref<128x1568xf32, #tpu.memory_space<vmem>>, vector<1x1568xf32>,
    %get3A_961 = arith.constant 107 : index
    %get3A_962 = arith.constant 0 : index
    %get3A_963 = vector.load %arg0[%get3A_961, %get3A_962] : memref<128x1568xf32, #tpu.memory_space<vmem>>, vector<1x1568xf32>
    %div3A_964 = vector.broadcast %get3A_1 : f32 to vector<1x1568xf32>
    %div3A_965 = arith.divf %get3A_963, %div3A_964 : vector<1x1568xf32>
    %add3A_966 = arith.addf %add3A_957, %div3A_965 : vector<1x1568xf32>
    %swap3A_967 = arith.constant 107 : index
    %swap3A_968 = arith.constant 0 : index
    %swap3A_969 = vector.load %arg2[%swap3A_967, %swap3A_968] : memref<128x1568xf32, #tpu.memory_space<vmem>>, vector<1x1568xf32>
    tpu.vector_store %arg2[%swap3A_967, %swap3A_968], %add3A_966 {strides = array<i32>} : memref<128x1568xf32, #tpu.memory_space<vmem>>, vector<1x1568xf32>,
    %get3A_970 = arith.constant 108 : index
    %get3A_971 = arith.constant 0 : index
    %get3A_972 = vector.load %arg0[%get3A_970, %get3A_971] : memref<128x1568xf32, #tpu.memory_space<vmem>>, vector<1x1568xf32>
    %div3A_973 = vector.broadcast %get3A_1 : f32 to vector<1x1568xf32>
    %div3A_974 = arith.divf %get3A_972, %div3A_973 : vector<1x1568xf32>
    %add3A_975 = arith.addf %add3A_966, %div3A_974 : vector<1x1568xf32>
    %swap3A_976 = arith.constant 108 : index
    %swap3A_977 = arith.constant 0 : index
    %swap3A_978 = vector.load %arg2[%swap3A_976, %swap3A_977] : memref<128x1568xf32, #tpu.memory_space<vmem>>, vector<1x1568xf32>
    tpu.vector_store %arg2[%swap3A_976, %swap3A_977], %add3A_975 {strides = array<i32>} : memref<128x1568xf32, #tpu.memory_space<vmem>>, vector<1x1568xf32>,
    %get3A_979 = arith.constant 109 : index
    %get3A_980 = arith.constant 0 : index
    %get3A_981 = vector.load %arg0[%get3A_979, %get3A_980] : memref<128x1568xf32, #tpu.memory_space<vmem>>, vector<1x1568xf32>
    %div3A_982 = vector.broadcast %get3A_1 : f32 to vector<1x1568xf32>
    %div3A_983 = arith.divf %get3A_981, %div3A_982 : vector<1x1568xf32>
    %add3A_984 = arith.addf %add3A_975, %div3A_983 : vector<1x1568xf32>
    %swap3A_985 = arith.constant 109 : index
    %swap3A_986 = arith.constant 0 : index
    %swap3A_987 = vector.load %arg2[%swap3A_985, %swap3A_986] : memref<128x1568xf32, #tpu.memory_space<vmem>>, vector<1x1568xf32>
    tpu.vector_store %arg2[%swap3A_985, %swap3A_986], %add3A_984 {strides = array<i32>} : memref<128x1568xf32, #tpu.memory_space<vmem>>, vector<1x1568xf32>,
    %get3A_988 = arith.constant 110 : index
    %get3A_989 = arith.constant 0 : index
    %get3A_990 = vector.load %arg0[%get3A_988, %get3A_989] : memref<128x1568xf32, #tpu.memory_space<vmem>>, vector<1x1568xf32>
    %div3A_991 = vector.broadcast %get3A_1 : f32 to vector<1x1568xf32>
    %div3A_992 = arith.divf %get3A_990, %div3A_991 : vector<1x1568xf32>
    %add3A_993 = arith.addf %add3A_984, %div3A_992 : vector<1x1568xf32>
    %swap3A_994 = arith.constant 110 : index
    %swap3A_995 = arith.constant 0 : index
    %swap3A_996 = vector.load %arg2[%swap3A_994, %swap3A_995] : memref<128x1568xf32, #tpu.memory_space<vmem>>, vector<1x1568xf32>
    tpu.vector_store %arg2[%swap3A_994, %swap3A_995], %add3A_993 {strides = array<i32>} : memref<128x1568xf32, #tpu.memory_space<vmem>>, vector<1x1568xf32>,
    %get3A_997 = arith.constant 111 : index
    %get3A_998 = arith.constant 0 : index
    %get3A_999 = vector.load %arg0[%get3A_997, %get3A_998] : memref<128x1568xf32, #tpu.memory_space<vmem>>, vector<1x1568xf32>
    %div3A_1000 = vector.broadcast %get3A_1 : f32 to vector<1x1568xf32>
    %div3A_1001 = arith.divf %get3A_999, %div3A_1000 : vector<1x1568xf32>
    %add3A_1002 = arith.addf %add3A_993, %div3A_1001 : vector<1x1568xf32>
    %swap3A_1003 = arith.constant 111 : index
    %swap3A_1004 = arith.constant 0 : index
    %swap3A_1005 = vector.load %arg2[%swap3A_1003, %swap3A_1004] : memref<128x1568xf32, #tpu.memory_space<vmem>>, vector<1x1568xf32>
    tpu.vector_store %arg2[%swap3A_1003, %swap3A_1004], %add3A_1002 {strides = array<i32>} : memref<128x1568xf32, #tpu.memory_space<vmem>>, vector<1x1568xf32>,
    %get3A_1006 = arith.constant 112 : index
    %get3A_1007 = arith.constant 0 : index
    %get3A_1008 = vector.load %arg0[%get3A_1006, %get3A_1007] : memref<128x1568xf32, #tpu.memory_space<vmem>>, vector<1x1568xf32>
    %div3A_1009 = vector.broadcast %get3A_1 : f32 to vector<1x1568xf32>
    %div3A_1010 = arith.divf %get3A_1008, %div3A_1009 : vector<1x1568xf32>
    %add3A_1011 = arith.addf %add3A_1002, %div3A_1010 : vector<1x1568xf32>
    %swap3A_1012 = arith.constant 112 : index
    %swap3A_1013 = arith.constant 0 : index
    %swap3A_1014 = vector.load %arg2[%swap3A_1012, %swap3A_1013] : memref<128x1568xf32, #tpu.memory_space<vmem>>, vector<1x1568xf32>
    tpu.vector_store %arg2[%swap3A_1012, %swap3A_1013], %add3A_1011 {strides = array<i32>} : memref<128x1568xf32, #tpu.memory_space<vmem>>, vector<1x1568xf32>,
    %get3A_1015 = arith.constant 113 : index
    %get3A_1016 = arith.constant 0 : index
    %get3A_1017 = vector.load %arg0[%get3A_1015, %get3A_1016] : memref<128x1568xf32, #tpu.memory_space<vmem>>, vector<1x1568xf32>
    %div3A_1018 = vector.broadcast %get3A_1 : f32 to vector<1x1568xf32>
    %div3A_1019 = arith.divf %get3A_1017, %div3A_1018 : vector<1x1568xf32>
    %add3A_1020 = arith.addf %add3A_1011, %div3A_1019 : vector<1x1568xf32>
    %swap3A_1021 = arith.constant 113 : index
    %swap3A_1022 = arith.constant 0 : index
    %swap3A_1023 = vector.load %arg2[%swap3A_1021, %swap3A_1022] : memref<128x1568xf32, #tpu.memory_space<vmem>>, vector<1x1568xf32>
    tpu.vector_store %arg2[%swap3A_1021, %swap3A_1022], %add3A_1020 {strides = array<i32>} : memref<128x1568xf32, #tpu.memory_space<vmem>>, vector<1x1568xf32>,
    %get3A_1024 = arith.constant 114 : index
    %get3A_1025 = arith.constant 0 : index
    %get3A_1026 = vector.load %arg0[%get3A_1024, %get3A_1025] : memref<128x1568xf32, #tpu.memory_space<vmem>>, vector<1x1568xf32>
    %div3A_1027 = vector.broadcast %get3A_1 : f32 to vector<1x1568xf32>
    %div3A_1028 = arith.divf %get3A_1026, %div3A_1027 : vector<1x1568xf32>
    %add3A_1029 = arith.addf %add3A_1020, %div3A_1028 : vector<1x1568xf32>
    %swap3A_1030 = arith.constant 114 : index
    %swap3A_1031 = arith.constant 0 : index
    %swap3A_1032 = vector.load %arg2[%swap3A_1030, %swap3A_1031] : memref<128x1568xf32, #tpu.memory_space<vmem>>, vector<1x1568xf32>
    tpu.vector_store %arg2[%swap3A_1030, %swap3A_1031], %add3A_1029 {strides = array<i32>} : memref<128x1568xf32, #tpu.memory_space<vmem>>, vector<1x1568xf32>,
    %get3A_1033 = arith.constant 115 : index
    %get3A_1034 = arith.constant 0 : index
    %get3A_1035 = vector.load %arg0[%get3A_1033, %get3A_1034] : memref<128x1568xf32, #tpu.memory_space<vmem>>, vector<1x1568xf32>
    %div3A_1036 = vector.broadcast %get3A_1 : f32 to vector<1x1568xf32>
    %div3A_1037 = arith.divf %get3A_1035, %div3A_1036 : vector<1x1568xf32>
    %add3A_1038 = arith.addf %add3A_1029, %div3A_1037 : vector<1x1568xf32>
    %swap3A_1039 = arith.constant 115 : index
    %swap3A_1040 = arith.constant 0 : index
    %swap3A_1041 = vector.load %arg2[%swap3A_1039, %swap3A_1040] : memref<128x1568xf32, #tpu.memory_space<vmem>>, vector<1x1568xf32>
    tpu.vector_store %arg2[%swap3A_1039, %swap3A_1040], %add3A_1038 {strides = array<i32>} : memref<128x1568xf32, #tpu.memory_space<vmem>>, vector<1x1568xf32>,
    %get3A_1042 = arith.constant 116 : index
    %get3A_1043 = arith.constant 0 : index
    %get3A_1044 = vector.load %arg0[%get3A_1042, %get3A_1043] : memref<128x1568xf32, #tpu.memory_space<vmem>>, vector<1x1568xf32>
    %div3A_1045 = vector.broadcast %get3A_1 : f32 to vector<1x1568xf32>
    %div3A_1046 = arith.divf %get3A_1044, %div3A_1045 : vector<1x1568xf32>
    %add3A_1047 = arith.addf %add3A_1038, %div3A_1046 : vector<1x1568xf32>
    %swap3A_1048 = arith.constant 116 : index
    %swap3A_1049 = arith.constant 0 : index
    %swap3A_1050 = vector.load %arg2[%swap3A_1048, %swap3A_1049] : memref<128x1568xf32, #tpu.memory_space<vmem>>, vector<1x1568xf32>
    tpu.vector_store %arg2[%swap3A_1048, %swap3A_1049], %add3A_1047 {strides = array<i32>} : memref<128x1568xf32, #tpu.memory_space<vmem>>, vector<1x1568xf32>,
    %get3A_1051 = arith.constant 117 : index
    %get3A_1052 = arith.constant 0 : index
    %get3A_1053 = vector.load %arg0[%get3A_1051, %get3A_1052] : memref<128x1568xf32, #tpu.memory_space<vmem>>, vector<1x1568xf32>
    %div3A_1054 = vector.broadcast %get3A_1 : f32 to vector<1x1568xf32>
    %div3A_1055 = arith.divf %get3A_1053, %div3A_1054 : vector<1x1568xf32>
    %add3A_1056 = arith.addf %add3A_1047, %div3A_1055 : vector<1x1568xf32>
    %swap3A_1057 = arith.constant 117 : index
    %swap3A_1058 = arith.constant 0 : index
    %swap3A_1059 = vector.load %arg2[%swap3A_1057, %swap3A_1058] : memref<128x1568xf32, #tpu.memory_space<vmem>>, vector<1x1568xf32>
    tpu.vector_store %arg2[%swap3A_1057, %swap3A_1058], %add3A_1056 {strides = array<i32>} : memref<128x1568xf32, #tpu.memory_space<vmem>>, vector<1x1568xf32>,
    %get3A_1060 = arith.constant 118 : index
    %get3A_1061 = arith.constant 0 : index
    %get3A_1062 = vector.load %arg0[%get3A_1060, %get3A_1061] : memref<128x1568xf32, #tpu.memory_space<vmem>>, vector<1x1568xf32>
    %div3A_1063 = vector.broadcast %get3A_1 : f32 to vector<1x1568xf32>
    %div3A_1064 = arith.divf %get3A_1062, %div3A_1063 : vector<1x1568xf32>
    %add3A_1065 = arith.addf %add3A_1056, %div3A_1064 : vector<1x1568xf32>
    %swap3A_1066 = arith.constant 118 : index
    %swap3A_1067 = arith.constant 0 : index
    %swap3A_1068 = vector.load %arg2[%swap3A_1066, %swap3A_1067] : memref<128x1568xf32, #tpu.memory_space<vmem>>, vector<1x1568xf32>
    tpu.vector_store %arg2[%swap3A_1066, %swap3A_1067], %add3A_1065 {strides = array<i32>} : memref<128x1568xf32, #tpu.memory_space<vmem>>, vector<1x1568xf32>,
    %get3A_1069 = arith.constant 119 : index
    %get3A_1070 = arith.constant 0 : index
    %get3A_1071 = vector.load %arg0[%get3A_1069, %get3A_1070] : memref<128x1568xf32, #tpu.memory_space<vmem>>, vector<1x1568xf32>
    %div3A_1072 = vector.broadcast %get3A_1 : f32 to vector<1x1568xf32>
    %div3A_1073 = arith.divf %get3A_1071, %div3A_1072 : vector<1x1568xf32>
    %add3A_1074 = arith.addf %add3A_1065, %div3A_1073 : vector<1x1568xf32>
    %swap3A_1075 = arith.constant 119 : index
    %swap3A_1076 = arith.constant 0 : index
    %swap3A_1077 = vector.load %arg2[%swap3A_1075, %swap3A_1076] : memref<128x1568xf32, #tpu.memory_space<vmem>>, vector<1x1568xf32>
    tpu.vector_store %arg2[%swap3A_1075, %swap3A_1076], %add3A_1074 {strides = array<i32>} : memref<128x1568xf32, #tpu.memory_space<vmem>>, vector<1x1568xf32>,
    %get3A_1078 = arith.constant 120 : index
    %get3A_1079 = arith.constant 0 : index
    %get3A_1080 = vector.load %arg0[%get3A_1078, %get3A_1079] : memref<128x1568xf32, #tpu.memory_space<vmem>>, vector<1x1568xf32>
    %div3A_1081 = vector.broadcast %get3A_1 : f32 to vector<1x1568xf32>
    %div3A_1082 = arith.divf %get3A_1080, %div3A_1081 : vector<1x1568xf32>
    %add3A_1083 = arith.addf %add3A_1074, %div3A_1082 : vector<1x1568xf32>
    %swap3A_1084 = arith.constant 120 : index
    %swap3A_1085 = arith.constant 0 : index
    %swap3A_1086 = vector.load %arg2[%swap3A_1084, %swap3A_1085] : memref<128x1568xf32, #tpu.memory_space<vmem>>, vector<1x1568xf32>
    tpu.vector_store %arg2[%swap3A_1084, %swap3A_1085], %add3A_1083 {strides = array<i32>} : memref<128x1568xf32, #tpu.memory_space<vmem>>, vector<1x1568xf32>,
    %get3A_1087 = arith.constant 121 : index
    %get3A_1088 = arith.constant 0 : index
    %get3A_1089 = vector.load %arg0[%get3A_1087, %get3A_1088] : memref<128x1568xf32, #tpu.memory_space<vmem>>, vector<1x1568xf32>
    %div3A_1090 = vector.broadcast %get3A_1 : f32 to vector<1x1568xf32>
    %div3A_1091 = arith.divf %get3A_1089, %div3A_1090 : vector<1x1568xf32>
    %add3A_1092 = arith.addf %add3A_1083, %div3A_1091 : vector<1x1568xf32>
    %swap3A_1093 = arith.constant 121 : index
    %swap3A_1094 = arith.constant 0 : index
    %swap3A_1095 = vector.load %arg2[%swap3A_1093, %swap3A_1094] : memref<128x1568xf32, #tpu.memory_space<vmem>>, vector<1x1568xf32>
    tpu.vector_store %arg2[%swap3A_1093, %swap3A_1094], %add3A_1092 {strides = array<i32>} : memref<128x1568xf32, #tpu.memory_space<vmem>>, vector<1x1568xf32>,
    %get3A_1096 = arith.constant 122 : index
    %get3A_1097 = arith.constant 0 : index
    %get3A_1098 = vector.load %arg0[%get3A_1096, %get3A_1097] : memref<128x1568xf32, #tpu.memory_space<vmem>>, vector<1x1568xf32>
    %div3A_1099 = vector.broadcast %get3A_1 : f32 to vector<1x1568xf32>
    %div3A_1100 = arith.divf %get3A_1098, %div3A_1099 : vector<1x1568xf32>
    %add3A_1101 = arith.addf %add3A_1092, %div3A_1100 : vector<1x1568xf32>
    %swap3A_1102 = arith.constant 122 : index
    %swap3A_1103 = arith.constant 0 : index
    %swap3A_1104 = vector.load %arg2[%swap3A_1102, %swap3A_1103] : memref<128x1568xf32, #tpu.memory_space<vmem>>, vector<1x1568xf32>
    tpu.vector_store %arg2[%swap3A_1102, %swap3A_1103], %add3A_1101 {strides = array<i32>} : memref<128x1568xf32, #tpu.memory_space<vmem>>, vector<1x1568xf32>,
    %get3A_1105 = arith.constant 123 : index
    %get3A_1106 = arith.constant 0 : index
    %get3A_1107 = vector.load %arg0[%get3A_1105, %get3A_1106] : memref<128x1568xf32, #tpu.memory_space<vmem>>, vector<1x1568xf32>
    %div3A_1108 = vector.broadcast %get3A_1 : f32 to vector<1x1568xf32>
    %div3A_1109 = arith.divf %get3A_1107, %div3A_1108 : vector<1x1568xf32>
    %add3A_1110 = arith.addf %add3A_1101, %div3A_1109 : vector<1x1568xf32>
    %swap3A_1111 = arith.constant 123 : index
    %swap3A_1112 = arith.constant 0 : index
    %swap3A_1113 = vector.load %arg2[%swap3A_1111, %swap3A_1112] : memref<128x1568xf32, #tpu.memory_space<vmem>>, vector<1x1568xf32>
    tpu.vector_store %arg2[%swap3A_1111, %swap3A_1112], %add3A_1110 {strides = array<i32>} : memref<128x1568xf32, #tpu.memory_space<vmem>>, vector<1x1568xf32>,
    %get3A_1114 = arith.constant 124 : index
    %get3A_1115 = arith.constant 0 : index
    %get3A_1116 = vector.load %arg0[%get3A_1114, %get3A_1115] : memref<128x1568xf32, #tpu.memory_space<vmem>>, vector<1x1568xf32>
    %div3A_1117 = vector.broadcast %get3A_1 : f32 to vector<1x1568xf32>
    %div3A_1118 = arith.divf %get3A_1116, %div3A_1117 : vector<1x1568xf32>
    %add3A_1119 = arith.addf %add3A_1110, %div3A_1118 : vector<1x1568xf32>
    %swap3A_1120 = arith.constant 124 : index
    %swap3A_1121 = arith.constant 0 : index
    %swap3A_1122 = vector.load %arg2[%swap3A_1120, %swap3A_1121] : memref<128x1568xf32, #tpu.memory_space<vmem>>, vector<1x1568xf32>
    tpu.vector_store %arg2[%swap3A_1120, %swap3A_1121], %add3A_1119 {strides = array<i32>} : memref<128x1568xf32, #tpu.memory_space<vmem>>, vector<1x1568xf32>,
    %get3A_1123 = arith.constant 125 : index
    %get3A_1124 = arith.constant 0 : index
    %get3A_1125 = vector.load %arg0[%get3A_1123, %get3A_1124] : memref<128x1568xf32, #tpu.memory_space<vmem>>, vector<1x1568xf32>
    %div3A_1126 = vector.broadcast %get3A_1 : f32 to vector<1x1568xf32>
    %div3A_1127 = arith.divf %get3A_1125, %div3A_1126 : vector<1x1568xf32>
    %add3A_1128 = arith.addf %add3A_1119, %div3A_1127 : vector<1x1568xf32>
    %swap3A_1129 = arith.constant 125 : index
    %swap3A_1130 = arith.constant 0 : index
    %swap3A_1131 = vector.load %arg2[%swap3A_1129, %swap3A_1130] : memref<128x1568xf32, #tpu.memory_space<vmem>>, vector<1x1568xf32>
    tpu.vector_store %arg2[%swap3A_1129, %swap3A_1130], %add3A_1128 {strides = array<i32>} : memref<128x1568xf32, #tpu.memory_space<vmem>>, vector<1x1568xf32>,
    %get3A_1132 = arith.constant 126 : index
    %get3A_1133 = arith.constant 0 : index
    %get3A_1134 = vector.load %arg0[%get3A_1132, %get3A_1133] : memref<128x1568xf32, #tpu.memory_space<vmem>>, vector<1x1568xf32>
    %div3A_1135 = vector.broadcast %get3A_1 : f32 to vector<1x1568xf32>
    %div3A_1136 = arith.divf %get3A_1134, %div3A_1135 : vector<1x1568xf32>
    %add3A_1137 = arith.addf %add3A_1128, %div3A_1136 : vector<1x1568xf32>
    %swap3A_1138 = arith.constant 126 : index
    %swap3A_1139 = arith.constant 0 : index
    %swap3A_1140 = vector.load %arg2[%swap3A_1138, %swap3A_1139] : memref<128x1568xf32, #tpu.memory_space<vmem>>, vector<1x1568xf32>
    tpu.vector_store %arg2[%swap3A_1138, %swap3A_1139], %add3A_1137 {strides = array<i32>} : memref<128x1568xf32, #tpu.memory_space<vmem>>, vector<1x1568xf32>,
    %get3A_1141 = arith.constant 127 : index
    %get3A_1142 = arith.constant 0 : index
    %get3A_1143 = vector.load %arg0[%get3A_1141, %get3A_1142] : memref<128x1568xf32, #tpu.memory_space<vmem>>, vector<1x1568xf32>
    %div3A_1144 = vector.broadcast %get3A_1 : f32 to vector<1x1568xf32>
    %div3A_1145 = arith.divf %get3A_1143, %div3A_1144 : vector<1x1568xf32>
    %add3A_1146 = arith.addf %add3A_1137, %div3A_1145 : vector<1x1568xf32>
    %swap3A_1147 = arith.constant 127 : index
    %swap3A_1148 = arith.constant 0 : index
    %swap3A_1149 = vector.load %arg2[%swap3A_1147, %swap3A_1148] : memref<128x1568xf32, #tpu.memory_space<vmem>>, vector<1x1568xf32>
    tpu.vector_store %arg2[%swap3A_1147, %swap3A_1148], %add3A_1146 {strides = array<i32>} : memref<128x1568xf32, #tpu.memory_space<vmem>>, vector<1x1568xf32>,
    return
  }
}

module attributes {stable_mosaic.version = 14 : i64} {
  func.func @_k5_body(%arg0: memref<128x1568xf32, #tpu.memory_space<vmem>>, %arg1: memref<1x1568xf32, #tpu.memory_space<vmem>>, %arg2: memref<200000xf32, #tpu.memory_space<vmem>>, %arg3: memref<1xf32, #tpu.memory_space<vmem>>, %arg4: memref<128x1568xf32, #tpu.memory_space<vmem>>, %arg5: memref<200000xf32, #tpu.memory_space<vmem>>) attributes {dimension_semantics = [], scalar_prefetch = 0 : i64, scratch_operands = 0 : i64, tpu.core_type = #tpu.core_type<tc>} {
    %get3A = arith.constant 0 : index
    %get3A_0 = vector.load %arg2[%get3A] : memref<200000xf32, #tpu.memory_space<vmem>>, vector<200000xf32>
    %get3A_1 = arith.constant 0 : index
    %get3A_2 = vector.load %arg3[%get3A_1] : memref<1xf32, #tpu.memory_space<vmem>>, vector<1xf32>
    %get3A_3 = vector.extract %get3A_2[0] : f32 from vector<1xf32>
    %div3A = vector.broadcast %get3A_3 : f32 to vector<200000xf32>
    %div3A_4 = arith.divf %get3A_0, %div3A : vector<200000xf32>
    %swap3A = arith.constant 0 : index
    %swap3A_5 = vector.load %arg5[%swap3A] : memref<200000xf32, #tpu.memory_space<vmem>>, vector<200000xf32>
    tpu.vector_store %arg5[%swap3A], %div3A_4 {strides = array<i32>} : memref<200000xf32, #tpu.memory_space<vmem>>, vector<200000xf32>,
    %get3A_6 = arith.constant 0 : index
    %get3A_7 = arith.constant 0 : index
    %get3A_8 = vector.load %arg0[%get3A_6, %get3A_7] : memref<128x1568xf32, #tpu.memory_space<vmem>>, vector<128x1568xf32>
    %get3A_9 = arith.constant 0 : index
    %get3A_10 = arith.constant 0 : index
    %get3A_11 = vector.load %arg1[%get3A_9, %get3A_10] : memref<1x1568xf32, #tpu.memory_space<vmem>>, vector<1x1568xf32>
    %add3A = vector.broadcast %get3A_11 : vector<1x1568xf32> to vector<128x1568xf32>
    %add3A_12 = arith.addf %get3A_8, %add3A : vector<128x1568xf32>
    %swap3A_13 = arith.constant 0 : index
    %swap3A_14 = arith.constant 0 : index
    %swap3A_15 = vector.load %arg4[%swap3A_13, %swap3A_14] : memref<128x1568xf32, #tpu.memory_space<vmem>>, vector<128x1568xf32>
    tpu.vector_store %arg4[%swap3A_13, %swap3A_14], %add3A_12 {strides = array<i32>} : memref<128x1568xf32, #tpu.memory_space<vmem>>, vector<128x1568xf32>,
    return
  }
}

</mosaic_0001>

<sc_bundles>
// kernel: kernel.7.cloned.1.call-start
scs
__scs_entry_jumppad:
0x0: {  	(pc) =	sbr.rel $0x88, $3  }
0x1: {  	(tag) =	ssettag $0x0;
	lr =	simm.s32 $0x1  }
0x2: {  	[smem:$0x3F9C] =	sst lr;
	_ =	strace $0xD0000000  }
0x3: {  	_ = 	snop  }
0x4: {  	_ = 	snop  }
0x5: {  	_ = 	snop  }
0x6: {  	_ = 	snop  }
0x7: {  	_ = 	snop  }
__scs_overlays_trampoline_lowered:
0x8: {  	[smem:$0x3FAB] =	sst s0  }
0x9: {  	[smem:$0x3FAC] =	sst s1  }
0xa: {  	[smem:$0x3FAD] =	sst s2  }
0xb: {  	[smem:$0x3FAE] =	sst s3  }
0xc: {  	[smem:$0x3FAF] =	sst s4  }
0xd: {  	[smem:$0x3FB0] =	sst s5  }
0xe: {  	[smem:$0x3FB1] =	sst s6  }
0xf: {  	[smem:$0x3FB2] =	sst s7  }
0x10: {  	[smem:$0x3FB3] =	sst s8  }
0x11: {  	[smem:$0x3FB4] =	sst s9;
	s0 =	simm.s32 @!p0 $0x0  }
0x12: {  	s1 =	sld [smem:$0x3F9A];
	s0 =	simm.s32 @p0 $0x1  }
0x13: {  	[smem:$0x3FB5] =	sst s0;
	s0 =	simm.s32 @!p1 $0x0  }
0x14: {  	s2 =	sld [smem:$0x3F99];
	s0 =	simm.s32 @p1 $0x1  }
0x15: {  	[smem:$0x3FB6] =	sst s0;
	s0 =	simm.s32 @!p2 $0x0  }
0x16: {  	s3 =	sld [smem:$0x3FDB];
	s0 =	simm.s32 @p2 $0x1  }
0x17: {  	s4 =	simm.s32 $0x1BF5;
	[smem:$0x3FB8] =	sst s0  }
0x18: {  	s0 =	sld [smem:$0x3F9B];
	_ =	swait.ge [sflag:s4], $0x0  }
0x19: {  	s7 =	sld [smem:$0x3F9C]  }
0x1a: {  	s8 =	sadd.s32 $0xFFFFE003, lr  }
0x1b: {  	s9 =	sadd.s32 $0xFFFFFEF7, lr;
	s5 =	simm.s32 $0xFFFFFFFF;
	p2 =	slt.u32 s8, $0xFFFFF086  }
0x1c: {  	p1 =	slt.u32 s9, $0xF7A;
	s5 =	simm.s32 @!p2 $0x0  }
0x1d: {  	s5 =	simm.s32 @p1 $0x1;
	p0 =	seq.s32 s7, s2  }
0x1e: {  	s7 =	smul.u32 @!p0 $0xF7A, s2;
	p2 =	seq.s32 @!p0 s5, $0x0  }
0x1f: {  	s9 =	smul.u32 $0xF7A, s1;
	s8 =	simm.s32 @!p0 $0x1BF5;
	p2 =	por !p2, p0  }
0x20: {  	[sflag:s8] =	ssyncset.s32 @!p0 $0xFFFFF086;
	s6 =	sadd.s32 @!p0 s3, s7;
	s7 =	simm.s32 @!p0 $0x108  }
0x21: {  	s3 =	sadd.s32 s3, s9;
	s6 =	sadd.s32 @!p0 $0x88, s6;
	s7 =	simm.s32 @p2 $0x1082  }
0x22: {  	[simem:s7], [sflag:s8] =	dma.local @!p0 [hbm:s6], $0xF7A  }
0x23: {  	s9 =	sor.u32 $0xD0000000, s2;
	s6 =	simm.s32 $0x108;
	_ =	swait.ge @!p0 [sflag:s8], $0x0  }
0x24: {  	s3 =	sadd.s32 $0x88, s3;
	s6 =	simm.s32 @!p1 $0x1082;
	[sflag:s4] =	ssyncset.s32 $0xFFFFF086  }
0x25: {  	[simem:s6], [sflag:s4] =	dma.local [hbm:s3], $0xF7A  }
0x26: {  	[smem:$0x3F9C] =	sst s1;
	(tag) =	ssettag s2;
	_ =	strace s9  }
0x27: {  	s1 =	sld [smem:$0x3FAC]  }
0x28: {  	s2 =	sld [smem:$0x3FAD]  }
0x29: {  	s4 =	sld [smem:$0x3FAF]  }
0x2a: {  	p0 =	seq.s32 s5, $0x0;
	s5 =	sld [smem:$0x3FB0]  }
0x2b: {  	s6 =	sld [smem:$0x3FB1]  }
0x2c: {  	s7 =	sld [smem:$0x3FB2]  }
0x2d: {  	s3 =	simm.s32 $0x108;
	s8 =	sld [smem:$0x3FB3]  }
0x2e: {  	s3 =	simm.s32 @!p0 $0x1082;
	s9 =	sld [smem:$0x3FB4]  }
0x2f: {  	lr =	sadd.s32 s0, s3;
	s0 =	sld [smem:$0x3FAB]  }
0x30: {  	s3 =	sld [smem:$0x3FAE]  }
0x31: {  	[smem:$0x3FB7] =	sst s10  }
0x32: {  	s10 =	sld [smem:$0x3FB5];
	_ =	sdelay $0x3  }
0x33: {  	p0 =	seq.s32 s10, $0x1;
	s10 =	sld [smem:$0x3FB7];
	_ =	sdelay $0x3  }
0x34: {  	[smem:$0x3FB7] =	sst s10  }
0x35: {  	s10 =	sld [smem:$0x3FB6];
	_ =	sdelay $0x3  }
0x36: {  	p1 =	seq.s32 s10, $0x1;
	s10 =	sld [smem:$0x3FB7];
	_ =	sdelay $0x3  }
0x37: {  	[smem:$0x3FB7] =	sst s10  }
0x38: {  	s10 =	sld [smem:$0x3FB8]  }
0x39: {  	_ = 	snop;
	(pc) =	sbr.ind lr, $3  }
0x3a: {  	_ = 	snop  }
0x3b: {  	_ = 	snop  }
0x3c: {  	p2 =	seq.s32 s10, $0x1;
	s10 =	sld [smem:$0x3FB7]  }
0x3d: {  	_ =	shalt  }
0x3e: {  	_ =	shalt  }
0x3f: {  	_ =	shalt  }
0x40: {  	_ =	shalt  }
0x41: {  	_ =	shalt  }
0x42: {  	_ =	shalt  }
0x43: {  	_ =	shalt  }
0x44: {  	_ =	shalt  }
0x45: {  	_ =	shalt  }
0x46: {  	_ =	shalt  }
0x47: {  	_ =	shalt  }
0x48: {  	_ =	shalt  }
0x49: {  	_ =	shalt  }
0x4a: {  	_ =	shalt  }
0x4b: {  	_ =	shalt  }
0x4c: {  	_ =	shalt  }
0x4d: {  	_ =	shalt  }
0x4e: {  	_ =	shalt  }
0x4f: {  	_ =	shalt  }
0x50: {  	_ =	shalt  }
0x51: {  	_ =	shalt  }
0x52: {  	_ =	shalt  }
0x53: {  	_ =	shalt  }
0x54: {  	_ =	shalt  }
0x55: {  	_ =	shalt  }
0x56: {  	_ =	shalt  }
0x57: {  	_ =	shalt  }
0x58: {  	_ =	shalt  }
0x59: {  	_ =	shalt  }
0x5a: {  	_ =	shalt  }
0x5b: {  	_ =	shalt  }
0x5c: {  	_ =	shalt  }
0x5d: {  	_ =	shalt  }
0x5e: {  	_ =	shalt  }
0x5f: {  	_ =	shalt  }
0x60: {  	_ =	shalt  }
0x61: {  	_ =	shalt  }
0x62: {  	_ =	shalt  }
0x63: {  	_ =	shalt  }
0x64: {  	_ =	shalt  }
0x65: {  	_ =	shalt  }
0x66: {  	_ =	shalt  }
0x67: {  	_ =	shalt  }
0x68: {  	_ =	shalt  }
0x69: {  	_ =	shalt  }
0x6a: {  	_ =	shalt  }
0x6b: {  	_ =	shalt  }
0x6c: {  	_ =	shalt  }
0x6d: {  	_ =	shalt  }
0x6e: {  	_ =	shalt  }
0x6f: {  	_ =	shalt  }
0x70: {  	_ =	shalt  }
0x71: {  	_ =	shalt  }
0x72: {  	_ =	shalt  }
0x73: {  	_ =	shalt  }
0x74: {  	_ =	shalt  }
0x75: {  	_ =	shalt  }
0x76: {  	_ =	shalt  }
0x77: {  	_ =	shalt  }
0x78: {  	_ =	shalt  }
0x79: {  	_ =	shalt  }
0x7a: {  	_ =	shalt  }
0x7b: {  	_ =	shalt  }
0x7c: {  	_ =	shalt  }
0x7d: {  	_ =	shalt  }
0x7e: {  	_ =	shalt  }
0x7f: {  	_ =	shalt  }
0x80: {  	_ =	shalt  }
0x81: {  	_ =	shalt  }
0x82: {  	_ =	shalt  }
0x83: {  	_ =	shalt  }
0x84: {  	_ =	shalt  }
0x85: {  	_ =	shalt  }
0x86: {  	_ =	shalt  }
0x87: {  	_ =	shalt  }
.Lfunc_end0:
.L_simem_size_0:
called_computation_lowered:
.L_overlay_start_0:
0x88: {  	s2 =	sld [smem:$0x3FD9]  }
0x89: {  	s3 =	sld [smem:$0x3FFE];
	_ =	sdelay $0x1  }
0x8a: {  	s1 =	srdreg.scid  }
0x8b: {  	s0 =	sand.u32 $0x1, s1  }
0x8c: {  	s17 =	sshll.u32 s0, $0xA;
	s2 =	sadd.s32 s3, s2  }
0x8d: {  	s2 =	sadd.s32 s2, s17  }
0x8e: {  	[smem:$0x3FC3] =	sst s2  }
0x8f: {  	_ = 	snop  }
0x90: {  	s2 =	sld [smem:$0x3FD0];
	(tm) =	ssettm $0x1  }
0x91: {  	s18 =	sld [smem:$0x3FFB];
	_ =	sdelay $0x3  }
0x92: {  	_ =	strace s18  }
0x93: {  	s3 =	sld [smem:$0x3FFC];
	_ =	sdelay $0x3  }
0x94: {  	_ =	strace s3  }
0x95: {  	s3 =	sld [smem:$0x3FFD];
	_ =	sdelay $0x3  }
0x96: {  	_ =	strace s3  }
0x97: {  	_ =	strace $0x8FFFFFFF  }
0x98: {  	s19 =	sld [smem:$0x3FDB];
	_ =	sdelay $0x1  }
0x99: {  	s4 =	simm.s32 $_scs_section_size  }
0x9a: {  	s5 =	simm.s32 $_size__tile_overlayer_lowered;
	s6 =	simm.s32 $_tile_overlayer_lowered  }
0x9b: {  	s22 =	simm.s32 $0x1BFF;
	s21 =	sshll.u32 s6, $0x1;
	s3 =	sadd.s32 s4, s19  }
0x9c: {  	s7 =	simm.s32 $0x0;
	s20 =	sshll.u32 s5, $0x1;
	s5 =	sadd.s32 s21, s3  }
0x9d: {  	[timem:s7], [sflag:s22] =	dma.local [hbm:s5], s20  }
0x9e: {  	_ =	swait.ge [sflag:s22], s20  }
0x9f: {  	s4 =	ssub.s32 $0x0, s20;
	[sflag:s22] =	ssyncset.done $0x0  }
0xa0: {  	[sflag:s22] =	ssyncadd.s32 s4;
	_ =	sdelay $0x1  }
0xa1: {  	s23 =	simm.s32 $0x1B8B  }
0xa2: {  	_ =	swait.ge [sflag:s23], $0x1  }
0xa3: {  	[sflag:s23] =	ssyncset.done $0x0  }
0xa4: {  	s25 =	simm.s32 $0x1B8E;
	s24 =	sld [smem:$0x3FFE];
	[sflag:s23] =	ssyncadd.s32 $0xFFFFFFFF  }
0xa5: {  	s26 =	simm.s32 $execute0_lowered;
	[smem:$0x3FD2] =	sst s25  }
0xa6: {  	s5 =	sshll.u32 s26, $0x1;
	_ =	strace $0x80000046;
	[dreg:$0x1] =	wrdreg $0xFFFFFFFF  }
0xa7: {  	s28 =	simm.s32 $_size_execute0_lowered;
	s3 =	sadd.s32 s3, s5;
	[dreg:$0x0] =	wrdreg $0x0  }
0xa8: {  	s5 =	sshll.u32 s28, $0x1;
	[dreg:$0x2] =	wrdreg s3  }
0xa9: {  	[dreg:$0x3] =	wrdreg s5  }
0xaa: {  	[dreg:$0x4] =	wrdreg $0xC0  }
0xab: {  	_ =	task [dreg:s7], $0x5FFFF  }
0xac: {  	[dreg:$0x1] =	wrdreg $0xFFFFFFFF  }
0xad: {  	[dreg:$0x0] =	wrdreg $0x60  }
0xae: {  	[dreg:$0x2] =	wrdreg s24  }
0xaf: {  	[dreg:$0x3] =	wrdreg s2  }
0xb0: {  	[dreg:$0x4] =	wrdreg $0x9  }
0xb1: {  	_ =	task.clear_ibuf [dreg:s7], $0x5FFFF;
	_ =	strace $0x90000046  }
0xb2: {  	s29 =	simm.s32 $0x9;
	_ =	strace $0x80000048  }
0xb3: {  	_ =	swait.ge [sflag:s29], $0x1  }
0xb4: {  	[sflag:s29] =	ssyncadd.s32 $0xFFFFFFFF  }
0xb5: {  	_ =	strace $0x90000048  }
0xb6: {  	_ =	sfence  }
0xb7: {  	s30 =	sld [smem:$0x0];
	_ =	sdelay $0x2  }
0xb8: {  	s31 =	sshll.u32 s1, $0xD;
	s1 =	sshrl.u32 s1, $0x2  }
0xb9: {  	s3 =	sand.u32 $0x4000, s31;
	s1 =	sadd.s32 s1, s30  }
0xba: {  	s0 =	sor.u32 s3, s0;
	s1 =	sshll.u32 s1, $0x11  }
0xbb: {  	s0 =	sor.u32 s1, s0  }
0xbc: {  	s0 =	sadd.s32 $0x8F2B, s0  }
0xbd: {  	[sflag:s0] =	ssyncadd.remote.s32 $0x1  }
0xbe: {  	_ =	sfence.sel $0xFFFF  }
0xbf: {  	[dreg:$0x0] =	wrdreg $0xFFFFFFFF;
	(pc) =	sbr.abs _section_cstart, $3  }
0xc0: {  	[dreg:$0x1] =	wrdreg $0xFFFFFFFF  }
0xc1: {  	_ =	task.clear_ibuf [dreg:s7], $0x2FFFF;
	_ =	strace $0x9FFFFFFF  }
0xc2: {  	(tm) =	ssettm $0x7FFFFFFF  }
0xc3: {  	_ =	shalt  }
tec
execute0_lowered:
.L_overlay_start_1:
0x0: {  	(tag) =	ssettag $0x1  }
0x1: {  	s0 =	rddreg [dreg:$0x0]  }
0x2: {  	s1 =	rddreg [dreg:$0x1];
	s2 =	simm.s32 $0x0;
	s29 =	srdreg.scid  }
0x3: {  	s7 =	stileid.u32;
	s17 =	simm.s32 $0x2;
	s22 =	simm.s32 $0x1  }
0x4: {  	[smem:$0x7FF] =	sst s2;
	s3 =	sadd.s32 $0x600, s0;
	s23 =	sadd.s32 $0xD200, s0  }
0x5: {  	s5 =	sadd.s32 $0x30E200, s0;
	_ =	strace $0x80000047;
	[dreg:$0x3] =	wrdreg s3  }
0x6: {  	s24 =	sadd.s32 $0x9200, s0;
	s25 =	sadd.s32 $0x5200, s0;
	[dreg:$0x4] =	wrdreg s23  }
0x7: {  	s26 =	sadd.s32 $0x1200, s0;
	s28 =	sadd.s32 $0x1000, s0;
	[dreg:$0x5] =	wrdreg s24  }
0x8: {  	s4 =	sadd.s32 $0x11200, s0;
	s12 =	sadd.s32 $0x15200, s0;
	[dreg:$0x6] =	wrdreg s25  }
0x9: {  	s13 =	sadd.s32 $0x19200, s0;
	[dreg:$0x7] =	wrdreg s26;
	s3 =	sand.u32 $0x1, s29  }
0xa: {  	s9 =	sshll.u32 s7, $0xA;
	[dreg:$0x8] =	wrdreg s28;
	s30 =	ssub.s32 $0x2, s3  }
0xb: {  	v0 =	vimm.s32 $0x1FFF;
	s14 =	sadd.s32 $0x1D200, s0;
	[dreg:$0x9] =	wrdreg s4;
	s6 =	sshrl.u32 s30, $0x1  }
0xc: {  	s23 =	simm.s32 $0x80;
	s25 =	simm.s32 $0x40D8;
	s31 =	ssub.s32 s30, s6  }
0xd: {  	v2 =	vlaneseq.u32;
	s26 =	simm.s32 $0xC8D8;
	s3 =	sshll.u32 s3, $0x9;
	s0 =	smax.u32 s31, $0x1  }
0xe: {  	v1 =	vimm.s32 $0x0;
	v2 =	vmul.u32 $0x10, v2;
	s15 =	sor.u32 s3, s9;
	s3 =	simm.s32 $0x0;
	[dreg:$0xa] =	wrdreg s0  }
.LBB2_1:
0xf: {  	[dreg:$0xb] =	wrdreg s3  }
0x10: {  	s0 =	rddreg [dreg:$0x3]  }
0x11: {  	[tilespmem:s2], [sflag:$0x2] =	stream.linear.gather [hbm4b:s0+s2], $0x30D8, $0x38;
	[tilespmem:$0x180E8] =	vst v63  }
0x12: {  	_ =	swait.ge [sflag:s17], $0x30D8  }
0x13: {  	[sflag:s17] =	ssyncset.done $0x0  }
0x14: {  	s31 =	simm.s32 $0x180D8;
	s30 =	rddreg [dreg:$0x8];
	[sflag:s17] =	ssyncadd.s32 $0xFFFFCF28  }
0x15: {  	[tilespmem:s31], [sflag:$0x2] =	stream.linear.gather [hbm4b:s30+s2], $0x10, $0x38;
	[tilespmem:$0x180E8] =	vst v63  }
0x16: {  	_ =	swait.ge [sflag:s17], $0x10  }
0x17: {  	[sflag:s17] =	ssyncset.done $0x0  }
0x18: {  	p1 =	por $0x1, $0x1;
	s0 =	simm.s32 $0x0;
	[sflag:s17] =	ssyncadd.s32 $0xFFFFFFF0  }
.LBB2_2:
0x19: {  	s18 =	sor.u32 s15, s0;
	s19 =	rddreg [dreg:$0x4]  }
0x1a: {  	s3 =	simm.s32 $0x30D8;
	s0 =	sadd.s32 s19, s18  }
0x1b: {  	[tilespmem:s3], [sflag:$0x2] =	stream.linear.gather [hbm4b:s0+s2], $0x800, $0x38;
	[tilespmem:$0x180E8] =	vst v63  }
0x1c: {  	_ =	swait.ge [sflag:s17], $0x800  }
0x1d: {  	[sflag:s17] =	ssyncset.done $0x0;
	s20 =	rddreg [dreg:$0x5]  }
0x1e: {  	s21 =	simm.s32 $0x148D8;
	[sflag:s17] =	ssyncadd.s32 $0xFFFFF800;
	s0 =	sadd.s32 s20, s18  }
0x1f: {  	[tilespmem:s21], [sflag:$0x2] =	stream.linear.gather [hbm4b:s0+s2], $0x800, $0x38;
	[tilespmem:$0x180E8] =	vst v63  }
0x20: {  	_ =	swait.ge [sflag:s17], $0x800  }
0x21: {  	[sflag:s17] =	ssyncset.done $0x0;
	s24 =	rddreg [dreg:$0x6]  }
0x22: {  	s28 =	simm.s32 $0x150D8;
	[sflag:s17] =	ssyncadd.s32 $0xFFFFF800;
	s0 =	sadd.s32 s24, s18  }
0x23: {  	[tilespmem:s28], [sflag:$0x2] =	stream.linear.gather [hbm4b:s0+s2], $0x800, $0x38;
	[tilespmem:$0x180E8] =	vst v63  }
0x24: {  	_ =	swait.ge [sflag:s17], $0x800  }
0x25: {  	[sflag:s17] =	ssyncset.done $0x0;
	s29 =	rddreg [dreg:$0x7]  }
0x26: {  	s30 =	simm.s32 $0x158D8;
	[sflag:s17] =	ssyncadd.s32 $0xFFFFF800;
	s0 =	sadd.s32 s29, s18  }
0x27: {  	[tilespmem:s30], [sflag:$0x2] =	stream.linear.gather [hbm4b:s0+s2], $0x800, $0x38;
	[tilespmem:$0x180E8] =	vst v63  }
0x28: {  	_ =	swait.ge [sflag:s17], $0x800  }
0x29: {  	[sflag:s17] =	ssyncset.done $0x0  }
0x2a: {  	[sflag:s17] =	ssyncadd.s32 $0xFFFFF800  }
0x2b: {  	s31 =	simm.s32 $0x3118;
	v4 =	vld.idx.msk [tilespmem:v0+s2+$0x0], $0xffff  }
0x2c: {  	v3 =	vld [tilespmem:s31+$0x30];
	_ =	sdelay $0x4  }
0x2d: {  	vm0 =	vlt.f32 v4, v3  }
0x2e: {  	v5 =	vsel vm0, $0x2000, v1  }
0x2f: {  	v6 =	vor.u32 $0xFFF, v5;
	_ =	sdelay $0x4  }
0x30: {  	v6 =	vld.idx.msk [tilespmem:v6+s2+$0x0], $0xffff;
	_ =	sdelay $0x4  }
0x31: {  	v7 =	vor.u32 $0x1000, v5;
	vm0 =	vlt.f32 v6, v3  }
0x32: {  	v5 =	vsel vm0, v7, v5  }
0x33: {  	v6 =	vor.u32 $0x800, v5  }
0x34: {  	v15 =	vld [tilespmem:s31+$0xFFFFFFD0];
	v7 =	vmin.u32 v6, $0x30D4  }
0x35: {  	v12 =	vld [tilespmem:s31+$0xFFFFFFE0];
	v7 =	vadd.s32 $0xFFFFFFFF, v7  }
0x36: {  	v11 =	vld [tilespmem:s31+$0x0]  }
0x37: {  	v13 =	vld [tilespmem:s31+$0xFFFFFFF0];
	_ =	sdelay $0x1  }
0x38: {  	v16 =	vld [tilespmem:s31+$0xFFFFFFC0]  }
0x39: {  	vm0 =	vlt.f32 v4, v15;
	v7 =	vld.idx.msk [tilespmem:v7+s2+$0x0], $0xffff  }
0x3a: {  	v10 =	vld [tilespmem:s31+$0x10];
	vm1 =	vlt.f32 v4, v11;
	v8 =	vsel vm0, $0x2000, v1;
	vm0 =	vlt.f32 v4, v12  }
0x3b: {  	v9 =	vor.u32 $0xFFF, v8;
	v17 =	vsel vm0, $0x2000, v1;
	vm0 =	vlt.f32 v4, v13  }
0x3c: {  	v20 =	vsel vm1, $0x2000, v1;
	v18 =	vor.u32 $0xFFF, v17;
	v19 =	vsel vm0, $0x2000, v1  }
0x3d: {  	v22 =	vor.u32 $0xFFF, v20;
	vm0 =	vlt.f32 v4, v16;
	v21 =	vor.u32 $0xFFF, v19  }
0x3e: {  	v14 =	vld [tilespmem:s31+$0x20];
	v23 =	vsel vm0, $0x2000, v1;
	vm0 =	vlt.u32 v6, $0x30D5;
	vm1 =	vlt.f32 v7, v3  }
0x3f: {  	vm2 =	vlt.f32 v4, v10;
	v7 =	vor.u32 $0xFFF, v23;
	vm0 =	vmand vm1, vm0  }
0x40: {  	v24 =	vsel vm2, $0x2000, v1;
	v9 =	vld.idx.msk [tilespmem:v9+s2+$0x0], $0xffff;
	v5 =	vsel vm0, v6, v5  }
0x41: {  	v18 =	vld.idx.msk [tilespmem:v18+s2+$0x0], $0xffff;
	v6 =	vor.u32 $0xFFF, v24;
	v25 =	vor.u32 $0x400, v5  }
0x42: {  	v21 =	vld.idx.msk [tilespmem:v21+s2+$0x0], $0xffff;
	v26 =	vmin.u32 v25, $0x30D4  }
0x43: {  	vm0 =	vlt.f32 v4, v14;
	v4 =	vld.idx.msk [tilespmem:v22+s2+$0x0], $0xffff;
	v22 =	vadd.s32 $0xFFFFFFFF, v26  }
0x44: {  	v32 =	vor.u32 $0x1000, v20;
	v7 =	vld.idx.msk [tilespmem:v7+s2+$0x0], $0xffff  }
0x45: {  	v33 =	vor.u32 $0x1000, v24;
	v27 =	vor.u32 $0x1000, v8;
	v26 =	vsel vm0, $0x2000, v1  }
0x46: {  	v30 =	vor.u32 $0x1000, v17;
	v31 =	vor.u32 $0x1000, v19;
	v28 =	vor.u32 $0xFFF, v26;
	v6 =	vld.idx.msk [tilespmem:v6+s2+$0x0], $0xffff  }
0x47: {  	v29 =	vor.u32 $0x1000, v23;
	vm1 =	vlt.f32 v18, v12;
	vm0 =	vlt.f32 v9, v15  }
0x48: {  	v9 =	vsel vm1, v30, v17;
	v8 =	vsel vm0, v27, v8;
	vm0 =	vlt.f32 v21, v13;
	v17 =	vld.idx.msk [tilespmem:v22+s2+$0x0], $0xffff  }
0x49: {  	v18 =	vsel vm0, v31, v19;
	vm0 =	vlt.f32 v4, v11;
	vm1 =	vlt.f32 v7, v16  }
0x4a: {  	v4 =	vor.u32 $0x800, v8;
	v7 =	vsel vm0, v32, v20;
	v19 =	vsel vm1, v29, v23  }
0x4b: {  	v20 =	vld.idx.msk [tilespmem:v28+s2+$0x0], $0xffff;
	v23 =	vmin.u32 v4, $0x30D4;
	vm0 =	vlt.f32 v6, v10;
	v6 =	vor.u32 $0x800, v9  }
0x4c: {  	v21 =	vor.u32 $0x800, v19;
	v23 =	vadd.s32 $0xFFFFFFFF, v23;
	v22 =	vsel vm0, v33, v24  }
0x4d: {  	v24 =	vmin.u32 v21, $0x30D4;
	vm0 =	vlt.u32 v25, $0x30D5;
	vm1 =	vlt.f32 v17, v3  }
0x4e: {  	v24 =	vadd.s32 $0xFFFFFFFF, v24;
	v17 =	vmin.u32 v6, $0x30D4;
	vm0 =	vmand vm1, vm0  }
0x4f: {  	v27 =	vor.u32 $0x800, v18;
	v17 =	vadd.s32 $0xFFFFFFFF, v17;
	v5 =	vsel vm0, v25, v5  }
0x50: {  	vm0 =	vlt.f32 v20, v14;
	v20 =	vmin.u32 v27, $0x30D4;
	v25 =	vadd.s32 $0x200, v5  }
0x51: {  	v20 =	vadd.s32 $0xFFFFFFFF, v20;
	v61 =	vmin.u32 v25, $0x30D4  }
0x52: {  	v34 =	vor.u32 $0x1000, v26;
	v60 =	vor.u32 $0x800, v7;
	v23 =	vld.idx.msk [tilespmem:v23+s2+$0x0], $0xffff;
	v29 =	vadd.s32 $0xFFFFFFFF, v61  }
0x53: {  	v63 =	vmin.u32 v60, $0x30D4;
	v26 =	vsel vm0, v34, v26;
	v24 =	vld.idx.msk [tilespmem:v24+s2+$0x0], $0xffff  }
0x54: {  	v31 =	vadd.s32 $0xFFFFFFFF, v63;
	v37 =	vor.u32 $0x800, v26;
	v17 =	vld.idx.msk [tilespmem:v17+s2+$0x0], $0xffff  }
0x55: {  	v38 =	vmin.u32 v37, $0x30D4  }
0x56: {  	vm2 =	vlt.u32 v4, $0x30D5;
	v62 =	vor.u32 $0x800, v22;
	v34 =	vadd.s32 $0xFFFFFFFF, v38;
	v20 =	vld.idx.msk [tilespmem:v20+s2+$0x0], $0xffff  }
0x57: {  	vm4 =	vlt.u32 v27, $0x30D5;
	vm3 =	vlt.u32 v6, $0x30D5;
	v36 =	vmin.u32 v62, $0x30D4;
	v29 =	vld.idx.msk [tilespmem:v29+s2+$0x0], $0xffff  }
0x58: {  	v32 =	vadd.s32 $0xFFFFFFFF, v36;
	vm1 =	vlt.u32 v21, $0x30D5;
	vm7 =	vlt.f32 v24, v16  }
0x59: {  	v31 =	vld.idx.msk [tilespmem:v31+s2+$0x0], $0xffff;
	vm1 =	vmand vm7, vm1;
	vm7 =	vlt.f32 v23, v15;
	vm8 =	vlt.f32 v17, v12  }
0x5a: {  	v17 =	vsel vm1, v21, v19;
	vm1 =	vmand vm7, vm2;
	vm2 =	vmand vm8, vm3  }
0x5b: {  	v19 =	vld.idx.msk [tilespmem:v34+s2+$0x0], $0xffff;
	v4 =	vsel vm1, v4, v8;
	vm1 =	vlt.f32 v20, v13;
	v6 =	vsel vm2, v6, v9  }
0x5c: {  	vm2 =	vlt.u32 v5, $0x2ED5;
	vm1 =	vmand vm1, vm4;
	vm3 =	vlt.f32 v29, v3  }
0x5d: {  	vm5 =	vlt.u32 v60, $0x30D5;
	v24 =	vld.idx.msk [tilespmem:v32+s2+$0x0], $0xffff;
	v8 =	vsel vm1, v27, v18;
	vm1 =	vmand vm3, vm2  }
0x5e: {  	v20 =	vor.u32 $0x400, v4;
	vm4 =	vlt.f32 v31, v11;
	v5 =	vsel vm1, v25, v5  }
0x5f: {  	v18 =	vor.u32 $0x400, v17;
	vm2 =	vmand vm4, vm5;
	v9 =	vadd.s32 $0x100, v5  }
0x60: {  	v7 =	vsel vm2, v60, v7;
	vm2 =	vlt.f32 v19, v14;
	v19 =	vmin.u32 v9, $0x30D4  }
0x61: {  	v23 =	vor.u32 $0x400, v6;
	v21 =	vmin.u32 v18, $0x30D4;
	v19 =	vadd.s32 $0xFFFFFFFF, v19  }
0x62: {  	vm3 =	vlt.f32 v24, v10;
	v24 =	vmin.u32 v20, $0x30D4;
	v21 =	vadd.s32 $0xFFFFFFFF, v21  }
0x63: {  	vm6 =	vlt.u32 v62, $0x30D5;
	v25 =	vmin.u32 v23, $0x30D4;
	v24 =	vadd.s32 $0xFFFFFFFF, v24  }
0x64: {  	v27 =	vor.u32 $0x400, v8;
	vm1 =	vmand vm3, vm6;
	v25 =	vadd.s32 $0xFFFFFFFF, v25  }
0x65: {  	vm0 =	vlt.u32 v37, $0x30D5;
	v39 =	vmin.u32 v27, $0x30D4;
	v22 =	vsel vm1, v62, v22  }
0x66: {  	vm0 =	vmand vm2, vm0;
	v28 =	vor.u32 $0x400, v7;
	v29 =	vadd.s32 $0xFFFFFFFF, v39;
	v19 =	vld.idx.msk [tilespmem:v19+s2+$0x0], $0xffff  }
0x67: {  	v26 =	vsel vm0, v37, v26;
	v30 =	vor.u32 $0x400, v22;
	v40 =	vmin.u32 v28, $0x30D4;
	v21 =	vld.idx.msk [tilespmem:v21+s2+$0x0], $0xffff  }
0x68: {  	v41 =	vor.u32 $0x400, v26;
	v42 =	vmin.u32 v30, $0x30D4;
	v31 =	vadd.s32 $0xFFFFFFFF, v40;
	v24 =	vld.idx.msk [tilespmem:v24+s2+$0x0], $0xffff  }
0x69: {  	vm3 =	vlt.u32 v27, $0x30D5;
	v43 =	vmin.u32 v41, $0x30D4;
	v33 =	vadd.s32 $0xFFFFFFFF, v42;
	v25 =	vld.idx.msk [tilespmem:v25+s2+$0x0], $0xffff  }
0x6a: {  	vm1 =	vlt.u32 v20, $0x30D5;
	vm2 =	vlt.u32 v23, $0x30D5;
	v34 =	vadd.s32 $0xFFFFFFFF, v43  }
0x6b: {  	vm5 =	vlt.u32 v5, $0x2FD5;
	vm0 =	vlt.u32 v18, $0x30D5;
	v29 =	vld.idx.msk [tilespmem:v29+s2+$0x0], $0xffff;
	vm6 =	vlt.f32 v19, v3  }
0x6c: {  	vm4 =	vlt.u32 v28, $0x30D5;
	vm8 =	vlt.f32 v21, v16;
	vm5 =	vmand vm6, vm5  }
0x6d: {  	vm7 =	vlt.u32 v30, $0x30D5;
	vm0 =	vmand vm8, vm0;
	v19 =	vld.idx.msk [tilespmem:v31+s2+$0x0], $0xffff;
	v5 =	vsel vm5, v9, v5  }
0x6e: {  	v21 =	vld.idx.msk [tilespmem:v33+s2+$0x0], $0xffff;
	vm8 =	vlt.f32 v25, v12;
	vm5 =	vlt.f32 v24, v15;
	v24 =	vadd.s32 $0x80, v5  }
0x6f: {  	vm2 =	vmand vm8, vm2;
	v17 =	vsel vm0, v18, v17;
	v9 =	vld.idx.msk [tilespmem:v34+s2+$0x0], $0xffff;
	v25 =	vmin.u32 v24, $0x30D4  }
0x70: {  	vm1 =	vmand vm5, vm1;
	vm5 =	vlt.f32 v29, v13;
	v18 =	vadd.s32 $0xFFFFFFFF, v25  }
0x71: {  	v6 =	vsel vm2, v23, v6;
	vm6 =	vlt.u32 v41, $0x30D5;
	vm0 =	vmand vm5, vm3  }
0x72: {  	v4 =	vsel vm1, v20, v4;
	vm3 =	vlt.f32 v19, v11;
	v8 =	vsel vm0, v27, v8  }
0x73: {  	vm1 =	vmand vm3, vm4;
	vm3 =	vlt.f32 v21, v10;
	v21 =	vadd.s32 $0x200, v4  }
0x74: {  	v23 =	vadd.s32 $0x200, v8;
	vm2 =	vmand vm3, vm7;
	vm3 =	vlt.f32 v9, v14  }
0x75: {  	v7 =	vsel vm1, v28, v7;
	v9 =	vadd.s32 $0x200, v17;
	v27 =	vmin.u32 v21, $0x30D4;
	v18 =	vld.idx.msk [tilespmem:v18+s2+$0x0], $0xffff  }
0x76: {  	v46 =	vmin.u32 v23, $0x30D4;
	vm0 =	vmand vm3, vm6;
	v19 =	vsel vm2, v30, v22  }
0x77: {  	v22 =	vadd.s32 $0x200, v6;
	v25 =	vmin.u32 v9, $0x30D4;
	v27 =	vadd.s32 $0xFFFFFFFF, v27  }
0x78: {  	v30 =	vadd.s32 $0xFFFFFFFF, v46;
	v25 =	vadd.s32 $0xFFFFFFFF, v25;
	v45 =	vmin.u32 v22, $0x30D4  }
0x79: {  	v20 =	vsel vm0, v41, v26;
	v26 =	vadd.s32 $0x200, v7;
	v29 =	vadd.s32 $0xFFFFFFFF, v45  }
0x7a: {  	vm0 =	vlt.u32 v5, $0x3055;
	v47 =	vmin.u32 v26, $0x30D4;
	vm1 =	vlt.f32 v18, v3  }
0x7b: {  	v44 =	vadd.s32 $0x200, v19;
	v31 =	vadd.s32 $0xFFFFFFFF, v47;
	vm0 =	vmand vm1, vm0  }
0x7c: {  	v32 =	vadd.s32 $0x200, v20;
	v27 =	vld.idx.msk [tilespmem:v27+s2+$0x0], $0xffff;
	v18 =	vmin.u32 v44, $0x30D4;
	v5 =	vsel vm0, v24, v5  }
0x7d: {  	v25 =	vld.idx.msk [tilespmem:v25+s2+$0x0], $0xffff;
	v18 =	vadd.s32 $0xFFFFFFFF, v18;
	v24 =	vmin.u32 v32, $0x30D4;
	v48 =	vadd.s32 $0x40, v5  }
0x7e: {  	v29 =	vld.idx.msk [tilespmem:v29+s2+$0x0], $0xffff;
	v24 =	vadd.s32 $0xFFFFFFFF, v24;
	v49 =	vmin.u32 v48, $0x30D4  }
0x7f: {  	vm4 =	vlt.u32 v8, $0x2ED5;
	v30 =	vld.idx.msk [tilespmem:v30+s2+$0x0], $0xffff;
	v34 =	vadd.s32 $0xFFFFFFFF, v49  }
0x80: {  	vm2 =	vlt.u32 v4, $0x2ED5;
	vm3 =	vlt.u32 v6, $0x2ED5;
	vm5 =	vlt.u32 v7, $0x2ED5;
	v31 =	vld.idx.msk [tilespmem:v31+s2+$0x0], $0xffff  }
0x81: {  	vm6 =	vlt.u32 v19, $0x2ED5;
	vm1 =	vlt.u32 v17, $0x2ED5;
	vm8 =	vlt.f32 v27, v15  }
0x82: {  	vm0 =	vlt.u32 v20, $0x2ED5;
	vm7 =	vlt.f32 v25, v16;
	vm2 =	vmand vm8, vm2;
	v18 =	vld.idx.msk [tilespmem:v18+s2+$0x0], $0xffff  }
0x83: {  	vm1 =	vmand vm7, vm1;
	vm7 =	vlt.f32 v29, v12;
	v4 =	vsel vm2, v21, v4;
	v24 =	vld.idx.msk [tilespmem:v24+s2+$0x0], $0xffff  }
0x84: {  	vm2 =	vlt.f32 v30, v13;
	v9 =	vsel vm1, v9, v17;
	vm1 =	vmand vm7, vm3;
	v17 =	vld.idx.msk [tilespmem:v34+s2+$0x0], $0xffff  }
0x85: {  	vm2 =	vmand vm2, vm4;
	v6 =	vsel vm1, v22, v6;
	vm1 =	vlt.f32 v31, v11  }
0x86: {  	v21 =	vadd.s32 $0x100, v4;
	v8 =	vsel vm2, v23, v8;
	vm1 =	vmand vm1, vm5  }
0x87: {  	v23 =	vadd.s32 $0x100, v6;
	vm3 =	vlt.f32 v18, v10;
	v18 =	vadd.s32 $0x100, v9  }
0x88: {  	v7 =	vsel vm1, v26, v7;
	vm2 =	vmand vm3, vm6;
	v22 =	vmin.u32 v18, $0x30D4  }
0x89: {  	vm3 =	vlt.u32 v5, $0x3095;
	vm1 =	vlt.f32 v24, v14;
	vm4 =	vlt.f32 v17, v3  }
0x8a: {  	v22 =	vadd.s32 $0xFFFFFFFF, v22;
	v24 =	vmin.u32 v23, $0x30D4;
	vm3 =	vmand vm4, vm3  }
0x8b: {  	v24 =	vadd.s32 $0xFFFFFFFF, v24;
	v17 =	vmin.u32 v21, $0x30D4;
	v5 =	vsel vm3, v48, v5  }
0x8c: {  	v26 =	vadd.s32 $0x100, v8;
	v17 =	vadd.s32 $0xFFFFFFFF, v17;
	v25 =	vadd.s32 $0x20, v5  }
0x8d: {  	v50 =	vadd.s32 $0x100, v7;
	v51 =	vmin.u32 v26, $0x30D4;
	v27 =	vmin.u32 v25, $0x30D4  }
0x8e: {  	v52 =	vmin.u32 v50, $0x30D4;
	v19 =	vsel vm2, v44, v19;
	v27 =	vadd.s32 $0xFFFFFFFF, v27  }
0x8f: {  	v29 =	vadd.s32 $0xFFFFFFFF, v51;
	vm0 =	vmand vm1, vm0;
	v53 =	vadd.s32 $0x100, v19;
	v22 =	vld.idx.msk [tilespmem:v22+s2+$0x0], $0xffff  }
0x90: {  	v30 =	vadd.s32 $0xFFFFFFFF, v52;
	v20 =	vsel vm0, v32, v20;
	v54 =	vmin.u32 v53, $0x30D4;
	v24 =	vld.idx.msk [tilespmem:v24+s2+$0x0], $0xffff  }
0x91: {  	v32 =	vadd.s32 $0x100, v20;
	v33 =	vadd.s32 $0xFFFFFFFF, v54;
	v17 =	vld.idx.msk [tilespmem:v17+s2+$0x0], $0xffff  }
0x92: {  	v55 =	vmin.u32 v32, $0x30D4  }
0x93: {  	vm2 =	vlt.u32 v6, $0x2FD5;
	v34 =	vadd.s32 $0xFFFFFFFF, v55;
	v27 =	vld.idx.msk [tilespmem:v27+s2+$0x0], $0xffff  }
0x94: {  	vm1 =	vlt.u32 v4, $0x2FD5;
	vm0 =	vlt.u32 v9, $0x2FD5;
	v29 =	vld.idx.msk [tilespmem:v29+s2+$0x0], $0xffff;
	vm6 =	vlt.f32 v22, v16  }
0x95: {  	vm5 =	vlt.u32 v19, $0x2FD5;
	vm4 =	vlt.u32 v7, $0x2FD5;
	v30 =	vld.idx.msk [tilespmem:v30+s2+$0x0], $0xffff;
	vm0 =	vmand vm6, vm0  }
0x96: {  	v9 =	vsel vm0, v18, v9;
	vm0 =	vlt.f32 v24, v12;
	vm7 =	vlt.f32 v17, v15;
	v17 =	vld.idx.msk [tilespmem:v33+s2+$0x0], $0xffff  }
0x97: {  	vm3 =	vlt.u32 v8, $0x2FD5;
	vm0 =	vmand vm0, vm2;
	vm1 =	vmand vm7, vm1  }
0x98: {  	v18 =	vld.idx.msk [tilespmem:v34+s2+$0x0], $0xffff;
	v4 =	vsel vm1, v21, v4;
	vm1 =	vlt.u32 v5, $0x30B5;
	vm2 =	vlt.f32 v27, v3  }
0x99: {  	vm6 =	vlt.f32 v29, v13;
	v6 =	vsel vm0, v23, v6;
	vm0 =	vmand vm2, vm1  }
0x9a: {  	vm1 =	vmand vm6, vm3;
	vm2 =	vlt.f32 v30, v11;
	v5 =	vsel vm0, v25, v5  }
0x9b: {  	v8 =	vsel vm1, v26, v8;
	vm0 =	vmand vm2, vm4;
	vm1 =	vlt.f32 v17, v10  }
0x9c: {  	v21 =	vadd.s32 $0x10, v5;
	v7 =	vsel vm0, v50, v7;
	vm0 =	vmand vm1, vm5  }
0x9d: {  	vm1 =	vlt.f32 v18, v14;
	v18 =	vadd.s32 $0x80, v9;
	v17 =	vmin.u32 v21, $0x30D4  }
0x9e: {  	v22 =	vadd.s32 $0x80, v4;
	v24 =	vmin.u32 v18, $0x30D4;
	v17 =	vadd.s32 $0xFFFFFFFF, v17  }
0x9f: {  	v23 =	vadd.s32 $0x80, v6;
	v25 =	vmin.u32 v22, $0x30D4;
	v24 =	vadd.s32 $0xFFFFFFFF, v24  }
0xa0: {  	v27 =	vmin.u32 v23, $0x30D4;
	v25 =	vadd.s32 $0xFFFFFFFF, v25  }
0xa1: {  	vm8 =	vlt.u32 v20, $0x2FD5;
	v27 =	vadd.s32 $0xFFFFFFFF, v27;
	v28 =	vadd.s32 $0x80, v7  }
0xa2: {  	vm3 =	vlt.u32 v4, $0x3055;
	v26 =	vadd.s32 $0x80, v8;
	v58 =	vmin.u32 v28, $0x30D4  }
0xa3: {  	v19 =	vsel vm0, v53, v19;
	v56 =	vmin.u32 v26, $0x30D4;
	v31 =	vadd.s32 $0xFFFFFFFF, v58;
	v17 =	vld.idx.msk [tilespmem:v17+s2+$0x0], $0xffff  }
0xa4: {  	vm0 =	vmand vm1, vm8;
	v57 =	vadd.s32 $0x80, v19;
	v29 =	vadd.s32 $0xFFFFFFFF, v56;
	v24 =	vld.idx.msk [tilespmem:v24+s2+$0x0], $0xffff  }
0xa5: {  	vm4 =	vlt.u32 v6, $0x3055;
	v20 =	vsel vm0, v32, v20;
	v59 =	vmin.u32 v57, $0x30D4;
	v25 =	vld.idx.msk [tilespmem:v25+s2+$0x0], $0xffff  }
0xa6: {  	vm1 =	vlt.u32 v5, $0x30C5;
	v32 =	vadd.s32 $0x80, v20;
	v33 =	vadd.s32 $0xFFFFFFFF, v59  }
0xa7: {  	vm5 =	vlt.u32 v7, $0x3055;
	vm0 =	vlt.u32 v9, $0x3055;
	v27 =	vld.idx.msk [tilespmem:v27+s2+$0x0], $0xffff;
	v60 =	vmin.u32 v32, $0x30D4  }
0xa8: {  	vm7 =	vlt.u32 v20, $0x3055;
	v34 =	vadd.s32 $0xFFFFFFFF, v60;
	v61 =	vld.idx.msk [tilespmem:v31+s2+$0x0], $0xffff;
	vm2 =	vlt.f32 v17, v3  }
0xa9: {  	v17 =	vld.idx.msk [tilespmem:v29+s2+$0x0], $0xffff;
	vm6 =	vlt.f32 v24, v16;
	vm1 =	vmand vm2, vm1;
	vm2 =	vlt.u32 v8, $0x3055  }
0xaa: {  	vm0 =	vmand vm6, vm0;
	vm6 =	vlt.f32 v25, v15;
	v5 =	vsel vm1, v21, v5  }
0xab: {  	vm1 =	vlt.u32 v19, $0x3055;
	v21 =	vld.idx.msk [tilespmem:v33+s2+$0x0], $0xffff;
	v9 =	vsel vm0, v18, v9;
	v24 =	vadd.s32 $0x8, v5  }
0xac: {  	vm0 =	vmand vm6, vm3;
	vm3 =	vlt.f32 v27, v12;
	v63 =	vmin.u32 v24, $0x30D4  }
0xad: {  	v4 =	vsel vm0, v22, v4;
	vm0 =	vmand vm3, vm4;
	v18 =	vadd.s32 $0xFFFFFFFF, v63  }
0xae: {  	v6 =	vsel vm0, v23, v6;
	vm0 =	vlt.f32 v61, v11;
	vm6 =	vlt.f32 v17, v13  }
0xaf: {  	v62 =	vld.idx.msk [tilespmem:v34+s2+$0x0], $0xffff;
	vm0 =	vmand vm0, vm5;
	v22 =	vadd.s32 $0x40, v6;
	vm2 =	vmand vm6, vm2  }
0xb0: {  	v7 =	vsel vm0, v28, v7;
	v34 =	vmin.u32 v22, $0x30D4;
	vm3 =	vlt.f32 v21, v10  }
0xb1: {  	vm0 =	vlt.u32 v5, $0x30CD;
	v21 =	vadd.s32 $0x40, v4;
	vm1 =	vmand vm3, vm1  }
0xb2: {  	v27 =	vmin.u32 v21, $0x30D4;
	v17 =	vld.idx.msk [tilespmem:v18+s2+$0x0], $0xffff;
	v18 =	vsel vm1, v57, v19;
	v19 =	vadd.s32 $0x40, v9  }
0xb3: {  	v8 =	vsel vm2, v26, v8;
	v27 =	vadd.s32 $0xFFFFFFFF, v27;
	v25 =	vmin.u32 v19, $0x30D4  }
0xb4: {  	vm3 =	vlt.f32 v62, v14;
	v23 =	vadd.s32 $0x40, v8;
	v25 =	vadd.s32 $0xFFFFFFFF, v25  }
0xb5: {  	v26 =	vadd.s32 $0x40, v7;
	vm2 =	vmand vm3, vm7;
	v35 =	vmin.u32 v23, $0x30D4  }
0xb6: {  	v28 =	vadd.s32 $0xFFFFFFFF, v34;
	v29 =	vadd.s32 $0xFFFFFFFF, v35;
	v20 =	vsel vm2, v32, v20  }
0xb7: {  	v32 =	vadd.s32 $0x40, v20;
	vm1 =	vlt.f32 v17, v3;
	v17 =	vmin.u32 v26, $0x30D4  }
0xb8: {  	v38 =	vmin.u32 v32, $0x30D4;
	v27 =	vld.idx.msk [tilespmem:v27+s2+$0x0], $0xffff;
	vm0 =	vmand vm1, vm0;
	v17 =	vadd.s32 $0xFFFFFFFF, v17  }
0xb9: {  	v30 =	vadd.s32 $0x40, v18;
	v34 =	vadd.s32 $0xFFFFFFFF, v38;
	v5 =	vsel vm0, v24, v5;
	v25 =	vld.idx.msk [tilespmem:v25+s2+$0x0], $0xffff  }
0xba: {  	v24 =	vmin.u32 v30, $0x30D4;
	v36 =	vadd.s32 $0x4, v5  }
0xbb: {  	v28 =	vld.idx.msk [tilespmem:v28+s2+$0x0], $0xffff;
	v24 =	vadd.s32 $0xFFFFFFFF, v24;
	v37 =	vmin.u32 v36, $0x30D4  }
0xbc: {  	vm4 =	vlt.u32 v7, $0x3095;
	vm3 =	vlt.u32 v8, $0x3095;
	v29 =	vld.idx.msk [tilespmem:v29+s2+$0x0], $0xffff;
	v33 =	vadd.s32 $0xFFFFFFFF, v37  }
0xbd: {  	vm2 =	vlt.u32 v6, $0x3095;
	vm5 =	vlt.u32 v18, $0x3095;
	vm1 =	vlt.u32 v4, $0x3095;
	v17 =	vld.idx.msk [tilespmem:v17+s2+$0x0], $0xffff  }
0xbe: {  	vm0 =	vlt.u32 v9, $0x3095;
	vm7 =	vlt.f32 v27, v15;
	v27 =	vld.idx.msk [tilespmem:v34+s2+$0x0], $0xffff;
	vm6 =	vlt.f32 v25, v16  }
0xbf: {  	vm8 =	vlt.u32 v20, $0x3095;
	vm1 =	vmand vm7, vm1;
	vm0 =	vmand vm6, vm0  }
0xc0: {  	v4 =	vsel vm1, v21, v4;
	v24 =	vld.idx.msk [tilespmem:v24+s2+$0x0], $0xffff;
	v9 =	vsel vm0, v19, v9;
	vm0 =	vlt.f32 v28, v12  }
0xc1: {  	vm1 =	vlt.f32 v29, v13;
	v19 =	vadd.s32 $0x20, v4;
	v25 =	vld.idx.msk [tilespmem:v33+s2+$0x0], $0xffff;
	vm0 =	vmand vm0, vm2  }
0xc2: {  	vm2 =	vlt.f32 v17, v11;
	v6 =	vsel vm0, v22, v6;
	vm0 =	vmand vm1, vm3  }
0xc3: {  	vm3 =	vlt.f32 v27, v14;
	v17 =	vadd.s32 $0x20, v9;
	vm1 =	vmand vm2, vm4  }
0xc4: {  	v8 =	vsel vm0, v23, v8;
	v21 =	vmin.u32 v17, $0x30D4;
	v23 =	vadd.s32 $0x20, v6  }
0xc5: {  	vm0 =	vlt.f32 v24, v10;
	v7 =	vsel vm1, v26, v7;
	vm1 =	vlt.u32 v5, $0x30D1  }
0xc6: {  	v21 =	vadd.s32 $0xFFFFFFFF, v21;
	v26 =	vadd.s32 $0x20, v8;
	vm2 =	vlt.f32 v25, v3  }
0xc7: {  	v27 =	vmin.u32 v23, $0x30D4;
	vm0 =	vmand vm0, vm5;
	vm1 =	vmand vm2, vm1  }
0xc8: {  	v39 =	vadd.s32 $0x20, v7;
	v25 =	vmin.u32 v19, $0x30D4;
	v5 =	vsel vm1, v36, v5  }
0xc9: {  	v40 =	vmin.u32 v26, $0x30D4;
	v25 =	vadd.s32 $0xFFFFFFFF, v25;
	v22 =	vadd.s32 $0x2, v5  }
0xca: {  	v27 =	vadd.s32 $0xFFFFFFFF, v27;
	v18 =	vsel vm0, v30, v18;
	v24 =	vmin.u32 v22, $0x30D4  }
0xcb: {  	vm0 =	vmand vm3, vm8;
	v41 =	vmin.u32 v39, $0x30D4;
	v24 =	vadd.s32 $0xFFFFFFFF, v24  }
0xcc: {  	v20 =	vsel vm0, v32, v20;
	v30 =	vadd.s32 $0x20, v18;
	v31 =	vadd.s32 $0xFFFFFFFF, v41  }
0xcd: {  	v29 =	vadd.s32 $0xFFFFFFFF, v40;
	v32 =	vadd.s32 $0x20, v20;
	v42 =	vmin.u32 v30, $0x30D4;
	v21 =	vld.idx.msk [tilespmem:v21+s2+$0x0], $0xffff  }
0xce: {  	v43 =	vmin.u32 v32, $0x30D4;
	v33 =	vadd.s32 $0xFFFFFFFF, v42;
	v25 =	vld.idx.msk [tilespmem:v25+s2+$0x0], $0xffff  }
0xcf: {  	v34 =	vadd.s32 $0xFFFFFFFF, v43;
	v27 =	vld.idx.msk [tilespmem:v27+s2+$0x0], $0xffff  }
0xd0: {  	v24 =	vld.idx.msk [tilespmem:v24+s2+$0x0], $0xffff  }
0xd1: {  	vm4 =	vlt.u32 v7, $0x30B5;
	vm3 =	vlt.u32 v8, $0x30B5;
	vm0 =	vlt.u32 v9, $0x30B5;
	v31 =	vld.idx.msk [tilespmem:v31+s2+$0x0], $0xffff  }
0xd2: {  	vm2 =	vlt.u32 v6, $0x30B5;
	vm5 =	vlt.u32 v18, $0x30B5;
	vm1 =	vlt.u32 v4, $0x30B5;
	v29 =	vld.idx.msk [tilespmem:v29+s2+$0x0], $0xffff  }
0xd3: {  	vm7 =	vlt.u32 v20, $0x30B5;
	vm6 =	vlt.f32 v21, v16;
	v21 =	vld.idx.msk [tilespmem:v33+s2+$0x0], $0xffff;
	vm9 =	vlt.f32 v25, v15  }
0xd4: {  	vm0 =	vmand vm6, vm0;
	v44 =	vld.idx.msk [tilespmem:v34+s2+$0x0], $0xffff;
	vm6 =	vlt.u32 v5, $0x30D3;
	vm1 =	vmand vm9, vm1  }
0xd5: {  	v9 =	vsel vm0, v17, v9;
	v4 =	vsel vm1, v19, v4;
	vm8 =	vlt.f32 v24, v3  }
0xd6: {  	vm0 =	vmand vm8, vm6;
	vm6 =	vlt.f32 v27, v12;
	vm8 =	vlt.f32 v31, v11  }
0xd7: {  	vm2 =	vmand vm6, vm2;
	vm6 =	vlt.f32 v29, v13;
	vm4 =	vmand vm8, vm4  }
0xd8: {  	vm3 =	vmand vm6, vm3;
	vm6 =	vlt.f32 v21, v10;
	v6 =	vsel vm2, v23, v6  }
0xd9: {  	vm1 =	vmand vm6, vm5;
	vm5 =	vlt.f32 v44, v14;
	v8 =	vsel vm3, v26, v8  }
0xda: {  	vm2 =	vmand vm5, vm7;
	v17 =	vsel vm1, v30, v18;
	v18 =	vadd.s32 $0x10, v9  }
0xdb: {  	v19 =	vsel vm2, v32, v20;
	v20 =	vadd.s32 $0x10, v4;
	v21 =	vmin.u32 v18, $0x30D4  }
0xdc: {  	v23 =	vadd.s32 $0x10, v6;
	v24 =	vmin.u32 v20, $0x30D4;
	v21 =	vadd.s32 $0xFFFFFFFF, v21  }
0xdd: {  	v25 =	vadd.s32 $0x10, v8;
	v26 =	vmin.u32 v23, $0x30D4;
	v24 =	vadd.s32 $0xFFFFFFFF, v24  }
0xde: {  	v7 =	vsel vm4, v39, v7;
	v45 =	vmin.u32 v25, $0x30D4;
	v26 =	vadd.s32 $0xFFFFFFFF, v26  }
0xdf: {  	v27 =	vadd.s32 $0x10, v7;
	v28 =	vadd.s32 $0xFFFFFFFF, v45  }
0xe0: {  	v47 =	vmin.u32 v27, $0x30D4;
	v46 =	vadd.s32 $0x10, v17  }
0xe1: {  	v30 =	vadd.s32 $0xFFFFFFFF, v47;
	v48 =	vadd.s32 $0x10, v19;
	v49 =	vmin.u32 v46, $0x30D4;
	v21 =	vld.idx.msk [tilespmem:v21+s2+$0x0], $0xffff  }
0xe2: {  	v5 =	vsel vm0, v22, v5;
	v22 =	vmin.u32 v48, $0x30D4;
	v32 =	vadd.s32 $0xFFFFFFFF, v49;
	v24 =	vld.idx.msk [tilespmem:v24+s2+$0x0], $0xffff  }
0xe3: {  	v50 =	vadd.s32 $0x1, v5;
	v22 =	vadd.s32 $0xFFFFFFFF, v22;
	v26 =	vld.idx.msk [tilespmem:v26+s2+$0x0], $0xffff  }
0xe4: {  	vm0 =	vlt.u32 v9, $0x30C5;
	v51 =	vmin.u32 v50, $0x30D4;
	v28 =	vld.idx.msk [tilespmem:v28+s2+$0x0], $0xffff  }
0xe5: {  	vm4 =	vlt.u32 v7, $0x30C5;
	v34 =	vadd.s32 $0xFFFFFFFF, v51;
	vm1 =	vlt.u32 v4, $0x30C5  }
0xe6: {  	vm3 =	vlt.u32 v8, $0x30C5;
	vm2 =	vlt.u32 v6, $0x30C5;
	v30 =	vld.idx.msk [tilespmem:v30+s2+$0x0], $0xffff;
	vm6 =	vlt.f32 v21, v16  }
0xe7: {  	vm5 =	vlt.u32 v17, $0x30C5;
	v32 =	vld.idx.msk [tilespmem:v32+s2+$0x0], $0xffff;
	vm0 =	vmand vm6, vm0;
	vm6 =	vlt.f32 v24, v15  }
0xe8: {  	v21 =	vld.idx.msk [tilespmem:v22+s2+$0x0], $0xffff;
	v9 =	vsel vm0, v18, v9;
	vm0 =	vmand vm6, vm1;
	vm1 =	vlt.f32 v26, v12  }
0xe9: {  	v4 =	vsel vm0, v20, v4;
	vm0 =	vmand vm1, vm2;
	vm1 =	vlt.f32 v28, v13  }
0xea: {  	vm7 =	vlt.u32 v19, $0x30C5;
	v6 =	vsel vm0, v23, v6;
	vm0 =	vmand vm1, vm3  }
0xeb: {  	v20 =	vadd.s32 $0x8, v9;
	vm1 =	vlt.f32 v30, v11;
	v8 =	vsel vm0, v25, v8  }
0xec: {  	vm0 =	vmand vm1, vm4;
	vm1 =	vlt.f32 v32, v10;
	v22 =	vadd.s32 $0x8, v6  }
0xed: {  	v7 =	vsel vm0, v27, v7;
	vm0 =	vmand vm1, vm5;
	vm1 =	vlt.f32 v21, v14  }
0xee: {  	v21 =	vadd.s32 $0x8, v4;
	v24 =	vsel vm0, v46, v17;
	v17 =	vmin.u32 v20, $0x30D4  }
0xef: {  	vm0 =	vmand vm1, vm7;
	v18 =	vmin.u32 v21, $0x30D4;
	v17 =	vadd.s32 $0xFFFFFFFF, v17  }
0xf0: {  	v26 =	vmin.u32 v22, $0x30D4;
	v25 =	vsel vm0, v48, v19;
	v19 =	vld.idx.msk [tilespmem:v34+s2+$0x0], $0xffff;
	v18 =	vadd.s32 $0xFFFFFFFF, v18  }
0xf1: {  	v23 =	vadd.s32 $0x8, v8;
	v26 =	vadd.s32 $0xFFFFFFFF, v26  }
0xf2: {  	v27 =	vadd.s32 $0x8, v7;
	v52 =	vmin.u32 v23, $0x30D4  }
0xf3: {  	v29 =	vadd.s32 $0x8, v24;
	v53 =	vmin.u32 v27, $0x30D4;
	v28 =	vadd.s32 $0xFFFFFFFF, v52  }
0xf4: {  	v54 =	vmin.u32 v29, $0x30D4;
	v30 =	vadd.s32 $0xFFFFFFFF, v53;
	v17 =	vld.idx.msk [tilespmem:v17+s2+$0x0], $0xffff  }
0xf5: {  	v31 =	vadd.s32 $0x8, v25;
	v32 =	vadd.s32 $0xFFFFFFFF, v54;
	vm1 =	vlt.f32 v19, v3;
	v19 =	vld.idx.msk [tilespmem:v18+s2+$0x0], $0xffff  }
0xf6: {  	vm2 =	vlt.u32 v6, $0x30CD;
	vm0 =	vlt.u32 v5, $0x30D4;
	v55 =	vmin.u32 v31, $0x30D4;
	v26 =	vld.idx.msk [tilespmem:v26+s2+$0x0], $0xffff  }
0xf7: {  	vm3 =	vlt.u32 v8, $0x30CD;
	v3 =	vadd.s32 $0xFFFFFFFF, v55;
	vm0 =	vmand vm1, vm0  }
0xf8: {  	vm4 =	vlt.u32 v7, $0x30CD;
	vm5 =	vlt.u32 v24, $0x30CD;
	v18 =	vsel vm0, v50, v5;
	v5 =	vld.idx.msk [tilespmem:v28+s2+$0x0], $0xffff  }
0xf9: {  	vm7 =	vlt.u32 v25, $0x30CD;
	v56 =	vld.idx.msk [tilespmem:v30+s2+$0x0], $0xffff;
	vm0 =	vlt.u32 v9, $0x30CD;
	vm6 =	vlt.f32 v17, v16  }
0xfa: {  	vm1 =	vlt.u32 v4, $0x30CD;
	v57 =	vld.idx.msk [tilespmem:v32+s2+$0x0], $0xffff;
	vm0 =	vmand vm6, vm0;
	vm6 =	vlt.f32 v19, v15  }
0xfb: {  	v59 =	vld.idx.msk [tilespmem:v0+s2+$0x0], $0xffff;
	v19 =	vsel vm0, v20, v9;
	vm0 =	vmand vm6, vm1;
	vm1 =	vlt.f32 v26, v12  }
0xfc: {  	s3 =	simm.s32 $0x3198;
	v18 =	vmin.u32 v18, $0x30D3;
	v58 =	vld.idx.msk [tilespmem:v3+s2+$0x0], $0xffff;
	v20 =	vsel vm0, v21, v4;
	vm0 =	vmand vm1, vm2  }
0xfd: {  	v17 =	vld [tilespmem:s3+$0x30];
	vm1 =	vlt.f32 v5, v13;
	v26 =	vadd.s32 $0x4, v19;
	v21 =	vsel vm0, v22, v6  }
0xfe: {  	vm0 =	vmand vm1, vm3;
	vm1 =	vlt.f32 v56, v11;
	v55 =	vmin.u32 v26, $0x30D4  }
0xff: {  	v3 =	vld [tilespmem:s3+$0xFFFFFFD0];
	v22 =	vsel vm0, v23, v8;
	vm0 =	vmand vm1, vm4;
	vm1 =	vlt.f32 v57, v10  }
0x100: {  	v9 =	vld [tilespmem:s3+$0xFFFFFFC0];
	v28 =	vadd.s32 $0x4, v21;
	v55 =	vadd.s32 $0xFFFFFFFF, v55;
	vm2 =	vlt.u32 v21, $0x30D1  }
0x101: {  	v4 =	vld [tilespmem:s3+$0xFFFFFFE0];
	v23 =	vsel vm0, v27, v7;
	vm0 =	vmand vm1, vm5;
	vm1 =	vlt.f32 v58, v14  }
0x102: {  	v5 =	vld [tilespmem:s3+$0xFFFFFFF0];
	v24 =	vsel vm0, v29, v24;
	vm0 =	vmand vm1, vm7;
	vm1 =	vlt.f32 v59, v17  }
0x103: {  	v7 =	vld [tilespmem:s3+$0x0];
	v27 =	vadd.s32 $0x4, v20;
	v57 =	vmin.u32 v28, $0x30D4;
	v29 =	vsel vm1, $0x2000, v1  }
0x104: {  	v6 =	vld [tilespmem:s3+$0x10];
	v25 =	vsel vm0, v31, v25;
	vm0 =	vlt.f32 v59, v3;
	v60 =	vor.u32 $0xFFF, v29  }
0x105: {  	v30 =	vadd.s32 $0x4, v23;
	v57 =	vadd.s32 $0xFFFFFFFF, v57;
	v34 =	vsel vm0, $0x2000, v1  }
0x106: {  	vm1 =	vlt.f32 v59, v9;
	vm0 =	vlt.f32 v59, v4;
	v61 =	vor.u32 $0xFFF, v34  }
0x107: {  	v8 =	vld [tilespmem:s3+$0x20];
	v31 =	vadd.s32 $0x4, v22;
	v35 =	vsel vm0, $0x2000, v1;
	vm0 =	vlt.f32 v59, v5  }
0x108: {  	v62 =	vor.u32 $0xFFF, v35;
	v36 =	vsel vm0, $0x2000, v1;
	vm0 =	vlt.f32 v59, v7  }
0x109: {  	v37 =	vor.u32 $0xFFF, v36;
	v38 =	vsel vm0, $0x2000, v1;
	vm0 =	vlt.f32 v59, v6;
	v42 =	vld.idx.msk [tilespmem:v60+s2+$0x0], $0xffff  }
0x10a: {  	v32 =	vadd.s32 $0x4, v24;
	v39 =	vor.u32 $0xFFF, v38;
	v40 =	vsel vm0, $0x2000, v1  }
0x10b: {  	v43 =	vsel vm1, $0x2000, v1;
	v56 =	vor.u32 $0x1000, v29;
	v63 =	vor.u32 $0xFFF, v40;
	v46 =	vld.idx.msk [tilespmem:v61+s2+$0x0], $0xffff  }
0x10c: {  	v33 =	vadd.s32 $0x4, v25;
	v44 =	vor.u32 $0x1000, v34;
	vm0 =	vlt.f32 v59, v8  }
0x10d: {  	v47 =	vor.u32 $0x1000, v43;
	v48 =	vor.u32 $0xFFF, v43;
	v41 =	vsel vm0, $0x2000, v1;
	v50 =	vld.idx.msk [tilespmem:v62+s2+$0x0], $0xffff  }
0x10e: {  	v49 =	vor.u32 $0x1000, v35;
	v45 =	vor.u32 $0xFFF, v41;
	v37 =	vld.idx.msk [tilespmem:v37+s2+$0x0], $0xffff;
	vm0 =	vlt.f32 v42, v17  }
0x10f: {  	v51 =	vor.u32 $0x1000, v36;
	v52 =	vor.u32 $0x1000, v38;
	v39 =	vld.idx.msk [tilespmem:v39+s2+$0x0], $0xffff;
	v29 =	vsel vm0, v56, v29  }
0x110: {  	v53 =	vor.u32 $0x1000, v40;
	v60 =	vld.idx.msk [tilespmem:v63+s2+$0x0], $0xffff;
	vm0 =	vlt.f32 v46, v3;
	v46 =	vor.u32 $0x800, v29  }
0x111: {  	v54 =	vor.u32 $0x1000, v41;
	v56 =	vmin.u32 v27, $0x30D4;
	v61 =	vmin.u32 v46, $0x30D4  }
0x112: {  	v48 =	vld.idx.msk [tilespmem:v48+s2+$0x0], $0xffff;
	v34 =	vsel vm0, v44, v34;
	vm0 =	vlt.f32 v50, v4;
	v62 =	vadd.s32 $0xFFFFFFFF, v61  }
0x113: {  	v45 =	vld.idx.msk [tilespmem:v45+s2+$0x0], $0xffff;
	v56 =	vadd.s32 $0xFFFFFFFF, v56;
	vm1 =	vlt.f32 v37, v5;
	v35 =	vsel vm0, v49, v35  }
0x114: {  	v36 =	vsel vm1, v51, v36;
	vm0 =	vlt.f32 v39, v7;
	v39 =	vor.u32 $0x800, v34  }
0x115: {  	v42 =	vor.u32 $0x800, v35;
	v38 =	vsel vm0, v52, v38;
	vm0 =	vlt.f32 v60, v6  }
0x116: {  	v44 =	vor.u32 $0x800, v36;
	v63 =	vmin.u32 v39, $0x30D4;
	v60 =	vmin.u32 v42, $0x30D4  }
0x117: {  	vm8 =	vlt.u32 v39, $0x30D5;
	v40 =	vsel vm0, v53, v40;
	vm0 =	vlt.f32 v48, v9;
	v37 =	vld.idx.msk [tilespmem:v62+s2+$0x0], $0xffff  }
0x118: {  	vm9 =	vlt.u32 v42, $0x30D5;
	vm1 =	vlt.f32 v45, v8;
	v43 =	vsel vm0, v47, v43  }
0x119: {  	v45 =	vor.u32 $0x800, v38;
	v61 =	vmin.u32 v44, $0x30D4;
	v47 =	vor.u32 $0x800, v43  }
0x11a: {  	v49 =	vadd.s32 $0xFFFFFFFF, v63;
	v52 =	vadd.s32 $0xFFFFFFFF, v60;
	v59 =	vmin.u32 v47, $0x30D4  }
0x11b: {  	vm7 =	vlt.u32 v44, $0x30D5;
	v60 =	vmin.u32 v31, $0x30D4;
	v50 =	vadd.s32 $0xFFFFFFFF, v59  }
0x11c: {  	v41 =	vsel vm1, v54, v41;
	vm0 =	vlt.u32 v46, $0x30D5;
	vm1 =	vlt.f32 v37, v17  }
0x11d: {  	v48 =	vor.u32 $0x800, v40;
	v53 =	vadd.s32 $0xFFFFFFFF, v61;
	vm0 =	vmand vm1, vm0  }
0x11e: {  	v51 =	vor.u32 $0x800, v41;
	v58 =	vmin.u32 v48, $0x30D4;
	v29 =	vsel vm0, v46, v29  }
0x11f: {  	v62 =	vmin.u32 v45, $0x30D4;
	v54 =	vadd.s32 $0xFFFFFFFF, v58;
	v49 =	vld.idx.msk [tilespmem:v49+s2+$0x0], $0xffff;
	v58 =	vor.u32 $0x400, v29  }
0x120: {  	v59 =	vmin.u32 v51, $0x30D4;
	v37 =	vadd.s32 $0xFFFFFFFF, v62;
	v50 =	vld.idx.msk [tilespmem:v50+s2+$0x0], $0xffff;
	v63 =	vmin.u32 v58, $0x30D4  }
0x121: {  	vm6 =	vlt.u32 v45, $0x30D5;
	v46 =	vadd.s32 $0xFFFFFFFF, v59;
	v59 =	vadd.s32 $0xFFFFFFFF, v63  }
0x122: {  	v61 =	vmin.u32 v30, $0x30D4;
	v60 =	vadd.s32 $0xFFFFFFFF, v60;
	vm5 =	vlt.u32 v48, $0x30D5;
	v52 =	vld.idx.msk [tilespmem:v52+s2+$0x0], $0xffff  }
0x123: {  	v61 =	vadd.s32 $0xFFFFFFFF, v61;
	vm3 =	vlt.u32 v47, $0x30D5;
	v53 =	vld.idx.msk [tilespmem:v53+s2+$0x0], $0xffff;
	v62 =	vmin.u32 v32, $0x30D4  }
0x124: {  	vm4 =	vlt.u32 v51, $0x30D5;
	v54 =	vld.idx.msk [tilespmem:v54+s2+$0x0], $0xffff;
	v62 =	vadd.s32 $0xFFFFFFFF, v62;
	vm11 =	vlt.f32 v49, v3  }
0x125: {  	vm1 =	vlt.u32 v20, $0x30D1;
	vm8 =	vmand vm11, vm8;
	v37 =	vld.idx.msk [tilespmem:v37+s2+$0x0], $0xffff;
	vm10 =	vlt.f32 v50, v9  }
0x126: {  	vm0 =	vlt.u32 v19, $0x30D1;
	v34 =	vsel vm8, v39, v34;
	vm10 =	vmand vm10, vm3;
	v59 =	vld.idx.msk [tilespmem:v59+s2+$0x0], $0xffff  }
0x127: {  	v50 =	vmin.u32 v33, $0x30D4;
	v43 =	vsel vm10, v47, v43;
	vm10 =	vlt.f32 v52, v4  }
0x128: {  	v50 =	vadd.s32 $0xFFFFFFFF, v50;
	v46 =	vld.idx.msk [tilespmem:v46+s2+$0x0], $0xffff;
	vm8 =	vmand vm10, vm9;
	vm9 =	vlt.f32 v53, v5  }
0x129: {  	vm3 =	vlt.u32 v22, $0x30D1;
	v35 =	vsel vm8, v42, v35;
	vm7 =	vmand vm9, vm7  }
0x12a: {  	vm8 =	vlt.f32 v37, v7;
	v36 =	vsel vm7, v44, v36;
	vm7 =	vlt.u32 v58, $0x30D5  }
0x12b: {  	vm6 =	vmand vm8, vm6;
	vm8 =	vlt.f32 v54, v6;
	vm9 =	vlt.f32 v59, v17  }
0x12c: {  	v47 =	vor.u32 $0x400, v35;
	v37 =	vsel vm6, v45, v38;
	vm7 =	vmand vm9, vm7  }
0x12d: {  	vm5 =	vmand vm8, vm5;
	vm6 =	vlt.f32 v46, v8;
	v29 =	vsel vm7, v58, v29  }
0x12e: {  	v38 =	vor.u32 $0x400, v43;
	v45 =	vor.u32 $0x400, v34;
	v39 =	vadd.s32 $0x200, v29  }
0x12f: {  	v42 =	vld.idx.msk [tilespmem:v55+s2+$0x0], $0xffff;
	v40 =	vsel vm5, v48, v40;
	vm4 =	vmand vm6, vm4;
	v58 =	vmin.u32 v39, $0x30D4  }
0x130: {  	v55 =	vld.idx.msk [tilespmem:v60+s2+$0x0], $0xffff;
	v48 =	vor.u32 $0x400, v36;
	v49 =	vor.u32 $0x400, v37;
	v44 =	vadd.s32 $0xFFFFFFFF, v58  }
0x131: {  	v46 =	vld.idx.msk [tilespmem:v56+s2+$0x0], $0xffff;
	v54 =	vmin.u32 v38, $0x30D4;
	v56 =	vmin.u32 v45, $0x30D4;
	vm8 =	vlt.u32 v38, $0x30D5  }
0x132: {  	v41 =	vsel vm4, v51, v41;
	v51 =	vld.idx.msk [tilespmem:v57+s2+$0x0], $0xffff;
	v52 =	vor.u32 $0x400, v40;
	v57 =	vmin.u32 v47, $0x30D4  }
0x133: {  	v60 =	vmin.u32 v49, $0x30D4;
	v54 =	vadd.s32 $0xFFFFFFFF, v54;
	v56 =	vadd.s32 $0xFFFFFFFF, v56  }
0x134: {  	v53 =	vor.u32 $0x400, v41;
	v59 =	vld.idx.msk [tilespmem:v61+s2+$0x0], $0xffff;
	v61 =	vmin.u32 v52, $0x30D4;
	vm4 =	vlt.f32 v42, v16  }
0x135: {  	v57 =	vadd.s32 $0xFFFFFFFF, v57;
	v60 =	vadd.s32 $0xFFFFFFFF, v60;
	vm10 =	vlt.f32 v55, v13;
	v44 =	vld.idx.msk [tilespmem:v44+s2+$0x0], $0xffff  }
0x136: {  	v50 =	vld.idx.msk [tilespmem:v50+s2+$0x0], $0xffff;
	v42 =	vmin.u32 v53, $0x30D4;
	v61 =	vadd.s32 $0xFFFFFFFF, v61;
	vm9 =	vlt.u32 v45, $0x30D5  }
0x137: {  	vm0 =	vmand vm4, vm0;
	vm3 =	vmand vm10, vm3;
	vm10 =	vlt.u32 v24, $0x30D1  }
0x138: {  	v62 =	vld.idx.msk [tilespmem:v62+s2+$0x0], $0xffff;
	v42 =	vadd.s32 $0xFFFFFFFF, v42;
	vm5 =	vlt.f32 v46, v15;
	v58 =	vmin.u32 v48, $0x30D4  }
0x139: {  	vm7 =	vlt.u32 v47, $0x30D5;
	vm1 =	vmand vm5, vm1;
	v46 =	vld.idx.msk [tilespmem:v54+s2+$0x0], $0xffff;
	v58 =	vadd.s32 $0xFFFFFFFF, v58  }
0x13a: {  	vm4 =	vlt.u32 v29, $0x2ED5;
	vm6 =	vlt.f32 v51, v12;
	vm5 =	vlt.f32 v44, v17  }
0x13b: {  	vm2 =	vmand vm6, vm2;
	vm6 =	vlt.f32 v50, v14;
	v50 =	vld.idx.msk [tilespmem:v57+s2+$0x0], $0xffff;
	vm4 =	vmand vm5, vm4  }
0x13c: {  	v22 =	vsel vm3, v31, v22;
	vm11 =	vlt.f32 v59, v11;
	v29 =	vsel vm4, v39, v29  }
0x13d: {  	v44 =	vld.idx.msk [tilespmem:v56+s2+$0x0], $0xffff;
	vm5 =	vlt.f32 v62, v10;
	vm4 =	vlt.u32 v23, $0x30D1;
	v51 =	vadd.s32 $0x100, v29  }
0x13e: {  	v39 =	vld.idx.msk [tilespmem:v58+s2+$0x0], $0xffff;
	vm5 =	vmand vm5, vm10;
	vm10 =	vlt.f32 v46, v9;
	v59 =	vmin.u32 v51, $0x30D4  }
0x13f: {  	v62 =	vld.idx.msk [tilespmem:v60+s2+$0x0], $0xffff;
	vm4 =	vmand vm11, vm4;
	vm11 =	vlt.u32 v25, $0x30D1;
	v54 =	vadd.s32 $0xFFFFFFFF, v59  }
0x140: {  	v63 =	vld.idx.msk [tilespmem:v61+s2+$0x0], $0xffff;
	vm8 =	vmand vm10, vm8;
	vm10 =	vlt.f32 v50, v4;
	vm6 =	vmand vm6, vm11  }
0x141: {  	vm7 =	vmand vm10, vm7;
	v38 =	vsel vm8, v38, v43;
	vm8 =	vlt.u32 v49, $0x30D5  }
0x142: {  	v42 =	vld.idx.msk [tilespmem:v42+s2+$0x0], $0xffff;
	vm11 =	vlt.f32 v44, v3;
	v35 =	vsel vm7, v47, v35;
	vm7 =	vlt.u32 v53, $0x30D5  }
0x143: {  	vm9 =	vmand vm11, vm9;
	vm11 =	vlt.u32 v48, $0x30D5;
	vm10 =	vlt.f32 v39, v5  }
0x144: {  	v34 =	vsel vm9, v45, v34;
	vm9 =	vlt.f32 v62, v7;
	vm10 =	vmand vm10, vm11;
	v57 =	vld.idx.msk [tilespmem:v54+s2+$0x0], $0xffff  }
0x145: {  	vm11 =	vlt.u32 v52, $0x30D5;
	vm8 =	vmand vm9, vm8;
	vm9 =	vlt.f32 v63, v6  }
0x146: {  	v39 =	vadd.s32 $0x200, v35;
	v43 =	vadd.s32 $0x200, v34;
	vm9 =	vmand vm9, vm11  }
0x147: {  	vm11 =	vlt.f32 v42, v8;
	v36 =	vsel vm10, v48, v36;
	v37 =	vsel vm8, v49, v37  }
0x148: {  	v42 =	vadd.s32 $0x200, v38;
	v59 =	vmin.u32 v43, $0x30D4;
	vm7 =	vmand vm11, vm7  }
0x149: {  	v41 =	vsel vm7, v53, v41;
	vm7 =	vlt.u32 v29, $0x2FD5;
	vm8 =	vlt.f32 v57, v17  }
0x14a: {  	vm10 =	vlt.u32 v38, $0x2ED5;
	v40 =	vsel vm9, v52, v40;
	vm7 =	vmand vm8, vm7  }
0x14b: {  	v44 =	vadd.s32 $0x200, v36;
	v45 =	vadd.s32 $0x200, v37;
	v47 =	vsel vm7, v51, v29  }
0x14c: {  	v58 =	vmin.u32 v42, $0x30D4;
	v52 =	vmin.u32 v39, $0x30D4;
	v49 =	vadd.s32 $0x80, v47  }
0x14d: {  	v50 =	vadd.s32 $0xFFFFFFFF, v59;
	v29 =	vadd.s32 $0xFFFFFFFF, v58;
	v60 =	vmin.u32 v49, $0x30D4  }
0x14e: {  	vm9 =	vlt.u32 v34, $0x2ED5;
	v46 =	vadd.s32 $0x200, v40;
	v51 =	vadd.s32 $0xFFFFFFFF, v60  }
0x14f: {  	v61 =	vmin.u32 v44, $0x30D4;
	v62 =	vmin.u32 v45, $0x30D4;
	v52 =	vadd.s32 $0xFFFFFFFF, v52  }
0x150: {  	v48 =	vadd.s32 $0x200, v41;
	v63 =	vmin.u32 v46, $0x30D4;
	v53 =	vadd.s32 $0xFFFFFFFF, v61  }
0x151: {  	v54 =	vadd.s32 $0xFFFFFFFF, v62;
	v55 =	vadd.s32 $0xFFFFFFFF, v63;
	v60 =	vmin.u32 v48, $0x30D4  }
0x152: {  	vm8 =	vlt.u32 v35, $0x2ED5;
	vm7 =	vlt.u32 v36, $0x2ED5;
	v56 =	vadd.s32 $0xFFFFFFFF, v60;
	v61 =	vld.idx.msk [tilespmem:v29+s2+$0x0], $0xffff  }
0x153: {  	v29 =	vsel vm0, v26, v19;
	v26 =	vsel vm1, v27, v20;
	vm0 =	vlt.u32 v37, $0x2ED5;
	v51 =	vld.idx.msk [tilespmem:v51+s2+$0x0], $0xffff  }
0x154: {  	v50 =	vld.idx.msk [tilespmem:v50+s2+$0x0], $0xffff;
	v27 =	vsel vm2, v28, v21;
	vm2 =	vlt.u32 v40, $0x2ED5;
	vm1 =	vlt.u32 v41, $0x2ED5  }
0x155: {  	v62 =	vld.idx.msk [tilespmem:v52+s2+$0x0], $0xffff;
	v21 =	vsel vm4, v30, v23;
	v20 =	vsel vm5, v32, v24;
	v19 =	vsel vm6, v33, v25  }
0x156: {  	v63 =	vld.idx.msk [tilespmem:v53+s2+$0x0], $0xffff;
	v24 =	vadd.s32 $0x2, v22;
	vm4 =	vlt.u32 v47, $0x3055;
	v28 =	vadd.s32 $0x2, v29  }
0x157: {  	v32 =	vadd.s32 $0x2, v26;
	v30 =	vadd.s32 $0x2, v27;
	v31 =	vadd.s32 $0x2, v21  }
0x158: {  	v23 =	vadd.s32 $0x2, v20;
	vm3 =	vlt.f32 v61, v9;
	vm5 =	vlt.f32 v51, v17  }
0x159: {  	v57 =	vld.idx.msk [tilespmem:v54+s2+$0x0], $0xffff;
	v25 =	vadd.s32 $0x2, v19;
	vm3 =	vmand vm3, vm10;
	vm4 =	vmand vm5, vm4  }
0x15a: {  	v58 =	vld.idx.msk [tilespmem:v55+s2+$0x0], $0xffff;
	v38 =	vsel vm3, v42, v38;
	vm5 =	vlt.f32 v50, v3;
	v47 =	vsel vm4, v49, v47  }
0x15b: {  	vm3 =	vmand vm5, vm9;
	vm4 =	vlt.f32 v62, v4;
	vm5 =	vlt.f32 v63, v5  }
0x15c: {  	v59 =	vld.idx.msk [tilespmem:v56+s2+$0x0], $0xffff;
	v42 =	vadd.s32 $0x40, v47;
	vm4 =	vmand vm4, vm8;
	v34 =	vsel vm3, v43, v34  }
0x15d: {  	vm3 =	vmand vm5, vm7;
	vm7 =	vlt.u32 v38, $0x2FD5;
	v60 =	vmin.u32 v42, $0x30D4  }
0x15e: {  	v35 =	vsel vm4, v39, v35;
	vm4 =	vlt.f32 v57, v7;
	v36 =	vsel vm3, v44, v36  }
0x15f: {  	vm3 =	vlt.f32 v58, v6;
	v43 =	vadd.s32 $0x100, v34;
	vm5 =	vlt.u32 v34, $0x2FD5  }
0x160: {  	v57 =	vmin.u32 v28, $0x30D4;
	v58 =	vmin.u32 v32, $0x30D4;
	v33 =	vadd.s32 $0xFFFFFFFF, v60  }
0x161: {  	vm0 =	vmand vm4, vm0;
	vm2 =	vmand vm3, vm2;
	vm3 =	vlt.f32 v59, v8  }
0x162: {  	v44 =	vadd.s32 $0x100, v35;
	v62 =	vmin.u32 v43, $0x30D4;
	vm6 =	vlt.u32 v35, $0x2FD5  }
0x163: {  	vm4 =	vlt.u32 v36, $0x2FD5;
	v59 =	vmin.u32 v30, $0x30D4;
	v57 =	vadd.s32 $0xFFFFFFFF, v57  }
0x164: {  	v58 =	vadd.s32 $0xFFFFFFFF, v58;
	v37 =	vsel vm0, v45, v37;
	v39 =	vsel vm2, v46, v40  }
0x165: {  	vm0 =	vmand vm3, vm1;
	v40 =	vadd.s32 $0x100, v38;
	v45 =	vadd.s32 $0x100, v36;
	v33 =	vld.idx.msk [tilespmem:v33+s2+$0x0], $0xffff  }
0x166: {  	v52 =	vmin.u32 v44, $0x30D4;
	v62 =	vadd.s32 $0xFFFFFFFF, v62;
	v61 =	vmin.u32 v40, $0x30D4  }
0x167: {  	v59 =	vadd.s32 $0xFFFFFFFF, v59;
	v41 =	vsel vm0, v48, v41;
	v48 =	vadd.s32 $0xFFFFFFFF, v61  }
0x168: {  	v46 =	vadd.s32 $0x100, v37;
	v49 =	vadd.s32 $0x100, v39;
	v53 =	vmin.u32 v45, $0x30D4  }
0x169: {  	vm0 =	vlt.u32 v47, $0x3095;
	v51 =	vadd.s32 $0xFFFFFFFF, v52;
	vm3 =	vlt.u32 v37, $0x2FD5  }
0x16a: {  	vm2 =	vlt.u32 v39, $0x2FD5;
	v50 =	vadd.s32 $0x100, v41;
	vm1 =	vlt.f32 v33, v17  }
0x16b: {  	v63 =	vmin.u32 v46, $0x30D4;
	v52 =	vadd.s32 $0xFFFFFFFF, v53;
	vm0 =	vmand vm1, vm0  }
0x16c: {  	v61 =	vmin.u32 v50, $0x30D4;
	v53 =	vadd.s32 $0xFFFFFFFF, v63;
	v48 =	vld.idx.msk [tilespmem:v48+s2+$0x0], $0xffff;
	v42 =	vsel vm0, v42, v47  }
0x16d: {  	v55 =	vadd.s32 $0xFFFFFFFF, v61;
	v61 =	vmin.u32 v31, $0x30D4;
	v33 =	vld.idx.msk [tilespmem:v62+s2+$0x0], $0xffff;
	v54 =	vadd.s32 $0x20, v42  }
0x16e: {  	v60 =	vmin.u32 v49, $0x30D4;
	v61 =	vadd.s32 $0xFFFFFFFF, v61;
	v51 =	vld.idx.msk [tilespmem:v51+s2+$0x0], $0xffff;
	v63 =	vmin.u32 v54, $0x30D4  }
0x16f: {  	v62 =	vmin.u32 v23, $0x30D4;
	vm1 =	vlt.u32 v41, $0x2FD5;
	v56 =	vadd.s32 $0xFFFFFFFF, v63  }
0x170: {  	v52 =	vld.idx.msk [tilespmem:v52+s2+$0x0], $0xffff;
	v62 =	vadd.s32 $0xFFFFFFFF, v62;
	v47 =	vadd.s32 $0xFFFFFFFF, v60;
	v60 =	vmin.u32 v24, $0x30D4  }
0x171: {  	v53 =	vld.idx.msk [tilespmem:v53+s2+$0x0], $0xffff;
	vm0 =	vlt.u32 v29, $0x30D3;
	vm8 =	vlt.f32 v48, v9;
	v48 =	vmin.u32 v25, $0x30D4  }
0x172: {  	v60 =	vadd.s32 $0xFFFFFFFF, v60;
	vm7 =	vmand vm8, vm7;
	vm8 =	vlt.f32 v33, v3  }
0x173: {  	v55 =	vld.idx.msk [tilespmem:v55+s2+$0x0], $0xffff;
	v38 =	vsel vm7, v40, v38;
	vm7 =	vlt.f32 v51, v4;
	vm5 =	vmand vm8, vm5  }
0x174: {  	v48 =	vadd.s32 $0xFFFFFFFF, v48;
	v34 =	vsel vm5, v43, v34;
	vm5 =	vmand vm7, vm6;
	v56 =	vld.idx.msk [tilespmem:v56+s2+$0x0], $0xffff  }
0x175: {  	vm6 =	vlt.f32 v52, v5;
	v43 =	vadd.s32 $0x80, v38;
	v35 =	vsel vm5, v44, v35  }
0x176: {  	v47 =	vld.idx.msk [tilespmem:v47+s2+$0x0], $0xffff;
	vm5 =	vlt.u32 v42, $0x30B5;
	vm4 =	vmand vm6, vm4;
	vm6 =	vlt.f32 v53, v7  }
0x177: {  	v44 =	vld.idx.msk [tilespmem:v57+s2+$0x0], $0xffff;
	v57 =	vmin.u32 v43, $0x30D4;
	v36 =	vsel vm4, v45, v36;
	vm3 =	vmand vm6, vm3  }
0x178: {  	v45 =	vadd.s32 $0x80, v34;
	vm6 =	vlt.u32 v34, $0x3055;
	v33 =	vsel vm3, v46, v37  }
0x179: {  	vm3 =	vlt.f32 v55, v8;
	v46 =	vadd.s32 $0x80, v35;
	vm7 =	vlt.f32 v56, v17  }
0x17a: {  	v52 =	vld.idx.msk [tilespmem:v58+s2+$0x0], $0xffff;
	v63 =	vmin.u32 v45, $0x30D4;
	vm1 =	vmand vm3, vm1;
	vm5 =	vmand vm7, vm5  }
0x17b: {  	v55 =	vmin.u32 v46, $0x30D4;
	v53 =	vadd.s32 $0xFFFFFFFF, v63;
	v42 =	vsel vm5, v54, v42  }
0x17c: {  	vm3 =	vlt.u32 v33, $0x3055;
	vm4 =	vlt.f32 v47, v6;
	v37 =	vadd.s32 $0x10, v42  }
0x17d: {  	v41 =	vsel vm1, v50, v41;
	v47 =	vadd.s32 $0x80, v36;
	v56 =	vmin.u32 v37, $0x30D4  }
0x17e: {  	v50 =	vadd.s32 $0x80, v33;
	v55 =	vadd.s32 $0xFFFFFFFF, v55;
	v40 =	vadd.s32 $0xFFFFFFFF, v56  }
0x17f: {  	vm9 =	vlt.f32 v52, v15;
	vm2 =	vmand vm4, vm2;
	vm1 =	vlt.f32 v44, v16  }
0x180: {  	vm4 =	vlt.u32 v36, $0x3055;
	v39 =	vsel vm2, v49, v39;
	v49 =	vadd.s32 $0xFFFFFFFF, v57  }
0x181: {  	v57 =	vmin.u32 v50, $0x30D4;
	vm2 =	vlt.u32 v38, $0x3055;
	vm0 =	vmand vm1, vm0;
	v53 =	vld.idx.msk [tilespmem:v53+s2+$0x0], $0xffff  }
0x182: {  	v58 =	vld.idx.msk [tilespmem:v59+s2+$0x0], $0xffff;
	vm1 =	vlt.u32 v26, $0x30D3;
	v51 =	vadd.s32 $0x80, v39;
	v57 =	vadd.s32 $0xFFFFFFFF, v57  }
0x183: {  	vm1 =	vmand vm9, vm1;
	vm9 =	vlt.u32 v27, $0x30D3;
	v28 =	vsel vm0, v28, v29;
	v40 =	vld.idx.msk [tilespmem:v40+s2+$0x0], $0xffff  }
0x184: {  	v60 =	vld.idx.msk [tilespmem:v60+s2+$0x0], $0xffff;
	v59 =	vmin.u32 v51, $0x30D4;
	v26 =	vsel vm1, v32, v26;
	v56 =	vmin.u32 v47, $0x30D4  }
0x185: {  	v54 =	vadd.s32 $0x80, v41;
	v59 =	vadd.s32 $0xFFFFFFFF, v59;
	v49 =	vld.idx.msk [tilespmem:v49+s2+$0x0], $0xffff;
	v56 =	vadd.s32 $0xFFFFFFFF, v56  }
0x186: {  	vm5 =	vlt.u32 v35, $0x3055;
	v29 =	vadd.s32 $0x1, v26;
	vm10 =	vlt.f32 v53, v3  }
0x187: {  	v52 =	vld.idx.msk [tilespmem:v55+s2+$0x0], $0xffff;
	v44 =	vmin.u32 v54, $0x30D4;
	vm7 =	vlt.u32 v42, $0x30C5;
	vm6 =	vmand vm10, vm6  }
0x188: {  	v44 =	vadd.s32 $0xFFFFFFFF, v44;
	v55 =	vld.idx.msk [tilespmem:v57+s2+$0x0], $0xffff;
	v34 =	vsel vm6, v45, v34;
	vm8 =	vlt.f32 v40, v17  }
0x189: {  	vm6 =	vlt.f32 v60, v13;
	vm0 =	vlt.u32 v34, $0x3095;
	v40 =	vld.idx.msk [tilespmem:v62+s2+$0x0], $0xffff;
	vm7 =	vmand vm8, vm7  }
0x18a: {  	vm8 =	vlt.f32 v58, v12;
	v37 =	vsel vm7, v37, v42;
	v42 =	vld.idx.msk [tilespmem:v56+s2+$0x0], $0xffff;
	vm7 =	vlt.f32 v49, v9  }
0x18b: {  	v63 =	vld.idx.msk [tilespmem:v59+s2+$0x0], $0xffff;
	v49 =	vadd.s32 $0x8, v37;
	vm7 =	vmand vm7, vm2;
	vm2 =	vmand vm8, vm9  }
0x18c: {  	v61 =	vld.idx.msk [tilespmem:v61+s2+$0x0], $0xffff;
	vm8 =	vlt.u32 v39, $0x3055;
	vm9 =	vlt.u32 v41, $0x3055;
	v62 =	vmin.u32 v49, $0x30D4  }
0x18d: {  	v44 =	vld.idx.msk [tilespmem:v44+s2+$0x0], $0xffff;
	v38 =	vsel vm7, v43, v38;
	vm7 =	vlt.f32 v52, v4;
	v27 =	vsel vm2, v30, v27  }
0x18e: {  	v56 =	vadd.s32 $0xFFFFFFFF, v62;
	vm5 =	vmand vm7, vm5;
	vm10 =	vlt.f32 v40, v10  }
0x18f: {  	v35 =	vsel vm5, v46, v35;
	vm5 =	vlt.f32 v55, v7;
	vm7 =	vlt.f32 v42, v5  }
0x190: {  	v48 =	vld.idx.msk [tilespmem:v48+s2+$0x0], $0xffff;
	vm3 =	vmand vm5, vm3;
	vm5 =	vlt.f32 v63, v6;
	v42 =	vadd.s32 $0x40, v34  }
0x191: {  	v43 =	vadd.s32 $0x40, v35;
	vm1 =	vlt.u32 v35, $0x3095;
	vm4 =	vmand vm7, vm4  }
0x192: {  	vm7 =	vlt.f32 v61, v11;
	vm5 =	vmand vm5, vm8;
	vm8 =	vlt.f32 v44, v8  }
0x193: {  	v33 =	vsel vm3, v50, v33;
	vm3 =	vlt.u32 v22, $0x30D3;
	v60 =	vmin.u32 v42, $0x30D4  }
0x194: {  	v61 =	vmin.u32 v43, $0x30D4;
	v36 =	vsel vm4, v47, v36;
	vm4 =	vmand vm8, vm9  }
0x195: {  	vm8 =	vlt.f32 v48, v14;
	v39 =	vsel vm5, v51, v39;
	vm5 =	vlt.u32 v21, $0x30D3  }
0x196: {  	vm6 =	vmand vm6, vm3;
	vm3 =	vlt.u32 v37, $0x30CD;
	v45 =	vadd.s32 $0x40, v33  }
0x197: {  	v50 =	vadd.s32 $0xFFFFFFFF, v60;
	v51 =	vadd.s32 $0xFFFFFFFF, v61;
	v40 =	vsel vm4, v54, v41  }
0x198: {  	vm4 =	vmand vm7, vm5;
	vm5 =	vlt.u32 v20, $0x30D3;
	v41 =	vadd.s32 $0x40, v38  }
0x199: {  	v44 =	vadd.s32 $0x40, v36;
	v47 =	vadd.s32 $0x40, v39;
	v59 =	vmin.u32 v41, $0x30D4  }
0x19a: {  	v58 =	vld.idx.msk [tilespmem:v56+s2+$0x0], $0xffff;
	v63 =	vmin.u32 v45, $0x30D4;
	vm2 =	vlt.u32 v36, $0x3095;
	v46 =	vadd.s32 $0xFFFFFFFF, v59  }
0x19b: {  	v22 =	vsel vm6, v24, v22;
	vm6 =	vlt.u32 v33, $0x3095;
	vm5 =	vmand vm10, vm5  }
0x19c: {  	v48 =	vadd.s32 $0x40, v40;
	v62 =	vmin.u32 v44, $0x30D4;
	v57 =	vmin.u32 v47, $0x30D4  }
0x19d: {  	v53 =	vadd.s32 $0xFFFFFFFF, v63;
	v21 =	vsel vm4, v31, v21;
	v52 =	vadd.s32 $0xFFFFFFFF, v62  }
0x19e: {  	vm4 =	vlt.u32 v39, $0x3095;
	v54 =	vadd.s32 $0xFFFFFFFF, v57;
	v20 =	vsel vm5, v23, v20  }
0x19f: {  	vm5 =	vlt.u32 v40, $0x3095;
	v23 =	vadd.s32 $0x1, v28;
	vm9 =	vlt.f32 v58, v17;
	v60 =	vld.idx.msk [tilespmem:v46+s2+$0x0], $0xffff  }
0x1a0: {  	v31 =	vadd.s32 $0x1, v21;
	v61 =	vld.idx.msk [tilespmem:v50+s2+$0x0], $0xffff;
	v58 =	vmin.u32 v48, $0x30D4;
	vm7 =	vmand vm9, vm3  }
0x1a1: {  	v62 =	vld.idx.msk [tilespmem:v51+s2+$0x0], $0xffff;
	vm3 =	vlt.u32 v19, $0x30D3;
	v59 =	vadd.s32 $0xFFFFFFFF, v58;
	v37 =	vsel vm7, v49, v37  }
0x1a2: {  	vm3 =	vmand vm8, vm3;
	vm7 =	vlt.u32 v38, $0x3095;
	v63 =	vld.idx.msk [tilespmem:v52+s2+$0x0], $0xffff;
	v46 =	vadd.s32 $0x4, v37  }
0x1a3: {  	v56 =	vld.idx.msk [tilespmem:v53+s2+$0x0], $0xffff;
	vm8 =	vlt.u32 v22, $0x30D4;
	v19 =	vsel vm3, v25, v19;
	v24 =	vmin.u32 v46, $0x30D4  }
0x1a4: {  	v58 =	vld.idx.msk [tilespmem:v54+s2+$0x0], $0xffff;
	v25 =	vadd.s32 $0x1, v22;
	v57 =	vadd.s32 $0xFFFFFFFF, v24;
	vm3 =	vlt.f32 v60, v9  }
0x1a5: {  	v24 =	vadd.s32 $0x1, v27;
	vm3 =	vmand vm3, vm7;
	vm7 =	vlt.f32 v61, v3  }
0x1a6: {  	v59 =	vld.idx.msk [tilespmem:v59+s2+$0x0], $0xffff;
	vm0 =	vmand vm7, vm0;
	vm7 =	vlt.f32 v62, v4;
	v32 =	vsel vm3, v41, v38  }
0x1a7: {  	v34 =	vsel vm0, v42, v34;
	vm0 =	vmand vm7, vm1;
	vm1 =	vlt.f32 v63, v5  }
0x1a8: {  	v38 =	vadd.s32 $0x20, v32;
	v35 =	vsel vm0, v43, v35;
	vm0 =	vlt.f32 v56, v7  }
0x1a9: {  	v60 =	vld.idx.msk [tilespmem:v57+s2+$0x0], $0xffff;
	vm1 =	vmand vm1, vm2;
	vm2 =	vlt.f32 v58, v6;
	v41 =	vadd.s32 $0x20, v34  }
0x1aa: {  	v61 =	vmin.u32 v38, $0x30D4;
	vm0 =	vmand vm0, vm6;
	v36 =	vsel vm1, v44, v36  }
0x1ab: {  	vm1 =	vlt.f32 v59, v8;
	v42 =	vadd.s32 $0x20, v35;
	v62 =	vmin.u32 v41, $0x30D4  }
0x1ac: {  	v30 =	vadd.s32 $0xFFFFFFFF, v61;
	v33 =	vsel vm0, v45, v33;
	vm0 =	vmand vm2, vm4  }
0x1ad: {  	vm6 =	vlt.u32 v32, $0x30B5;
	v39 =	vsel vm0, v47, v39;
	vm0 =	vmand vm1, vm5  }
0x1ae: {  	v40 =	vsel vm0, v48, v40;
	vm0 =	vlt.u32 v37, $0x30D1;
	vm1 =	vlt.f32 v60, v17  }
0x1af: {  	v43 =	vadd.s32 $0x20, v36;
	v63 =	vmin.u32 v42, $0x30D4;
	vm0 =	vmand vm1, vm0  }
0x1b0: {  	v62 =	vadd.s32 $0xFFFFFFFF, v62;
	vm4 =	vlt.u32 v36, $0x30B5;
	v46 =	vsel vm0, v46, v37  }
0x1b1: {  	v44 =	vadd.s32 $0x20, v33;
	v57 =	vmin.u32 v43, $0x30D4;
	v49 =	vadd.s32 $0x2, v46  }
0x1b2: {  	vm5 =	vlt.u32 v35, $0x30B5;
	vm3 =	vlt.u32 v33, $0x30B5;
	v60 =	vmin.u32 v49, $0x30D4  }
0x1b3: {  	v45 =	vadd.s32 $0x20, v39;
	v58 =	vmin.u32 v44, $0x30D4;
	v52 =	vadd.s32 $0xFFFFFFFF, v60  }
0x1b4: {  	v48 =	vadd.s32 $0xFFFFFFFF, v63;
	v55 =	vadd.s32 $0xFFFFFFFF, v57;
	vm2 =	vlt.u32 v39, $0x30B5  }
0x1b5: {  	v57 =	vmin.u32 v23, $0x30D4;
	v47 =	vadd.s32 $0x20, v40;
	v59 =	vmin.u32 v45, $0x30D4;
	v56 =	vld.idx.msk [tilespmem:v30+s2+$0x0], $0xffff  }
0x1b6: {  	v50 =	vadd.s32 $0xFFFFFFFF, v58;
	vm1 =	vlt.u32 v40, $0x30B5;
	v58 =	vmin.u32 v29, $0x30D4  }
0x1b7: {  	v57 =	vadd.s32 $0xFFFFFFFF, v57;
	v61 =	vmin.u32 v47, $0x30D4;
	v51 =	vadd.s32 $0xFFFFFFFF, v59  }
0x1b8: {  	vm0 =	vlt.u32 v34, $0x30B5;
	v37 =	vadd.s32 $0x1, v20;
	v30 =	vadd.s32 $0x1, v19;
	v52 =	vld.idx.msk [tilespmem:v52+s2+$0x0], $0xffff  }
0x1b9: {  	v59 =	vmin.u32 v24, $0x30D4;
	v58 =	vadd.s32 $0xFFFFFFFF, v58;
	v53 =	vadd.s32 $0xFFFFFFFF, v61;
	v54 =	vld.idx.msk [tilespmem:v62+s2+$0x0], $0xffff  }
0x1ba: {  	v61 =	vmin.u32 v31, $0x30D4;
	v62 =	vmin.u32 v37, $0x30D4;
	v48 =	vld.idx.msk [tilespmem:v48+s2+$0x0], $0xffff;
	vm7 =	vlt.f32 v56, v9  }
0x1bb: {  	v63 =	vmin.u32 v30, $0x30D4;
	v59 =	vadd.s32 $0xFFFFFFFF, v59;
	v55 =	vld.idx.msk [tilespmem:v55+s2+$0x0], $0xffff;
	vm6 =	vmand vm7, vm6  }
0x1bc: {  	v60 =	vmin.u32 v25, $0x30D4;
	vm7 =	vlt.u32 v46, $0x30D3;
	v32 =	vsel vm6, v38, v32  }
0x1bd: {  	v50 =	vld.idx.msk [tilespmem:v50+s2+$0x0], $0xffff;
	v38 =	vadd.s32 $0xFFFFFFFF, v60;
	vm6 =	vlt.f32 v52, v17;
	v52 =	vadd.s32 $0xFFFFFFFF, v61  }
0x1be: {  	vm6 =	vmand vm6, vm7;
	vm7 =	vlt.f32 v54, v3;
	v54 =	vadd.s32 $0xFFFFFFFF, v62  }
0x1bf: {  	v51 =	vld.idx.msk [tilespmem:v51+s2+$0x0], $0xffff;
	vm7 =	vmand vm7, vm0;
	v46 =	vsel vm6, v49, v46;
	vm6 =	vlt.f32 v48, v4  }
0x1c0: {  	vm0 =	vlt.u32 v28, $0x30D4;
	vm5 =	vmand vm6, vm5;
	vm6 =	vlt.f32 v55, v5  }
0x1c1: {  	v53 =	vld.idx.msk [tilespmem:v53+s2+$0x0], $0xffff;
	v48 =	vadd.s32 $0x1, v46;
	v34 =	vsel vm7, v41, v34;
	v41 =	vadd.s32 $0x10, v32  }
0x1c2: {  	vm4 =	vmand vm6, vm4;
	vm6 =	vlt.f32 v50, v7;
	v60 =	vmin.u32 v48, $0x30D4  }
0x1c3: {  	v50 =	vadd.s32 $0xFFFFFFFF, v63;
	v35 =	vsel vm5, v42, v35;
	v61 =	vmin.u32 v41, $0x30D4  }
0x1c4: {  	vm3 =	vmand vm6, vm3;
	vm6 =	vlt.f32 v51, v6;
	v49 =	vadd.s32 $0xFFFFFFFF, v60  }
0x1c5: {  	v36 =	vsel vm4, v43, v36;
	v42 =	vadd.s32 $0xFFFFFFFF, v61;
	vm4 =	vlt.u32 v34, $0x30C5  }
0x1c6: {  	vm2 =	vmand vm6, vm2;
	vm6 =	vlt.f32 v53, v8;
	v43 =	vsel vm3, v44, v33  }
0x1c7: {  	v33 =	vadd.s32 $0x10, v34;
	vm3 =	vlt.u32 v32, $0x30C5;
	vm5 =	vlt.u32 v36, $0x30C5  }
0x1c8: {  	vm1 =	vmand vm6, vm1;
	v39 =	vsel vm2, v45, v39;
	v62 =	vmin.u32 v33, $0x30D4  }
0x1c9: {  	v53 =	vadd.s32 $0x10, v43;
	vm2 =	vlt.u32 v46, $0x30D4;
	vm6 =	vlt.u32 v26, $0x30D4;
	v44 =	vld.idx.msk [tilespmem:v49+s2+$0x0], $0xffff  }
0x1ca: {  	v51 =	vld.idx.msk [tilespmem:v57+s2+$0x0], $0xffff;
	v40 =	vsel vm1, v47, v40;
	v47 =	vadd.s32 $0x10, v35;
	v45 =	vadd.s32 $0xFFFFFFFF, v62  }
0x1cb: {  	v55 =	vadd.s32 $0x10, v39;
	v56 =	vmin.u32 v47, $0x30D4;
	v49 =	vadd.s32 $0x10, v36;
	v42 =	vld.idx.msk [tilespmem:v42+s2+$0x0], $0xffff  }
0x1cc: {  	v57 =	vld.idx.msk [tilespmem:v58+s2+$0x0], $0xffff;
	v61 =	vmin.u32 v53, $0x30D4;
	v56 =	vadd.s32 $0xFFFFFFFF, v56;
	v60 =	vmin.u32 v49, $0x30D4  }
0x1cd: {  	v58 =	vadd.s32 $0x10, v40;
	v62 =	vmin.u32 v55, $0x30D4;
	v60 =	vadd.s32 $0xFFFFFFFF, v60  }
0x1ce: {  	v59 =	vld.idx.msk [tilespmem:v59+s2+$0x0], $0xffff;
	vm1 =	vlt.f32 v44, v17;
	v17 =	vmin.u32 v58, $0x30D4;
	v44 =	vadd.s32 $0xFFFFFFFF, v61  }
0x1cf: {  	v61 =	vadd.s32 $0xFFFFFFFF, v62;
	v62 =	vadd.s32 $0xFFFFFFFF, v17;
	v17 =	vld.idx.msk [tilespmem:v45+s2+$0x0], $0xffff;
	vm1 =	vmand vm1, vm2  }
0x1d0: {  	v38 =	vld.idx.msk [tilespmem:v38+s2+$0x0], $0xffff;
	vm7 =	vlt.f32 v42, v9;
	v63 =	vsel vm1, v48, v46;
	vm1 =	vlt.f32 v51, v16  }
0x1d1: {  	vm2 =	vlt.u32 v35, $0x30C5;
	v48 =	vld.idx.msk [tilespmem:v56+s2+$0x0], $0xffff;
	vm0 =	vmand vm1, vm0;
	vm1 =	vlt.f32 v57, v15  }
0x1d2: {  	vm3 =	vmand vm7, vm3;
	vm7 =	vlt.u32 v43, $0x30C5;
	v16 =	vld.idx.msk [tilespmem:v60+s2+$0x0], $0xffff;
	vm1 =	vmand vm1, vm6  }
0x1d3: {  	v57 =	vmin.u32 v63, $0x30D3;
	v23 =	vsel vm0, v23, v28;
	v15 =	vld.idx.msk [tilespmem:v44+s2+$0x0], $0xffff;
	v26 =	vsel vm1, v29, v26  }
0x1d4: {  	s16 =	simm.s32 $0x3918;
	v51 =	vld.idx.msk [tilespmem:v52+s2+$0x0], $0xffff;
	vm6 =	vlt.f32 v17, v3;
	v17 =	vsel vm3, v41, v32;
	vm3 =	vlt.u32 v39, $0x30C5  }
0x1d5: {  	[tilespmem:s16+$0x30] =	vst v18;
	v52 =	vld.idx.msk [tilespmem:v61+s2+$0x0], $0xffff;
	v18 =	vmin.u32 v26, $0x30D3;
	vm4 =	vmand vm6, vm4;
	vm6 =	vlt.u32 v40, $0x30C5  }
0x1d6: {  	v42 =	vadd.s32 $0x8, v17;
	v33 =	vsel vm4, v33, v34;
	vm4 =	vlt.f32 v48, v4  }
0x1d7: {  	v56 =	vld.idx.msk [tilespmem:v62+s2+$0x0], $0xffff;
	vm9 =	vlt.u32 v17, $0x30CD;
	vm2 =	vmand vm4, vm2;
	vm4 =	vlt.f32 v16, v5  }
0x1d8: {  	v34 =	vsel vm2, v47, v35;
	vm2 =	vmand vm4, vm5;
	vm4 =	vlt.f32 v15, v7  }
0x1d9: {  	v16 =	vld.idx.msk [tilespmem:v54+s2+$0x0], $0xffff;
	v41 =	vadd.s32 $0x8, v33;
	vm5 =	vlt.f32 v59, v12;
	vm4 =	vmand vm4, vm7  }
0x1da: {  	vm7 =	vlt.f32 v38, v13;
	v13 =	vsel vm2, v49, v36;
	vm2 =	vlt.f32 v52, v6  }
0x1db: {  	v32 =	vsel vm4, v53, v43;
	vm4 =	vlt.f32 v51, v11;
	vm2 =	vmand vm2, vm3  }
0x1dc: {  	vm3 =	vlt.f32 v56, v8;
	v11 =	vmin.u32 v41, $0x30D4;
	v15 =	vsel vm2, v55, v39  }
0x1dd: {  	v12 =	vld.idx.msk [tilespmem:v50+s2+$0x0], $0xffff;
	vm2 =	vlt.u32 v27, $0x30D4;
	vm3 =	vmand vm3, vm6;
	v39 =	vadd.s32 $0x8, v13  }
0x1de: {  	v38 =	vadd.s32 $0x8, v32;
	v11 =	vadd.s32 $0xFFFFFFFF, v11;
	vm6 =	vlt.f32 v16, v10  }
0x1df: {  	v16 =	vsel vm3, v58, v40;
	vm3 =	vmand vm5, vm2;
	vm5 =	vlt.u32 v21, $0x30D4  }
0x1e0: {  	vm2 =	vmand vm7, vm8;
	v40 =	vadd.s32 $0x8, v34;
	v36 =	vadd.s32 $0x8, v15  }
0x1e1: {  	v10 =	vmin.u32 v42, $0x30D4;
	v59 =	vmin.u32 v38, $0x30D4;
	vm1 =	vlt.u32 v15, $0x30CD  }
0x1e2: {  	vm8 =	vlt.f32 v12, v14;
	vm7 =	vmand vm4, vm5;
	v10 =	vadd.s32 $0xFFFFFFFF, v10  }
0x1e3: {  	vm4 =	vlt.u32 v20, $0x30D4;
	v35 =	vadd.s32 $0x8, v16;
	v12 =	vmin.u32 v40, $0x30D4  }
0x1e4: {  	v14 =	vmin.u32 v39, $0x30D4;
	v60 =	vmin.u32 v36, $0x30D4;
	v62 =	vadd.s32 $0xFFFFFFFF, v59  }
0x1e5: {  	vm5 =	vmand vm6, vm4;
	vm4 =	vlt.u32 v19, $0x30D4;
	v12 =	vadd.s32 $0xFFFFFFFF, v12  }
0x1e6: {  	v61 =	vmin.u32 v35, $0x30D4;
	v14 =	vadd.s32 $0xFFFFFFFF, v14;
	v45 =	vadd.s32 $0xFFFFFFFF, v60  }
0x1e7: {  	vm6 =	vlt.u32 v33, $0x30CD;
	v46 =	vadd.s32 $0xFFFFFFFF, v61;
	vm10 =	vmand vm8, vm4;
	v63 =	vld.idx.msk [tilespmem:v10+s2+$0x0], $0xffff  }
0x1e8: {  	vm4 =	vlt.u32 v34, $0x30CD;
	v10 =	vsel vm3, v24, v27;
	v24 =	vsel vm2, v25, v22;
	v25 =	vld.idx.msk [tilespmem:v11+s2+$0x0], $0xffff  }
0x1e9: {  	s9 =	simm.s32 $0x3998;
	vm8 =	vlt.u32 v16, $0x30CD;
	v19 =	vsel vm10, v30, v19;
	v11 =	vsel vm7, v31, v21;
	v21 =	vld.idx.msk [tilespmem:v62+s2+$0x0], $0xffff  }
0x1ea: {  	[tilespmem:s9+$0x30] =	vst v57;
	vm3 =	vlt.u32 v13, $0x30CD;
	vm2 =	vlt.u32 v32, $0x30CD;
	v43 =	vld.idx.msk [tilespmem:v12+s2+$0x0], $0xffff;
	v12 =	vsel vm5, v37, v20  }
0x1eb: {  	[tilespmem:s16+$0xFFFFFFD0] =	vst v18;
	v22 =	vld.idx.msk [tilespmem:v14+s2+$0x0], $0xffff;
	v14 =	vmin.u32 v23, $0x30D3;
	v20 =	vmin.u32 v10, $0x30D3;
	v10 =	vmin.u32 v11, $0x30D3  }
0x1ec: {  	v23 =	vld.idx.msk [tilespmem:v45+s2+$0x0], $0xffff;
	[tilespmem:s16+$0xFFFFFFC0] =	vst v14;
	v14 =	vmin.u32 v24, $0x30D3;
	v11 =	vmin.u32 v12, $0x30D3;
	vm0 =	vlt.f32 v63, v9  }
0x1ed: {  	p0 =	por p1, p1;
	s19 =	simm.s32 $0x8;
	v24 =	vld.idx.msk [tilespmem:v46+s2+$0x0], $0xffff;
	v12 =	vmin.u32 v19, $0x30D3;
	[tilespmem:s16+$0xFFFFFFE0] =	vst v20;
	vm5 =	vlt.f32 v25, v3;
	vm0 =	vmand vm0, vm9  }
.LBB2_3:
0x1ee: {  	v18 =	vsel vm0, v42, v17;
	vm0 =	vmand vm5, vm6  }
0x1ef: {  	v28 =	vld.idx.msk [tilespmem:v0+s2+$0x0], $0xffff;
	s3 =	sadd.s32 $0x80, s3;
	v19 =	vsel vm0, v41, v33;
	v25 =	vadd.s32 $0x4, v18;
	vm5 =	vlt.f32 v43, v4  }
0x1f0: {  	v17 =	vld [tilespmem:s3+$0x30];
	v26 =	vadd.s32 $0x4, v19;
	v55 =	vmin.u32 v25, $0x30D4;
	vm0 =	vmand vm5, vm4  }
0x1f1: {  	[tilespmem:s16+$0x0] =	vst v10;
	v10 =	vld [tilespmem:s3+$0xFFFFFFD0];
	vm4 =	vlt.f32 v22, v5;
	v42 =	vmin.u32 v26, $0x30D4;
	v55 =	vadd.s32 $0xFFFFFFFF, v55  }
0x1f2: {  	[tilespmem:s16+$0xFFFFFFF0] =	vst v14;
	v20 =	vsel vm0, v40, v34;
	vm0 =	vmand vm4, vm3;
	vm3 =	vlt.f32 v21, v7  }
0x1f3: {  	[tilespmem:s16+$0x10] =	vst v11;
	v11 =	vld [tilespmem:s3+$0xFFFFFFE0];
	v21 =	vsel vm0, v39, v13;
	vm0 =	vmand vm3, vm2;
	vm2 =	vlt.f32 v23, v6  }
0x1f4: {  	v13 =	vld [tilespmem:s3+$0xFFFFFFF0];
	v22 =	vsel vm0, v38, v32;
	vm0 =	vmand vm2, vm1;
	vm1 =	vlt.f32 v24, v8  }
0x1f5: {  	v42 =	vadd.s32 $0xFFFFFFFF, v42;
	v23 =	vsel vm0, v36, v15;
	vm0 =	vmand vm1, vm8  }
0x1f6: {  	[tilespmem:s16+$0x20] =	vst v12;
	v12 =	vld [tilespmem:s3+$0x0];
	vm1 =	vlt.f32 v28, v17;
	v24 =	vsel vm0, v35, v16;
	vm0 =	vlt.f32 v28, v10  }
0x1f7: {  	v14 =	vld [tilespmem:s3+$0x10];
	v27 =	vadd.s32 $0x4, v20;
	v32 =	vsel vm1, $0x2000, v1;
	v33 =	vsel vm0, $0x2000, v1  }
0x1f8: {  	v15 =	vld [tilespmem:s3+$0x20];
	vm0 =	vlt.f32 v28, v11;
	v29 =	vor.u32 $0xFFF, v32;
	v56 =	vor.u32 $0x1000, v32  }
0x1f9: {  	v16 =	vld [tilespmem:s3+$0xFFFFFFC0];
	v30 =	vor.u32 $0xFFF, v33;
	v34 =	vsel vm0, $0x2000, v1;
	vm0 =	vlt.f32 v28, v13  }
0x1fa: {  	v44 =	vor.u32 $0x1000, v33;
	v31 =	vor.u32 $0xFFF, v34;
	v35 =	vsel vm0, $0x2000, v1  }
0x1fb: {  	vm0 =	vlt.f32 v28, v12;
	v49 =	vor.u32 $0x1000, v34;
	v58 =	vor.u32 $0xFFF, v35  }
0x1fc: {  	v37 =	vsel vm0, $0x2000, v1;
	vm0 =	vlt.f32 v28, v14;
	v51 =	vor.u32 $0x1000, v35  }
0x1fd: {  	v59 =	vor.u32 $0xFFF, v37;
	v39 =	vsel vm0, $0x2000, v1;
	vm0 =	vlt.f32 v28, v15;
	v60 =	vld.idx.msk [tilespmem:v29+s2+$0x0], $0xffff  }
0x1fe: {  	vm1 =	vlt.f32 v28, v16;
	v62 =	vor.u32 $0xFFF, v39;
	v63 =	vsel vm0, $0x2000, v1;
	v45 =	vld.idx.msk [tilespmem:v30+s2+$0x0], $0xffff  }
0x1ff: {  	v52 =	vor.u32 $0x1000, v37;
	v61 =	vsel vm1, $0x2000, v1;
	v46 =	vor.u32 $0xFFF, v63  }
0x200: {  	v28 =	vadd.s32 $0x4, v21;
	v53 =	vor.u32 $0x1000, v39;
	v48 =	vor.u32 $0xFFF, v61;
	v50 =	vld.idx.msk [tilespmem:v31+s2+$0x0], $0xffff  }
0x201: {  	v29 =	vadd.s32 $0x4, v22;
	v47 =	vor.u32 $0x1000, v61;
	v54 =	vor.u32 $0x1000, v63;
	v36 =	vld.idx.msk [tilespmem:v58+s2+$0x0], $0xffff  }
0x202: {  	v30 =	vadd.s32 $0x4, v23;
	v31 =	vadd.s32 $0x4, v24;
	v38 =	vld.idx.msk [tilespmem:v59+s2+$0x0], $0xffff;
	v59 =	vmin.u32 v29, $0x30D4  }
0x203: {  	v40 =	vld.idx.msk [tilespmem:v62+s2+$0x0], $0xffff;
	vm0 =	vlt.f32 v60, v17;
	v59 =	vadd.s32 $0xFFFFFFFF, v59;
	vm1 =	vlt.f32 v45, v10  }
0x204: {  	v46 =	vld.idx.msk [tilespmem:v46+s2+$0x0], $0xffff;
	v32 =	vsel vm0, v56, v32;
	v45 =	vmin.u32 v27, $0x30D4;
	v33 =	vsel vm1, v44, v33  }
0x205: {  	v48 =	vld.idx.msk [tilespmem:v48+s2+$0x0], $0xffff;
	vm0 =	vlt.f32 v50, v11;
	v44 =	vor.u32 $0x800, v32;
	v45 =	vadd.s32 $0xFFFFFFFF, v45  }
0x206: {  	v34 =	vsel vm0, v49, v34;
	vm0 =	vlt.f32 v36, v13;
	v62 =	vmin.u32 v44, $0x30D4  }
0x207: {  	v35 =	vsel vm0, v51, v35;
	vm0 =	vlt.f32 v38, v12;
	v36 =	vadd.s32 $0xFFFFFFFF, v62  }
0x208: {  	v38 =	vor.u32 $0x800, v33;
	v37 =	vsel vm0, v52, v37;
	vm0 =	vlt.f32 v40, v14  }
0x209: {  	v40 =	vor.u32 $0x800, v34;
	v50 =	vmin.u32 v38, $0x30D4;
	vm9 =	vlt.u32 v38, $0x30D5  }
0x20a: {  	v39 =	vsel vm0, v53, v39;
	vm0 =	vlt.f32 v46, v15;
	vm1 =	vlt.f32 v48, v16  }
0x20b: {  	v46 =	vor.u32 $0x800, v35;
	v60 =	vmin.u32 v40, $0x30D4;
	v50 =	vadd.s32 $0xFFFFFFFF, v50  }
0x20c: {  	vm8 =	vlt.u32 v40, $0x30D5;
	v41 =	vsel vm0, v54, v63;
	v43 =	vsel vm1, v47, v61  }
0x20d: {  	v47 =	vor.u32 $0x800, v37;
	v48 =	vor.u32 $0x800, v39;
	v49 =	vor.u32 $0x800, v43  }
0x20e: {  	v61 =	vmin.u32 v46, $0x30D4;
	v53 =	vadd.s32 $0xFFFFFFFF, v60;
	v63 =	vmin.u32 v49, $0x30D4  }
0x20f: {  	vm0 =	vlt.u32 v44, $0x30D5;
	vm7 =	vlt.u32 v46, $0x30D5;
	v36 =	vld.idx.msk [tilespmem:v36+s2+$0x0], $0xffff;
	v52 =	vadd.s32 $0xFFFFFFFF, v63  }
0x210: {  	v51 =	vor.u32 $0x800, v41;
	v62 =	vmin.u32 v47, $0x30D4;
	v57 =	vmin.u32 v48, $0x30D4  }
0x211: {  	v54 =	vadd.s32 $0xFFFFFFFF, v61;
	vm6 =	vlt.u32 v47, $0x30D5;
	vm5 =	vlt.u32 v48, $0x30D5  }
0x212: {  	v61 =	vmin.u32 v30, $0x30D4;
	v58 =	vmin.u32 v51, $0x30D4;
	v56 =	vadd.s32 $0xFFFFFFFF, v62  }
0x213: {  	v57 =	vadd.s32 $0xFFFFFFFF, v57;
	vm1 =	vlt.u32 v49, $0x30D5;
	vm4 =	vlt.u32 v51, $0x30D5  }
0x214: {  	v62 =	vmin.u32 v31, $0x30D4;
	v61 =	vadd.s32 $0xFFFFFFFF, v61;
	vm2 =	vlt.f32 v36, v17;
	v36 =	vld.idx.msk [tilespmem:v52+s2+$0x0], $0xffff  }
0x215: {  	v58 =	vadd.s32 $0xFFFFFFFF, v58;
	v63 =	vimm.s32 $0x0;
	vm0 =	vmand vm2, vm0  }
0x216: {  	v62 =	vadd.s32 $0xFFFFFFFF, v62;
	v52 =	vmin.u32 v28, $0x30D4;
	v32 =	vsel vm0, v44, v32;
	v44 =	vld.idx.msk [tilespmem:v50+s2+$0x0], $0xffff  }
0x217: {  	v52 =	vadd.s32 $0xFFFFFFFF, v52;
	vm0 =	vlt.u32 v18, $0x30D1;
	v50 =	vor.u32 $0x400, v32  }
0x218: {  	v53 =	vld.idx.msk [tilespmem:v53+s2+$0x0], $0xffff;
	v63 =	vsel vm0, $0xFFFFFFFF, v63;
	vm0 =	vlt.u32 v19, $0x30D1;
	v60 =	vmin.u32 v50, $0x30D4  }
0x219: {  	v54 =	vld.idx.msk [tilespmem:v54+s2+$0x0], $0xffff;
	[tilespmem:$0x1FEA0] =	vst v63;
	v63 =	vimm.s32 $0x0;
	v60 =	vadd.s32 $0xFFFFFFFF, v60;
	vm10 =	vlt.f32 v36, v16  }
0x21a: {  	v36 =	vld.idx.msk [tilespmem:v58+s2+$0x0], $0xffff;
	v58 =	vsel vm0, $0xFFFFFFFF, v63;
	vm0 =	vlt.u32 v20, $0x30D1;
	v63 =	vimm.s32 $0x0  }
0x21b: {  	v56 =	vld.idx.msk [tilespmem:v56+s2+$0x0], $0xffff;
	[tilespmem:$0x1FEB0] =	vst v58;
	v58 =	vsel vm0, $0xFFFFFFFF, v63;
	vm10 =	vmand vm10, vm1;
	vm11 =	vlt.f32 v44, v10  }
0x21c: {  	v57 =	vld.idx.msk [tilespmem:v57+s2+$0x0], $0xffff;
	vm0 =	vlt.u32 v21, $0x30D1;
	v63 =	vimm.s32 $0x0;
	[tilespmem:$0x1FEC0] =	vst v58;
	v58 =	vimm.s32 $0x0  }
0x21d: {  	v43 =	vsel vm10, v49, v43;
	vm9 =	vmand vm11, vm9;
	vm10 =	vlt.f32 v53, v11  }
0x21e: {  	v49 =	vld.idx.msk [tilespmem:v62+s2+$0x0], $0xffff;
	v33 =	vsel vm9, v38, v33;
	vm8 =	vmand vm10, vm8;
	vm9 =	vlt.f32 v54, v13  }
0x21f: {  	v44 =	vsel vm0, $0xFFFFFFFF, v58;
	v34 =	vsel vm8, v40, v34;
	vm7 =	vmand vm9, vm7;
	v40 =	vld.idx.msk [tilespmem:v42+s2+$0x0], $0xffff  }
0x220: {  	vm8 =	vlt.f32 v56, v12;
	v42 =	vld.idx.msk [tilespmem:v45+s2+$0x0], $0xffff;
	v45 =	vor.u32 $0x400, v43;
	v35 =	vsel vm7, v46, v35  }
0x221: {  	v38 =	vld.idx.msk [tilespmem:v55+s2+$0x0], $0xffff;
	vm6 =	vmand vm8, vm6;
	vm7 =	vlt.f32 v57, v14;
	v55 =	vmin.u32 v45, $0x30D4  }
0x222: {  	v60 =	vld.idx.msk [tilespmem:v60+s2+$0x0], $0xffff;
	v37 =	vsel vm6, v47, v37;
	vm5 =	vmand vm7, vm5;
	vm6 =	vlt.f32 v36, v15  }
0x223: {  	v47 =	vor.u32 $0x400, v33;
	v55 =	vadd.s32 $0xFFFFFFFF, v55;
	v39 =	vsel vm5, v48, v39  }
0x224: {  	v36 =	vld.idx.msk [tilespmem:v52+s2+$0x0], $0xffff;
	vm4 =	vmand vm6, vm4;
	v48 =	vor.u32 $0x400, v34;
	v52 =	vor.u32 $0x400, v37  }
0x225: {  	v56 =	vmin.u32 v47, $0x30D4;
	vm7 =	vlt.f32 v49, v8;
	v41 =	vsel vm4, v51, v41  }
0x226: {  	vm4 =	vlt.u32 v50, $0x30D5;
	v51 =	vor.u32 $0x400, v35;
	v58 =	vmin.u32 v48, $0x30D4  }
0x227: {  	v46 =	vld.idx.msk [tilespmem:v59+s2+$0x0], $0xffff;
	v56 =	vadd.s32 $0xFFFFFFFF, v56;
	vm5 =	vlt.f32 v60, v17;
	v59 =	vmin.u32 v51, $0x30D4  }
0x228: {  	v53 =	vor.u32 $0x400, v41;
	vm4 =	vmand vm5, vm4;
	v59 =	vadd.s32 $0xFFFFFFFF, v59  }
0x229: {  	[tilespmem:$0x1FED0] =	vst v44;
	v44 =	vld.idx.msk [tilespmem:v61+s2+$0x0], $0xffff;
	v60 =	vmin.u32 v52, $0x30D4;
	v32 =	vsel vm4, v50, v32;
	v50 =	vor.u32 $0x400, v39  }
0x22a: {  	v49 =	vld [tilespmem:$0x1FEB0];
	v60 =	vadd.s32 $0xFFFFFFFF, v60;
	vm4 =	vlt.f32 v38, v9;
	vm0 =	vlt.u32 v50, $0x30D5  }
0x22b: {  	v38 =	vld.idx.msk [tilespmem:v55+s2+$0x0], $0xffff;
	vm14 =	vlt.f32 v36, v5;
	v54 =	vadd.s32 $0x200, v32;
	v63 =	vsel vm0, $0xFFFFFFFF, v63  }
0x22c: {  	v62 =	vmin.u32 v54, $0x30D4;
	vm0 =	vlt.u32 v53, $0x30D5;
	v36 =	vld.idx.msk [tilespmem:v56+s2+$0x0], $0xffff;
	[tilespmem:$0x1FEE0] =	vst v63;
	v63 =	vimm.s32 $0x0  }
0x22d: {  	vm6 =	vlt.f32 v42, v4;
	v57 =	vadd.s32 $0xFFFFFFFF, v62;
	v63 =	vsel vm0, $0xFFFFFFFF, v63;
	v42 =	vld.idx.msk [tilespmem:v59+s2+$0x0], $0xffff  }
0x22e: {  	vm2 =	vlt.u32 v24, $0x30D1;
	v58 =	vadd.s32 $0xFFFFFFFF, v58;
	[tilespmem:$0x1FEF0] =	vst v63;
	v63 =	vld [tilespmem:$0x1FEA0]  }
0x22f: {  	vm1 =	vlt.u32 v23, $0x30D1;
	vm13 =	vlt.u32 v45, $0x30D5;
	vm12 =	vlt.u32 v47, $0x30D5;
	v59 =	vld.idx.msk [tilespmem:v60+s2+$0x0], $0xffff  }
0x230: {  	vm11 =	vlt.u32 v48, $0x30D5;
	vm9 =	vlt.u32 v52, $0x30D5;
	vm10 =	vlt.u32 v51, $0x30D5;
	v60 =	vld [tilespmem:$0x1FED0]  }
0x231: {  	vm3 =	vlt.f32 v44, v6;
	vm5 =	vlt.f32 v40, v3;
	v61 =	vmin.u32 v50, $0x30D4;
	v56 =	vld [tilespmem:$0x1FEC0]  }
0x232: {  	vm15 =	vlt.f32 v46, v7;
	v55 =	vimm.s32 $0x0;
	v61 =	vadd.s32 $0xFFFFFFFF, v61;
	v57 =	vld.idx.msk [tilespmem:v57+s2+$0x0], $0xffff  }
0x233: {  	v62 =	vmin.u32 v53, $0x30D4;
	v40 =	vld.idx.msk [tilespmem:v58+s2+$0x0], $0xffff;
	v58 =	vimm.s32 $0x0;
	vm8 =	vnez.u8 v63  }
0x234: {  	v62 =	vadd.s32 $0xFFFFFFFF, v62;
	vm4 =	vmand vm4, vm8;
	vm8 =	vnez.u8 v49  }
0x235: {  	vm0 =	vlt.u32 v22, $0x30D1;
	vm5 =	vmand vm5, vm8;
	vm8 =	vnez.u8 v60  }
0x236: {  	v25 =	vsel vm4, v25, v18;
	v44 =	vsel vm5, $0xFFFFFFFF, v55;
	vm5 =	vnez.u8 v56  }
0x237: {  	vm14 =	vmand vm14, vm8;
	vm5 =	vmand vm6, vm5;
	vm6 =	vlt.f32 v57, v17  }
0x238: {  	[tilespmem:$0x1FF00] =	vst v44;
	v21 =	vsel vm14, v28, v21;
	v44 =	vsel vm5, $0xFFFFFFFF, v58;
	vm5 =	vlt.u32 v32, $0x2ED5  }
0x239: {  	v55 =	vld [tilespmem:$0x1FEE0];
	vm6 =	vmand vm6, vm5;
	vm5 =	vmand vm15, vm0;
	vm0 =	vmand vm3, vm1  }
0x23a: {  	v63 =	vld.idx.msk [tilespmem:v61+s2+$0x0], $0xffff;
	vm1 =	vlt.f32 v38, v16;
	vm3 =	vlt.f32 v40, v11;
	v32 =	vsel vm6, v54, v32  }
0x23b: {  	v56 =	vld [tilespmem:$0x1FEF0];
	vm6 =	vmand vm7, vm2;
	vm1 =	vmand vm1, vm13;
	vm2 =	vlt.f32 v36, v10  }
0x23c: {  	vm3 =	vmand vm3, vm11;
	vm7 =	vlt.f32 v42, v13;
	v36 =	vadd.s32 $0x100, v32  }
0x23d: {  	vm2 =	vmand vm2, vm12;
	v42 =	vsel vm1, v45, v43;
	vm1 =	vmand vm7, vm10  }
0x23e: {  	v49 =	vld.idx.msk [tilespmem:v62+s2+$0x0], $0xffff;
	vm7 =	vlt.f32 v59, v12;
	v34 =	vsel vm3, v48, v34;
	vm3 =	vnez.u8 v55  }
0x23f: {  	v54 =	vmin.u32 v36, $0x30D4;
	v33 =	vsel vm2, v47, v33;
	vm2 =	vmand vm7, vm9  }
0x240: {  	vm7 =	vlt.f32 v63, v14;
	v35 =	vsel vm1, v51, v35;
	vm1 =	vnez.u8 v56  }
0x241: {  	[tilespmem:$0x1FF10] =	vst v44;
	v38 =	vadd.s32 $0x200, v42;
	v44 =	vadd.s32 $0x200, v34;
	v40 =	vadd.s32 $0xFFFFFFFF, v54  }
0x242: {  	vm13 =	vlt.u32 v42, $0x2ED5;
	vm12 =	vlt.u32 v34, $0x2ED5;
	vm3 =	vmand vm7, vm3  }
0x243: {  	vm7 =	vlt.f32 v49, v15;
	v37 =	vsel vm2, v52, v37;
	v43 =	vadd.s32 $0x200, v33  }
0x244: {  	v45 =	vadd.s32 $0x200, v35;
	v57 =	vmin.u32 v38, $0x30D4;
	v59 =	vmin.u32 v44, $0x30D4  }
0x245: {  	vm11 =	vlt.u32 v33, $0x2ED5;
	vm9 =	vlt.u32 v35, $0x2ED5;
	vm1 =	vmand vm7, vm1  }
0x246: {  	v39 =	vsel vm3, v50, v39;
	v46 =	vadd.s32 $0x200, v37;
	v49 =	vadd.s32 $0xFFFFFFFF, v57;
	v40 =	vld.idx.msk [tilespmem:v40+s2+$0x0], $0xffff  }
0x247: {  	v58 =	vmin.u32 v43, $0x30D4;
	v60 =	vmin.u32 v45, $0x30D4;
	v51 =	vadd.s32 $0xFFFFFFFF, v59  }
0x248: {  	v18 =	vld [tilespmem:$0x1FF00];
	vm10 =	vlt.u32 v37, $0x2ED5;
	v41 =	vsel vm1, v53, v41;
	v47 =	vadd.s32 $0x200, v39  }
0x249: {  	v61 =	vmin.u32 v46, $0x30D4;
	v50 =	vadd.s32 $0xFFFFFFFF, v58;
	vm1 =	vlt.u32 v32, $0x2FD5  }
0x24a: {  	v57 =	vadd.s32 $0xFFFFFFFF, v60;
	vm8 =	vlt.u32 v39, $0x2ED5;
	v62 =	vmin.u32 v47, $0x30D4  }
0x24b: {  	v48 =	vadd.s32 $0x200, v41;
	v59 =	vadd.s32 $0xFFFFFFFF, v62;
	v62 =	vld.idx.msk [tilespmem:v49+s2+$0x0], $0xffff;
	vm2 =	vlt.f32 v40, v17  }
0x24c: {  	v58 =	vadd.s32 $0xFFFFFFFF, v61;
	vm7 =	vlt.u32 v41, $0x2ED5;
	vm1 =	vmand vm2, vm1  }
0x24d: {  	v63 =	vmin.u32 v48, $0x30D4;
	v36 =	vsel vm1, v36, v32;
	vm1 =	vnez.u8 v18;
	v18 =	vld [tilespmem:$0x1FF10]  }
0x24e: {  	v60 =	vadd.s32 $0xFFFFFFFF, v63;
	v61 =	vadd.s32 $0x80, v36;
	v26 =	vsel vm1, v26, v19  }
0x24f: {  	v50 =	vld.idx.msk [tilespmem:v50+s2+$0x0], $0xffff;
	v19 =	vsel vm5, v29, v22;
	v22 =	vsel vm0, v30, v23;
	v63 =	vmin.u32 v61, $0x30D4  }
0x250: {  	v51 =	vld.idx.msk [tilespmem:v51+s2+$0x0], $0xffff;
	v29 =	vadd.s32 $0x2, v21;
	vm0 =	vlt.f32 v62, v16;
	v49 =	vadd.s32 $0xFFFFFFFF, v63  }
0x251: {  	v40 =	vld.idx.msk [tilespmem:v57+s2+$0x0], $0xffff;
	vm2 =	vlt.u32 v36, $0x3055;
	v30 =	vadd.s32 $0x2, v19;
	vm0 =	vmand vm0, vm13  }
0x252: {  	v52 =	vld.idx.msk [tilespmem:v58+s2+$0x0], $0xffff;
	v38 =	vsel vm0, v38, v42;
	vm1 =	vnez.u8 v18;
	v18 =	vsel vm6, v31, v24  }
0x253: {  	v24 =	vadd.s32 $0x2, v26;
	v31 =	vadd.s32 $0x2, v22;
	v20 =	vsel vm1, v27, v20  }
0x254: {  	v23 =	vld.idx.msk [tilespmem:v59+s2+$0x0], $0xffff;
	v27 =	vadd.s32 $0x2, v25;
	vm1 =	vlt.f32 v50, v10;
	v32 =	vadd.s32 $0x2, v18  }
0x255: {  	v28 =	vadd.s32 $0x2, v20;
	vm0 =	vmand vm1, vm11;
	vm1 =	vlt.f32 v51, v11;
	v49 =	vld.idx.msk [tilespmem:v49+s2+$0x0], $0xffff  }
0x256: {  	v54 =	vld.idx.msk [tilespmem:v60+s2+$0x0], $0xffff;
	v33 =	vsel vm0, v43, v33;
	vm0 =	vmand vm1, vm12;
	vm1 =	vlt.f32 v40, v13  }
0x257: {  	v34 =	vsel vm0, v44, v34;
	vm0 =	vmand vm1, vm9;
	vm1 =	vlt.f32 v52, v12  }
0x258: {  	v42 =	vadd.s32 $0x100, v33;
	vm6 =	vlt.u32 v33, $0x2FD5;
	v35 =	vsel vm0, v45, v35  }
0x259: {  	vm0 =	vmand vm1, vm10;
	vm1 =	vlt.f32 v23, v14;
	v43 =	vadd.s32 $0x100, v34  }
0x25a: {  	v58 =	vmin.u32 v42, $0x30D4;
	vm5 =	vlt.u32 v34, $0x2FD5;
	vm3 =	vlt.f32 v49, v17  }
0x25b: {  	v23 =	vsel vm0, v46, v37;
	vm0 =	vlt.f32 v54, v15;
	vm2 =	vmand vm3, vm2  }
0x25c: {  	vm1 =	vmand vm1, vm8;
	vm0 =	vmand vm0, vm7;
	v36 =	vsel vm2, v61, v36  }
0x25d: {  	v45 =	vadd.s32 $0x100, v35;
	v40 =	vsel vm0, v48, v41;
	v41 =	vadd.s32 $0x40, v36  }
0x25e: {  	v59 =	vmin.u32 v43, $0x30D4;
	v50 =	vadd.s32 $0xFFFFFFFF, v58;
	v56 =	vmin.u32 v41, $0x30D4  }
0x25f: {  	vm4 =	vlt.u32 v35, $0x2FD5;
	v58 =	vmin.u32 v28, $0x30D4;
	v44 =	vadd.s32 $0xFFFFFFFF, v56  }
0x260: {  	v37 =	vsel vm1, v47, v39;
	v39 =	vadd.s32 $0x100, v38;
	v46 =	vadd.s32 $0x100, v23  }
0x261: {  	v60 =	vmin.u32 v45, $0x30D4;
	v51 =	vadd.s32 $0xFFFFFFFF, v59;
	v57 =	vmin.u32 v39, $0x30D4  }
0x262: {  	vm7 =	vlt.u32 v38, $0x2FD5;
	v59 =	vmin.u32 v29, $0x30D4;
	v47 =	vadd.s32 $0xFFFFFFFF, v57  }
0x263: {  	v48 =	vadd.s32 $0x100, v37;
	v52 =	vadd.s32 $0xFFFFFFFF, v60;
	v60 =	vmin.u32 v30, $0x30D4  }
0x264: {  	v49 =	vadd.s32 $0x100, v40;
	v62 =	vmin.u32 v48, $0x30D4;
	vm3 =	vlt.u32 v23, $0x2FD5;
	v44 =	vld.idx.msk [tilespmem:v44+s2+$0x0], $0xffff  }
0x265: {  	vm1 =	vlt.u32 v40, $0x2FD5;
	v57 =	vmin.u32 v24, $0x30D4;
	v61 =	vmin.u32 v46, $0x30D4  }
0x266: {  	v63 =	vmin.u32 v49, $0x30D4;
	v54 =	vadd.s32 $0xFFFFFFFF, v62;
	vm2 =	vlt.u32 v37, $0x2FD5  }
0x267: {  	v62 =	vmin.u32 v32, $0x30D4;
	v53 =	vadd.s32 $0xFFFFFFFF, v61;
	v55 =	vadd.s32 $0xFFFFFFFF, v63;
	v47 =	vld.idx.msk [tilespmem:v47+s2+$0x0], $0xffff  }
0x268: {  	v61 =	vmin.u32 v31, $0x30D4;
	vm0 =	vlt.u32 v36, $0x3095;
	v56 =	vmin.u32 v27, $0x30D4  }
0x269: {  	v50 =	vld.idx.msk [tilespmem:v50+s2+$0x0], $0xffff;
	v63 =	vimm.s32 $0x0;
	vm8 =	vlt.f32 v44, v17;
	v44 =	vadd.s32 $0xFFFFFFFF, v56  }
0x26a: {  	v51 =	vld.idx.msk [tilespmem:v51+s2+$0x0], $0xffff;
	v56 =	vadd.s32 $0xFFFFFFFF, v57;
	v57 =	vadd.s32 $0xFFFFFFFF, v58;
	v58 =	vadd.s32 $0xFFFFFFFF, v60  }
0x26b: {  	v52 =	vld.idx.msk [tilespmem:v52+s2+$0x0], $0xffff;
	v60 =	vadd.s32 $0xFFFFFFFF, v61;
	v61 =	vadd.s32 $0xFFFFFFFF, v62;
	vm0 =	vmand vm8, vm0  }
0x26c: {  	v62 =	vimm.s32 $0x0;
	vm8 =	vlt.f32 v47, v16;
	v36 =	vsel vm0, v41, v36  }
0x26d: {  	v53 =	vld.idx.msk [tilespmem:v53+s2+$0x0], $0xffff;
	v41 =	vadd.s32 $0xFFFFFFFF, v59;
	vm0 =	vlt.u32 v25, $0x30D3;
	vm7 =	vmand vm8, vm7  }
0x26e: {  	v54 =	vld.idx.msk [tilespmem:v54+s2+$0x0], $0xffff;
	vm8 =	vlt.f32 v50, v10;
	v59 =	vadd.s32 $0x20, v36;
	v62 =	vsel vm0, $0xFFFFFFFF, v62  }
0x26f: {  	v47 =	vld.idx.msk [tilespmem:v55+s2+$0x0], $0xffff;
	v38 =	vsel vm7, v39, v38;
	vm6 =	vmand vm8, vm6;
	vm7 =	vlt.f32 v51, v11  }
0x270: {  	v55 =	vmin.u32 v59, $0x30D4;
	v33 =	vsel vm6, v42, v33;
	vm6 =	vlt.f32 v52, v13  }
0x271: {  	vm5 =	vmand vm7, vm5;
	v55 =	vadd.s32 $0xFFFFFFFF, v55;
	vm4 =	vmand vm6, vm4  }
0x272: {  	v44 =	vld.idx.msk [tilespmem:v44+s2+$0x0], $0xffff;
	v34 =	vsel vm5, v43, v34;
	vm5 =	vlt.f32 v53, v12;
	v35 =	vsel vm4, v45, v35  }
0x273: {  	v39 =	vld.idx.msk [tilespmem:v56+s2+$0x0], $0xffff;
	vm3 =	vmand vm5, vm3;
	vm4 =	vlt.f32 v54, v14;
	v50 =	vadd.s32 $0x80, v34  }
0x274: {  	v42 =	vld.idx.msk [tilespmem:v57+s2+$0x0], $0xffff;
	v23 =	vsel vm3, v46, v23;
	vm2 =	vmand vm4, vm2;
	vm3 =	vlt.f32 v47, v15  }
0x275: {  	v41 =	vld.idx.msk [tilespmem:v41+s2+$0x0], $0xffff;
	v46 =	vadd.s32 $0x80, v38;
	v51 =	vadd.s32 $0x80, v35;
	v57 =	vmin.u32 v50, $0x30D4  }
0x276: {  	v37 =	vsel vm2, v48, v37;
	vm1 =	vmand vm3, vm1;
	v57 =	vadd.s32 $0xFFFFFFFF, v57;
	v45 =	vld.idx.msk [tilespmem:v55+s2+$0x0], $0xffff  }
0x277: {  	v43 =	vld.idx.msk [tilespmem:v58+s2+$0x0], $0xffff;
	v48 =	vadd.s32 $0x80, v33;
	v52 =	vadd.s32 $0x80, v23;
	v54 =	vmin.u32 v46, $0x30D4  }
0x278: {  	v47 =	vld.idx.msk [tilespmem:v60+s2+$0x0], $0xffff;
	v58 =	vmin.u32 v51, $0x30D4;
	v40 =	vsel vm1, v49, v40;
	v60 =	vmin.u32 v52, $0x30D4  }
0x279: {  	vm1 =	vlt.u32 v36, $0x30B5;
	v58 =	vadd.s32 $0xFFFFFFFF, v58;
	v55 =	vmin.u32 v48, $0x30D4  }
0x27a: {  	v49 =	vld.idx.msk [tilespmem:v61+s2+$0x0], $0xffff;
	vm3 =	vlt.f32 v44, v9;
	vm5 =	vlt.f32 v39, v3;
	v55 =	vadd.s32 $0xFFFFFFFF, v55  }
0x27b: {  	vm0 =	vlt.f32 v41, v5;
	v44 =	vld.idx.msk [tilespmem:v57+s2+$0x0], $0xffff;
	v57 =	vimm.s32 $0x0;
	vm2 =	vlt.f32 v45, v17  }
0x27c: {  	v39 =	vsel vm0, $0xFFFFFFFF, v57;
	vm0 =	vlt.f32 v43, v7;
	vm1 =	vmand vm2, vm1  }
0x27d: {  	v57 =	vimm.s32 $0x0;
	v45 =	vadd.s32 $0xFFFFFFFF, v54;
	v36 =	vsel vm1, v59, v36  }
0x27e: {  	[tilespmem:$0x1FF20] =	vst v62;
	v41 =	vsel vm0, $0xFFFFFFFF, v63;
	v59 =	vadd.s32 $0xFFFFFFFF, v60;
	v60 =	vadd.s32 $0x10, v36  }
0x27f: {  	[tilespmem:$0x1FF30] =	vst v39;
	v39 =	vld.idx.msk [tilespmem:v58+s2+$0x0], $0xffff;
	vm0 =	vlt.f32 v47, v6;
	v58 =	vimm.s32 $0x0;
	v62 =	vmin.u32 v60, $0x30D4  }
0x280: {  	[tilespmem:$0x1FF40] =	vst v41;
	v41 =	vsel vm0, $0xFFFFFFFF, v57;
	vm0 =	vlt.f32 v49, v8;
	v62 =	vadd.s32 $0xFFFFFFFF, v62  }
0x281: {  	[tilespmem:$0x1FF50] =	vst v41;
	v41 =	vsel vm0, $0xFFFFFFFF, v58;
	v58 =	vld [tilespmem:$0x1FF20]  }
0x282: {  	vm8 =	vlt.u32 v38, $0x3055;
	vm14 =	vlt.u32 v33, $0x3055;
	v55 =	vld.idx.msk [tilespmem:v55+s2+$0x0], $0xffff  }
0x283: {  	vm15 =	vlt.u32 v34, $0x3055;
	vm13 =	vlt.u32 v23, $0x3055;
	vm4 =	vlt.f32 v42, v4;
	v45 =	vld.idx.msk [tilespmem:v45+s2+$0x0], $0xffff  }
0x284: {  	v47 =	vimm.s32 $0x0;
	vm2 =	vlt.u32 v20, $0x30D3;
	vm0 =	vlt.u32 v22, $0x30D3  }
0x285: {  	v49 =	vimm.s32 $0x0;
	vm1 =	vlt.u32 v26, $0x30D3;
	v43 =	vsel vm0, $0xFFFFFFFF, v47;
	v62 =	vld.idx.msk [tilespmem:v62+s2+$0x0], $0xffff  }
0x286: {  	vm0 =	vlt.u32 v18, $0x30D3;
	vm5 =	vmand vm5, vm1;
	vm7 =	vnez.u8 v58  }
0x287: {  	[tilespmem:$0x1FF60] =	vst v43;
	v43 =	vsel vm0, $0xFFFFFFFF, v49;
	v63 =	vld.idx.msk [tilespmem:v59+s2+$0x0], $0xffff;
	v59 =	vimm.s32 $0x0;
	vm3 =	vmand vm3, vm7  }
0x288: {  	vm1 =	vlt.f32 v55, v10;
	vm0 =	vlt.f32 v45, v16;
	v45 =	vsel vm3, $0xFFFFFFFF, v59  }
0x289: {  	vm0 =	vmand vm0, vm8;
	vm8 =	vmand vm4, vm2;
	vm2 =	vlt.u32 v36, $0x30C5  }
0x28a: {  	v38 =	vsel vm0, v46, v38;
	vm0 =	vmand vm1, vm14;
	vm3 =	vlt.f32 v62, v17  }
0x28b: {  	vm1 =	vlt.f32 v44, v11;
	v33 =	vsel vm0, v48, v33;
	vm2 =	vmand vm3, vm2  }
0x28c: {  	vm0 =	vmand vm1, vm15;
	vm1 =	vlt.f32 v39, v13;
	v36 =	vsel vm2, v60, v36  }
0x28d: {  	v34 =	vsel vm0, v50, v34;
	vm0 =	vlt.f32 v63, v12;
	v39 =	vadd.s32 $0x8, v36  }
0x28e: {  	vm0 =	vmand vm0, vm13;
	v62 =	vmin.u32 v39, $0x30D4  }
0x28f: {  	v42 =	vsel vm0, v52, v23;
	v23 =	vadd.s32 $0xFFFFFFFF, v62;
	_ =	sdelay $0x4  }
0x290: {  	v53 =	vadd.s32 $0x80, v37;
	v23 =	vld.idx.msk [tilespmem:v23+s2+$0x0], $0xffff  }
0x291: {  	v56 =	vadd.s32 $0x80, v40;
	v61 =	vmin.u32 v53, $0x30D4  }
0x292: {  	v61 =	vadd.s32 $0xFFFFFFFF, v61;
	v54 =	vmin.u32 v56, $0x30D4  }
0x293: {  	v54 =	vadd.s32 $0xFFFFFFFF, v54;
	_ =	sdelay $0x1  }
0x294: {  	vm4 =	vlt.f32 v23, v17;
	v23 =	vld [tilespmem:$0x1FF40];
	_ =	sdelay $0x1  }
0x295: {  	v57 =	vld.idx.msk [tilespmem:v61+s2+$0x0], $0xffff  }
0x296: {  	v61 =	vld.idx.msk [tilespmem:v54+s2+$0x0], $0xffff  }
0x297: {  	vm6 =	vlt.u32 v35, $0x3055  }
0x298: {  	vm1 =	vmand vm1, vm6;
	vm6 =	vnez.u8 v23;
	v23 =	vld [tilespmem:$0x1FF50];
	_ =	sdelay $0x1  }
0x299: {  	vm12 =	vlt.u32 v37, $0x3055;
	vm3 =	vlt.f32 v57, v14  }
0x29a: {  	vm11 =	vlt.u32 v40, $0x3055;
	vm2 =	vmand vm3, vm12;
	vm3 =	vlt.f32 v61, v15  }
0x29b: {  	v35 =	vsel vm1, v51, v35;
	vm1 =	vmand vm3, vm11;
	vm3 =	vlt.u32 v36, $0x30CD  }
0x29c: {  	vm3 =	vmand vm4, vm3;
	vm4 =	vnez.u8 v23;
	v23 =	vld [tilespmem:$0x1FF60];
	_ =	sdelay $0x3  }
0x29d: {  	vm9 =	vlt.u32 v19, $0x30D3;
	[tilespmem:$0x1FF70] =	vst v41  }
0x29e: {  	vm10 =	vlt.u32 v21, $0x30D3;
	v41 =	vadd.s32 $0x40, v38;
	vm7 =	vnez.u8 v23;
	v23 =	vld [tilespmem:$0x1FF70]  }
0x29f: {  	v24 =	vsel vm5, v24, v26;
	[tilespmem:$0x1FF80] =	vst v43;
	v43 =	vadd.s32 $0x40, v33;
	v63 =	vmin.u32 v41, $0x30D4  }
0x2a0: {  	v44 =	vadd.s32 $0x40, v34;
	v47 =	vadd.s32 $0xFFFFFFFF, v63;
	vm15 =	vlt.u32 v34, $0x3095  }
0x2a1: {  	[tilespmem:$0x1FF90] =	vst v45;
	v45 =	vadd.s32 $0x40, v35;
	v57 =	vmin.u32 v43, $0x30D4;
	v58 =	vmin.u32 v44, $0x30D4  }
0x2a2: {  	vm0 =	vlt.u32 v38, $0x3095;
	vm14 =	vlt.u32 v35, $0x3095;
	v46 =	vadd.s32 $0x40, v42  }
0x2a3: {  	v59 =	vmin.u32 v45, $0x30D4;
	vm4 =	vmand vm4, vm7;
	vm7 =	vnez.u8 v23;
	v23 =	vld [tilespmem:$0x1FF80]  }
0x2a4: {  	v63 =	vld [tilespmem:$0x1FF30];
	v50 =	vadd.s32 $0xFFFFFFFF, v57;
	v51 =	vadd.s32 $0xFFFFFFFF, v58;
	vm13 =	vlt.u32 v42, $0x3095  }
0x2a5: {  	v37 =	vsel vm2, v53, v37;
	v60 =	vmin.u32 v46, $0x30D4;
	v52 =	vadd.s32 $0xFFFFFFFF, v59  }
0x2a6: {  	v40 =	vsel vm1, v56, v40;
	v48 =	vadd.s32 $0x40, v37;
	v53 =	vadd.s32 $0xFFFFFFFF, v60  }
0x2a7: {  	vm1 =	vlt.u32 v33, $0x3095;
	vm12 =	vlt.u32 v37, $0x3095;
	v49 =	vadd.s32 $0x40, v40  }
0x2a8: {  	v61 =	vmin.u32 v48, $0x30D4;
	vm6 =	vmand vm6, vm9;
	vm9 =	vnez.u8 v23;
	v23 =	vld [tilespmem:$0x1FF90]  }
0x2a9: {  	vm11 =	vlt.u32 v40, $0x3095;
	vm2 =	vnez.u8 v63;
	v47 =	vld.idx.msk [tilespmem:v47+s2+$0x0], $0xffff;
	v36 =	vsel vm3, v39, v36  }
0x2aa: {  	v62 =	vmin.u32 v49, $0x30D4;
	v54 =	vadd.s32 $0xFFFFFFFF, v61;
	v56 =	vld.idx.msk [tilespmem:v52+s2+$0x0], $0xffff;
	v52 =	vadd.s32 $0x4, v36  }
0x2ab: {  	vm2 =	vmand vm2, vm10;
	v55 =	vadd.s32 $0xFFFFFFFF, v62;
	v26 =	vmin.u32 v52, $0x30D4  }
0x2ac: {  	v50 =	vld.idx.msk [tilespmem:v50+s2+$0x0], $0xffff;
	v59 =	vadd.s32 $0xFFFFFFFF, v26;
	v26 =	vadd.s32 $0x1, v24;
	v19 =	vsel vm6, v30, v19  }
0x2ad: {  	v51 =	vld.idx.msk [tilespmem:v51+s2+$0x0], $0xffff;
	v30 =	vadd.s32 $0x1, v19;
	vm7 =	vmand vm7, vm9;
	vm3 =	vnez.u8 v23  }
0x2ae: {  	v18 =	vsel vm7, v32, v18;
	v23 =	vsel vm3, v27, v25;
	v25 =	vsel vm8, v28, v20  }
0x2af: {  	v20 =	vsel vm2, v29, v21;
	v21 =	vsel vm4, v31, v22;
	vm2 =	vlt.f32 v47, v16  }
0x2b0: {  	v57 =	vld.idx.msk [tilespmem:v53+s2+$0x0], $0xffff;
	v22 =	vadd.s32 $0x1, v23;
	v27 =	vadd.s32 $0x1, v25;
	vm0 =	vmand vm2, vm0  }
0x2b1: {  	vm2 =	vlt.f32 v50, v10;
	v28 =	vadd.s32 $0x1, v20;
	v31 =	vadd.s32 $0x1, v21  }
0x2b2: {  	v58 =	vld.idx.msk [tilespmem:v54+s2+$0x0], $0xffff;
	v38 =	vsel vm0, v41, v38;
	vm0 =	vmand vm2, vm1;
	vm1 =	vlt.f32 v51, v11  }
0x2b3: {  	v33 =	vsel vm0, v43, v33;
	vm0 =	vmand vm1, vm15;
	vm1 =	vlt.f32 v56, v13  }
0x2b4: {  	v60 =	vld.idx.msk [tilespmem:v55+s2+$0x0], $0xffff;
	v39 =	vadd.s32 $0x20, v38;
	vm5 =	vlt.u32 v38, $0x30B5;
	v32 =	vsel vm0, v44, v34  }
0x2b5: {  	vm0 =	vmand vm1, vm14;
	vm1 =	vlt.f32 v57, v12;
	v41 =	vadd.s32 $0x20, v33  }
0x2b6: {  	v62 =	vmin.u32 v39, $0x30D4;
	vm6 =	vlt.u32 v33, $0x30B5;
	vm14 =	vlt.u32 v23, $0x30D4  }
0x2b7: {  	v61 =	vld.idx.msk [tilespmem:v59+s2+$0x0], $0xffff;
	v34 =	vsel vm0, v45, v35;
	vm0 =	vmand vm1, vm13;
	vm1 =	vlt.f32 v58, v14  }
0x2b8: {  	v63 =	vmin.u32 v41, $0x30D4;
	v29 =	vadd.s32 $0xFFFFFFFF, v62;
	v35 =	vsel vm0, v46, v42  }
0x2b9: {  	vm0 =	vmand vm1, vm12;
	vm1 =	vlt.f32 v60, v15;
	v42 =	vadd.s32 $0x20, v32  }
0x2ba: {  	v43 =	vadd.s32 $0x20, v34;
	v63 =	vadd.s32 $0xFFFFFFFF, v63;
	vm4 =	vlt.u32 v34, $0x30B5  }
0x2bb: {  	v37 =	vsel vm0, v48, v37;
	vm0 =	vmand vm1, vm11;
	v44 =	vadd.s32 $0x20, v35  }
0x2bc: {  	vm1 =	vlt.f32 v61, v17;
	v40 =	vsel vm0, v49, v40;
	vm0 =	vlt.u32 v36, $0x30D1  }
0x2bd: {  	v56 =	vmin.u32 v42, $0x30D4;
	v47 =	vmin.u32 v43, $0x30D4;
	vm0 =	vmand vm1, vm0  }
0x2be: {  	vm3 =	vlt.u32 v35, $0x30B5;
	v45 =	vadd.s32 $0x20, v37;
	v36 =	vsel vm0, v52, v36  }
0x2bf: {  	v57 =	vmin.u32 v44, $0x30D4;
	v60 =	vadd.s32 $0xFFFFFFFF, v56;
	v50 =	vadd.s32 $0x2, v36  }
0x2c0: {  	v47 =	vadd.s32 $0xFFFFFFFF, v47;
	vm2 =	vlt.u32 v37, $0x30B5;
	v62 =	vmin.u32 v50, $0x30D4  }
0x2c1: {  	v56 =	vmin.u32 v22, $0x30D4;
	v46 =	vadd.s32 $0x20, v40;
	v61 =	vadd.s32 $0xFFFFFFFF, v62  }
0x2c2: {  	v58 =	vmin.u32 v45, $0x30D4;
	v48 =	vadd.s32 $0xFFFFFFFF, v57;
	vm1 =	vlt.u32 v40, $0x30B5;
	v52 =	vld.idx.msk [tilespmem:v29+s2+$0x0], $0xffff  }
0x2c3: {  	v57 =	vmin.u32 v26, $0x30D4;
	v56 =	vadd.s32 $0xFFFFFFFF, v56;
	v59 =	vmin.u32 v46, $0x30D4  }
0x2c4: {  	v49 =	vadd.s32 $0xFFFFFFFF, v58;
	vm0 =	vlt.u32 v32, $0x30B5;
	v29 =	vadd.s32 $0x1, v18;
	v53 =	vld.idx.msk [tilespmem:v63+s2+$0x0], $0xffff  }
0x2c5: {  	v58 =	vmin.u32 v27, $0x30D4;
	v51 =	vadd.s32 $0xFFFFFFFF, v59;
	v59 =	vmin.u32 v28, $0x30D4;
	v54 =	vld.idx.msk [tilespmem:v60+s2+$0x0], $0xffff  }
0x2c6: {  	v57 =	vadd.s32 $0xFFFFFFFF, v57;
	v58 =	vadd.s32 $0xFFFFFFFF, v58;
	v59 =	vadd.s32 $0xFFFFFFFF, v59;
	v55 =	vld.idx.msk [tilespmem:v61+s2+$0x0], $0xffff  }
0x2c7: {  	v60 =	vmin.u32 v30, $0x30D4;
	v62 =	vmin.u32 v29, $0x30D4;
	v47 =	vld.idx.msk [tilespmem:v47+s2+$0x0], $0xffff;
	vm8 =	vlt.f32 v52, v16  }
0x2c8: {  	v48 =	vld.idx.msk [tilespmem:v48+s2+$0x0], $0xffff;
	v60 =	vadd.s32 $0xFFFFFFFF, v60;
	v62 =	vadd.s32 $0xFFFFFFFF, v62;
	vm5 =	vmand vm8, vm5  }
0x2c9: {  	v49 =	vld.idx.msk [tilespmem:v49+s2+$0x0], $0xffff;
	vm8 =	vlt.u32 v36, $0x30D3;
	v38 =	vsel vm5, v39, v38;
	vm5 =	vlt.f32 v53, v10  }
0x2ca: {  	v51 =	vld.idx.msk [tilespmem:v51+s2+$0x0], $0xffff;
	v61 =	vmin.u32 v31, $0x30D4;
	vm5 =	vmand vm5, vm6;
	vm6 =	vlt.f32 v54, v11  }
0x2cb: {  	v61 =	vadd.s32 $0xFFFFFFFF, v61;
	vm0 =	vmand vm6, vm0;
	vm9 =	vlt.f32 v55, v17  }
0x2cc: {  	vm6 =	vlt.f32 v47, v13;
	v33 =	vsel vm5, v41, v33;
	vm8 =	vmand vm9, vm8  }
0x2cd: {  	vm4 =	vmand vm6, vm4;
	vm6 =	vlt.f32 v48, v12;
	v36 =	vsel vm8, v50, v36  }
0x2ce: {  	v32 =	vsel vm0, v42, v32;
	vm3 =	vmand vm6, vm3;
	v47 =	vadd.s32 $0x1, v36  }
0x2cf: {  	vm6 =	vlt.f32 v49, v14;
	vm5 =	vlt.f32 v51, v15;
	v63 =	vmin.u32 v47, $0x30D4  }
0x2d0: {  	v42 =	vsel vm4, v43, v34;
	vm4 =	vlt.u32 v32, $0x30C5;
	v48 =	vadd.s32 $0xFFFFFFFF, v63  }
0x2d1: {  	vm2 =	vmand vm6, vm2;
	vm0 =	vmand vm5, vm1;
	v35 =	vsel vm3, v44, v35  }
0x2d2: {  	v53 =	vld.idx.msk [tilespmem:v58+s2+$0x0], $0xffff;
	v44 =	vadd.s32 $0x10, v38;
	v51 =	vadd.s32 $0x10, v42;
	vm5 =	vlt.u32 v38, $0x30C5  }
0x2d3: {  	vm3 =	vlt.u32 v33, $0x30C5;
	vm6 =	vlt.u32 v42, $0x30C5;
	v37 =	vsel vm2, v45, v37  }
0x2d4: {  	v39 =	vld.idx.msk [tilespmem:v56+s2+$0x0], $0xffff;
	v43 =	vsel vm0, v46, v40;
	v45 =	vadd.s32 $0x10, v33;
	v46 =	vadd.s32 $0x10, v32  }
0x2d5: {  	v52 =	vadd.s32 $0x10, v35;
	v55 =	vmin.u32 v44, $0x30D4;
	v58 =	vmin.u32 v46, $0x30D4;
	v48 =	vld.idx.msk [tilespmem:v48+s2+$0x0], $0xffff  }
0x2d6: {  	v49 =	vld.idx.msk [tilespmem:v59+s2+$0x0], $0xffff;
	v59 =	vmin.u32 v51, $0x30D4;
	v56 =	vmin.u32 v45, $0x30D4;
	v58 =	vadd.s32 $0xFFFFFFFF, v58  }
0x2d7: {  	v41 =	vld.idx.msk [tilespmem:v60+s2+$0x0], $0xffff;
	vm0 =	vlt.f32 v53, v4;
	v54 =	vadd.s32 $0x10, v37;
	v56 =	vadd.s32 $0xFFFFFFFF, v56  }
0x2d8: {  	v34 =	vld.idx.msk [tilespmem:v61+s2+$0x0], $0xffff;
	v60 =	vmin.u32 v52, $0x30D4;
	v55 =	vadd.s32 $0xFFFFFFFF, v55;
	v59 =	vadd.s32 $0xFFFFFFFF, v59  }
0x2d9: {  	vm9 =	vlt.u32 v35, $0x30C5;
	v50 =	vld.idx.msk [tilespmem:v57+s2+$0x0], $0xffff;
	v57 =	vadd.s32 $0x10, v43;
	v61 =	vmin.u32 v54, $0x30D4  }
0x2da: {  	v40 =	vld.idx.msk [tilespmem:v62+s2+$0x0], $0xffff;
	v60 =	vadd.s32 $0xFFFFFFFF, v60;
	vm1 =	vlt.u32 v36, $0x30D4;
	vm2 =	vlt.f32 v48, v17  }
0x2db: {  	vm8 =	vlt.f32 v39, v9;
	v61 =	vadd.s32 $0xFFFFFFFF, v61;
	v48 =	vld.idx.msk [tilespmem:v58+s2+$0x0], $0xffff;
	vm1 =	vmand vm2, vm1  }
0x2dc: {  	v58 =	vimm.s32 $0x0;
	v36 =	vsel vm1, v47, v36;
	v47 =	vld.idx.msk [tilespmem:v56+s2+$0x0], $0xffff;
	v56 =	vimm.s32 $0x0  }
0x2dd: {  	s16 =	smov.u32 s9;
	s9 =	sadd.s32 $0x80, s9;
	v17 =	vld.idx.msk [tilespmem:v55+s2+$0x0], $0xffff;
	v36 =	vmin.u32 v36, $0x30D3;
	v53 =	vsel vm0, $0xFFFFFFFF, v56;
	vm0 =	vlt.f32 v49, v5  }
0x2de: {  	[tilespmem:s9+$0x30] =	vst v36;
	v36 =	vld.idx.msk [tilespmem:v59+s2+$0x0], $0xffff;
	v59 =	vsel vm0, $0xFFFFFFFF, v58;
	vm0 =	vlt.f32 v41, v7;
	v7 =	vimm.s32 $0x0  }
0x2df: {  	[tilespmem:$0x1FFA0] =	vst v53;
	v53 =	vimm.s32 $0x0;
	v7 =	vsel vm0, $0xFFFFFFFF, v7;
	vm0 =	vlt.u32 v25, $0x30D4  }
0x2e0: {  	v56 =	vimm.s32 $0x0;
	v55 =	vsel vm0, $0xFFFFFFFF, v53;
	vm0 =	vlt.f32 v34, v6  }
0x2e1: {  	v62 =	vmin.u32 v57, $0x30D4;
	vm14 =	vmand vm8, vm14;
	v9 =	vsel vm0, $0xFFFFFFFF, v56  }
0x2e2: {  	vm2 =	vlt.u32 v24, $0x30D4;
	vm0 =	vlt.f32 v40, v8;
	[tilespmem:$0x1FFE0] =	vst v9;
	v9 =	vimm.s32 $0x0  }
0x2e3: {  	v63 =	vld.idx.msk [tilespmem:v60+s2+$0x0], $0xffff;
	vm1 =	vlt.f32 v50, v3;
	v3 =	vmovc v10;
	v8 =	vsel vm0, $0xFFFFFFFF, v9;
	vm0 =	vlt.f32 v17, v16  }
0x2e4: {  	v4 =	vmovc v11;
	v10 =	vld.idx.msk [tilespmem:v61+s2+$0x0], $0xffff;
	vm8 =	vlt.f32 v47, v3;
	vm0 =	vmand vm0, vm5;
	vm5 =	vmand vm1, vm2  }
0x2e5: {  	v5 =	vmovc v13;
	vm1 =	vlt.f32 v48, v4;
	v17 =	vsel vm0, v44, v38;
	vm0 =	vmand vm8, vm3  }
0x2e6: {  	v33 =	vsel vm0, v45, v33;
	vm0 =	vmand vm1, vm4;
	vm1 =	vlt.f32 v36, v5  }
0x2e7: {  	v62 =	vadd.s32 $0xFFFFFFFF, v62;
	[tilespmem:$0x1FFD0] =	vst v7;
	v7 =	vmovc v12;
	v34 =	vsel vm0, v46, v32;
	vm0 =	vmand vm1, vm6  }
0x2e8: {  	v6 =	vmovc v14;
	vm1 =	vlt.f32 v63, v7;
	v13 =	vsel vm0, v51, v42;
	v42 =	vadd.s32 $0x8, v17  }
0x2e9: {  	vm0 =	vmand vm1, vm9;
	vm1 =	vlt.f32 v10, v6;
	v10 =	vmin.u32 v42, $0x30D4  }
0x2ea: {  	v10 =	vadd.s32 $0xFFFFFFFF, v10;
	_ =	sdelay $0x3  }
0x2eb: {  	v11 =	vld.idx.msk [tilespmem:v62+s2+$0x0], $0xffff  }
0x2ec: {  	v62 =	vld.idx.msk [tilespmem:v10+s2+$0x0], $0xffff  }
0x2ed: {  	v10 =	vld [tilespmem:$0x1FFA0];
	_ =	sdelay $0x3  }
0x2ee: {  	vm7 =	vlt.u32 v37, $0x30C5;
	[tilespmem:$0x1FFB0] =	vst v55  }
0x2ef: {  	v32 =	vsel vm0, v52, v35;
	vm0 =	vmand vm1, vm7;
	vm7 =	vnez.u8 v10;
	v10 =	vld [tilespmem:$0x1FFB0];
	_ =	sdelay $0x3  }
0x2f0: {  	[tilespmem:$0x1FFC0] =	vst v59  }
0x2f1: {  	vm9 =	vnez.u8 v10;
	v10 =	vld [tilespmem:$0x1FFC0];
	_ =	sdelay $0x3  }
0x2f2: {  	vm15 =	vlt.u32 v20, $0x30D4;
	vm13 =	vlt.u32 v21, $0x30D4;
	vm12 =	vlt.u32 v19, $0x30D4  }
0x2f3: {  	vm11 =	vlt.u32 v18, $0x30D4;
	vm7 =	vmand vm7, vm9;
	vm9 =	vnez.u8 v10;
	v10 =	vld [tilespmem:$0x1FFD0]  }
0x2f4: {  	vm10 =	vlt.u32 v43, $0x30C5;
	[tilespmem:$0x1FFF0] =	vst v8;
	v8 =	vmovc v15;
	v41 =	vadd.s32 $0x8, v33;
	vm6 =	vlt.u32 v33, $0x30CD  }
0x2f5: {  	v40 =	vadd.s32 $0x8, v34;
	vm1 =	vlt.f32 v11, v8;
	v11 =	vmin.u32 v41, $0x30D4  }
0x2f6: {  	vm4 =	vlt.u32 v34, $0x30CD;
	v39 =	vadd.s32 $0x8, v13;
	v11 =	vadd.s32 $0xFFFFFFFF, v11  }
0x2f7: {  	v12 =	vmin.u32 v40, $0x30D4;
	vm3 =	vlt.u32 v13, $0x30CD;
	v15 =	vsel vm0, v54, v37  }
0x2f8: {  	vm0 =	vmand vm1, vm10;
	v38 =	vadd.s32 $0x8, v32;
	vm10 =	vnez.u8 v10;
	v10 =	vld [tilespmem:$0x1FFE0]  }
0x2f9: {  	v14 =	vmin.u32 v39, $0x30D4;
	v12 =	vadd.s32 $0xFFFFFFFF, v12;
	vm2 =	vlt.u32 v32, $0x30CD  }
0x2fa: {  	v9 =	vmovc v16;
	v16 =	vsel vm0, v57, v43;
	v36 =	vadd.s32 $0x8, v15;
	v58 =	vmin.u32 v38, $0x30D4  }
0x2fb: {  	v14 =	vadd.s32 $0xFFFFFFFF, v14;
	vm0 =	vlt.u32 v17, $0x30CD;
	v35 =	vadd.s32 $0x8, v16;
	v63 =	vld.idx.msk [tilespmem:v11+s2+$0x0], $0xffff  }
0x2fc: {  	vm1 =	vlt.u32 v15, $0x30CD;
	v59 =	vmin.u32 v36, $0x30D4;
	v60 =	vmin.u32 v35, $0x30D4  }
0x2fd: {  	v44 =	vadd.s32 $0xFFFFFFFF, v60;
	vm10 =	vmand vm10, vm12;
	vm12 =	vnez.u8 v10;
	v10 =	vld [tilespmem:$0x1FFF0]  }
0x2fe: {  	v37 =	vadd.s32 $0xFFFFFFFF, v58;
	vm8 =	vlt.u32 v16, $0x30CD;
	v11 =	vsel vm5, v26, v24  }
0x2ff: {  	s19 =	sadd.s32 $0x8, s19;
	v61 =	vadd.s32 $0xFFFFFFFF, v59;
	v11 =	vmin.u32 v11, $0x30D3;
	vm5 =	vlt.f32 v62, v9  }
0x300: {  	p1 =	slt.u32 s19, $0x78;
	v43 =	vld.idx.msk [tilespmem:v12+s2+$0x0], $0xffff;
	vm0 =	vmand vm5, vm0;
	vm5 =	vlt.f32 v63, v3;
	v12 =	vsel vm7, v27, v25  }
.Ltmp0:
0x301: {  	v25 =	vmin.u32 v12, $0x30D3;
	vm9 =	vmand vm9, vm15;
	v19 =	vsel vm10, v30, v19;
	(pc) =	sbr.rel @p1 .LBB2_3-.Ltmp0, $4  }
0x302: {  	v24 =	vld.idx.msk [tilespmem:v44+s2+$0x0], $0xffff;
	vm12 =	vmand vm12, vm13;
	vm13 =	vnez.u8 v10;
	v10 =	vsel vm14, v22, v23  }
0x303: {  	[tilespmem:s16+$0xFFFFFFD0] =	vst v11;
	v22 =	vld.idx.msk [tilespmem:v14+s2+$0x0], $0xffff;
	v14 =	vsel vm9, v28, v20;
	v20 =	vsel vm12, v31, v21;
	vm11 =	vmand vm13, vm11  }
0x304: {  	[tilespmem:s16+$0xFFFFFFE0] =	vst v25;
	v21 =	vld.idx.msk [tilespmem:v37+s2+$0x0], $0xffff;
	v10 =	vmin.u32 v10, $0x30D3;
	v14 =	vmin.u32 v14, $0x30D3;
	v18 =	vsel vm11, v29, v18  }
0x305: {  	v23 =	vld.idx.msk [tilespmem:v61+s2+$0x0], $0xffff;
	v11 =	vmin.u32 v20, $0x30D3;
	[tilespmem:s16+$0xFFFFFFC0] =	vst v10;
	v10 =	vmin.u32 v19, $0x30D3;
	v12 =	vmin.u32 v18, $0x30D3  }
0x306: {  	v17 =	vsel vm0, v42, v17;
	vm0 =	vmand vm5, vm6;
	vm9 =	vlt.f32 v43, v4  }
0x307: {  	v18 =	vsel vm0, v41, v33;
	vm0 =	vmand vm9, vm4  }
0x308: {  	vm10 =	vlt.f32 v22, v5;
	v19 =	vsel vm0, v40, v34;
	v22 =	vadd.s32 $0x4, v18  }
0x309: {  	vm0 =	vmand vm10, vm3;
	vm3 =	vlt.f32 v21, v7;
	v21 =	vadd.s32 $0x4, v17  }
0x30a: {  	v25 =	vmin.u32 v22, $0x30D4;
	v13 =	vsel vm0, v39, v13;
	vm0 =	vmand vm3, vm2  }
0x30b: {  	vm2 =	vlt.f32 v23, v6;
	v23 =	vmin.u32 v21, $0x30D4;
	v25 =	vadd.s32 $0xFFFFFFFF, v25  }
0x30c: {  	v20 =	vsel vm0, v38, v32;
	vm0 =	vmand vm2, vm1;
	vm1 =	vlt.f32 v24, v8  }
0x30d: {  	v24 =	vadd.s32 $0x4, v19;
	v23 =	vadd.s32 $0xFFFFFFFF, v23;
	v26 =	vadd.s32 $0x4, v13  }
0x30e: {  	v15 =	vsel vm0, v36, v15;
	vm0 =	vmand vm1, vm8;
	v27 =	vmin.u32 v24, $0x30D4  }
0x30f: {  	v28 =	vadd.s32 $0x4, v20;
	v29 =	vmin.u32 v26, $0x30D4;
	v27 =	vadd.s32 $0xFFFFFFFF, v27  }
0x310: {  	v30 =	vadd.s32 $0x4, v15;
	v31 =	vmin.u32 v28, $0x30D4;
	v29 =	vadd.s32 $0xFFFFFFFF, v29  }
0x311: {  	v16 =	vsel vm0, v35, v16;
	v51 =	vmin.u32 v30, $0x30D4;
	v31 =	vadd.s32 $0xFFFFFFFF, v31  }
0x312: {  	v50 =	vadd.s32 $0x4, v16;
	v33 =	vadd.s32 $0xFFFFFFFF, v51;
	v25 =	vld.idx.msk [tilespmem:v25+s2+$0x0], $0xffff  }
0x313: {  	v52 =	vmin.u32 v50, $0x30D4;
	v23 =	vld.idx.msk [tilespmem:v23+s2+$0x0], $0xffff  }
0x314: {  	v34 =	vadd.s32 $0xFFFFFFFF, v52;
	v27 =	vld.idx.msk [tilespmem:v27+s2+$0x0], $0xffff  }
0x315: {  	vm2 =	vlt.u32 v19, $0x30D1;
	v29 =	vld.idx.msk [tilespmem:v29+s2+$0x0], $0xffff  }
0x316: {  	vm3 =	vlt.u32 v13, $0x30D1;
	vm1 =	vlt.u32 v18, $0x30D1;
	vm11 =	vlt.u32 v20, $0x30D1;
	v31 =	vld.idx.msk [tilespmem:v31+s2+$0x0], $0xffff  }
0x317: {  	vm0 =	vlt.u32 v17, $0x30D1;
	vm12 =	vlt.u32 v15, $0x30D1;
	v33 =	vld.idx.msk [tilespmem:v33+s2+$0x0], $0xffff;
	vm5 =	vlt.f32 v25, v3  }
0x318: {  	vm13 =	vlt.u32 v16, $0x30D1;
	vm4 =	vlt.f32 v23, v9;
	vm1 =	vmand vm5, vm1  }
0x319: {  	v34 =	vld.idx.msk [tilespmem:v34+s2+$0x0], $0xffff;
	vm0 =	vmand vm4, vm0;
	v18 =	vsel vm1, v22, v18;
	vm6 =	vlt.f32 v27, v4  }
0x31a: {  	vm7 =	vlt.f32 v29, v5;
	v17 =	vsel vm0, v21, v17;
	v22 =	vadd.s32 $0x2, v18  }
0x31b: {  	vm8 =	vlt.f32 v31, v7;
	vm2 =	vmand vm6, vm2;
	vm3 =	vmand vm7, vm3  }
0x31c: {  	v21 =	vadd.s32 $0x2, v17;
	v25 =	vmin.u32 v22, $0x30D4;
	vm9 =	vlt.f32 v33, v6  }
0x31d: {  	vm11 =	vmand vm8, vm11;
	v19 =	vsel vm2, v24, v19;
	v13 =	vsel vm3, v26, v13  }
0x31e: {  	v23 =	vmin.u32 v21, $0x30D4;
	v25 =	vadd.s32 $0xFFFFFFFF, v25;
	vm10 =	vlt.f32 v34, v8  }
0x31f: {  	vm14 =	vmand vm9, vm12;
	v20 =	vsel vm11, v28, v20;
	v24 =	vadd.s32 $0x2, v19  }
0x320: {  	v23 =	vadd.s32 $0xFFFFFFFF, v23;
	v26 =	vadd.s32 $0x2, v13;
	v27 =	vmin.u32 v24, $0x30D4  }
0x321: {  	v28 =	vadd.s32 $0x2, v20;
	v29 =	vmin.u32 v26, $0x30D4;
	v27 =	vadd.s32 $0xFFFFFFFF, v27  }
0x322: {  	v15 =	vsel vm14, v30, v15;
	v31 =	vmin.u32 v28, $0x30D4;
	v29 =	vadd.s32 $0xFFFFFFFF, v29  }
0x323: {  	vm15 =	vmand vm10, vm13;
	v30 =	vadd.s32 $0x2, v15;
	v31 =	vadd.s32 $0xFFFFFFFF, v31  }
0x324: {  	v16 =	vsel vm15, v50, v16;
	v53 =	vmin.u32 v30, $0x30D4;
	v25 =	vld.idx.msk [tilespmem:v25+s2+$0x0], $0xffff  }
0x325: {  	v32 =	vadd.s32 $0x2, v16;
	v33 =	vadd.s32 $0xFFFFFFFF, v53;
	v23 =	vld.idx.msk [tilespmem:v23+s2+$0x0], $0xffff  }
0x326: {  	v54 =	vmin.u32 v32, $0x30D4;
	v27 =	vld.idx.msk [tilespmem:v27+s2+$0x0], $0xffff  }
0x327: {  	v34 =	vadd.s32 $0xFFFFFFFF, v54;
	v29 =	vld.idx.msk [tilespmem:v29+s2+$0x0], $0xffff  }
0x328: {  	vm0 =	vlt.u32 v17, $0x30D3;
	vm8 =	vlt.u32 v18, $0x30D3;
	v31 =	vld.idx.msk [tilespmem:v31+s2+$0x0], $0xffff  }
0x329: {  	vm9 =	vlt.u32 v19, $0x30D3;
	vm10 =	vlt.u32 v13, $0x30D3;
	vm11 =	vlt.u32 v20, $0x30D3  }
0x32a: {  	vm12 =	vlt.u32 v15, $0x30D3;
	v33 =	vld.idx.msk [tilespmem:v33+s2+$0x0], $0xffff;
	vm2 =	vlt.f32 v25, v3;
	vm1 =	vlt.f32 v23, v9  }
0x32b: {  	vm13 =	vlt.u32 v16, $0x30D3;
	vm0 =	vmand vm1, vm0;
	vm1 =	vmand vm2, vm8  }
0x32c: {  	v34 =	vld.idx.msk [tilespmem:v34+s2+$0x0], $0xffff;
	vm3 =	vlt.f32 v27, v4;
	vm4 =	vlt.f32 v29, v5;
	v17 =	vsel vm0, v21, v17  }
0x32d: {  	v18 =	vsel vm1, v22, v18;
	vm5 =	vlt.f32 v31, v7;
	vm2 =	vmand vm3, vm9  }
0x32e: {  	vm3 =	vmand vm4, vm10;
	v21 =	vadd.s32 $0x1, v17;
	v22 =	vadd.s32 $0x1, v18  }
0x32f: {  	vm6 =	vlt.f32 v33, v6;
	vm9 =	vmand vm5, vm11;
	v19 =	vsel vm2, v24, v19  }
0x330: {  	v13 =	vsel vm3, v26, v13;
	v23 =	vmin.u32 v21, $0x30D4;
	v25 =	vmin.u32 v22, $0x30D4  }
0x331: {  	vm7 =	vlt.f32 v34, v8;
	vm10 =	vmand vm6, vm12;
	v20 =	vsel vm9, v28, v20  }
0x332: {  	v24 =	vadd.s32 $0x1, v19;
	v23 =	vadd.s32 $0xFFFFFFFF, v23;
	v26 =	vadd.s32 $0x1, v13  }
0x333: {  	v25 =	vadd.s32 $0xFFFFFFFF, v25;
	vm11 =	vmand vm7, vm13;
	v27 =	vmin.u32 v24, $0x30D4  }
0x334: {  	v28 =	vadd.s32 $0x1, v20;
	v29 =	vmin.u32 v26, $0x30D4;
	v27 =	vadd.s32 $0xFFFFFFFF, v27  }
0x335: {  	v15 =	vsel vm10, v30, v15;
	v31 =	vmin.u32 v28, $0x30D4;
	v29 =	vadd.s32 $0xFFFFFFFF, v29  }
0x336: {  	v16 =	vsel vm11, v32, v16;
	v30 =	vadd.s32 $0x1, v15;
	v31 =	vadd.s32 $0xFFFFFFFF, v31  }
0x337: {  	v32 =	vadd.s32 $0x1, v16;
	v55 =	vmin.u32 v30, $0x30D4;
	v23 =	vld.idx.msk [tilespmem:v23+s2+$0x0], $0xffff  }
0x338: {  	v56 =	vmin.u32 v32, $0x30D4;
	v33 =	vadd.s32 $0xFFFFFFFF, v55;
	v25 =	vld.idx.msk [tilespmem:v25+s2+$0x0], $0xffff  }
0x339: {  	v34 =	vadd.s32 $0xFFFFFFFF, v56;
	v27 =	vld.idx.msk [tilespmem:v27+s2+$0x0], $0xffff  }
0x33a: {  	v29 =	vld.idx.msk [tilespmem:v29+s2+$0x0], $0xffff  }
0x33b: {  	vm0 =	vlt.u32 v17, $0x30D4;
	vm2 =	vlt.u32 v18, $0x30D4;
	v31 =	vld.idx.msk [tilespmem:v31+s2+$0x0], $0xffff  }
0x33c: {  	vm7 =	vlt.u32 v19, $0x30D4;
	vm10 =	vlt.u32 v13, $0x30D4;
	vm11 =	vlt.u32 v20, $0x30D4  }
0x33d: {  	vm12 =	vlt.u32 v15, $0x30D4;
	v33 =	vld.idx.msk [tilespmem:v33+s2+$0x0], $0xffff;
	vm1 =	vlt.f32 v23, v9;
	vm3 =	vlt.f32 v25, v3  }
0x33e: {  	[tilespmem:s16+$0xFFFFFFF0] =	vst v14;
	v34 =	vld.idx.msk [tilespmem:v34+s2+$0x0], $0xffff;
	vm0 =	vmand vm1, vm0;
	vm1 =	vlt.u32 v16, $0x30D4;
	vm2 =	vmand vm3, vm2  }
0x33f: {  	[tilespmem:s16+$0x0] =	vst v10;
	vm4 =	vlt.f32 v27, v4;
	vm5 =	vlt.f32 v29, v5;
	v3 =	vsel vm0, v21, v17  }
0x340: {  	[tilespmem:s16+$0x10] =	vst v11;
	v4 =	vsel vm2, v22, v18;
	vm6 =	vlt.f32 v31, v7;
	vm0 =	vmand vm4, vm7  }
0x341: {  	[tilespmem:s16+$0x20] =	vst v12;
	v3 =	vmin.u32 v3, $0x30D3;
	vm2 =	vmand vm5, vm10;
	v4 =	vmin.u32 v4, $0x30D3  }
0x342: {  	vm8 =	vlt.f32 v33, v6;
	v5 =	vsel vm0, v24, v19;
	[tilespmem:s9+$0xFFFFFFC0] =	vst v3;
	vm0 =	vmand vm6, vm11  }
0x343: {  	v3 =	vsel vm2, v26, v13;
	[tilespmem:s9+$0xFFFFFFD0] =	vst v4;
	vm9 =	vlt.f32 v34, v8;
	v5 =	vmin.u32 v5, $0x30D3  }
0x344: {  	vm2 =	vmand vm8, vm12;
	v4 =	vsel vm0, v28, v20;
	v3 =	vmin.u32 v3, $0x30D3;
	[tilespmem:s9+$0xFFFFFFE0] =	vst v5  }
0x345: {  	vm0 =	vmand vm9, vm1;
	v5 =	vsel vm2, v30, v15;
	v4 =	vmin.u32 v4, $0x30D3;
	[tilespmem:s9+$0xFFFFFFF0] =	vst v3  }
0x346: {  	v3 =	vsel vm0, v32, v16;
	v5 =	vmin.u32 v5, $0x30D3;
	[tilespmem:s9+$0x0] =	vst v4  }
0x347: {  	v3 =	vmin.u32 v3, $0x30D3;
	[tilespmem:s9+$0x10] =	vst v5  }
0x348: {  	s0 =	simm.s32 $0x38D8;
	[tilespmem:s9+$0x20] =	vst v3  }
0x349: {  	[tilespmem:s25], [sflag:$0x1] =	stream.indirect.gather [hbm4b:s1+s23], $0x10, s0, s23, $0xb8;
	[tilespmem:$0x180E8] =	vst v63  }
0x34a: {  	s29 =	simm.s32 $0x3958;
	s3 =	simm.s32 $0x48D8  }
0x34b: {  	[tilespmem:s3], [sflag:$0x1] =	stream.indirect.gather [hbm4b:s1+s23], $0x10, s29, s23, $0xb8;
	[tilespmem:$0x180E8] =	vst v63  }
0x34c: {  	s30 =	simm.s32 $0x39D8;
	s31 =	simm.s32 $0x50D8  }
0x34d: {  	[tilespmem:s31], [sflag:$0x1] =	stream.indirect.gather [hbm4b:s1+s23], $0x10, s30, s23, $0xb8;
	[tilespmem:$0x180E8] =	vst v63  }
0x34e: {  	s4 =	simm.s32 $0x3A58;
	s6 =	simm.s32 $0x58D8  }
0x34f: {  	[tilespmem:s6], [sflag:$0x1] =	stream.indirect.gather [hbm4b:s1+s23], $0x10, s4, s23, $0xb8;
	[tilespmem:$0x180E8] =	vst v63  }
0x350: {  	s7 =	simm.s32 $0x3AD8;
	s8 =	simm.s32 $0x60D8  }
0x351: {  	[tilespmem:s8], [sflag:$0x1] =	stream.indirect.gather [hbm4b:s1+s23], $0x10, s7, s23, $0xb8;
	[tilespmem:$0x180E8] =	vst v63  }
0x352: {  	s10 =	simm.s32 $0x68D8;
	s9 =	simm.s32 $0x3B58  }
0x353: {  	[tilespmem:s10], [sflag:$0x1] =	stream.indirect.gather [hbm4b:s1+s23], $0x10, s9, s23, $0xb8;
	[tilespmem:$0x180E8] =	vst v63  }
0x354: {  	s11 =	simm.s32 $0x3BD8;
	s16 =	simm.s32 $0x70D8  }
0x355: {  	[tilespmem:s16], [sflag:$0x1] =	stream.indirect.gather [hbm4b:s1+s23], $0x10, s11, s23, $0xb8;
	[tilespmem:$0x180E8] =	vst v63  }
0x356: {  	s19 =	simm.s32 $0x3C58;
	s20 =	simm.s32 $0x78D8  }
0x357: {  	[tilespmem:s20], [sflag:$0x1] =	stream.indirect.gather [hbm4b:s1+s23], $0x10, s19, s23, $0xb8;
	[tilespmem:$0x180E8] =	vst v63  }
0x358: {  	s21 =	simm.s32 $0x3CD8;
	s24 =	simm.s32 $0x80D8  }
0x359: {  	[tilespmem:s24], [sflag:$0x1] =	stream.indirect.gather [hbm4b:s1+s23], $0x10, s21, s23, $0xb8;
	[tilespmem:$0x180E8] =	vst v63  }
0x35a: {  	s28 =	simm.s32 $0x3D58;
	s29 =	simm.s32 $0x88D8  }
0x35b: {  	[tilespmem:s29], [sflag:$0x1] =	stream.indirect.gather [hbm4b:s1+s23], $0x10, s28, s23, $0xb8;
	[tilespmem:$0x180E8] =	vst v63  }
0x35c: {  	s30 =	simm.s32 $0x3DD8;
	s31 =	simm.s32 $0x90D8  }
0x35d: {  	[tilespmem:s31], [sflag:$0x1] =	stream.indirect.gather [hbm4b:s1+s23], $0x10, s30, s23, $0xb8;
	[tilespmem:$0x180E8] =	vst v63  }
0x35e: {  	s3 =	simm.s32 $0x3E58;
	s4 =	simm.s32 $0x98D8  }
0x35f: {  	[tilespmem:s4], [sflag:$0x1] =	stream.indirect.gather [hbm4b:s1+s23], $0x10, s3, s23, $0xb8;
	[tilespmem:$0x180E8] =	vst v63  }
0x360: {  	s6 =	simm.s32 $0x3ED8;
	s7 =	simm.s32 $0xA0D8  }
0x361: {  	[tilespmem:s7], [sflag:$0x1] =	stream.indirect.gather [hbm4b:s1+s23], $0x10, s6, s23, $0xb8;
	[tilespmem:$0x180E8] =	vst v63  }
0x362: {  	s8 =	simm.s32 $0x3F58;
	s9 =	simm.s32 $0xA8D8  }
0x363: {  	[tilespmem:s9], [sflag:$0x1] =	stream.indirect.gather [hbm4b:s1+s23], $0x10, s8, s23, $0xb8;
	[tilespmem:$0x180E8] =	vst v63  }
0x364: {  	s10 =	simm.s32 $0x3FD8;
	s11 =	simm.s32 $0xB0D8  }
0x365: {  	[tilespmem:s11], [sflag:$0x1] =	stream.indirect.gather [hbm4b:s1+s23], $0x10, s10, s23, $0xb8;
	[tilespmem:$0x180E8] =	vst v63  }
0x366: {  	s16 =	simm.s32 $0x4058;
	s19 =	simm.s32 $0xB8D8  }
0x367: {  	[tilespmem:s19], [sflag:$0x1] =	stream.indirect.gather [hbm4b:s1+s23], $0x10, s16, s23, $0xb8;
	[tilespmem:$0x180E8] =	vst v63  }
0x368: {  	_ =	swait.ge [sflag:s22], $0x800  }
0x369: {  	[sflag:s22] =	ssyncset.done $0x0  }
0x36a: {  	[sflag:s22] =	ssyncadd.s32 $0xFFFFF800  }
0x36b: {  	_ =	swait.ge [sflag:s22], $0x800  }
0x36c: {  	[sflag:s22] =	ssyncset.done $0x0  }
0x36d: {  	[sflag:s22] =	ssyncadd.s32 $0xFFFFF800  }
0x36e: {  	_ =	swait.ge [sflag:s22], $0x800  }
0x36f: {  	[sflag:s22] =	ssyncset.done $0x0  }
0x370: {  	[sflag:s22] =	ssyncadd.s32 $0xFFFFF800  }
0x371: {  	_ =	swait.ge [sflag:s22], $0x800  }
0x372: {  	[sflag:s22] =	ssyncset.done $0x0  }
0x373: {  	[sflag:s22] =	ssyncadd.s32 $0xFFFFF800  }
0x374: {  	_ =	swait.ge [sflag:s22], $0x800  }
0x375: {  	[sflag:s22] =	ssyncset.done $0x0  }
0x376: {  	[sflag:s22] =	ssyncadd.s32 $0xFFFFF800  }
0x377: {  	_ =	swait.ge [sflag:s22], $0x800  }
0x378: {  	[sflag:s22] =	ssyncset.done $0x0  }
0x379: {  	[sflag:s22] =	ssyncadd.s32 $0xFFFFF800  }
0x37a: {  	_ =	swait.ge [sflag:s22], $0x800  }
0x37b: {  	[sflag:s22] =	ssyncset.done $0x0  }
0x37c: {  	[sflag:s22] =	ssyncadd.s32 $0xFFFFF800  }
0x37d: {  	_ =	swait.ge [sflag:s22], $0x800  }
0x37e: {  	[sflag:s22] =	ssyncset.done $0x0  }
0x37f: {  	[sflag:s22] =	ssyncadd.s32 $0xFFFFF800  }
0x380: {  	_ =	swait.ge [sflag:s22], $0x800  }
0x381: {  	[sflag:s22] =	ssyncset.done $0x0  }
0x382: {  	[sflag:s22] =	ssyncadd.s32 $0xFFFFF800  }
0x383: {  	_ =	swait.ge [sflag:s22], $0x800  }
0x384: {  	[sflag:s22] =	ssyncset.done $0x0  }
0x385: {  	[sflag:s22] =	ssyncadd.s32 $0xFFFFF800  }
0x386: {  	_ =	swait.ge [sflag:s22], $0x800  }
0x387: {  	[sflag:s22] =	ssyncset.done $0x0  }
0x388: {  	[sflag:s22] =	ssyncadd.s32 $0xFFFFF800  }
0x389: {  	_ =	swait.ge [sflag:s22], $0x800  }
0x38a: {  	[sflag:s22] =	ssyncset.done $0x0  }
0x38b: {  	[sflag:s22] =	ssyncadd.s32 $0xFFFFF800  }
0x38c: {  	_ =	swait.ge [sflag:s22], $0x800  }
0x38d: {  	[sflag:s22] =	ssyncset.done $0x0  }
0x38e: {  	[sflag:s22] =	ssyncadd.s32 $0xFFFFF800  }
0x38f: {  	s20 =	simm.s32 $0x60;
	_ =	swait.ge [sflag:s22], $0x800  }
0x390: {  	v3 =	vmov s20;
	[sflag:s22] =	ssyncset.done $0x0  }
0x391: {  	v3 =	vshll.u32 v3, $0x4;
	[sflag:s22] =	ssyncadd.s32 $0xFFFFF800  }
0x392: {  	v11 =	vor.u32 v2, v3;
	s4 =	simm.s32 $0x0;
	_ =	swait.ge [sflag:s22], $0x800  }
0x393: {  	v3 =	vor.u32 $0xF, v11;
	v6 =	vmov s4;
	[sflag:s22] =	ssyncset.done $0x0  }
0x394: {  	s21 =	simm.s32 $0x10;
	s24 =	simm.s32 $0x20;
	v6 =	vshll.u32 v6, $0x4;
	[sflag:s22] =	ssyncadd.s32 $0xFFFFF800  }
0x395: {  	v4 =	vmov s21;
	v5 =	vmov s24;
	v17 =	vor.u32 v2, v6;
	_ =	swait.ge [sflag:s22], $0x800  }
0x396: {  	s29 =	simm.s32 $0x40;
	v4 =	vshll.u32 v4, $0x4;
	v5 =	vshll.u32 v5, $0x4;
	v6 =	vor.u32 $0xF, v17;
	[sflag:s22] =	ssyncset.done $0x0  }
0x397: {  	v8 =	vmov s29;
	v18 =	vor.u32 v2, v4;
	v19 =	vor.u32 v2, v5;
	s30 =	simm.s32 $0x50;
	[sflag:s22] =	ssyncadd.s32 $0xFFFFF800  }
0x398: {  	v4 =	vshll.u32 v8, $0x4;
	v8 =	vor.u32 $0xF, v19;
	v9 =	vmov s30;
	s3 =	simm.s32 $0x3118;
	v12 =	vld.idx.msk [tilespmem:v3+s25+$0x0], $0xffff  }
0x399: {  	s28 =	simm.s32 $0x30;
	v5 =	vshll.u32 v9, $0x4;
	v10 =	vld [tilespmem:s3+$0x20]  }
0x39a: {  	v7 =	vmov s28;
	v22 =	vor.u32 v2, v5;
	v5 =	vld [tilespmem:s3+$0xFFFFFFE0]  }
0x39b: {  	v21 =	vor.u32 v2, v4;
	v3 =	vshll.u32 v7, $0x4;
	v7 =	vor.u32 $0xF, v18;
	v6 =	vld.idx.msk [tilespmem:v6+s25+$0x0], $0xffff  }
0x39c: {  	v13 =	vor.u32 $0xF, v21;
	v20 =	vor.u32 v2, v3;
	v3 =	vld [tilespmem:s3+$0xFFFFFFC0]  }
0x39d: {  	v8 =	vld.idx.msk [tilespmem:v8+s25+$0x0], $0xffff;
	v9 =	vor.u32 $0xF, v20  }
0x39e: {  	s31 =	simm.s32 $0x70  }
0x39f: {  	v15 =	vmov s31;
	v14 =	vor.u32 $0xF, v22;
	v4 =	vld [tilespmem:s3+$0xFFFFFFD0];
	vm0 =	vlt.f32 v12, v10  }
0x3a0: {  	v7 =	vld.idx.msk [tilespmem:v7+s25+$0x0], $0xffff;
	v12 =	vshll.u32 v15, $0x4;
	v15 =	vsel vm0, $0x10, v1  }
0x3a1: {  	v13 =	vld.idx.msk [tilespmem:v13+s25+$0x0], $0xffff;
	v23 =	vor.u32 v2, v12;
	vm0 =	vlt.f32 v6, v3;
	v16 =	vor.u32 $0x8, v15  }
0x3a2: {  	v12 =	vld.idx.msk [tilespmem:v9+s25+$0x0], $0xffff;
	v9 =	vor.u32 $0xF, v23;
	v25 =	vsel vm0, $0x10, v1;
	vm0 =	vlt.f32 v8, v5  }
0x3a3: {  	v6 =	vld [tilespmem:s3+$0xFFFFFFF0];
	v24 =	vmin.u32 v16, $0x10;
	v29 =	vsel vm0, $0x10, v1  }
0x3a4: {  	v14 =	vld.idx.msk [tilespmem:v14+s25+$0x0], $0xffff;
	v27 =	vor.u32 $0x8, v25;
	v24 =	vadd.s32 v24, v11;
	v57 =	vor.u32 $0x8, v29  }
0x3a5: {  	vm2 =	vlt.u32 v27, $0x11;
	v24 =	vadd.s32 $0xFFFFFFFF, v24;
	vm1 =	vlt.f32 v7, v4;
	v7 =	vld [tilespmem:s3+$0x0]  }
0x3a6: {  	v8 =	vld [tilespmem:s3+$0x10];
	v59 =	vmin.u32 v57, $0x10;
	vm5 =	vlt.u32 v57, $0x11;
	v26 =	vsel vm1, $0x10, v1  }
0x3a7: {  	v34 =	vadd.s32 v59, v19;
	v28 =	vor.u32 $0x8, v26;
	v30 =	vld.idx.msk [tilespmem:v9+s25+$0x0], $0xffff;
	v9 =	vmin.u32 v27, $0x10  }
0x3a8: {  	vm0 =	vlt.f32 v12, v6;
	v31 =	vmin.u32 v28, $0x10;
	v58 =	vadd.s32 v9, v17;
	v9 =	vld [tilespmem:s3+$0x30]  }
0x3a9: {  	v12 =	vadd.s32 $0xFFFFFFFF, v34;
	vm4 =	vlt.u32 v28, $0x11;
	v31 =	vadd.s32 v31, v18  }
0x3aa: {  	v33 =	vadd.s32 $0xFFFFFFFF, v58;
	v31 =	vadd.s32 $0xFFFFFFFF, v31;
	vm1 =	vlt.f32 v13, v7  }
0x3ab: {  	v24 =	vld.idx.msk [tilespmem:v24+s25+$0x0], $0xffff;
	v13 =	vsel vm0, $0x10, v1;
	vm0 =	vlt.f32 v14, v8;
	v60 =	vsel vm1, $0x10, v1  }
0x3ac: {  	v14 =	vor.u32 $0x8, v13;
	v62 =	vsel vm0, $0x10, v1;
	v61 =	vor.u32 $0x8, v60  }
0x3ad: {  	v37 =	vor.u32 $0x8, v62;
	vm12 =	vlt.u32 v14, $0x11;
	vm0 =	vlt.f32 v30, v9  }
0x3ae: {  	v30 =	vmin.u32 v14, $0x10;
	v46 =	vmin.u32 v61, $0x10;
	v47 =	vmin.u32 v37, $0x10  }
0x3af: {  	vm13 =	vlt.u32 v61, $0x11;
	vm14 =	vlt.u32 v37, $0x11;
	v63 =	vsel vm0, $0x10, v1  }
0x3b0: {  	v12 =	vld.idx.msk [tilespmem:v12+s25+$0x0], $0xffff;
	vm0 =	vlt.u32 v16, $0x11;
	v30 =	vadd.s32 v30, v20;
	vm1 =	vlt.f32 v24, v10  }
0x3b1: {  	v39 =	vadd.s32 v46, v21;
	v40 =	vadd.s32 v47, v22;
	v24 =	vld.idx.msk [tilespmem:v33+s25+$0x0], $0xffff;
	vm0 =	vmand vm1, vm0  }
0x3b2: {  	v45 =	vor.u32 $0x8, v63;
	v30 =	vadd.s32 $0xFFFFFFFF, v30;
	v15 =	vsel vm0, v16, v15  }
0x3b3: {  	v39 =	vadd.s32 $0xFFFFFFFF, v39;
	v40 =	vadd.s32 $0xFFFFFFFF, v40;
	v16 =	vld.idx.msk [tilespmem:v31+s25+$0x0], $0xffff;
	v48 =	vor.u32 $0x4, v15  }
0x3b4: {  	vm15 =	vlt.u32 v45, $0x11;
	v31 =	vmin.u32 v45, $0x10;
	v49 =	vmin.u32 v48, $0x10  }
0x3b5: {  	vm3 =	vlt.f32 v12, v5;
	v31 =	vadd.s32 v31, v23;
	v42 =	vadd.s32 $0xFFFFFFFF, v49  }
0x3b6: {  	v31 =	vadd.s32 $0xFFFFFFFF, v31;
	vm0 =	vlt.f32 v24, v3;
	v24 =	vand.u32 $0xFFFFFFF8, v42  }
0x3b7: {  	v12 =	vld.idx.msk [tilespmem:v30+s25+$0x0], $0xffff;
	v42 =	vand.u32 $0x7, v42;
	vm0 =	vmand vm0, vm2;
	v24 =	vadd.s32 v11, v24  }
0x3b8: {  	vm2 =	vmand vm3, vm5;
	vm1 =	vlt.f32 v16, v4;
	v16 =	vor.u32 v42, v24  }
0x3b9: {  	v25 =	vsel vm0, v27, v25;
	v27 =	vsel vm2, v57, v29;
	v24 =	vld.idx.msk [tilespmem:v39+s25+$0x0], $0xffff;
	vm1 =	vmand vm1, vm4  }
0x3ba: {  	vm2 =	vlt.u32 v48, $0x11;
	v32 =	vor.u32 $0x4, v27;
	v26 =	vsel vm1, v28, v26  }
0x3bb: {  	v30 =	vld.idx.msk [tilespmem:v40+s25+$0x0], $0xffff;
	v28 =	vor.u32 $0x4, v25;
	v52 =	vmin.u32 v32, $0x10;
	v29 =	vor.u32 $0x4, v26  }
0x3bc: {  	v31 =	vld.idx.msk [tilespmem:v31+s25+$0x0], $0xffff;
	v50 =	vmin.u32 v28, $0x10;
	vm0 =	vlt.f32 v12, v6;
	v51 =	vmin.u32 v29, $0x10  }
0x3bd: {  	v39 =	vadd.s32 $0xFFFFFFFF, v50;
	vm0 =	vmand vm0, vm12;
	v12 =	vadd.s32 $0xFFFFFFFF, v51;
	v16 =	vld.idx.msk [tilespmem:v16+s25+$0x0], $0xffff  }
0x3be: {  	v13 =	vsel vm0, v14, v13;
	vm1 =	vlt.f32 v24, v7;
	v24 =	vadd.s32 $0xFFFFFFFF, v52  }
0x3bf: {  	v53 =	vor.u32 $0x4, v13;
	v44 =	vand.u32 $0xFFFFFFF8, v12;
	v12 =	vand.u32 $0x7, v12  }
0x3c0: {  	vm0 =	vmand vm1, vm13;
	vm1 =	vlt.f32 v30, v8;
	v56 =	vmin.u32 v53, $0x10  }
0x3c1: {  	v44 =	vadd.s32 v18, v44;
	v14 =	vsel vm0, v61, v60;
	vm0 =	vlt.f32 v31, v9  }
0x3c2: {  	vm1 =	vmand vm1, vm14;
	v38 =	vadd.s32 $0xFFFFFFFF, v56;
	vm3 =	vlt.f32 v16, v10  }
0x3c3: {  	v12 =	vor.u32 v12, v44;
	vm0 =	vmand vm0, vm15;
	vm2 =	vmand vm3, vm2  }
0x3c4: {  	v34 =	vor.u32 $0x4, v14;
	v46 =	vand.u32 $0xFFFFFFF8, v38;
	v15 =	vsel vm2, v48, v15  }
0x3c5: {  	v38 =	vand.u32 $0x7, v38;
	v30 =	vsel vm0, v45, v63;
	v31 =	vor.u32 $0x2, v15  }
0x3c6: {  	v57 =	vmin.u32 v34, $0x10;
	v45 =	vand.u32 $0xFFFFFFF8, v24;
	v54 =	vmin.u32 v31, $0x10  }
0x3c7: {  	v24 =	vand.u32 $0x7, v24;
	v16 =	vsel vm1, v37, v62;
	v35 =	vadd.s32 $0xFFFFFFFF, v54  }
0x3c8: {  	v62 =	vand.u32 $0xFFFFFFF8, v39;
	v45 =	vadd.s32 v19, v45;
	v58 =	vand.u32 $0xFFFFFFF8, v35  }
0x3c9: {  	v24 =	vor.u32 v24, v45;
	v35 =	vand.u32 $0x7, v35;
	v41 =	vadd.s32 v11, v58  }
0x3ca: {  	v39 =	vand.u32 $0x7, v39;
	v42 =	vadd.s32 v17, v62;
	v35 =	vor.u32 v35, v41  }
0x3cb: {  	v46 =	vadd.s32 v20, v46;
	v36 =	vor.u32 $0x4, v16;
	v39 =	vor.u32 v39, v42  }
0x3cc: {  	vm12 =	vlt.u32 v34, $0x11;
	v55 =	vor.u32 $0x4, v30;
	v59 =	vmin.u32 v36, $0x10  }
0x3cd: {  	v40 =	vadd.s32 $0xFFFFFFFF, v57;
	v38 =	vor.u32 v38, v46;
	v12 =	vld.idx.msk [tilespmem:v12+s25+$0x0], $0xffff;
	v61 =	vadd.s32 $0xFFFFFFFF, v59  }
0x3ce: {  	v60 =	vmin.u32 v55, $0x10;
	v47 =	vand.u32 $0xFFFFFFF8, v40;
	v48 =	vand.u32 $0xFFFFFFF8, v61;
	v24 =	vld.idx.msk [tilespmem:v24+s25+$0x0], $0xffff  }
0x3cf: {  	v40 =	vand.u32 $0x7, v40;
	v63 =	vadd.s32 v22, v48;
	v41 =	vand.u32 $0x7, v61;
	v35 =	vld.idx.msk [tilespmem:v35+s25+$0x0], $0xffff  }
0x3d0: {  	vm3 =	vlt.u32 v53, $0x11;
	vm14 =	vlt.u32 v55, $0x11;
	v39 =	vld.idx.msk [tilespmem:v39+s25+$0x0], $0xffff;
	v41 =	vor.u32 v41, v63  }
0x3d1: {  	v43 =	vadd.s32 $0xFFFFFFFF, v60;
	v47 =	vadd.s32 v21, v47;
	vm2 =	vlt.u32 v32, $0x11  }
0x3d2: {  	vm13 =	vlt.u32 v36, $0x11;
	v49 =	vand.u32 $0xFFFFFFF8, v43;
	v40 =	vor.u32 v40, v47  }
0x3d3: {  	v43 =	vand.u32 $0x7, v43;
	vm0 =	vlt.u32 v31, $0x11;
	v48 =	vadd.s32 v23, v49;
	v38 =	vld.idx.msk [tilespmem:v38+s25+$0x0], $0xffff  }
0x3d4: {  	vm9 =	vlt.f32 v12, v4;
	vm10 =	vlt.f32 v24, v5;
	vm1 =	vlt.f32 v35, v10  }
0x3d5: {  	vm15 =	vlt.f32 v39, v3;
	v41 =	vld.idx.msk [tilespmem:v41+s25+$0x0], $0xffff;
	v35 =	vor.u32 v43, v48;
	vm0 =	vmand vm1, vm0  }
0x3d6: {  	vm1 =	vlt.u32 v28, $0x11;
	v15 =	vsel vm0, v31, v15;
	vm0 =	vlt.u32 v29, $0x11  }
0x3d7: {  	v40 =	vld.idx.msk [tilespmem:v40+s25+$0x0], $0xffff;
	vm1 =	vmand vm15, vm1;
	v31 =	vadd.s32 $0x1, v15;
	vm0 =	vmand vm9, vm0  }
0x3d8: {  	v24 =	vsel vm1, v28, v25;
	vm1 =	vlt.f32 v38, v6;
	v49 =	vmin.u32 v31, $0x10  }
0x3d9: {  	v25 =	vsel vm0, v29, v26;
	vm0 =	vmand vm10, vm2;
	v42 =	vadd.s32 $0xFFFFFFFF, v49  }
0x3da: {  	vm1 =	vmand vm1, vm3;
	vm2 =	vlt.f32 v41, v8;
	v50 =	vand.u32 $0xFFFFFFF8, v42  }
0x3db: {  	v28 =	vor.u32 $0x2, v24;
	v51 =	vand.u32 $0x7, v42;
	v11 =	vadd.s32 v11, v50  }
0x3dc: {  	v26 =	vsel vm0, v32, v27;
	vm0 =	vlt.f32 v40, v7;
	v11 =	vor.u32 v51, v11  }
0x3dd: {  	v27 =	vsel vm1, v53, v13;
	v29 =	vor.u32 $0x2, v25;
	vm0 =	vmand vm0, vm12  }
0x3de: {  	v12 =	vld.idx.msk [tilespmem:v35+s25+$0x0], $0xffff;
	v13 =	vmin.u32 v28, $0x10;
	v35 =	vor.u32 $0x2, v27;
	v32 =	vsel vm0, v34, v14  }
0x3df: {  	vm0 =	vmand vm2, vm13;
	v34 =	vor.u32 $0x2, v26;
	v14 =	vmin.u32 v29, $0x10  }
0x3e0: {  	vm3 =	vlt.u32 v35, $0x11;
	v33 =	vsel vm0, v36, v16;
	v37 =	vor.u32 $0x2, v32  }
0x3e1: {  	v16 =	vmin.u32 v34, $0x10;
	v14 =	vadd.s32 $0xFFFFFFFF, v14;
	v38 =	vor.u32 $0x2, v33;
	v11 =	vld.idx.msk [tilespmem:v11+s25+$0x0], $0xffff  }
0x3e2: {  	s9 =	simm.s32 $0x3918;
	v52 =	vmin.u32 v37, $0x10;
	v16 =	vadd.s32 $0xFFFFFFFF, v16;
	v53 =	vand.u32 $0xFFFFFFF8, v14  }
0x3e3: {  	v14 =	vand.u32 $0x7, v14;
	vm1 =	vlt.f32 v12, v9;
	v12 =	vld [tilespmem:s9+$0x20];
	v54 =	vand.u32 $0xFFFFFFF8, v16  }
0x3e4: {  	v41 =	vadd.s32 v18, v53;
	v16 =	vand.u32 $0x7, v16;
	vm0 =	vmand vm1, vm14  }
0x3e5: {  	v42 =	vadd.s32 v19, v54;
	v14 =	vor.u32 v14, v41;
	v36 =	vsel vm0, v55, v30  }
0x3e6: {  	v30 =	vmin.u32 v35, $0x10;
	vm0 =	vlt.u32 v15, $0x10;
	vm1 =	vlt.f32 v11, v10  }
0x3e7: {  	v16 =	vor.u32 v16, v42;
	v39 =	vor.u32 $0x2, v36;
	vm0 =	vmand vm1, vm0  }
0x3e8: {  	v12 =	vshll.u32 v12, $0x4;
	v10 =	vmin.u32 v38, $0x10;
	v15 =	vsel vm0, v31, v15  }
0x3e9: {  	v11 =	vadd.s32 $0xFFFFFFFF, v13;
	v13 =	vmin.u32 v39, $0x10;
	v12 =	vadd.s32 v12, v15  }
0x3ea: {  	v57 =	vld [tilespmem:s9+$0xFFFFFFE0];
	v31 =	vand.u32 $0xFFFFFFF8, v11;
	v11 =	vand.u32 $0x7, v11;
	vm0 =	vlt.s32 v12, $0x30D3F  }
0x3eb: {  	v62 =	vld [tilespmem:s9+$0x10];
	v40 =	vnsel vm0, $0x30D3F, v12;
	v12 =	vadd.s32 $0xFFFFFFFF, v13;
	v13 =	vadd.s32 v17, v31  }
0x3ec: {  	v60 =	vld [tilespmem:s9+$0x0];
	v10 =	vadd.s32 $0xFFFFFFFF, v10;
	v15 =	vadd.s32 $0xFFFFFFFF, v30;
	v11 =	vor.u32 v11, v13  }
0x3ed: {  	v59 =	vld [tilespmem:s9+$0xFFFFFFF0];
	v56 =	vand.u32 $0xFFFFFFF8, v10;
	v30 =	vadd.s32 $0xFFFFFFFF, v52;
	v13 =	vand.u32 $0xFFFFFFF8, v15  }
0x3ee: {  	v43 =	vld [tilespmem:s9+$0xFFFFFFD0];
	v55 =	vand.u32 $0xFFFFFFF8, v30;
	v15 =	vand.u32 $0x7, v15;
	v13 =	vadd.s32 v20, v13  }
0x3ef: {  	v30 =	vand.u32 $0x7, v30;
	v31 =	vld [tilespmem:s9+$0xFFFFFFC0];
	v61 =	vadd.s32 v21, v55;
	v15 =	vor.u32 v15, v13  }
0x3f0: {  	v53 =	vld.idx.msk [tilespmem:v14+s25+$0x0], $0xffff;
	v10 =	vand.u32 $0x7, v10;
	v30 =	vor.u32 v30, v61;
	v13 =	vadd.s32 v22, v56  }
0x3f1: {  	vm2 =	vlt.u32 v34, $0x11;
	v58 =	vand.u32 $0xFFFFFFF8, v12;
	v10 =	vor.u32 v10, v13;
	v11 =	vld.idx.msk [tilespmem:v11+s25+$0x0], $0xffff  }
0x3f2: {  	v63 =	vld [tilespmem:s9+$0x30];
	vm11 =	vlt.u32 v37, $0x11;
	v12 =	vand.u32 $0x7, v12;
	v52 =	vadd.s32 v23, v58  }
0x3f3: {  	vm12 =	vlt.u32 v38, $0x11;
	vm14 =	vlt.u32 v39, $0x11;
	v54 =	vld.idx.msk [tilespmem:v16+s25+$0x0], $0xffff;
	v45 =	vor.u32 v12, v52  }
0x3f4: {  	v14 =	vshll.u32 v43, $0x4;
	v16 =	vshll.u32 v57, $0x4;
	v13 =	vshll.u32 v31, $0x4;
	v31 =	vld.idx.msk [tilespmem:v15+s25+$0x0], $0xffff  }
0x3f5: {  	vm1 =	vlt.u32 v29, $0x11;
	vm15 =	vlt.f32 v53, v4;
	vm0 =	vlt.u32 v28, $0x11;
	v55 =	vld.idx.msk [tilespmem:v30+s25+$0x0], $0xffff  }
0x3f6: {  	v12 =	vshll.u32 v62, $0x4;
	v15 =	vshll.u32 v59, $0x4;
	v56 =	vld.idx.msk [tilespmem:v10+s25+$0x0], $0xffff;
	vm13 =	vlt.f32 v11, v3  }
0x3f7: {  	v10 =	vshll.u32 v63, $0x4;
	v11 =	vshll.u32 v60, $0x4;
	vm0 =	vmand vm13, vm0  }
0x3f8: {  	v57 =	vld.idx.msk [tilespmem:v45+s25+$0x0], $0xffff;
	v28 =	vsel vm0, v28, v24;
	vm0 =	vmand vm15, vm1;
	vm1 =	vlt.f32 v54, v5  }
0x3f9: {  	v29 =	vsel vm0, v29, v25;
	vm0 =	vmand vm1, vm2;
	vm1 =	vlt.f32 v31, v6  }
0x3fa: {  	v30 =	vsel vm0, v34, v26;
	vm0 =	vmand vm1, vm3;
	vm1 =	vlt.f32 v55, v7  }
0x3fb: {  	v31 =	vsel vm0, v35, v27;
	vm0 =	vmand vm1, vm11;
	vm1 =	vlt.f32 v56, v8  }
0x3fc: {  	v35 =	vadd.s32 $0x1, v28;
	v32 =	vsel vm0, v37, v32;
	vm0 =	vmand vm1, vm12  }
0x3fd: {  	vm1 =	vlt.f32 v57, v9;
	v37 =	vadd.s32 $0x1, v30;
	v26 =	vmin.u32 v35, $0x10  }
0x3fe: {  	v33 =	vsel vm0, v38, v33;
	vm0 =	vmand vm1, vm14;
	v38 =	vadd.s32 $0x1, v29  }
0x3ff: {  	v58 =	vmin.u32 v37, $0x10;
	v26 =	vadd.s32 $0xFFFFFFFF, v26;
	vm1 =	vlt.u32 v28, $0x10  }
0x400: {  	v24 =	vsel vm0, v39, v36;
	v39 =	vadd.s32 $0x1, v31;
	v36 =	vadd.s32 $0x1, v32  }
0x401: {  	v34 =	vadd.s32 $0x1, v33;
	v27 =	vmin.u32 v38, $0x10;
	v41 =	vadd.s32 $0xFFFFFFFF, v58  }
0x402: {  	v63 =	vand.u32 $0xFFFFFFF8, v26;
	vm0 =	vlt.u32 v29, $0x10;
	v25 =	vadd.s32 $0x1, v24  }
0x403: {  	v59 =	vmin.u32 v39, $0x10;
	v60 =	vmin.u32 v36, $0x10;
	v61 =	vmin.u32 v34, $0x10  }
0x404: {  	v27 =	vadd.s32 $0xFFFFFFFF, v27;
	v55 =	vand.u32 $0xFFFFFFF8, v41;
	v17 =	vadd.s32 v17, v63  }
0x405: {  	v62 =	vmin.u32 v25, $0x10;
	v42 =	vadd.s32 $0xFFFFFFFF, v59;
	v43 =	vadd.s32 $0xFFFFFFFF, v60  }
0x406: {  	v44 =	vadd.s32 $0xFFFFFFFF, v61;
	v54 =	vand.u32 $0xFFFFFFF8, v27;
	v19 =	vadd.s32 v19, v55  }
0x407: {  	v45 =	vadd.s32 $0xFFFFFFFF, v62;
	v56 =	vand.u32 $0xFFFFFFF8, v42;
	v50 =	vand.u32 $0xFFFFFFF8, v43  }
0x408: {  	v51 =	vand.u32 $0xFFFFFFF8, v44;
	v18 =	vadd.s32 v18, v54;
	v60 =	vand.u32 $0x7, v42  }
0x409: {  	v61 =	vand.u32 $0x7, v43;
	v62 =	vand.u32 $0x7, v44;
	v57 =	vand.u32 $0xFFFFFFF8, v45  }
0x40a: {  	v58 =	vadd.s32 v20, v56;
	v59 =	vadd.s32 v21, v50;
	v20 =	vand.u32 $0x7, v26  }
0x40b: {  	v21 =	vand.u32 $0x7, v27;
	v26 =	vadd.s32 v22, v51;
	v27 =	vand.u32 $0x7, v41  }
0x40c: {  	v63 =	vand.u32 $0x7, v45;
	v23 =	vadd.s32 v23, v57;
	v22 =	vor.u32 v20, v17  }
0x40d: {  	s19 =	simm.s32 $0xC118;
	v21 =	vor.u32 v21, v18;
	v20 =	vor.u32 v27, v19;
	v18 =	vor.u32 v60, v58  }
0x40e: {  	s20 =	simm.s32 $0x0;
	s21 =	simm.s32 $0xF0;
	s16 =	simm.s32 $0xC118;
	[tilespmem:s19+$0x20] =	vst v40;
	v19 =	vor.u32 v61, v59;
	v17 =	vor.u32 v62, v26;
	v26 =	vor.u32 v63, v23  }
.LBB2_5:
0x40f: {  	s0 =	sadd.s32 $0xFFFFFFA0, s21;
	s4 =	sadd.s32 $0xFFFFFFF0, s21;
	v23 =	vmov s21;
	s20 =	sadd.s32 $0x8, s20;
	vm3 =	vlt.u32 v30, $0x10;
	vm2 =	vlt.u32 v31, $0x10  }
0x410: {  	s6 =	sadd.s32 $0xFFFFFFC0, s21;
	v40 =	vmov s0;
	s0 =	sadd.s32 $0xFFFFFFB0, s21;
	v27 =	vmov s4;
	v41 =	vshll.u32 v23, $0x4;
	p1 =	slt.u32 s20, $0x78  }
0x411: {  	s4 =	sadd.s32 $0xFFFFFF90, s21;
	v42 =	vmov s6;
	s6 =	sadd.s32 $0xFFFFFFE0, s21;
	v23 =	vmov s0;
	s0 =	sadd.s32 $0xFFFFFFD0, s21;
	v27 =	vshll.u32 v27, $0x4;
	v43 =	vld.idx.msk [tilespmem:v22+s25+$0x0], $0xffff  }
0x412: {  	v22 =	vmov s4;
	v44 =	vmov s0;
	v27 =	vor.u32 v2, v27;
	v45 =	vld.idx.msk [tilespmem:v21+s25+$0x0], $0xffff  }
0x413: {  	v21 =	vshll.u32 v22, $0x4;
	v22 =	vmov s6;
	v46 =	vor.u32 $0xF, v27;
	v47 =	vld.idx.msk [tilespmem:v20+s25+$0x0], $0xffff  }
0x414: {  	v23 =	vshll.u32 v23, $0x4;
	v20 =	vshll.u32 v40, $0x4;
	v40 =	vshll.u32 v42, $0x4;
	v42 =	vld.idx.msk [tilespmem:v18+s25+$0x0], $0xffff  }
0x415: {  	v44 =	vshll.u32 v44, $0x4;
	v48 =	vshll.u32 v22, $0x4;
	v18 =	vor.u32 v2, v21;
	v49 =	vld.idx.msk [tilespmem:v19+s25+$0x0], $0xffff  }
0x416: {  	v22 =	vor.u32 v2, v20;
	v20 =	vor.u32 v2, v23;
	v21 =	vor.u32 v2, v40;
	v40 =	vld.idx.msk [tilespmem:v17+s25+$0x0], $0xffff  }
0x417: {  	v23 =	vor.u32 v2, v44;
	v19 =	vor.u32 v2, v48;
	v17 =	vor.u32 v2, v41;
	v41 =	vld.idx.msk [tilespmem:v26+s25+$0x0], $0xffff  }
0x418: {  	s3 =	sadd.s32 $0x80, s3;
	v44 =	vor.u32 $0xF, v18;
	v48 =	vor.u32 $0xF, v22;
	v50 =	vor.u32 $0xF, v20;
	v46 =	vld.idx.msk [tilespmem:v46+s25+$0x0], $0xffff  }
0x419: {  	v51 =	vor.u32 $0xF, v21;
	v52 =	vor.u32 $0xF, v23;
	v53 =	vor.u32 $0xF, v19;
	v26 =	vld [tilespmem:s3+$0x20]  }
0x41a: {  	vm4 =	vlt.f32 v43, v3;
	v54 =	vor.u32 $0xF, v17;
	vm5 =	vlt.f32 v45, v4;
	v3 =	vld [tilespmem:s3+$0xFFFFFFC0]  }
0x41b: {  	vm6 =	vlt.f32 v47, v5;
	vm7 =	vlt.f32 v42, v6;
	vm8 =	vlt.f32 v49, v7;
	v4 =	vld [tilespmem:s3+$0xFFFFFFD0]  }
0x41c: {  	vm9 =	vlt.u32 v32, $0x10;
	vm10 =	vlt.u32 v33, $0x10;
	vm11 =	vlt.f32 v40, v8;
	v5 =	vld [tilespmem:s3+$0xFFFFFFE0]  }
0x41d: {  	vm1 =	vmand vm4, vm1;
	vm4 =	vlt.u32 v24, $0x10;
	vm12 =	vlt.f32 v41, v9;
	v6 =	vld.idx.msk [tilespmem:v44+s25+$0x0], $0xffff  }
0x41e: {  	vm5 =	vmand vm5, vm0;
	vm3 =	vmand vm6, vm3;
	v7 =	vld.idx.msk [tilespmem:v48+s25+$0x0], $0xffff;
	vm13 =	vlt.f32 v46, v26  }
0x41f: {  	vm2 =	vmand vm7, vm2;
	vm6 =	vmand vm8, vm9;
	v8 =	vld.idx.msk [tilespmem:v50+s25+$0x0], $0xffff;
	v40 =	vsel vm13, $0x10, v1  }
0x420: {  	vm7 =	vmand vm11, vm10;
	vm0 =	vmand vm12, vm4;
	v41 =	vld.idx.msk [tilespmem:v51+s25+$0x0], $0xffff;
	v42 =	vor.u32 $0x8, v40  }
0x421: {  	v28 =	vsel vm1, v35, v28;
	v29 =	vsel vm5, v38, v29;
	v43 =	vld.idx.msk [tilespmem:v52+s25+$0x0], $0xffff;
	v9 =	vmin.u32 v42, $0x10  }
0x422: {  	v30 =	vsel vm3, v37, v30;
	v31 =	vsel vm2, v39, v31;
	v35 =	vld.idx.msk [tilespmem:v53+s25+$0x0], $0xffff;
	v9 =	vadd.s32 v9, v27  }
0x423: {  	v32 =	vsel vm6, v36, v32;
	vm1 =	vlt.f32 v6, v3;
	v37 =	vadd.s32 $0xFFFFFFFF, v9;
	v38 =	vld.idx.msk [tilespmem:v54+s25+$0x0], $0xffff  }
0x424: {  	v33 =	vsel vm7, v34, v33;
	v36 =	vsel vm1, $0x10, v1;
	vm1 =	vlt.f32 v7, v4;
	v6 =	vld [tilespmem:s3+$0xFFFFFFF0]  }
0x425: {  	v34 =	vor.u32 $0x8, v36;
	v39 =	vsel vm1, $0x10, v1;
	vm1 =	vlt.f32 v8, v5;
	v7 =	vld [tilespmem:s3+$0x0]  }
0x426: {  	v9 =	vmin.u32 v34, $0x10;
	v44 =	vor.u32 $0x8, v39;
	v45 =	vsel vm1, $0x10, v1;
	v8 =	vld [tilespmem:s3+$0x10]  }
0x427: {  	v46 =	vadd.s32 v9, v18;
	v47 =	vmin.u32 v44, $0x10;
	v48 =	vor.u32 $0x8, v45;
	v9 =	vld [tilespmem:s3+$0x30]  }
0x428: {  	v46 =	vadd.s32 $0xFFFFFFFF, v46;
	v47 =	vadd.s32 v47, v22;
	v49 =	vmin.u32 v48, $0x10;
	v37 =	vld.idx.msk [tilespmem:v37+s25+$0x0], $0xffff  }
0x429: {  	v47 =	vadd.s32 $0xFFFFFFFF, v47;
	v49 =	vadd.s32 v49, v20;
	vm1 =	vlt.f32 v41, v6  }
0x42a: {  	v41 =	vadd.s32 $0xFFFFFFFF, v49;
	v49 =	vsel vm1, $0x10, v1;
	vm1 =	vlt.f32 v43, v7  }
0x42b: {  	v43 =	vor.u32 $0x8, v49;
	v50 =	vsel vm1, $0x10, v1;
	vm1 =	vlt.f32 v35, v8  }
0x42c: {  	v51 =	vor.u32 $0x8, v50;
	v52 =	vsel vm1, $0x10, v1;
	vm1 =	vlt.f32 v38, v9  }
0x42d: {  	v38 =	vmin.u32 v43, $0x10;
	v35 =	vld.idx.msk [tilespmem:v46+s25+$0x0], $0xffff;
	v46 =	vor.u32 $0x8, v52;
	v53 =	vsel vm1, $0x10, v1  }
0x42e: {  	vm1 =	vlt.u32 v42, $0x11;
	vm2 =	vlt.f32 v37, v26;
	v47 =	vld.idx.msk [tilespmem:v47+s25+$0x0], $0xffff;
	v54 =	vor.u32 $0x8, v53  }
0x42f: {  	v55 =	vmin.u32 v46, $0x10;
	vm1 =	vmand vm2, vm1;
	v37 =	vld.idx.msk [tilespmem:v41+s25+$0x0], $0xffff;
	v41 =	vmin.u32 v51, $0x10  }
0x430: {  	v38 =	vadd.s32 v38, v21;
	v56 =	vsel vm1, v42, v40;
	v40 =	vmin.u32 v54, $0x10  }
0x431: {  	v42 =	vadd.s32 v55, v19;
	v41 =	vadd.s32 v41, v23;
	v55 =	vor.u32 $0x4, v56  }
0x432: {  	v38 =	vadd.s32 $0xFFFFFFFF, v38;
	v40 =	vadd.s32 v40, v17;
	v57 =	vmin.u32 v55, $0x10  }
0x433: {  	v42 =	vadd.s32 $0xFFFFFFFF, v42;
	v41 =	vadd.s32 $0xFFFFFFFF, v41;
	v57 =	vadd.s32 $0xFFFFFFFF, v57  }
0x434: {  	v40 =	vadd.s32 $0xFFFFFFFF, v40;
	vm4 =	vlt.f32 v35, v3;
	v35 =	vand.u32 $0xFFFFFFF8, v57  }
0x435: {  	vm5 =	vlt.f32 v47, v4;
	v47 =	vand.u32 $0x7, v57;
	v35 =	vadd.s32 v27, v35  }
0x436: {  	vm6 =	vlt.u32 v34, $0x11;
	vm7 =	vlt.f32 v37, v5;
	v47 =	vor.u32 v47, v35  }
0x437: {  	vm8 =	vlt.u32 v44, $0x11;
	vm9 =	vlt.u32 v48, $0x11;
	vm10 =	vlt.u32 v43, $0x11;
	v57 =	vld.idx.msk [tilespmem:v38+s25+$0x0], $0xffff  }
0x438: {  	vm3 =	vlt.u32 v51, $0x11;
	vm2 =	vlt.u32 v46, $0x11;
	vm1 =	vlt.u32 v54, $0x11;
	v41 =	vld.idx.msk [tilespmem:v41+s25+$0x0], $0xffff  }
0x439: {  	vm4 =	vmand vm4, vm6;
	vm5 =	vmand vm5, vm8;
	vm6 =	vmand vm7, vm9;
	v58 =	vld.idx.msk [tilespmem:v42+s25+$0x0], $0xffff  }
0x43a: {  	v37 =	vsel vm4, v34, v36;
	v36 =	vsel vm5, v44, v39;
	v35 =	vsel vm6, v48, v45;
	v34 =	vld.idx.msk [tilespmem:v40+s25+$0x0], $0xffff  }
0x43b: {  	v38 =	vor.u32 $0x4, v37;
	v39 =	vor.u32 $0x4, v35;
	v40 =	vor.u32 $0x4, v36;
	v44 =	vld.idx.msk [tilespmem:v47+s25+$0x0], $0xffff  }
0x43c: {  	v42 =	vmin.u32 v38, $0x10;
	v45 =	vmin.u32 v40, $0x10;
	v47 =	vmin.u32 v39, $0x10  }
0x43d: {  	v48 =	vadd.s32 $0xFFFFFFFF, v42;
	v45 =	vadd.s32 $0xFFFFFFFF, v45;
	vm4 =	vlt.f32 v57, v6  }
0x43e: {  	v57 =	vadd.s32 $0xFFFFFFFF, v47;
	vm4 =	vmand vm4, vm10;
	vm5 =	vlt.f32 v41, v7  }
0x43f: {  	v42 =	vsel vm4, v43, v49;
	vm3 =	vmand vm5, vm3;
	vm4 =	vlt.f32 v58, v8  }
0x440: {  	v43 =	vsel vm3, v51, v50;
	vm2 =	vmand vm4, vm2;
	vm3 =	vlt.f32 v34, v9  }
0x441: {  	vm4 =	vlt.u32 v55, $0x11;
	vm5 =	vlt.f32 v44, v26;
	vm1 =	vmand vm3, vm1  }
0x442: {  	v44 =	vsel vm2, v46, v52;
	vm2 =	vmand vm5, vm4;
	v41 =	vsel vm1, v54, v53  }
0x443: {  	v49 =	vor.u32 $0x4, v42;
	v50 =	vor.u32 $0x4, v43;
	v34 =	vsel vm2, v55, v56  }
0x444: {  	v47 =	vor.u32 $0x4, v44;
	v46 =	vor.u32 $0x4, v41;
	v51 =	vor.u32 $0x2, v34  }
0x445: {  	v52 =	vmin.u32 v49, $0x10;
	v53 =	vmin.u32 v50, $0x10;
	v54 =	vmin.u32 v51, $0x10  }
0x446: {  	v55 =	vmin.u32 v47, $0x10;
	v56 =	vmin.u32 v46, $0x10;
	v54 =	vadd.s32 $0xFFFFFFFF, v54  }
0x447: {  	v52 =	vadd.s32 $0xFFFFFFFF, v52;
	v53 =	vadd.s32 $0xFFFFFFFF, v53;
	v58 =	vand.u32 $0xFFFFFFF8, v54  }
0x448: {  	v55 =	vadd.s32 $0xFFFFFFFF, v55;
	v54 =	vand.u32 $0x7, v54;
	v58 =	vadd.s32 v27, v58  }
0x449: {  	v59 =	vand.u32 $0xFFFFFFF8, v48;
	v56 =	vadd.s32 $0xFFFFFFFF, v56;
	v54 =	vor.u32 v54, v58  }
0x44a: {  	v60 =	vand.u32 $0xFFFFFFF8, v57;
	v61 =	vand.u32 $0xFFFFFFF8, v52;
	v58 =	vand.u32 $0xFFFFFFF8, v45  }
0x44b: {  	v62 =	vand.u32 $0xFFFFFFF8, v53;
	v63 =	vand.u32 $0xFFFFFFF8, v55;
	v0 =	vand.u32 $0xFFFFFFF8, v56  }
0x44c: {  	v59 =	vadd.s32 v18, v59;
	v60 =	vadd.s32 v20, v60;
	v58 =	vadd.s32 v22, v58  }
0x44d: {  	v61 =	vadd.s32 v21, v61;
	v62 =	vadd.s32 v23, v62;
	v63 =	vadd.s32 v19, v63  }
0x44e: {  	v48 =	vand.u32 $0x7, v48;
	v57 =	vand.u32 $0x7, v57;
	v45 =	vand.u32 $0x7, v45;
	v54 =	vld.idx.msk [tilespmem:v54+s25+$0x0], $0xffff  }
0x44f: {  	v52 =	vand.u32 $0x7, v52;
	v53 =	vand.u32 $0x7, v53;
	v55 =	vand.u32 $0x7, v55  }
0x450: {  	v48 =	vor.u32 v48, v59;
	v56 =	vand.u32 $0x7, v56;
	v0 =	vadd.s32 v17, v0  }
0x451: {  	v57 =	vor.u32 v57, v60;
	v52 =	vor.u32 v52, v61;
	v45 =	vor.u32 v45, v58  }
0x452: {  	v53 =	vor.u32 v53, v62;
	v55 =	vor.u32 v55, v63;
	v0 =	vor.u32 v56, v0  }
0x453: {  	vm7 =	vlt.u32 v38, $0x11;
	vm6 =	vlt.u32 v40, $0x11;
	vm5 =	vlt.u32 v39, $0x11  }
0x454: {  	vm3 =	vlt.u32 v49, $0x11;
	vm1 =	vlt.u32 v51, $0x11;
	vm8 =	vlt.f32 v54, v26  }
0x455: {  	vm4 =	vlt.u32 v50, $0x11;
	vm2 =	vlt.u32 v47, $0x11;
	vm1 =	vmand vm8, vm1;
	v48 =	vld.idx.msk [tilespmem:v48+s25+$0x0], $0xffff  }
0x456: {  	v54 =	vsel vm0, v25, v24;
	v51 =	vsel vm1, v51, v34;
	vm1 =	vlt.u32 v46, $0x11;
	v45 =	vld.idx.msk [tilespmem:v45+s25+$0x0], $0xffff  }
0x457: {  	v24 =	vadd.s32 v14, v29;
	v34 =	vadd.s32 v13, v28;
	v56 =	vld.idx.msk [tilespmem:v57+s25+$0x0], $0xffff;
	v57 =	vadd.s32 $0x1, v51  }
0x458: {  	v30 =	vadd.s32 v16, v30;
	v31 =	vadd.s32 v15, v31;
	v13 =	vld.idx.msk [tilespmem:v52+s25+$0x0], $0xffff;
	v14 =	vmin.u32 v57, $0x10  }
0x459: {  	v25 =	vadd.s32 v11, v32;
	v28 =	vadd.s32 v12, v33;
	v15 =	vld.idx.msk [tilespmem:v53+s25+$0x0], $0xffff;
	v14 =	vadd.s32 $0xFFFFFFFF, v14  }
0x45a: {  	v29 =	vadd.s32 v10, v54;
	vm0 =	vlt.s32 v34, $0x30D3F;
	v11 =	vld.idx.msk [tilespmem:v55+s25+$0x0], $0xffff;
	v12 =	vand.u32 $0xFFFFFFF8, v14  }
0x45b: {  	vm8 =	vlt.f32 v48, v3;
	v10 =	vand.u32 $0x7, v14;
	v12 =	vadd.s32 v27, v12;
	v0 =	vld.idx.msk [tilespmem:v0+s25+$0x0], $0xffff  }
0x45c: {  	vm7 =	vmand vm8, vm7;
	vm8 =	vlt.f32 v45, v4;
	v10 =	vor.u32 v10, v12  }
0x45d: {  	v38 =	vsel vm7, v38, v37;
	vm6 =	vmand vm8, vm6;
	vm7 =	vlt.f32 v56, v5  }
0x45e: {  	v37 =	vsel vm6, v40, v36;
	vm5 =	vmand vm7, vm5;
	vm6 =	vlt.f32 v13, v6  }
0x45f: {  	v35 =	vsel vm5, v39, v35;
	vm3 =	vmand vm6, vm3;
	vm5 =	vlt.f32 v15, v7  }
0x460: {  	v32 =	vsel vm3, v49, v42;
	vm3 =	vmand vm5, vm4;
	vm4 =	vlt.f32 v11, v8  }
0x461: {  	v27 =	vsel vm3, v50, v43;
	vm2 =	vmand vm4, vm2;
	vm3 =	vlt.f32 v0, v9;
	v10 =	vld.idx.msk [tilespmem:v10+s25+$0x0], $0xffff  }
0x462: {  	v45 =	vor.u32 $0x2, v38;
	v33 =	vsel vm2, v47, v44;
	vm1 =	vmand vm3, vm1  }
0x463: {  	s9 =	sadd.s32 $0x80, s9;
	v43 =	vor.u32 $0x2, v35;
	v44 =	vor.u32 $0x2, v37;
	v36 =	vsel vm1, v46, v41  }
0x464: {  	v42 =	vor.u32 $0x2, v32;
	v41 =	vor.u32 $0x2, v27;
	v39 =	vor.u32 $0x2, v33;
	v0 =	vld [tilespmem:s9+$0x20]  }
0x465: {  	v12 =	vmin.u32 v45, $0x10;
	v13 =	vmin.u32 v44, $0x10;
	v40 =	vor.u32 $0x2, v36;
	v11 =	vld [tilespmem:s9+$0xFFFFFFC0]  }
0x466: {  	v15 =	vmin.u32 v43, $0x10;
	v16 =	vmin.u32 v42, $0x10;
	v46 =	vmin.u32 v41, $0x10;
	v14 =	vld [tilespmem:s9+$0xFFFFFFD0]  }
0x467: {  	vm1 =	vlt.u32 v51, $0x10;
	v48 =	vmin.u32 v39, $0x10;
	vm2 =	vlt.f32 v10, v26;
	v47 =	vld [tilespmem:s9+$0xFFFFFFE0]  }
0x468: {  	v10 =	vadd.s32 $0xFFFFFFFF, v12;
	v26 =	vmin.u32 v40, $0x10;
	vm1 =	vmand vm2, vm1;
	v12 =	vld [tilespmem:s9+$0xFFFFFFF0]  }
0x469: {  	v13 =	vadd.s32 $0xFFFFFFFF, v13;
	v50 =	vsel vm1, v57, v51;
	v49 =	vld [tilespmem:s9+$0x0];
	v0 =	vshll.u32 v0, $0x4  }
0x46a: {  	v15 =	vadd.s32 $0xFFFFFFFF, v15;
	v16 =	vadd.s32 $0xFFFFFFFF, v16;
	v51 =	vld [tilespmem:s9+$0x10];
	v0 =	vadd.s32 v0, v50  }
0x46b: {  	v46 =	vadd.s32 $0xFFFFFFFF, v46;
	v48 =	vadd.s32 $0xFFFFFFFF, v48;
	vm1 =	vlt.s32 v0, $0x30D3F;
	v50 =	vld [tilespmem:s9+$0x30]  }
0x46c: {  	s19 =	sadd.s32 $0x80, s19;
	v52 =	vand.u32 $0xFFFFFFF8, v10;
	v26 =	vadd.s32 $0xFFFFFFFF, v26;
	v0 =	vnsel vm1, $0x30D3F, v0  }
0x46d: {  	v54 =	vand.u32 $0xFFFFFFF8, v15;
	v55 =	vand.u32 $0xFFFFFFF8, v16;
	v53 =	vand.u32 $0xFFFFFFF8, v13;
	[tilespmem:s19+$0x20] =	vst v0  }
0x46e: {  	v56 =	vand.u32 $0xFFFFFFF8, v48;
	v57 =	vand.u32 $0xFFFFFFF8, v26;
	v0 =	vand.u32 $0xFFFFFFF8, v46  }
0x46f: {  	v54 =	vadd.s32 v20, v54;
	v53 =	vadd.s32 v22, v53;
	v52 =	vadd.s32 v18, v52  }
0x470: {  	v55 =	vadd.s32 v21, v55;
	v56 =	vadd.s32 v19, v56;
	v0 =	vadd.s32 v23, v0  }
0x471: {  	v15 =	vand.u32 $0x7, v15;
	v13 =	vand.u32 $0x7, v13;
	v10 =	vand.u32 $0x7, v10  }
0x472: {  	v16 =	vand.u32 $0x7, v16;
	v48 =	vand.u32 $0x7, v48;
	v46 =	vand.u32 $0x7, v46  }
0x473: {  	v26 =	vand.u32 $0x7, v26;
	v10 =	vor.u32 v10, v52;
	v52 =	vadd.s32 v17, v57  }
0x474: {  	v54 =	vor.u32 v15, v54;
	v55 =	vor.u32 v16, v55;
	v53 =	vor.u32 v13, v53  }
0x475: {  	v26 =	vor.u32 v26, v52;
	v0 =	vor.u32 v46, v0;
	v46 =	vor.u32 v48, v56  }
0x476: {  	vm7 =	vlt.u32 v45, $0x11;
	vm5 =	vlt.u32 v43, $0x11;
	vm6 =	vlt.u32 v44, $0x11  }
0x477: {  	vm4 =	vlt.u32 v42, $0x11;
	vm3 =	vlt.u32 v41, $0x11;
	vm1 =	vlt.u32 v39, $0x11  }
0x478: {  	vm2 =	vlt.u32 v40, $0x11;
	v13 =	vshll.u32 v11, $0x4;
	v14 =	vshll.u32 v14, $0x4;
	v48 =	vld.idx.msk [tilespmem:v10+s25+$0x0], $0xffff  }
0x479: {  	v16 =	vshll.u32 v47, $0x4;
	v15 =	vshll.u32 v12, $0x4;
	v11 =	vshll.u32 v49, $0x4;
	v52 =	vld.idx.msk [tilespmem:v53+s25+$0x0], $0xffff  }
0x47a: {  	vm8 =	vlt.s32 v24, $0x30D3F;
	v12 =	vshll.u32 v51, $0x4;
	v10 =	vshll.u32 v50, $0x4;
	v47 =	vld.idx.msk [tilespmem:v54+s25+$0x0], $0xffff  }
0x47b: {  	vm9 =	vlt.s32 v30, $0x30D3F;
	vm10 =	vlt.s32 v31, $0x30D3F;
	vm11 =	vlt.s32 v25, $0x30D3F;
	v49 =	vld.idx.msk [tilespmem:v55+s25+$0x0], $0xffff  }
0x47c: {  	vm12 =	vlt.s32 v29, $0x30D3F;
	v34 =	vnsel vm0, $0x30D3F, v34;
	vm0 =	vlt.s32 v28, $0x30D3F;
	v0 =	vld.idx.msk [tilespmem:v0+s25+$0x0], $0xffff  }
0x47d: {  	v30 =	vnsel vm9, $0x30D3F, v30;
	v31 =	vnsel vm10, $0x30D3F, v31;
	v24 =	vnsel vm8, $0x30D3F, v24;
	v46 =	vld.idx.msk [tilespmem:v46+s25+$0x0], $0xffff;
	[tilespmem:s16+$0xFFFFFFC0] =	vst v34  }
0x47e: {  	vm8 =	vlt.f32 v48, v3;
	v26 =	vld.idx.msk [tilespmem:v26+s25+$0x0], $0xffff;
	[tilespmem:s16+$0xFFFFFFD0] =	vst v24;
	v24 =	vnsel vm11, $0x30D3F, v25;
	v25 =	vnsel vm0, $0x30D3F, v28  }
0x47f: {  	v34 =	vnsel vm12, $0x30D3F, v29;
	vm0 =	vmand vm8, vm7;
	vm7 =	vlt.f32 v52, v4;
	[tilespmem:s16+$0xFFFFFFE0] =	vst v30  }
0x480: {  	v28 =	vsel vm0, v45, v38;
	vm0 =	vmand vm7, vm6;
	vm6 =	vlt.f32 v47, v5;
	[tilespmem:s16+$0xFFFFFFF0] =	vst v31  }
0x481: {  	v29 =	vsel vm0, v44, v37;
	vm0 =	vmand vm6, vm5;
	vm5 =	vlt.f32 v49, v6;
	[tilespmem:s16+$0x0] =	vst v24  }
0x482: {  	v30 =	vsel vm0, v43, v35;
	vm0 =	vmand vm5, vm4;
	vm4 =	vlt.f32 v0, v7;
	[tilespmem:s16+$0x10] =	vst v25  }
0x483: {  	v31 =	vsel vm0, v42, v32;
	vm0 =	vmand vm4, vm3;
	vm3 =	vlt.f32 v46, v8;
	[tilespmem:s16+$0x30] =	vst v34;
	s16 =	smov.u32 s19  }
0x484: {  	v32 =	vsel vm0, v41, v27;
	vm0 =	vmand vm3, vm1;
	vm1 =	vlt.f32 v26, v9  }
0x485: {  	v35 =	vadd.s32 $0x1, v28;
	v33 =	vsel vm0, v39, v33;
	vm0 =	vmand vm1, vm2  }
0x486: {  	v38 =	vadd.s32 $0x1, v29;
	v37 =	vadd.s32 $0x1, v30;
	v24 =	vsel vm0, v40, v36  }
0x487: {  	v39 =	vadd.s32 $0x1, v31;
	v36 =	vadd.s32 $0x1, v32;
	v34 =	vadd.s32 $0x1, v33  }
0x488: {  	v0 =	vmin.u32 v35, $0x10;
	v26 =	vmin.u32 v38, $0x10;
	v25 =	vadd.s32 $0x1, v24  }
0x489: {  	v27 =	vmin.u32 v37, $0x10;
	v40 =	vmin.u32 v39, $0x10;
	v41 =	vmin.u32 v36, $0x10  }
0x48a: {  	v0 =	vadd.s32 $0xFFFFFFFF, v0;
	v42 =	vmin.u32 v34, $0x10;
	v43 =	vmin.u32 v25, $0x10  }
0x48b: {  	v26 =	vadd.s32 $0xFFFFFFFF, v26;
	v27 =	vadd.s32 $0xFFFFFFFF, v27;
	v40 =	vadd.s32 $0xFFFFFFFF, v40  }
0x48c: {  	v41 =	vadd.s32 $0xFFFFFFFF, v41;
	v42 =	vadd.s32 $0xFFFFFFFF, v42;
	v43 =	vadd.s32 $0xFFFFFFFF, v43  }
0x48d: {  	v44 =	vand.u32 $0xFFFFFFF8, v0;
	v45 =	vand.u32 $0xFFFFFFF8, v26;
	v46 =	vand.u32 $0xFFFFFFF8, v27  }
0x48e: {  	v47 =	vand.u32 $0xFFFFFFF8, v40;
	v48 =	vand.u32 $0xFFFFFFF8, v41;
	v49 =	vand.u32 $0xFFFFFFF8, v42  }
0x48f: {  	v18 =	vadd.s32 v18, v44;
	v44 =	vadd.s32 v22, v45;
	v22 =	vand.u32 $0xFFFFFFF8, v43  }
0x490: {  	v20 =	vadd.s32 v20, v46;
	v45 =	vadd.s32 v21, v47;
	v23 =	vadd.s32 v23, v48  }
0x491: {  	v0 =	vand.u32 $0x7, v0;
	v21 =	vand.u32 $0x7, v26;
	v26 =	vadd.s32 v19, v49  }
.Ltmp1:
0x492: {  	v19 =	vand.u32 $0x7, v27;
	v27 =	vand.u32 $0x7, v40;
	v40 =	vand.u32 $0x7, v41;
	(pc) =	sbr.rel @p1 .LBB2_5-.Ltmp1, $4  }
0x493: {  	v41 =	vand.u32 $0x7, v42;
	v42 =	vand.u32 $0x7, v43;
	v43 =	vadd.s32 v17, v22  }
0x494: {  	v21 =	vor.u32 v21, v44;
	v22 =	vor.u32 v0, v18;
	v20 =	vor.u32 v19, v20  }
0x495: {  	v18 =	vor.u32 v27, v45;
	v19 =	vor.u32 v40, v23;
	v17 =	vor.u32 v41, v26  }
0x496: {  	s21 =	sadd.s32 $0x80, s21;
	vm1 =	vlt.u32 v28, $0x10;
	vm0 =	vlt.u32 v29, $0x10;
	v26 =	vor.u32 v42, v43  }
0x497: {  	_ =	sdelay $0x3  }
0x498: {  	v0 =	vld.idx.msk [tilespmem:v22+s25+$0x0], $0xffff  }
0x499: {  	v21 =	vld.idx.msk [tilespmem:v21+s25+$0x0], $0xffff  }
0x49a: {  	v20 =	vld.idx.msk [tilespmem:v20+s25+$0x0], $0xffff  }
0x49b: {  	v18 =	vld.idx.msk [tilespmem:v18+s25+$0x0], $0xffff  }
0x49c: {  	v19 =	vld.idx.msk [tilespmem:v19+s25+$0x0], $0xffff  }
0x49d: {  	v17 =	vld.idx.msk [tilespmem:v17+s25+$0x0], $0xffff  }
0x49e: {  	v22 =	vld.idx.msk [tilespmem:v26+s25+$0x0], $0xffff;
	_ =	sdelay $0x1  }
0x49f: {  	vm2 =	vlt.u32 v30, $0x10;
	vm3 =	vlt.u32 v31, $0x10  }
0x4a0: {  	vm9 =	vlt.u32 v32, $0x10;
	vm10 =	vlt.u32 v33, $0x10;
	vm4 =	vlt.f32 v0, v3  }
0x4a1: {  	vm5 =	vlt.f32 v21, v4;
	vm6 =	vlt.f32 v20, v5;
	vm7 =	vlt.f32 v18, v6  }
0x4a2: {  	vm8 =	vlt.f32 v19, v7;
	vm11 =	vlt.f32 v17, v8;
	vm12 =	vlt.f32 v22, v9  }
0x4a3: {  	vm1 =	vmand vm4, vm1;
	vm4 =	vlt.u32 v24, $0x10;
	vm0 =	vmand vm5, vm0  }
0x4a4: {  	vm2 =	vmand vm6, vm2;
	vm3 =	vmand vm7, vm3;
	vm14 =	vmand vm8, vm9  }
0x4a5: {  	vm15 =	vmand vm11, vm10;
	vm4 =	vmand vm12, vm4;
	v0 =	vsel vm1, v35, v28  }
0x4a6: {  	v3 =	vsel vm0, v38, v29;
	v4 =	vsel vm2, v37, v30;
	v5 =	vsel vm3, v39, v31  }
0x4a7: {  	v6 =	vsel vm14, v36, v32;
	v7 =	vsel vm15, v34, v33;
	v0 =	vadd.s32 v13, v0  }
0x4a8: {  	v8 =	vsel vm4, v25, v24;
	v4 =	vadd.s32 v16, v4;
	vm9 =	vlt.s32 v0, $0x30D3F  }
0x4a9: {  	v3 =	vadd.s32 v14, v3;
	vm11 =	vlt.s32 v4, $0x30D3F;
	v0 =	vnsel vm9, $0x30D3F, v0  }
0x4aa: {  	v5 =	vadd.s32 v15, v5;
	vm10 =	vlt.s32 v3, $0x30D3F;
	v4 =	vnsel vm11, $0x30D3F, v4;
	[tilespmem:s16+$0xFFFFFFC0] =	vst v0  }
0x4ab: {  	vm12 =	vlt.s32 v5, $0x30D3F;
	v0 =	vnsel vm10, $0x30D3F, v3;
	v3 =	vadd.s32 v11, v6;
	[tilespmem:s16+$0xFFFFFFE0] =	vst v4  }
0x4ac: {  	v5 =	vnsel vm12, $0x30D3F, v5;
	[tilespmem:s16+$0xFFFFFFD0] =	vst v0;
	v0 =	vadd.s32 v12, v7;
	vm13 =	vlt.s32 v3, $0x30D3F  }
0x4ad: {  	v4 =	vadd.s32 v10, v8;
	[tilespmem:s16+$0xFFFFFFF0] =	vst v5;
	vm14 =	vlt.s32 v0, $0x30D3F;
	v3 =	vnsel vm13, $0x30D3F, v3  }
0x4ae: {  	vm15 =	vlt.s32 v4, $0x30D3F;
	v0 =	vnsel vm14, $0x30D3F, v0;
	[tilespmem:s16+$0x0] =	vst v3  }
0x4af: {  	v3 =	vnsel vm15, $0x30D3F, v4;
	[tilespmem:s16+$0x10] =	vst v0  }
0x4b0: {  	s0 =	simm.s32 $0xC0D8;
	[tilespmem:s16+$0x30] =	vst v3  }
0x4b1: {  	[tilespmem:s26], [sflag:$0x1] =	stream.indirect.gather [hbm4b:s5+s23], $0x10, s0, s23, $0xb8;
	[tilespmem:$0x180E8] =	vst v63  }
0x4b2: {  	s24 =	simm.s32 $0xC158;
	s3 =	simm.s32 $0xD0D8  }
0x4b3: {  	[tilespmem:s3], [sflag:$0x1] =	stream.indirect.gather [hbm4b:s5+s23], $0x10, s24, s23, $0xb8;
	[tilespmem:$0x180E8] =	vst v63  }
0x4b4: {  	s4 =	simm.s32 $0xC1D8;
	s6 =	simm.s32 $0xD8D8  }
0x4b5: {  	[tilespmem:s6], [sflag:$0x1] =	stream.indirect.gather [hbm4b:s5+s23], $0x10, s4, s23, $0xb8;
	[tilespmem:$0x180E8] =	vst v63  }
0x4b6: {  	s7 =	simm.s32 $0xC258;
	s8 =	simm.s32 $0xE0D8  }
0x4b7: {  	[tilespmem:s8], [sflag:$0x1] =	stream.indirect.gather [hbm4b:s5+s23], $0x10, s7, s23, $0xb8;
	[tilespmem:$0x180E8] =	vst v63  }
0x4b8: {  	s9 =	simm.s32 $0xC2D8;
	s10 =	simm.s32 $0xE8D8  }
0x4b9: {  	[tilespmem:s10], [sflag:$0x1] =	stream.indirect.gather [hbm4b:s5+s23], $0x10, s9, s23, $0xb8;
	[tilespmem:$0x180E8] =	vst v63  }
0x4ba: {  	s11 =	simm.s32 $0xC358;
	s16 =	simm.s32 $0xF0D8  }
0x4bb: {  	[tilespmem:s16], [sflag:$0x1] =	stream.indirect.gather [hbm4b:s5+s23], $0x10, s11, s23, $0xb8;
	[tilespmem:$0x180E8] =	vst v63  }
0x4bc: {  	s19 =	simm.s32 $0xC3D8;
	s20 =	simm.s32 $0xF8D8  }
0x4bd: {  	[tilespmem:s20], [sflag:$0x1] =	stream.indirect.gather [hbm4b:s5+s23], $0x10, s19, s23, $0xb8;
	[tilespmem:$0x180E8] =	vst v63  }
0x4be: {  	s21 =	simm.s32 $0xC458;
	s24 =	simm.s32 $0x100D8  }
0x4bf: {  	[tilespmem:s24], [sflag:$0x1] =	stream.indirect.gather [hbm4b:s5+s23], $0x10, s21, s23, $0xb8;
	[tilespmem:$0x180E8] =	vst v63  }
0x4c0: {  	s4 =	simm.s32 $0xC4D8;
	s6 =	simm.s32 $0x108D8  }
0x4c1: {  	[tilespmem:s6], [sflag:$0x1] =	stream.indirect.gather [hbm4b:s5+s23], $0x10, s4, s23, $0xb8;
	[tilespmem:$0x180E8] =	vst v63  }
0x4c2: {  	s7 =	simm.s32 $0xC558;
	s8 =	simm.s32 $0x110D8  }
0x4c3: {  	[tilespmem:s8], [sflag:$0x1] =	stream.indirect.gather [hbm4b:s5+s23], $0x10, s7, s23, $0xb8;
	[tilespmem:$0x180E8] =	vst v63  }
0x4c4: {  	s9 =	simm.s32 $0xC5D8;
	s10 =	simm.s32 $0x118D8  }
0x4c5: {  	[tilespmem:s10], [sflag:$0x1] =	stream.indirect.gather [hbm4b:s5+s23], $0x10, s9, s23, $0xb8;
	[tilespmem:$0x180E8] =	vst v63  }
0x4c6: {  	s11 =	simm.s32 $0xC658;
	s16 =	simm.s32 $0x120D8  }
0x4c7: {  	[tilespmem:s16], [sflag:$0x1] =	stream.indirect.gather [hbm4b:s5+s23], $0x10, s11, s23, $0xb8;
	[tilespmem:$0x180E8] =	vst v63  }
0x4c8: {  	s19 =	simm.s32 $0xC6D8;
	s20 =	simm.s32 $0x128D8  }
0x4c9: {  	[tilespmem:s20], [sflag:$0x1] =	stream.indirect.gather [hbm4b:s5+s23], $0x10, s19, s23, $0xb8;
	[tilespmem:$0x180E8] =	vst v63  }
0x4ca: {  	s21 =	simm.s32 $0xC758;
	s24 =	simm.s32 $0x130D8  }
0x4cb: {  	[tilespmem:s24], [sflag:$0x1] =	stream.indirect.gather [hbm4b:s5+s23], $0x10, s21, s23, $0xb8;
	[tilespmem:$0x180E8] =	vst v63  }
0x4cc: {  	s3 =	simm.s32 $0xC7D8;
	s4 =	simm.s32 $0x138D8  }
0x4cd: {  	[tilespmem:s4], [sflag:$0x1] =	stream.indirect.gather [hbm4b:s5+s23], $0x10, s3, s23, $0xb8;
	[tilespmem:$0x180E8] =	vst v63  }
0x4ce: {  	s6 =	simm.s32 $0xC858;
	s7 =	simm.s32 $0x140D8  }
0x4cf: {  	[tilespmem:s7], [sflag:$0x1] =	stream.indirect.gather [hbm4b:s5+s23], $0x10, s6, s23, $0xb8;
	[tilespmem:$0x180E8] =	vst v63  }
0x4d0: {  	_ =	swait.ge [sflag:s22], $0x800  }
0x4d1: {  	[sflag:s22] =	ssyncset.done $0x0  }
0x4d2: {  	[sflag:s22] =	ssyncadd.s32 $0xFFFFF800  }
0x4d3: {  	_ =	swait.ge [sflag:s22], $0x800  }
0x4d4: {  	[sflag:s22] =	ssyncset.done $0x0  }
0x4d5: {  	[sflag:s22] =	ssyncadd.s32 $0xFFFFF800  }
0x4d6: {  	_ =	swait.ge [sflag:s22], $0x800  }
0x4d7: {  	[sflag:s22] =	ssyncset.done $0x0  }
0x4d8: {  	[sflag:s22] =	ssyncadd.s32 $0xFFFFF800  }
0x4d9: {  	_ =	swait.ge [sflag:s22], $0x800  }
0x4da: {  	[sflag:s22] =	ssyncset.done $0x0  }
0x4db: {  	[sflag:s22] =	ssyncadd.s32 $0xFFFFF800  }
0x4dc: {  	_ =	swait.ge [sflag:s22], $0x800  }
0x4dd: {  	[sflag:s22] =	ssyncset.done $0x0  }
0x4de: {  	[sflag:s22] =	ssyncadd.s32 $0xFFFFF800  }
0x4df: {  	_ =	swait.ge [sflag:s22], $0x800  }
0x4e0: {  	[sflag:s22] =	ssyncset.done $0x0  }
0x4e1: {  	[sflag:s22] =	ssyncadd.s32 $0xFFFFF800  }
0x4e2: {  	_ =	swait.ge [sflag:s22], $0x800  }
0x4e3: {  	[sflag:s22] =	ssyncset.done $0x0  }
0x4e4: {  	[sflag:s22] =	ssyncadd.s32 $0xFFFFF800  }
0x4e5: {  	_ =	swait.ge [sflag:s22], $0x800  }
0x4e6: {  	[sflag:s22] =	ssyncset.done $0x0  }
0x4e7: {  	[sflag:s22] =	ssyncadd.s32 $0xFFFFF800  }
0x4e8: {  	_ =	swait.ge [sflag:s22], $0x800  }
0x4e9: {  	[sflag:s22] =	ssyncset.done $0x0  }
0x4ea: {  	[sflag:s22] =	ssyncadd.s32 $0xFFFFF800  }
0x4eb: {  	_ =	swait.ge [sflag:s22], $0x800  }
0x4ec: {  	[sflag:s22] =	ssyncset.done $0x0  }
0x4ed: {  	[sflag:s22] =	ssyncadd.s32 $0xFFFFF800  }
0x4ee: {  	_ =	swait.ge [sflag:s22], $0x800  }
0x4ef: {  	[sflag:s22] =	ssyncset.done $0x0  }
0x4f0: {  	[sflag:s22] =	ssyncadd.s32 $0xFFFFF800  }
0x4f1: {  	_ =	swait.ge [sflag:s22], $0x800  }
0x4f2: {  	[sflag:s22] =	ssyncset.done $0x0  }
0x4f3: {  	[sflag:s22] =	ssyncadd.s32 $0xFFFFF800  }
0x4f4: {  	_ =	swait.ge [sflag:s22], $0x800  }
0x4f5: {  	[sflag:s22] =	ssyncset.done $0x0  }
0x4f6: {  	[sflag:s22] =	ssyncadd.s32 $0xFFFFF800  }
0x4f7: {  	_ =	swait.ge [sflag:s22], $0x800  }
0x4f8: {  	[sflag:s22] =	ssyncset.done $0x0  }
0x4f9: {  	[sflag:s22] =	ssyncadd.s32 $0xFFFFF800  }
0x4fa: {  	_ =	swait.ge [sflag:s22], $0x800  }
0x4fb: {  	[sflag:s22] =	ssyncset.done $0x0  }
0x4fc: {  	[sflag:s22] =	ssyncadd.s32 $0xFFFFF800  }
0x4fd: {  	s8 =	simm.s32 $0x0;
	_ =	swait.ge [sflag:s22], $0x800  }
0x4fe: {  	v0 =	vmov s8;
	[sflag:s22] =	ssyncset.done $0x0  }
0x4ff: {  	s9 =	simm.s32 $0x14918;
	v0 =	vshll.u32 v0, $0x4;
	[sflag:s22] =	ssyncadd.s32 $0xFFFFF800  }
0x500: {  	s10 =	simm.s32 $0x20;
	v0 =	vor.u32 v2, v0;
	v12 =	vld [tilespmem:s9+$0x0]  }
0x501: {  	v3 =	vmov s10;
	v17 =	vld [tilespmem:s9+$0x10]  }
0x502: {  	v3 =	vshll.u32 v3, $0x4;
	v13 =	vld [tilespmem:s9+$0xFFFFFFE0]  }
0x503: {  	v3 =	vor.u32 v2, v3;
	v23 =	vld [tilespmem:s9+$0xFFFFFFD0]  }
0x504: {  	s11 =	simm.s32 $0x40;
	v4 =	vor.u32 $0x4, v3;
	v19 =	vld [tilespmem:$0x180D8]  }
0x505: {  	v6 =	vor.u32 $0x4, v0;
	v5 =	vmov s11;
	v14 =	vld.idx.msk [tilespmem:v0+s26+$0x0], $0xffff  }
0x506: {  	v5 =	vshll.u32 v5, $0x4;
	v15 =	vld [tilespmem:s9+$0xFFFFFFC0]  }
0x507: {  	v5 =	vor.u32 v2, v5;
	v21 =	vld [tilespmem:s9+$0xFFFFFFF0]  }
0x508: {  	v7 =	vor.u32 $0x3, v3;
	v22 =	vld [tilespmem:s9+$0x30]  }
0x509: {  	v16 =	vld.idx.msk [tilespmem:v4+s26+$0x0], $0xffff  }
0x50a: {  	s16 =	simm.s32 $0x50;
	v10 =	vor.u32 $0x3, v0;
	v18 =	vld.idx.msk [tilespmem:v6+s26+$0x0], $0xffff  }
0x50b: {  	v8 =	vmov s16;
	v57 =	vor.u32 $0x4, v5;
	v24 =	vld.idx.msk [tilespmem:v3+s26+$0x0], $0xffff  }
0x50c: {  	v4 =	vshll.u32 v8, $0x4;
	v8 =	vor.u32 $0x2, v0;
	v26 =	vld.idx.msk [tilespmem:v5+s26+$0x0], $0xffff  }
0x50d: {  	v6 =	vld.idx.msk [tilespmem:v7+s26+$0x0], $0xffff;
	v0 =	vor.u32 $0x1, v0  }
0x50e: {  	s19 =	simm.s32 $0x10;
	v25 =	vld [tilespmem:s9+$0x20];
	v20 =	vor.u32 v2, v4;
	v4 =	vor.u32 $0x1, v3  }
0x50f: {  	v7 =	vmov s19;
	v11 =	vld.idx.msk [tilespmem:v10+s26+$0x0], $0xffff;
	v3 =	vor.u32 $0x2, v3  }
0x510: {  	v32 =	vld.idx.msk [tilespmem:v57+s26+$0x0], $0xffff;
	v7 =	vshll.u32 v7, $0x4;
	v9 =	vor.u32 $0x2, v20  }
0x511: {  	v28 =	vor.u32 v2, v7;
	v27 =	vld.idx.msk [tilespmem:v8+s26+$0x0], $0xffff  }
0x512: {  	s20 =	simm.s32 $0x30;
	v48 =	vor.u32 $0x4, v20;
	v0 =	vld.idx.msk [tilespmem:v0+s26+$0x0], $0xffff  }
0x513: {  	v31 =	vor.u32 $0x4, v28;
	v8 =	vmov s20;
	v29 =	vld.idx.msk [tilespmem:v4+s26+$0x0], $0xffff  }
0x514: {  	v4 =	vshll.u32 v8, $0x4;
	v8 =	vor.u32 $0x3, v5;
	v10 =	vld.idx.msk [tilespmem:v3+s26+$0x0], $0xffff  }
0x515: {  	v59 =	vor.u32 $0x3, v28;
	v7 =	vld.idx.msk [tilespmem:v9+s26+$0x0], $0xffff;
	v30 =	vor.u32 v2, v4;
	v4 =	vor.u32 $0x1, v5  }
0x516: {  	v61 =	vor.u32 $0x2, v28;
	v49 =	vmul.f32 v19, v18;
	v58 =	vld.idx.msk [tilespmem:v28+s26+$0x0], $0xffff;
	v28 =	vor.u32 $0x1, v28  }
0x517: {  	v39 =	vld.idx.msk [tilespmem:v48+s26+$0x0], $0xffff  }
0x518: {  	v15 =	vmul.f32 v49, v15;
	v31 =	vld.idx.msk [tilespmem:v31+s26+$0x0], $0xffff  }
0x519: {  	v9 =	vor.u32 $0x2, v30;
	v3 =	vld.idx.msk [tilespmem:v8+s26+$0x0], $0xffff  }
0x51a: {  	v14 =	vadd.f32 v15, v14;
	v60 =	vld.idx.msk [tilespmem:v4+s26+$0x0], $0xffff  }
0x51b: {  	s3 =	simm.s32 $0x16118;
	v62 =	vor.u32 $0x4, v30;
	v28 =	vld.idx.msk [tilespmem:v28+s26+$0x0], $0xffff  }
0x51c: {  	s21 =	simm.s32 $0x70;
	s9 =	simm.s32 $0x15118;
	v18 =	vor.u32 $0x1, v30;
	[tilespmem:s3+$0xFFFFFFC0] =	vst v14;
	v40 =	vld.idx.msk [tilespmem:v30+s26+$0x0], $0xffff  }
0x51d: {  	v43 =	vor.u32 $0x3, v20;
	v4 =	vmov s21;
	v45 =	vld [tilespmem:s9+$0xFFFFFFC0]  }
0x51e: {  	v8 =	vor.u32 $0x2, v5;
	v5 =	vld.idx.msk [tilespmem:v9+s26+$0x0], $0xffff;
	v4 =	vshll.u32 v4, $0x4  }
0x51f: {  	v32 =	vmul.f32 v32, v19;
	v9 =	vld.idx.msk [tilespmem:v61+s26+$0x0], $0xffff;
	v63 =	vor.u32 v2, v4  }
0x520: {  	v37 =	vld.idx.msk [tilespmem:v62+s26+$0x0], $0xffff;
	v47 =	vor.u32 $0x4, v63  }
0x521: {  	v14 =	vmul.f32 v32, v12;
	v44 =	vld.idx.msk [tilespmem:v18+s26+$0x0], $0xffff  }
0x522: {  	v18 =	vmul.f32 v16, v19;
	v16 =	vld.idx.msk [tilespmem:v43+s26+$0x0], $0xffff  }
0x523: {  	v26 =	vadd.f32 v14, v26;
	v4 =	vld.idx.msk [tilespmem:v59+s26+$0x0], $0xffff  }
0x524: {  	v30 =	vor.u32 $0x3, v30;
	v8 =	vld.idx.msk [tilespmem:v8+s26+$0x0], $0xffff  }
0x525: {  	v41 =	vor.u32 $0x3, v63;
	v13 =	vmul.f32 v18, v13;
	[tilespmem:s3+$0x0] =	vst v26;
	v34 =	vld.idx.msk [tilespmem:v47+s26+$0x0], $0xffff  }
0x526: {  	v53 =	vld [tilespmem:s9+$0x0]  }
0x527: {  	v15 =	vor.u32 $0x2, v63;
	v13 =	vadd.f32 v13, v24;
	v14 =	vmul.f32 v37, v19;
	v42 =	vld.idx.msk [tilespmem:v63+s26+$0x0], $0xffff  }
0x528: {  	v38 =	vor.u32 $0x1, v63;
	v26 =	vmul.f32 v45, v49;
	v47 =	vld.idx.msk [tilespmem:v20+s26+$0x0], $0xffff  }
0x529: {  	[tilespmem:s3+$0xFFFFFFE0] =	vst v13;
	v13 =	vld.idx.msk [tilespmem:v30+s26+$0x0], $0xffff;
	v52 =	vmul.f32 v14, v21;
	v21 =	vmul.f32 v39, v19  }
0x52a: {  	v46 =	vor.u32 $0x1, v20;
	v12 =	vld.idx.msk [tilespmem:v41+s26+$0x0], $0xffff;
	v20 =	vmul.f32 v34, v19  }
0x52b: {  	s24 =	simm.s32 $0x60;
	v0 =	vadd.f32 v26, v0;
	v26 =	vld [tilespmem:s9+$0xFFFFFFE0];
	v17 =	vmul.f32 v21, v17  }
0x52c: {  	s16 =	simm.s32 $0x16918;
	v50 =	vmov s24;
	v15 =	vld.idx.msk [tilespmem:v15+s26+$0x0], $0xffff;
	v51 =	vmul.f32 v20, v22;
	v22 =	vmul.f32 v31, v19  }
0x52d: {  	s19 =	simm.s32 $0x15918;
	v24 =	vld.idx.msk [tilespmem:v38+s26+$0x0], $0xffff;
	[tilespmem:s16+$0xFFFFFFC0] =	vst v0;
	v34 =	vshll.u32 v50, $0x4;
	v17 =	vadd.f32 v17, v47  }
0x52e: {  	v55 =	vld [tilespmem:s19+$0xFFFFFFC0];
	v34 =	vor.u32 v2, v34;
	v37 =	vadd.f32 v51, v42;
	v23 =	vmul.f32 v22, v23  }
0x52f: {  	v30 =	vadd.f32 v52, v40;
	v31 =	vld.idx.msk [tilespmem:v46+s26+$0x0], $0xffff;
	v54 =	vor.u32 $0x4, v34;
	[tilespmem:s3+$0x10] =	vst v17  }
0x530: {  	v26 =	vmul.f32 v26, v18;
	v59 =	vld [tilespmem:s9+$0x10];
	[tilespmem:s3+$0x30] =	vst v37;
	v0 =	vadd.f32 v23, v58  }
0x531: {  	[tilespmem:s3+$0xFFFFFFF0] =	vst v30;
	v30 =	vor.u32 $0x3, v34;
	v23 =	vld [tilespmem:s9+$0x30]  }
0x532: {  	v56 =	vmul.f32 v53, v32;
	v29 =	vadd.f32 v26, v29;
	[tilespmem:s3+$0xFFFFFFD0] =	vst v0;
	v0 =	vld [tilespmem:s9+$0xFFFFFFF0]  }
0x533: {  	v57 =	vld [tilespmem:s9+$0xFFFFFFD0]  }
0x534: {  	v35 =	vadd.f32 v56, v60;
	v33 =	vmul.f32 v55, v49;
	[tilespmem:s16+$0xFFFFFFE0] =	vst v29;
	v58 =	vor.u32 $0x2, v34;
	v38 =	vld.idx.msk [tilespmem:v54+s26+$0x0], $0xffff  }
0x535: {  	v60 =	vor.u32 $0x1, v34;
	v29 =	vld [tilespmem:s19+$0xFFFFFFE0]  }
0x536: {  	[tilespmem:s16+$0x0] =	vst v35;
	v27 =	vadd.f32 v33, v27;
	v17 =	vld.idx.msk [tilespmem:v30+s26+$0x0], $0xffff;
	v23 =	vmul.f32 v23, v20  }
0x537: {  	s20 =	simm.s32 $0x17118;
	v30 =	vld [tilespmem:s19+$0x0];
	v0 =	vmul.f32 v0, v14  }
0x538: {  	v26 =	vld.idx.msk [tilespmem:v34+s26+$0x0], $0xffff;
	[tilespmem:s20+$0xFFFFFFC0] =	vst v27;
	v61 =	vmul.f32 v57, v22;
	v62 =	vadd.f32 v23, v24  }
0x539: {  	s28 =	simm.s32 $0x16198;
	v63 =	vmul.f32 v59, v21;
	v23 =	vld.idx.msk [tilespmem:v58+s26+$0x0], $0xffff;
	v24 =	vmul.f32 v38, v19;
	v0 =	vadd.f32 v0, v44  }
0x53a: {  	s29 =	simm.s32 $0x14998;
	s30 =	simm.s32 $0x15998;
	s31 =	simm.s32 $0x16998;
	v27 =	vadd.f32 v61, v28;
	v28 =	vld.idx.msk [tilespmem:v60+s26+$0x0], $0xffff;
	[tilespmem:s16+$0x30] =	vst v62  }
0x53b: {  	s0 =	simm.s32 $0x15198;
	s10 =	simm.s32 $0xF0;
	s24 =	simm.s32 $0x0;
	v31 =	vadd.f32 v63, v31;
	v25 =	vmul.f32 v24, v25;
	[tilespmem:s16+$0xFFFFFFF0] =	vst v0;
	v19 =	vld [tilespmem:s19+$0x30]  }
0x53c: {  	s4 =	simm.s32 $0x17198;
	s6 =	simm.s32 $0x17998;
	s21 =	simm.s32 $0x17918;
	v30 =	vmul.f32 v30, v32;
	[tilespmem:s16+$0xFFFFFFD0] =	vst v27;
	v27 =	vld [tilespmem:s19+$0xFFFFFFF0]  }
.LBB2_7:
0x53d: {  	s7 =	sadd.s32 $0xFFFFFF90, s10;
	s8 =	sadd.s32 $0xFFFFFFB0, s10;
	s11 =	sadd.s32 $0xFFFFFFD0, s10;
	v0 =	vld [tilespmem:s19+$0xFFFFFFD0];
	[tilespmem:s16+$0x10] =	vst v31;
	v25 =	vadd.f32 v25, v26  }
0x53e: {  	s24 =	sadd.s32 $0x8, s24;
	v26 =	vmov s7;
	s7 =	sadd.s32 $0xFFFFFFA0, s10;
	v31 =	vmov s8;
	s8 =	sadd.s32 $0xFFFFFFF0, s10;
	[tilespmem:s21+$0xFFFFFFC0] =	vst v11;
	v11 =	vmul.f32 v29, v18;
	v18 =	vld [tilespmem:s19+$0x10]  }
0x53f: {  	v33 =	vmov s11;
	p1 =	slt.u32 s24, $0x78;
	v26 =	vshll.u32 v26, $0x4;
	v31 =	vshll.u32 v31, $0x4;
	v29 =	vld [tilespmem:s29+$0x0];
	[tilespmem:s3+$0x20] =	vst v25;
	s3 =	smov.u32 s28  }
0x540: {  	s11 =	sadd.s32 $0xFFFFFFC0, s10;
	v35 =	vor.u32 v2, v26;
	v36 =	vor.u32 v2, v31;
	v31 =	vld [tilespmem:s9+$0x20];
	v34 =	vmul.f32 v19, v20;
	s9 =	smov.u32 s0  }
0x541: {  	v10 =	vadd.f32 v11, v10;
	v37 =	vor.u32 $0x4, v35;
	v38 =	vor.u32 $0x3, v36;
	v25 =	vld [tilespmem:s29+$0x10]  }
0x542: {  	v39 =	vshll.u32 v33, $0x4;
	v11 =	vmov s11;
	s11 =	sadd.s32 $0xFFFFFFE0, s10;
	v32 =	vld [tilespmem:s29+$0xFFFFFFE0];
	v0 =	vmul.f32 v0, v22  }
0x543: {  	v40 =	vor.u32 $0x4, v36;
	v20 =	vmov s11;
	v26 =	vld [tilespmem:s29+$0xFFFFFFD0];
	[tilespmem:s20+$0xFFFFFFE0] =	vst v10;
	v10 =	vmul.f32 v18, v21  }
0x544: {  	v41 =	vmov s8;
	v11 =	vshll.u32 v11, $0x4;
	v18 =	vshll.u32 v20, $0x4;
	v19 =	vld [tilespmem:$0x180D8];
	[tilespmem:s21+$0xFFFFFFE0] =	vst v6  }
0x545: {  	v20 =	vor.u32 v2, v18;
	v6 =	vmov s10;
	v21 =	vld.idx.msk [tilespmem:v35+s26+$0x0], $0xffff;
	v18 =	vmul.f32 v31, v24  }
0x546: {  	v43 =	vor.u32 $0x2, v20;
	v44 =	vor.u32 $0x4, v20;
	v7 =	vadd.f32 v10, v7;
	v42 =	vld [tilespmem:s29+$0xFFFFFFC0]  }
0x547: {  	v10 =	vmov s7;
	v45 =	vshll.u32 v6, $0x4;
	v31 =	vld [tilespmem:s29+$0xFFFFFFF0];
	v6 =	vadd.f32 v18, v28  }
0x548: {  	v33 =	vor.u32 $0x3, v20;
	v10 =	vshll.u32 v10, $0x4;
	v18 =	vor.u32 $0x2, v35;
	v22 =	vld [tilespmem:s29+$0x30];
	[tilespmem:s20+$0x10] =	vst v7  }
0x549: {  	v39 =	vor.u32 v2, v39;
	v46 =	vor.u32 v2, v11;
	v7 =	vshll.u32 v41, $0x4;
	v40 =	vld.idx.msk [tilespmem:v40+s26+$0x0], $0xffff;
	[tilespmem:s16+$0x20] =	vst v6;
	s16 =	smov.u32 s31  }
0x54a: {  	v47 =	vor.u32 $0x4, v46;
	v41 =	vor.u32 v2, v10;
	v6 =	vadd.f32 v34, v15;
	[tilespmem:s21+$0x10] =	vst v16;
	v10 =	vld [tilespmem:s19+$0x20];
	s19 =	smov.u32 s30  }
0x54b: {  	v0 =	vadd.f32 v0, v9;
	v34 =	vor.u32 $0x3, v46;
	v16 =	vor.u32 $0x4, v41;
	v15 =	vld.idx.msk [tilespmem:v37+s26+$0x0], $0xffff  }
0x54c: {  	v9 =	vor.u32 $0x2, v36;
	v28 =	vor.u32 v2, v7;
	v37 =	vor.u32 $0x2, v46  }
0x54d: {  	v11 =	vmul.f32 v27, v14;
	v7 =	vor.u32 $0x1, v36;
	v48 =	vld.idx.msk [tilespmem:v36+s26+$0x0], $0xffff;
	v36 =	vor.u32 $0x1, v46;
	[tilespmem:s20+$0x30] =	vst v6  }
0x54e: {  	v8 =	vadd.f32 v30, v8;
	v14 =	vor.u32 $0x1, v35;
	v49 =	vld.idx.msk [tilespmem:v39+s26+$0x0], $0xffff;
	[tilespmem:s21+$0x30] =	vst v12  }
0x54f: {  	v30 =	vor.u32 $0x3, v39;
	v12 =	vor.u32 $0x3, v35;
	v35 =	vor.u32 v2, v45;
	v6 =	vld.idx.msk [tilespmem:v38+s26+$0x0], $0xffff  }
0x550: {  	v38 =	vor.u32 $0x3, v41;
	v45 =	vor.u32 $0x4, v35;
	v10 =	vmul.f32 v10, v24;
	v27 =	vld [tilespmem:s29+$0x20]  }
0x551: {  	v5 =	vadd.f32 v11, v5;
	v50 =	vor.u32 $0x1, v20;
	v24 =	vld.idx.msk [tilespmem:v18+s26+$0x0], $0xffff;
	v18 =	vor.u32 $0x4, v39;
	[tilespmem:s20+$0x0] =	vst v8  }
0x552: {  	v51 =	vor.u32 $0x2, v41;
	v8 =	vor.u32 $0x1, v39;
	v52 =	vld.idx.msk [tilespmem:v7+s26+$0x0], $0xffff;
	[tilespmem:s20+$0xFFFFFFD0] =	vst v0;
	v0 =	vadd.f32 v10, v23  }
0x553: {  	v23 =	vor.u32 $0x1, v41;
	v7 =	vld.idx.msk [tilespmem:v43+s26+$0x0], $0xffff;
	[tilespmem:s20+$0xFFFFFFF0] =	vst v5  }
0x554: {  	v11 =	vld.idx.msk [tilespmem:v12+s26+$0x0], $0xffff;
	[tilespmem:s20+$0x20] =	vst v0;
	s20 =	smov.u32 s4  }
0x555: {  	v10 =	vld.idx.msk [tilespmem:v9+s26+$0x0], $0xffff;
	[tilespmem:s21+$0xFFFFFFD0] =	vst v4  }
0x556: {  	v9 =	vor.u32 $0x2, v39;
	v0 =	vld.idx.msk [tilespmem:v14+s26+$0x0], $0xffff;
	[tilespmem:s21+$0xFFFFFFF0] =	vst v13  }
0x557: {  	v39 =	vld.idx.msk [tilespmem:v41+s26+$0x0], $0xffff;
	[tilespmem:s21+$0x20] =	vst v17  }
0x558: {  	v12 =	vor.u32 $0x3, v35;
	[tilespmem:s21+$0x0] =	vst v3;
	v3 =	vld.idx.msk [tilespmem:v30+s26+$0x0], $0xffff;
	s21 =	smov.u32 s6  }
0x559: {  	v17 =	vld.idx.msk [tilespmem:v8+s26+$0x0], $0xffff  }
0x55a: {  	v13 =	vor.u32 $0x2, v35;
	v5 =	vld.idx.msk [tilespmem:v37+s26+$0x0], $0xffff  }
0x55b: {  	v37 =	vor.u32 $0x1, v35;
	v30 =	vld.idx.msk [tilespmem:v16+s26+$0x0], $0xffff  }
0x55c: {  	v14 =	vld.idx.msk [tilespmem:v18+s26+$0x0], $0xffff  }
0x55d: {  	v4 =	vld.idx.msk [tilespmem:v38+s26+$0x0], $0xffff  }
0x55e: {  	v18 =	vmul.f32 v40, v19;
	v8 =	vld.idx.msk [tilespmem:v9+s26+$0x0], $0xffff  }
0x55f: {  	v9 =	vld.idx.msk [tilespmem:v51+s26+$0x0], $0xffff  }
0x560: {  	v38 =	vmul.f32 v19, v15;
	v15 =	vmul.f32 v18, v32;
	v40 =	vld.idx.msk [tilespmem:v23+s26+$0x0], $0xffff  }
0x561: {  	v23 =	vld.idx.msk [tilespmem:v46+s26+$0x0], $0xffff  }
0x562: {  	v16 =	vmul.f32 v38, v42;
	v15 =	vadd.f32 v15, v48;
	v41 =	vmul.f32 v14, v19;
	v32 =	vld.idx.msk [tilespmem:v47+s26+$0x0], $0xffff  }
0x563: {  	v14 =	vld.idx.msk [tilespmem:v45+s26+$0x0], $0xffff  }
0x564: {  	v16 =	vadd.f32 v16, v21;
	[tilespmem:s28+$0xFFFFFFE0] =	vst v15;
	v15 =	vmul.f32 v41, v29;
	v21 =	vld.idx.msk [tilespmem:v44+s26+$0x0], $0xffff  }
0x565: {  	v29 =	vld.idx.msk [tilespmem:v35+s26+$0x0], $0xffff  }
0x566: {  	[tilespmem:s28+$0xFFFFFFC0] =	vst v16;
	v35 =	vld.idx.msk [tilespmem:v36+s26+$0x0], $0xffff;
	v15 =	vadd.f32 v15, v49  }
0x567: {  	v36 =	vld [tilespmem:s0+$0xFFFFFFC0]  }
0x568: {  	[tilespmem:s28+$0x0] =	vst v15;
	v42 =	vld.idx.msk [tilespmem:v20+s26+$0x0], $0xffff  }
0x569: {  	v12 =	vld.idx.msk [tilespmem:v12+s26+$0x0], $0xffff  }
0x56a: {  	v20 =	vmul.f32 v14, v19;
	v21 =	vmul.f32 v21, v19;
	v15 =	vld.idx.msk [tilespmem:v13+s26+$0x0], $0xffff  }
0x56b: {  	v14 =	vmul.f32 v32, v19;
	v16 =	vld.idx.msk [tilespmem:v33+s26+$0x0], $0xffff  }
0x56c: {  	v33 =	vmul.f32 v20, v22;
	v13 =	vmul.f32 v36, v38;
	v32 =	vld.idx.msk [tilespmem:v37+s26+$0x0], $0xffff  }
0x56d: {  	v22 =	vmul.f32 v30, v19;
	v25 =	vmul.f32 v21, v25;
	v36 =	vld.idx.msk [tilespmem:v50+s26+$0x0], $0xffff  }
0x56e: {  	v30 =	vmul.f32 v14, v31;
	v29 =	vadd.f32 v33, v29;
	v0 =	vadd.f32 v13, v0;
	v31 =	vld [tilespmem:s0+$0x0]  }
0x56f: {  	v26 =	vmul.f32 v22, v26;
	v25 =	vadd.f32 v25, v42;
	v33 =	vld [tilespmem:s0+$0xFFFFFFE0]  }
0x570: {  	v23 =	vadd.f32 v30, v23;
	v30 =	vor.u32 $0x4, v28;
	v13 =	vld.idx.msk [tilespmem:v34+s26+$0x0], $0xffff;
	[tilespmem:s28+$0x30] =	vst v29  }
0x571: {  	[tilespmem:s31+$0xFFFFFFC0] =	vst v0;
	v0 =	vadd.f32 v26, v39;
	v26 =	vld [tilespmem:s0+$0x30]  }
0x572: {  	v29 =	vld [tilespmem:s30+$0xFFFFFFC0];
	[tilespmem:s28+$0xFFFFFFF0] =	vst v23;
	v23 =	vor.u32 $0x3, v28  }
0x573: {  	[tilespmem:s28+$0xFFFFFFD0] =	vst v0;
	v0 =	vld [tilespmem:s0+$0xFFFFFFF0];
	v31 =	vmul.f32 v31, v41  }
0x574: {  	v34 =	vld [tilespmem:s0+$0xFFFFFFD0];
	v33 =	vmul.f32 v33, v18  }
0x575: {  	v17 =	vadd.f32 v31, v17;
	[tilespmem:s28+$0x10] =	vst v25;
	v25 =	vor.u32 $0x2, v28;
	v30 =	vld.idx.msk [tilespmem:v30+s26+$0x0], $0xffff  }
0x576: {  	v31 =	vadd.f32 v33, v52;
	v33 =	vld [tilespmem:s0+$0x10];
	v26 =	vmul.f32 v26, v20  }
0x577: {  	v37 =	vor.u32 $0x1, v28;
	v29 =	vmul.f32 v29, v38;
	[tilespmem:s31+$0x0] =	vst v17;
	v17 =	vld.idx.msk [tilespmem:v23+s26+$0x0], $0xffff  }
0x578: {  	v0 =	vmul.f32 v0, v14;
	v38 =	vld [tilespmem:s30+$0x0];
	v32 =	vadd.f32 v26, v32  }
0x579: {  	v24 =	vadd.f32 v29, v24;
	v29 =	vmul.f32 v34, v22;
	v26 =	vld.idx.msk [tilespmem:v28+s26+$0x0], $0xffff  }
.Ltmp2:
0x57a: {  	[tilespmem:s31+$0xFFFFFFE0] =	vst v31;
	v0 =	vadd.f32 v0, v35;
	v23 =	vld.idx.msk [tilespmem:v25+s26+$0x0], $0xffff;
	(pc) =	sbr.rel @p1 .LBB2_7-.Ltmp2, $4  }
0x57b: {  	[tilespmem:s4+$0xFFFFFFC0] =	vst v24;
	v34 =	vadd.f32 v29, v40;
	v29 =	vld [tilespmem:s30+$0xFFFFFFE0];
	v25 =	vmul.f32 v33, v21;
	v24 =	vmul.f32 v30, v19  }
0x57c: {  	s29 =	sadd.s32 $0x80, s29;
	s28 =	sadd.s32 $0x80, s28;
	v28 =	vld.idx.msk [tilespmem:v37+s26+$0x0], $0xffff;
	[tilespmem:s31+$0x30] =	vst v32  }
0x57d: {  	s0 =	sadd.s32 $0x80, s0;
	s30 =	sadd.s32 $0x80, s30;
	s31 =	sadd.s32 $0x80, s31;
	[tilespmem:s16+$0xFFFFFFF0] =	vst v0;
	v30 =	vmul.f32 v38, v41;
	v31 =	vadd.f32 v25, v36;
	v25 =	vmul.f32 v24, v27;
	v19 =	vld [tilespmem:s19+$0x30]  }
0x57e: {  	s10 =	sadd.s32 $0x80, s10;
	s6 =	sadd.s32 $0x80, s6;
	s4 =	sadd.s32 $0x80, s4;
	[tilespmem:s16+$0xFFFFFFD0] =	vst v34;
	v27 =	vld [tilespmem:s19+$0xFFFFFFF0]  }
0x57f: {  	v0 =	vadd.f32 v25, v26;
	_ =	sdelay $0x1  }
0x580: {  	[tilespmem:s3+$0x20] =	vst v0  }
0x581: {  	v0 =	vld [tilespmem:s9+$0x20]  }
0x582: {  	v58 =	vld [tilespmem:s19+$0xFFFFFFD0]  }
0x583: {  	[tilespmem:s16+$0x10] =	vst v31;
	v18 =	vmul.f32 v29, v18  }
0x584: {  	v57 =	vld [tilespmem:s19+$0x10]  }
0x585: {  	v10 =	vadd.f32 v18, v10;
	v62 =	vmul.f32 v27, v14  }
0x586: {  	[tilespmem:s21+$0xFFFFFFC0] =	vst v11;
	v0 =	vmul.f32 v0, v24  }
0x587: {  	[tilespmem:s20+$0xFFFFFFE0] =	vst v10;
	v61 =	vmul.f32 v58, v22;
	v5 =	vadd.f32 v62, v5  }
0x588: {  	[tilespmem:s21+$0xFFFFFFE0] =	vst v6;
	v0 =	vadd.f32 v0, v28  }
0x589: {  	v59 =	vmul.f32 v57, v21;
	v6 =	vadd.f32 v61, v9;
	[tilespmem:s20+$0xFFFFFFF0] =	vst v5  }
0x58a: {  	[tilespmem:s16+$0x20] =	vst v0  }
0x58b: {  	v7 =	vadd.f32 v59, v7;
	[tilespmem:s20+$0xFFFFFFD0] =	vst v6;
	v60 =	vld [tilespmem:s19+$0x20]  }
0x58c: {  	[tilespmem:s21+$0xFFFFFFF0] =	vst v13;
	v0 =	vmul.f32 v19, v20  }
0x58d: {  	[tilespmem:s20+$0x10] =	vst v7  }
0x58e: {  	[tilespmem:s21+$0xFFFFFFD0] =	vst v4;
	v0 =	vadd.f32 v0, v15  }
0x58f: {  	[tilespmem:s21+$0x10] =	vst v16  }
0x590: {  	[tilespmem:s20+$0x30] =	vst v0;
	v0 =	vadd.f32 v30, v8;
	v63 =	vmul.f32 v60, v24  }
0x591: {  	[tilespmem:s21+$0x30] =	vst v12  }
0x592: {  	[tilespmem:s20+$0x0] =	vst v0;
	v0 =	vadd.f32 v63, v23  }
0x593: {  	[tilespmem:s21+$0x0] =	vst v3  }
0x594: {  	[tilespmem:s20+$0x20] =	vst v0  }
0x595: {  	[tilespmem:s21+$0x20] =	vst v17  }
0x596: {  	s0 =	rddreg [dreg:$0x9]  }
0x597: {  	s20 =	simm.s32 $0x160D8;
	s0 =	sadd.s32 s0, s18  }
0x598: {  	[hbm4b:s0+s2] =	stream.linear.scatter [tilespmem:s20], [sflag:$0x2], $0x800, $0x38;
	[tilespmem:$0x180E8] =	vst v63  }
0x599: {  	_ =	swait.ge [sflag:s17], $0x800  }
0x59a: {  	[sflag:s17] =	ssyncset.done $0x0  }
0x59b: {  	s24 =	simm.s32 $0x168D8;
	s21 =	sadd.s32 s12, s18;
	[sflag:s17] =	ssyncadd.s32 $0xFFFFF800  }
0x59c: {  	[hbm4b:s21+s2] =	stream.linear.scatter [tilespmem:s24], [sflag:$0x2], $0x800, $0x38;
	[tilespmem:$0x180E8] =	vst v63  }
0x59d: {  	_ =	swait.ge [sflag:s17], $0x800  }
0x59e: {  	[sflag:s17] =	ssyncset.done $0x0  }
0x59f: {  	s28 =	sadd.s32 s13, s18;
	s29 =	simm.s32 $0x170D8;
	[sflag:s17] =	ssyncadd.s32 $0xFFFFF800  }
0x5a0: {  	[hbm4b:s28+s2] =	stream.linear.scatter [tilespmem:s29], [sflag:$0x2], $0x800, $0x38;
	[tilespmem:$0x180E8] =	vst v63  }
0x5a1: {  	_ =	swait.ge [sflag:s17], $0x800  }
0x5a2: {  	s30 =	sadd.s32 s14, s18;
	[sflag:s17] =	ssyncset.done $0x0  }
.Ltmp3:
0x5a3: {  	s31 =	simm.s32 $0x178D8;
	[sflag:s17] =	ssyncadd.s32 $0xFFFFF800;
	(pc) =	sbr.rel @p0 .LBB2_2-.Ltmp3, $4  }
0x5a4: {  	v0 =	vimm.s32 $0x1FFF;
	[hbm4b:s30+s2] =	stream.linear.scatter [tilespmem:s31], [sflag:$0x2], $0x800, $0x38;
	[tilespmem:$0x180E8] =	vst v63  }
0x5a5: {  	_ =	swait.ge [sflag:s17], $0x800  }
0x5a6: {  	[sflag:s17] =	ssyncset.done $0x0  }
0x5a7: {  	p1 =	por $0x0, $0x0;
	s0 =	simm.s32 $0x100;
	[sflag:s17] =	ssyncadd.s32 $0xFFFFF800  }
0x5a8: {  	s3 =	rddreg [dreg:$0xb]  }
0x5a9: {  	s0 =	rddreg [dreg:$0xa];
	s3 =	sadd.s32 $0x1, s3  }
0x5aa: {  	p0 =	sne.s32 s3, s0  }
.Ltmp4:
0x5ab: {  	_ = 	snop;
	(pc) =	sbr.rel @p0 .LBB2_1-.Ltmp4, $1  }
0x5ac: {  	_ =	sdelay $0x3  }
0x5ad: {  	_ =	sfence.sel $0x180000  }
0x5ae: {  	[bflag:$0x0] =	sbarrier.arrive $0xFFFF  }
0x5af: {  	_ =	strace $0x90000047  }
0x5b0: {  	s0 =	stileid.u32;
	[bflag:$0x2] =	sbarrier.arrive $0xFFFF  }
0x5b1: {  	p0 =	sne.s32 s0, $0x0;
	s0 =	rddreg [dreg:$0x2]  }
0x5b2: {  	s0 =	sadd.s32 @!p0 $0x100000, s0  }
0x5b3: {  	[sflag:s0] =	ssyncadd.tile.s32 @!p0 $0x1;
	_ =	shalt  }
.Lfunc_end2:
_tile_overlayer_lowered:
.L_overlay_start_2:
0x5b4: {  	(tag) =	ssettag $0x2  }
0x5b5: {  	s0 =	rddreg [dreg:$0x0];
	s2 =	stileid.u32  }
0x5b6: {  	s1 =	rddreg [dreg:$0x1];
	p0 =	sne.s32 s2, $0x0  }
0x5b7: {  	s3 =	rddreg [dreg:$0x2];
	[bflag:$0x3] =	sbarrier.arrive $0xFFFF;
	s2 =	simm.s32 @!p0 $0x1C02  }
0x5b8: {  	[timem:s3], [sflag:s2] =	dma.local @!p0 [hbm:s0], s1  }
0x5b9: {  	s0 =	simm.s32 @!p0 $0x2  }
0x5ba: {  	_ =	swait.ge @!p0 [sflag:s0], s1  }
0x5bb: {  	s1 =	ssub.s32 @!p0 $0x0, s1;
	[sflag:s0] =	ssyncset.done @!p0 $0x0  }
0x5bc: {  	[sflag:s0] =	ssyncadd.s32 @!p0 s1  }
0x5bd: {  	[bflag:$0x3] =	sbarrier.arrive $0xFFFF  }
0x5be: {  	_ =	shalt  }

</sc_bundles>
